<compile_context>
chip_gen: v7x
topology: tpu7x:2x2x1
jax: 0.10.2.dev20260603
libtpu: 0.0.44.dev20260713+nightly
codegen_flags: <defaults>
</compile_context>

<pallas_src>
import functools
import math

import jax
import jax.numpy as jnp
from jax import lax
from jax.experimental import pallas as pl
from jax.experimental.pallas import tpu as pltpu
from jax.experimental.pallas import tpu_sc as plsc

B = 1024
L = 200
D = 128
SCALE = math.sqrt(float(D))

NC = 2
NS = 16
NW = NC * NS
HALF = L // 2
SPW = B // NW
NBUF = 3
LANES = 16
VECS_PER_ROW = D // LANES

_mesh = plsc.VectorSubcoreMesh(core_axis_name="c", subcore_axis_name="s")


@functools.partial(
    pl.kernel,
    out_type=jax.ShapeDtypeStruct((B * L, D), jnp.float32),
    mesh=_mesh,
    scratch_types=[
        pltpu.VMEM((2 * SPW, HALF), jnp.int32),
        [pltpu.VMEM((L, D), jnp.float32) for _ in range(NBUF)],
        pltpu.VMEM((L, D), jnp.float32),
        [[pltpu.SemaphoreType.DMA for _ in range(2)]
         for _ in range(NBUF)],
        [pltpu.SemaphoreType.DMA for _ in range(NBUF)],
        pltpu.SemaphoreType.DMA,
    ],
)
def _emb_kernel(x_hbm, w_hbm, pe_hbm, out_hbm, idx_v, rows, pe_v, gsem, wsem,
                psem):
    wid = lax.axis_index("s") * NC + lax.axis_index("c")
    base = wid * SPW

    pltpu.sync_copy(x_hbm.at[pl.ds(base * 2, 2 * SPW)], idx_v)
    pe_cp = pltpu.async_copy(pe_hbm.at[pl.ds(0, L)], pe_v, psem)

    def fire(t, bt):
        pltpu.async_copy(
            w_hbm.at[idx_v.at[2 * t]], rows[bt].at[pl.ds(0, HALF)],
            gsem[bt][0])
        pltpu.async_copy(
            w_hbm.at[idx_v.at[2 * t + 1]], rows[bt].at[pl.ds(HALF, HALF)],
            gsem[bt][1])

    def drain_gather_half(b, h):
        pltpu.make_async_copy(
            w_hbm.at[idx_v.at[0]], rows[b].at[pl.ds(h * HALF, HALF)],
            gsem[b][h]).wait()

    def drain_wb(b):
        pltpu.make_async_copy(
            rows[b], out_hbm.at[pl.ds(0, L)], wsem[b]).wait()

    WB_SPLIT = 96

    def compute_rows(b, lo, hi):
        def row_body(r, carry):
            for c in range(VECS_PER_ROW):
                sl = pl.ds(c * LANES, LANES)
                rows[b][r, sl] = rows[b][r, sl] * SCALE + pe_v[r, sl]
            return carry

        lax.fori_loop(lo, hi, row_body, 0)

    def step(s, b, do_drain_wb, do_fire):
        drain_gather_half(b, 0)
        compute_rows(b, 0, WB_SPLIT)
        pltpu.async_copy(
            rows[b].at[pl.ds(0, WB_SPLIT)],
            out_hbm.at[pl.ds((base + s) * L, WB_SPLIT)], wsem[b])
        if do_drain_wb:
            drain_wb((b + 2) % NBUF)
        if do_fire:
            fire(s + 2, (b + 2) % NBUF)
        drain_gather_half(b, 1)
        compute_rows(b, WB_SPLIT, L)
        pltpu.async_copy(
            rows[b].at[pl.ds(WB_SPLIT, L - WB_SPLIT)],
            out_hbm.at[pl.ds((base + s) * L + WB_SPLIT, L - WB_SPLIT)],
            wsem[b])

    fire(0, 0)
    fire(1, 1)
    pe_cp.wait()

    step(0, 0, False, True)
    step(1, 1, True, True)
    step(2, 2, True, True)

    def group_body(g, carry):
        for b in range(NBUF):
            step(NBUF * g + b, b, True, True)
        return carry

    lax.fori_loop(1, SPW // NBUF, group_body, 0)

    step(SPW - 2, 0, False, False)
    step(SPW - 1, 1, False, False)

    for b in range(NBUF):
        drain_wb(b)


def kernel(x, W, pe):
    x2 = x.reshape(B * L // HALF, HALF)
    out = _emb_kernel(x2, W, pe)
    return out.reshape(B, L, D)

# --- scband reference (transcript-rebuilt; emitter-appended) ---
"""Pipeline reference for scband-positional-embedding-79783312490918 (READ-ONLY COPY).

The authoritative reference and input builder live on the scoring server;
editing this copy changes nothing except your own understanding.
"""

import jax, jax.numpy as jnp
import numpy as np

VOCAB = 100000
D_MODEL = 128
B = 1024
L = 200
PE_LEN = 2048


def positional_encoding(length, depth):
    depth = depth / 2
    positions = np.arange(length)[:, np.newaxis]
    depths = np.arange(depth)[np.newaxis, :] / depth
    angle_rates = 1 / 10000 ** depths
    angle_rads = positions * angle_rates
    pos_encoding = np.concatenate([np.sin(angle_rads), np.cos(angle_rads)], axis=-1)
    return pos_encoding.astype(np.float32)


def setup_inputs(seed: int = 0) -> dict:
    key = jax.random.key(seed)
    k1, k2 = jax.random.split(key)
    x = jax.random.randint(k1, (B, L), 0, VOCAB, dtype=jnp.int32)
    W = jax.random.normal(k2, (VOCAB, D_MODEL), dtype=jnp.float32) * 0.02
    pe = jnp.asarray(positional_encoding(PE_LEN, D_MODEL))
    return {"x": x, "W": W, "pe": pe}


def reference(x, W, pe):
    length = x.shape[1]
    emb = jnp.take(W, x, axis=0)
    emb = emb * jnp.sqrt(jnp.asarray(D_MODEL, dtype=jnp.float32))
    out = emb + pe[None, :length, :]
    return out

if __name__ == "__main__":
    import jax
    _d = setup_inputs()
    print(jax.jit(kernel)(*tuple(_d.values())))

</pallas_src>

<mosaic_0001>
#map = affine_map<(d0, d1) -> (0, 0)>
module attributes {stable_mosaic.version = 14 : i64} {
  func.func @_emb_kernel(%arg0: i32, %arg1: i32, %arg2: memref<2048x100xi32, #tpu.memory_space<hbm>>, %arg3: memref<100000x128xf32, #tpu.memory_space<hbm>>, %arg4: memref<2048x128xf32, #tpu.memory_space<hbm>>, %arg5: memref<204800x128xf32, #tpu.memory_space<hbm>>, %arg6: memref<64x100xi32, #tpu.memory_space<vmem>>, %arg7: memref<200x128xf32, #tpu.memory_space<vmem>>, %arg8: memref<200x128xf32, #tpu.memory_space<vmem>>, %arg9: memref<200x128xf32, #tpu.memory_space<vmem>>, %arg10: memref<200x128xf32, #tpu.memory_space<vmem>>, %arg11: memref<!tpu.dma_semaphore, #tpu.memory_space<semaphore_mem>>, %arg12: memref<!tpu.dma_semaphore, #tpu.memory_space<semaphore_mem>>, %arg13: memref<!tpu.dma_semaphore, #tpu.memory_space<semaphore_mem>>, %arg14: memref<!tpu.dma_semaphore, #tpu.memory_space<semaphore_mem>>, %arg15: memref<!tpu.dma_semaphore, #tpu.memory_space<semaphore_mem>>, %arg16: memref<!tpu.dma_semaphore, #tpu.memory_space<semaphore_mem>>, %arg17: memref<!tpu.dma_semaphore, #tpu.memory_space<semaphore_mem>>, %arg18: memref<!tpu.dma_semaphore, #tpu.memory_space<semaphore_mem>>, %arg19: memref<!tpu.dma_semaphore, #tpu.memory_space<semaphore_mem>>, %arg20: memref<!tpu.dma_semaphore, #tpu.memory_space<semaphore_mem>>) attributes {dimension_semantics = [#tpu.dimension_semantics<core_parallel>, #tpu.dimension_semantics<subcore_parallel>], iteration_bounds = array<i64: 2, 16>, scalar_prefetch = 0 : i64, scratch_operands = 15 : i64, tpu.core_type = #tpu.core_type<sc_vector_subcore>, window_params = [{transform_indices = #map}, {transform_indices = #map}, {transform_indices = #map}, {transform_indices = #map}]} {
    %mul3A = arith.constant 2 : i32
    %mul3A_0 = arith.muli %arg1, %mul3A : i32
    %add3A = arith.addi %mul3A_0, %arg0 : i32
    %mul3A_1 = arith.constant 32 : i32
    %mul3A_2 = arith.muli %add3A, %mul3A_1 : i32
    %mul3A_3 = arith.constant 2 : i32
    %mul3A_4 = arith.muli %mul3A_2, %mul3A_3 : i32
    "tpu.region"() ({
      %run_scoped3A = tpu.sem_alloc : memref<!tpu.dma_semaphore, #tpu.memory_space<semaphore_mem>>
      %dma_start3A_460 = arith.constant 0 : i32
      %dma_start3A_461 = tpu.memref_slice %arg2[%mul3A_4, %dma_start3A_460] : memref<2048x100xi32, #tpu.memory_space<hbm>> -> memref<64x100xi32, #tpu.memory_space<hbm>>
      %dma_start3A_462 = arith.constant 0 : i32
      %dma_start3A_463 = tpu.memref_slice %arg2[%mul3A_4, %dma_start3A_462] : memref<2048x100xi32, #tpu.memory_space<hbm>> -> memref<64x100xi32, #tpu.memory_space<hbm>>
      tpu.enqueue_dma source(%dma_start3A_463 : memref<64x100xi32, #tpu.memory_space<hbm>>) target(%arg6 : memref<64x100xi32, #tpu.memory_space<vmem>>) target_semaphore(%run_scoped3A : memref<!tpu.dma_semaphore, #tpu.memory_space<semaphore_mem>>)
      %dma_wait3A_464 = arith.constant 0 : i32
      %dma_wait3A_465 = tpu.memref_slice %arg2[%mul3A_4, %dma_wait3A_464] : memref<2048x100xi32, #tpu.memory_space<hbm>> -> memref<64x100xi32, #tpu.memory_space<hbm>>
      %dma_wait3A_466 = arith.constant 0 : i32
      %dma_wait3A_467 = tpu.memref_slice %arg2[%mul3A_4, %dma_wait3A_466] : memref<2048x100xi32, #tpu.memory_space<hbm>> -> memref<64x100xi32, #tpu.memory_space<hbm>>
      tpu.wait_dma2 semaphore(%run_scoped3A : memref<!tpu.dma_semaphore, #tpu.memory_space<semaphore_mem>>) src(%dma_wait3A_467 : memref<64x100xi32, #tpu.memory_space<hbm>>) dst(%arg6 : memref<64x100xi32, #tpu.memory_space<vmem>>)
      tpu.yield
    }) : () -> ()
    %dma_start3A = arith.constant 0 : i32
    %dma_start3A_5 = arith.constant 0 : i32
    %dma_start3A_6 = tpu.memref_slice %arg4[%dma_start3A, %dma_start3A_5] : memref<2048x128xf32, #tpu.memory_space<hbm>> -> memref<200x128xf32, #tpu.memory_space<hbm>>
    %dma_start3A_7 = arith.constant 0 : i32
    %dma_start3A_8 = arith.constant 0 : i32
    %dma_start3A_9 = tpu.memref_slice %arg4[%dma_start3A_7, %dma_start3A_8] : memref<2048x128xf32, #tpu.memory_space<hbm>> -> memref<200x128xf32, #tpu.memory_space<hbm>>
    tpu.enqueue_dma source(%dma_start3A_9 : memref<200x128xf32, #tpu.memory_space<hbm>>) target(%arg10 : memref<200x128xf32, #tpu.memory_space<vmem>>) target_semaphore(%arg20 : memref<!tpu.dma_semaphore, #tpu.memory_space<semaphore_mem>>)
    %dma_start3A_10 = arith.constant 0 : i32
    %dma_start3A_11 = arith.constant 0 : i32
    %dma_start3A_12 = arith.constant 0 : i32
    %dma_start3A_13 = tpu.memref_slice %arg7[%dma_start3A_11, %dma_start3A_12] : memref<200x128xf32, #tpu.memory_space<vmem>> -> memref<100x128xf32, #tpu.memory_space<vmem>>
    %dma_start3A_14 = arith.constant 0 : i32
    %dma_start3A_15 = tpu.memref_slice %arg6[%dma_start3A_10, %dma_start3A_14] : memref<64x100xi32, #tpu.memory_space<vmem>> -> memref<1x100xi32, #tpu.memory_space<vmem>>
    %dma_start3A_16 = tpu.memref_squeeze %dma_start3A_15 : memref<1x100xi32, #tpu.memory_space<vmem>> -> memref<100xi32, #tpu.memory_space<vmem>>
    %dma_start3A_17 = arith.constant 0 : i32
    %dma_start3A_18 = arith.constant 0 : i32
    %dma_start3A_19 = tpu.memref_slice %arg3[%dma_start3A_17, %dma_start3A_18] : memref<100000x128xf32, #tpu.memory_space<hbm>> -> memref<100000x128xf32, #tpu.memory_space<hbm>>
    tpu.enqueue_indirect_dma source(%dma_start3A_19 : memref<100000x128xf32, #tpu.memory_space<hbm>>) target(%dma_start3A_13 : memref<100x128xf32, #tpu.memory_space<vmem>>) offsets(%dma_start3A_16 : memref<100xi32, #tpu.memory_space<vmem>>) semaphore(%arg11 : memref<!tpu.dma_semaphore, #tpu.memory_space<semaphore_mem>>)
    %dma_start3A_20 = arith.constant 1 : i32
    %dma_start3A_21 = arith.constant 100 : i32
    %dma_start3A_22 = arith.constant 0 : i32
    %dma_start3A_23 = tpu.memref_slice %arg7[%dma_start3A_21, %dma_start3A_22] : memref<200x128xf32, #tpu.memory_space<vmem>> -> memref<100x128xf32, #tpu.memory_space<vmem>>
    %dma_start3A_24 = arith.constant 0 : i32
    %dma_start3A_25 = tpu.memref_slice %arg6[%dma_start3A_20, %dma_start3A_24] : memref<64x100xi32, #tpu.memory_space<vmem>> -> memref<1x100xi32, #tpu.memory_space<vmem>>
    %dma_start3A_26 = tpu.memref_squeeze %dma_start3A_25 : memref<1x100xi32, #tpu.memory_space<vmem>> -> memref<100xi32, #tpu.memory_space<vmem>>
    %dma_start3A_27 = arith.constant 0 : i32
    %dma_start3A_28 = arith.constant 0 : i32
    %dma_start3A_29 = tpu.memref_slice %arg3[%dma_start3A_27, %dma_start3A_28] : memref<100000x128xf32, #tpu.memory_space<hbm>> -> memref<100000x128xf32, #tpu.memory_space<hbm>>
    tpu.enqueue_indirect_dma source(%dma_start3A_29 : memref<100000x128xf32, #tpu.memory_space<hbm>>) target(%dma_start3A_23 : memref<100x128xf32, #tpu.memory_space<vmem>>) offsets(%dma_start3A_26 : memref<100xi32, #tpu.memory_space<vmem>>) semaphore(%arg12 : memref<!tpu.dma_semaphore, #tpu.memory_space<semaphore_mem>>)
    %dma_start3A_30 = arith.constant 2 : i32
    %dma_start3A_31 = arith.constant 0 : i32
    %dma_start3A_32 = arith.constant 0 : i32
    %dma_start3A_33 = tpu.memref_slice %arg8[%dma_start3A_31, %dma_start3A_32] : memref<200x128xf32, #tpu.memory_space<vmem>> -> memref<100x128xf32, #tpu.memory_space<vmem>>
    %dma_start3A_34 = arith.constant 0 : i32
    %dma_start3A_35 = tpu.memref_slice %arg6[%dma_start3A_30, %dma_start3A_34] : memref<64x100xi32, #tpu.memory_space<vmem>> -> memref<1x100xi32, #tpu.memory_space<vmem>>
    %dma_start3A_36 = tpu.memref_squeeze %dma_start3A_35 : memref<1x100xi32, #tpu.memory_space<vmem>> -> memref<100xi32, #tpu.memory_space<vmem>>
    %dma_start3A_37 = arith.constant 0 : i32
    %dma_start3A_38 = arith.constant 0 : i32
    %dma_start3A_39 = tpu.memref_slice %arg3[%dma_start3A_37, %dma_start3A_38] : memref<100000x128xf32, #tpu.memory_space<hbm>> -> memref<100000x128xf32, #tpu.memory_space<hbm>>
    tpu.enqueue_indirect_dma source(%dma_start3A_39 : memref<100000x128xf32, #tpu.memory_space<hbm>>) target(%dma_start3A_33 : memref<100x128xf32, #tpu.memory_space<vmem>>) offsets(%dma_start3A_36 : memref<100xi32, #tpu.memory_space<vmem>>) semaphore(%arg13 : memref<!tpu.dma_semaphore, #tpu.memory_space<semaphore_mem>>)
    %dma_start3A_40 = arith.constant 3 : i32
    %dma_start3A_41 = arith.constant 100 : i32
    %dma_start3A_42 = arith.constant 0 : i32
    %dma_start3A_43 = tpu.memref_slice %arg8[%dma_start3A_41, %dma_start3A_42] : memref<200x128xf32, #tpu.memory_space<vmem>> -> memref<100x128xf32, #tpu.memory_space<vmem>>
    %dma_start3A_44 = arith.constant 0 : i32
    %dma_start3A_45 = tpu.memref_slice %arg6[%dma_start3A_40, %dma_start3A_44] : memref<64x100xi32, #tpu.memory_space<vmem>> -> memref<1x100xi32, #tpu.memory_space<vmem>>
    %dma_start3A_46 = tpu.memref_squeeze %dma_start3A_45 : memref<1x100xi32, #tpu.memory_space<vmem>> -> memref<100xi32, #tpu.memory_space<vmem>>
    %dma_start3A_47 = arith.constant 0 : i32
    %dma_start3A_48 = arith.constant 0 : i32
    %dma_start3A_49 = tpu.memref_slice %arg3[%dma_start3A_47, %dma_start3A_48] : memref<100000x128xf32, #tpu.memory_space<hbm>> -> memref<100000x128xf32, #tpu.memory_space<hbm>>
    tpu.enqueue_indirect_dma source(%dma_start3A_49 : memref<100000x128xf32, #tpu.memory_space<hbm>>) target(%dma_start3A_43 : memref<100x128xf32, #tpu.memory_space<vmem>>) offsets(%dma_start3A_46 : memref<100xi32, #tpu.memory_space<vmem>>) semaphore(%arg14 : memref<!tpu.dma_semaphore, #tpu.memory_space<semaphore_mem>>)
    %dma_wait3A = arith.constant 0 : i32
    %dma_wait3A_50 = arith.constant 0 : i32
    %dma_wait3A_51 = tpu.memref_slice %arg4[%dma_wait3A, %dma_wait3A_50] : memref<2048x128xf32, #tpu.memory_space<hbm>> -> memref<200x128xf32, #tpu.memory_space<hbm>>
    %dma_wait3A_52 = arith.constant 0 : i32
    %dma_wait3A_53 = arith.constant 0 : i32
    %dma_wait3A_54 = tpu.memref_slice %arg4[%dma_wait3A_52, %dma_wait3A_53] : memref<2048x128xf32, #tpu.memory_space<hbm>> -> memref<200x128xf32, #tpu.memory_space<hbm>>
    tpu.wait_dma2 semaphore(%arg20 : memref<!tpu.dma_semaphore, #tpu.memory_space<semaphore_mem>>) src(%dma_wait3A_54 : memref<200x128xf32, #tpu.memory_space<hbm>>) dst(%arg10 : memref<200x128xf32, #tpu.memory_space<vmem>>)
    %dma_wait3A_55 = arith.constant 0 : i32
    %dma_wait3A_56 = arith.constant 0 : i32
    %dma_wait3A_57 = arith.constant 0 : i32
    %dma_wait3A_58 = tpu.memref_slice %arg7[%dma_wait3A_56, %dma_wait3A_57] : memref<200x128xf32, #tpu.memory_space<vmem>> -> memref<100x128xf32, #tpu.memory_space<vmem>>
    %dma_wait3A_59 = arith.constant 0 : i32
    %dma_wait3A_60 = tpu.memref_slice %arg6[%dma_wait3A_55, %dma_wait3A_59] : memref<64x100xi32, #tpu.memory_space<vmem>> -> memref<1x100xi32, #tpu.memory_space<vmem>>
    %dma_wait3A_61 = tpu.memref_squeeze %dma_wait3A_60 : memref<1x100xi32, #tpu.memory_space<vmem>> -> memref<100xi32, #tpu.memory_space<vmem>>
    %dma_wait3A_62 = arith.constant 0 : i32
    %dma_wait3A_63 = arith.constant 0 : i32
    %dma_wait3A_64 = tpu.memref_slice %arg3[%dma_wait3A_62, %dma_wait3A_63] : memref<100000x128xf32, #tpu.memory_space<hbm>> -> memref<100000x128xf32, #tpu.memory_space<hbm>>
    tpu.wait_indirect_dma semaphore(%arg11 : memref<!tpu.dma_semaphore, #tpu.memory_space<semaphore_mem>>) src(%dma_wait3A_64 : memref<100000x128xf32, #tpu.memory_space<hbm>>) dst(%dma_wait3A_58 : memref<100x128xf32, #tpu.memory_space<vmem>>)
    %scan3A = arith.constant 0 : i32
    %scan3A_65 = arith.constant 0 : i32
    %scan3A_66 = arith.constant 96 : i32
    %scan3A_67 = arith.addi %scan3A_65, %scan3A_66 : i32
    %scan3A_68 = arith.constant 1 : i32
    scf.for %scan3A_460 = %scan3A_65 to %scan3A_67 step %scan3A_68  : i32 {
      %get3A = arith.index_cast %scan3A_460 : i32 to index
      %get3A_461 = arith.constant 0 : index
      %get3A_462 = tpu.vector_load %arg7[%get3A, %get3A_461] {strides = array<i32>} : memref<200x128xf32, #tpu.memory_space<vmem>>, vector<1x16xf32>,
      %get3A_463 = vector.shape_cast %get3A_462 : vector<1x16xf32> to vector<16xf32>
      %mul3A_464 = arith.constant 11.3137083 : f32
      %mul3A_465 = vector.broadcast %mul3A_464 : f32 to vector<16xf32>
      %mul3A_466 = arith.mulf %get3A_463, %mul3A_465 : vector<16xf32>
      %get3A_467 = arith.index_cast %scan3A_460 : i32 to index
      %get3A_468 = arith.constant 0 : index
      %get3A_469 = tpu.vector_load %arg10[%get3A_467, %get3A_468] {strides = array<i32>} : memref<200x128xf32, #tpu.memory_space<vmem>>, vector<1x16xf32>,
      %get3A_470 = vector.shape_cast %get3A_469 : vector<1x16xf32> to vector<16xf32>
      %add3A_471 = arith.addf %mul3A_466, %get3A_470 : vector<16xf32>
      %swap3A = arith.index_cast %scan3A_460 : i32 to index
      %swap3A_472 = arith.constant 0 : index
      %swap3A_473 = tpu.vector_load %arg7[%swap3A, %swap3A_472] {strides = array<i32>} : memref<200x128xf32, #tpu.memory_space<vmem>>, vector<1x16xf32>,
      %swap3A_474 = vector.shape_cast %swap3A_473 : vector<1x16xf32> to vector<16xf32>
      %swap3A_475 = vector.shape_cast %add3A_471 : vector<16xf32> to vector<1x16xf32>
      tpu.vector_store %arg7[%swap3A, %swap3A_472], %swap3A_475 {strides = array<i32>} : memref<200x128xf32, #tpu.memory_space<vmem>>, vector<1x16xf32>,
      %get3A_476 = arith.index_cast %scan3A_460 : i32 to index
      %get3A_477 = arith.constant 16 : index
      %get3A_478 = tpu.vector_load %arg7[%get3A_476, %get3A_477] {strides = array<i32>} : memref<200x128xf32, #tpu.memory_space<vmem>>, vector<1x16xf32>,
      %get3A_479 = vector.shape_cast %get3A_478 : vector<1x16xf32> to vector<16xf32>
      %mul3A_480 = arith.constant 11.3137083 : f32
      %mul3A_481 = vector.broadcast %mul3A_480 : f32 to vector<16xf32>
      %mul3A_482 = arith.mulf %get3A_479, %mul3A_481 : vector<16xf32>
      %get3A_483 = arith.index_cast %scan3A_460 : i32 to index
      %get3A_484 = arith.constant 16 : index
      %get3A_485 = tpu.vector_load %arg10[%get3A_483, %get3A_484] {strides = array<i32>} : memref<200x128xf32, #tpu.memory_space<vmem>>, vector<1x16xf32>,
      %get3A_486 = vector.shape_cast %get3A_485 : vector<1x16xf32> to vector<16xf32>
      %add3A_487 = arith.addf %mul3A_482, %get3A_486 : vector<16xf32>
      %swap3A_488 = arith.index_cast %scan3A_460 : i32 to index
      %swap3A_489 = arith.constant 16 : index
      %swap3A_490 = tpu.vector_load %arg7[%swap3A_488, %swap3A_489] {strides = array<i32>} : memref<200x128xf32, #tpu.memory_space<vmem>>, vector<1x16xf32>,
      %swap3A_491 = vector.shape_cast %swap3A_490 : vector<1x16xf32> to vector<16xf32>
      %swap3A_492 = vector.shape_cast %add3A_487 : vector<16xf32> to vector<1x16xf32>
      tpu.vector_store %arg7[%swap3A_488, %swap3A_489], %swap3A_492 {strides = array<i32>} : memref<200x128xf32, #tpu.memory_space<vmem>>, vector<1x16xf32>,
      %get3A_493 = arith.index_cast %scan3A_460 : i32 to index
      %get3A_494 = arith.constant 32 : index
      %get3A_495 = tpu.vector_load %arg7[%get3A_493, %get3A_494] {strides = array<i32>} : memref<200x128xf32, #tpu.memory_space<vmem>>, vector<1x16xf32>,
      %get3A_496 = vector.shape_cast %get3A_495 : vector<1x16xf32> to vector<16xf32>
      %mul3A_497 = arith.constant 11.3137083 : f32
      %mul3A_498 = vector.broadcast %mul3A_497 : f32 to vector<16xf32>
      %mul3A_499 = arith.mulf %get3A_496, %mul3A_498 : vector<16xf32>
      %get3A_500 = arith.index_cast %scan3A_460 : i32 to index
      %get3A_501 = arith.constant 32 : index
      %get3A_502 = tpu.vector_load %arg10[%get3A_500, %get3A_501] {strides = array<i32>} : memref<200x128xf32, #tpu.memory_space<vmem>>, vector<1x16xf32>,
      %get3A_503 = vector.shape_cast %get3A_502 : vector<1x16xf32> to vector<16xf32>
      %add3A_504 = arith.addf %mul3A_499, %get3A_503 : vector<16xf32>
      %swap3A_505 = arith.index_cast %scan3A_460 : i32 to index
      %swap3A_506 = arith.constant 32 : index
      %swap3A_507 = tpu.vector_load %arg7[%swap3A_505, %swap3A_506] {strides = array<i32>} : memref<200x128xf32, #tpu.memory_space<vmem>>, vector<1x16xf32>,
      %swap3A_508 = vector.shape_cast %swap3A_507 : vector<1x16xf32> to vector<16xf32>
      %swap3A_509 = vector.shape_cast %add3A_504 : vector<16xf32> to vector<1x16xf32>
      tpu.vector_store %arg7[%swap3A_505, %swap3A_506], %swap3A_509 {strides = array<i32>} : memref<200x128xf32, #tpu.memory_space<vmem>>, vector<1x16xf32>,
      %get3A_510 = arith.index_cast %scan3A_460 : i32 to index
      %get3A_511 = arith.constant 48 : index
      %get3A_512 = tpu.vector_load %arg7[%get3A_510, %get3A_511] {strides = array<i32>} : memref<200x128xf32, #tpu.memory_space<vmem>>, vector<1x16xf32>,
      %get3A_513 = vector.shape_cast %get3A_512 : vector<1x16xf32> to vector<16xf32>
      %mul3A_514 = arith.constant 11.3137083 : f32
      %mul3A_515 = vector.broadcast %mul3A_514 : f32 to vector<16xf32>
      %mul3A_516 = arith.mulf %get3A_513, %mul3A_515 : vector<16xf32>
      %get3A_517 = arith.index_cast %scan3A_460 : i32 to index
      %get3A_518 = arith.constant 48 : index
      %get3A_519 = tpu.vector_load %arg10[%get3A_517, %get3A_518] {strides = array<i32>} : memref<200x128xf32, #tpu.memory_space<vmem>>, vector<1x16xf32>,
      %get3A_520 = vector.shape_cast %get3A_519 : vector<1x16xf32> to vector<16xf32>
      %add3A_521 = arith.addf %mul3A_516, %get3A_520 : vector<16xf32>
      %swap3A_522 = arith.index_cast %scan3A_460 : i32 to index
      %swap3A_523 = arith.constant 48 : index
      %swap3A_524 = tpu.vector_load %arg7[%swap3A_522, %swap3A_523] {strides = array<i32>} : memref<200x128xf32, #tpu.memory_space<vmem>>, vector<1x16xf32>,
      %swap3A_525 = vector.shape_cast %swap3A_524 : vector<1x16xf32> to vector<16xf32>
      %swap3A_526 = vector.shape_cast %add3A_521 : vector<16xf32> to vector<1x16xf32>
      tpu.vector_store %arg7[%swap3A_522, %swap3A_523], %swap3A_526 {strides = array<i32>} : memref<200x128xf32, #tpu.memory_space<vmem>>, vector<1x16xf32>,
      %get3A_527 = arith.index_cast %scan3A_460 : i32 to index
      %get3A_528 = arith.constant 64 : index
      %get3A_529 = tpu.vector_load %arg7[%get3A_527, %get3A_528] {strides = array<i32>} : memref<200x128xf32, #tpu.memory_space<vmem>>, vector<1x16xf32>,
      %get3A_530 = vector.shape_cast %get3A_529 : vector<1x16xf32> to vector<16xf32>
      %mul3A_531 = arith.constant 11.3137083 : f32
      %mul3A_532 = vector.broadcast %mul3A_531 : f32 to vector<16xf32>
      %mul3A_533 = arith.mulf %get3A_530, %mul3A_532 : vector<16xf32>
      %get3A_534 = arith.index_cast %scan3A_460 : i32 to index
      %get3A_535 = arith.constant 64 : index
      %get3A_536 = tpu.vector_load %arg10[%get3A_534, %get3A_535] {strides = array<i32>} : memref<200x128xf32, #tpu.memory_space<vmem>>, vector<1x16xf32>,
      %get3A_537 = vector.shape_cast %get3A_536 : vector<1x16xf32> to vector<16xf32>
      %add3A_538 = arith.addf %mul3A_533, %get3A_537 : vector<16xf32>
      %swap3A_539 = arith.index_cast %scan3A_460 : i32 to index
      %swap3A_540 = arith.constant 64 : index
      %swap3A_541 = tpu.vector_load %arg7[%swap3A_539, %swap3A_540] {strides = array<i32>} : memref<200x128xf32, #tpu.memory_space<vmem>>, vector<1x16xf32>,
      %swap3A_542 = vector.shape_cast %swap3A_541 : vector<1x16xf32> to vector<16xf32>
      %swap3A_543 = vector.shape_cast %add3A_538 : vector<16xf32> to vector<1x16xf32>
      tpu.vector_store %arg7[%swap3A_539, %swap3A_540], %swap3A_543 {strides = array<i32>} : memref<200x128xf32, #tpu.memory_space<vmem>>, vector<1x16xf32>,
      %get3A_544 = arith.index_cast %scan3A_460 : i32 to index
      %get3A_545 = arith.constant 80 : index
      %get3A_546 = tpu.vector_load %arg7[%get3A_544, %get3A_545] {strides = array<i32>} : memref<200x128xf32, #tpu.memory_space<vmem>>, vector<1x16xf32>,
      %get3A_547 = vector.shape_cast %get3A_546 : vector<1x16xf32> to vector<16xf32>
      %mul3A_548 = arith.constant 11.3137083 : f32
      %mul3A_549 = vector.broadcast %mul3A_548 : f32 to vector<16xf32>
      %mul3A_550 = arith.mulf %get3A_547, %mul3A_549 : vector<16xf32>
      %get3A_551 = arith.index_cast %scan3A_460 : i32 to index
      %get3A_552 = arith.constant 80 : index
      %get3A_553 = tpu.vector_load %arg10[%get3A_551, %get3A_552] {strides = array<i32>} : memref<200x128xf32, #tpu.memory_space<vmem>>, vector<1x16xf32>,
      %get3A_554 = vector.shape_cast %get3A_553 : vector<1x16xf32> to vector<16xf32>
      %add3A_555 = arith.addf %mul3A_550, %get3A_554 : vector<16xf32>
      %swap3A_556 = arith.index_cast %scan3A_460 : i32 to index
      %swap3A_557 = arith.constant 80 : index
      %swap3A_558 = tpu.vector_load %arg7[%swap3A_556, %swap3A_557] {strides = array<i32>} : memref<200x128xf32, #tpu.memory_space<vmem>>, vector<1x16xf32>,
      %swap3A_559 = vector.shape_cast %swap3A_558 : vector<1x16xf32> to vector<16xf32>
      %swap3A_560 = vector.shape_cast %add3A_555 : vector<16xf32> to vector<1x16xf32>
      tpu.vector_store %arg7[%swap3A_556, %swap3A_557], %swap3A_560 {strides = array<i32>} : memref<200x128xf32, #tpu.memory_space<vmem>>, vector<1x16xf32>,
      %get3A_561 = arith.index_cast %scan3A_460 : i32 to index
      %get3A_562 = arith.constant 96 : index
      %get3A_563 = tpu.vector_load %arg7[%get3A_561, %get3A_562] {strides = array<i32>} : memref<200x128xf32, #tpu.memory_space<vmem>>, vector<1x16xf32>,
      %get3A_564 = vector.shape_cast %get3A_563 : vector<1x16xf32> to vector<16xf32>
      %mul3A_565 = arith.constant 11.3137083 : f32
      %mul3A_566 = vector.broadcast %mul3A_565 : f32 to vector<16xf32>
      %mul3A_567 = arith.mulf %get3A_564, %mul3A_566 : vector<16xf32>
      %get3A_568 = arith.index_cast %scan3A_460 : i32 to index
      %get3A_569 = arith.constant 96 : index
      %get3A_570 = tpu.vector_load %arg10[%get3A_568, %get3A_569] {strides = array<i32>} : memref<200x128xf32, #tpu.memory_space<vmem>>, vector<1x16xf32>,
      %get3A_571 = vector.shape_cast %get3A_570 : vector<1x16xf32> to vector<16xf32>
      %add3A_572 = arith.addf %mul3A_567, %get3A_571 : vector<16xf32>
      %swap3A_573 = arith.index_cast %scan3A_460 : i32 to index
      %swap3A_574 = arith.constant 96 : index
      %swap3A_575 = tpu.vector_load %arg7[%swap3A_573, %swap3A_574] {strides = array<i32>} : memref<200x128xf32, #tpu.memory_space<vmem>>, vector<1x16xf32>,
      %swap3A_576 = vector.shape_cast %swap3A_575 : vector<1x16xf32> to vector<16xf32>
      %swap3A_577 = vector.shape_cast %add3A_572 : vector<16xf32> to vector<1x16xf32>
      tpu.vector_store %arg7[%swap3A_573, %swap3A_574], %swap3A_577 {strides = array<i32>} : memref<200x128xf32, #tpu.memory_space<vmem>>, vector<1x16xf32>,
      %get3A_578 = arith.index_cast %scan3A_460 : i32 to index
      %get3A_579 = arith.constant 112 : index
      %get3A_580 = tpu.vector_load %arg7[%get3A_578, %get3A_579] {strides = array<i32>} : memref<200x128xf32, #tpu.memory_space<vmem>>, vector<1x16xf32>,
      %get3A_581 = vector.shape_cast %get3A_580 : vector<1x16xf32> to vector<16xf32>
      %mul3A_582 = arith.constant 11.3137083 : f32
      %mul3A_583 = vector.broadcast %mul3A_582 : f32 to vector<16xf32>
      %mul3A_584 = arith.mulf %get3A_581, %mul3A_583 : vector<16xf32>
      %get3A_585 = arith.index_cast %scan3A_460 : i32 to index
      %get3A_586 = arith.constant 112 : index
      %get3A_587 = tpu.vector_load %arg10[%get3A_585, %get3A_586] {strides = array<i32>} : memref<200x128xf32, #tpu.memory_space<vmem>>, vector<1x16xf32>,
      %get3A_588 = vector.shape_cast %get3A_587 : vector<1x16xf32> to vector<16xf32>
      %add3A_589 = arith.addf %mul3A_584, %get3A_588 : vector<16xf32>
      %swap3A_590 = arith.index_cast %scan3A_460 : i32 to index
      %swap3A_591 = arith.constant 112 : index
      %swap3A_592 = tpu.vector_load %arg7[%swap3A_590, %swap3A_591] {strides = array<i32>} : memref<200x128xf32, #tpu.memory_space<vmem>>, vector<1x16xf32>,
      %swap3A_593 = vector.shape_cast %swap3A_592 : vector<1x16xf32> to vector<16xf32>
      %swap3A_594 = vector.shape_cast %add3A_589 : vector<16xf32> to vector<1x16xf32>
      tpu.vector_store %arg7[%swap3A_590, %swap3A_591], %swap3A_594 {strides = array<i32>} : memref<200x128xf32, #tpu.memory_space<vmem>>, vector<1x16xf32>,
    }
    %scan3A_69 = arith.constant 96 : i32
    %add3A_70 = arith.constant 0 : i32
    %add3A_71 = arith.addi %mul3A_2, %add3A_70 : i32
    %mul3A_72 = arith.constant 200 : i32
    %mul3A_73 = arith.muli %add3A_71, %mul3A_72 : i32
    %dma_start3A_74 = arith.constant 0 : i32
    %dma_start3A_75 = arith.constant 0 : i32
    %dma_start3A_76 = tpu.memref_slice %arg7[%dma_start3A_74, %dma_start3A_75] : memref<200x128xf32, #tpu.memory_space<vmem>> -> memref<96x128xf32, #tpu.memory_space<vmem>>
    %dma_start3A_77 = arith.constant 0 : i32
    %dma_start3A_78 = tpu.memref_slice %arg5[%mul3A_73, %dma_start3A_77] : memref<204800x128xf32, #tpu.memory_space<hbm>> -> memref<96x128xf32, #tpu.memory_space<hbm>>
    %dma_start3A_79 = arith.constant 0 : i32
    %dma_start3A_80 = tpu.memref_slice %arg5[%mul3A_73, %dma_start3A_79] : memref<204800x128xf32, #tpu.memory_space<hbm>> -> memref<96x128xf32, #tpu.memory_space<hbm>>
    %dma_start3A_81 = arith.constant 0 : i32
    %dma_start3A_82 = arith.constant 0 : i32
    %dma_start3A_83 = tpu.memref_slice %arg7[%dma_start3A_81, %dma_start3A_82] : memref<200x128xf32, #tpu.memory_space<vmem>> -> memref<96x128xf32, #tpu.memory_space<vmem>>
    tpu.enqueue_dma source(%dma_start3A_83 : memref<96x128xf32, #tpu.memory_space<vmem>>) target(%dma_start3A_80 : memref<96x128xf32, #tpu.memory_space<hbm>>) target_semaphore(%arg17 : memref<!tpu.dma_semaphore, #tpu.memory_space<semaphore_mem>>)
    %dma_start3A_84 = arith.constant 4 : i32
    %dma_start3A_85 = arith.constant 0 : i32
    %dma_start3A_86 = arith.constant 0 : i32
    %dma_start3A_87 = tpu.memref_slice %arg9[%dma_start3A_85, %dma_start3A_86] : memref<200x128xf32, #tpu.memory_space<vmem>> -> memref<100x128xf32, #tpu.memory_space<vmem>>
    %dma_start3A_88 = arith.constant 0 : i32
    %dma_start3A_89 = tpu.memref_slice %arg6[%dma_start3A_84, %dma_start3A_88] : memref<64x100xi32, #tpu.memory_space<vmem>> -> memref<1x100xi32, #tpu.memory_space<vmem>>
    %dma_start3A_90 = tpu.memref_squeeze %dma_start3A_89 : memref<1x100xi32, #tpu.memory_space<vmem>> -> memref<100xi32, #tpu.memory_space<vmem>>
    %dma_start3A_91 = arith.constant 0 : i32
    %dma_start3A_92 = arith.constant 0 : i32
    %dma_start3A_93 = tpu.memref_slice %arg3[%dma_start3A_91, %dma_start3A_92] : memref<100000x128xf32, #tpu.memory_space<hbm>> -> memref<100000x128xf32, #tpu.memory_space<hbm>>
    tpu.enqueue_indirect_dma source(%dma_start3A_93 : memref<100000x128xf32, #tpu.memory_space<hbm>>) target(%dma_start3A_87 : memref<100x128xf32, #tpu.memory_space<vmem>>) offsets(%dma_start3A_90 : memref<100xi32, #tpu.memory_space<vmem>>) semaphore(%arg15 : memref<!tpu.dma_semaphore, #tpu.memory_space<semaphore_mem>>)
    %dma_start3A_94 = arith.constant 5 : i32
    %dma_start3A_95 = arith.constant 100 : i32
    %dma_start3A_96 = arith.constant 0 : i32
    %dma_start3A_97 = tpu.memref_slice %arg9[%dma_start3A_95, %dma_start3A_96] : memref<200x128xf32, #tpu.memory_space<vmem>> -> memref<100x128xf32, #tpu.memory_space<vmem>>
    %dma_start3A_98 = arith.constant 0 : i32
    %dma_start3A_99 = tpu.memref_slice %arg6[%dma_start3A_94, %dma_start3A_98] : memref<64x100xi32, #tpu.memory_space<vmem>> -> memref<1x100xi32, #tpu.memory_space<vmem>>
    %dma_start3A_100 = tpu.memref_squeeze %dma_start3A_99 : memref<1x100xi32, #tpu.memory_space<vmem>> -> memref<100xi32, #tpu.memory_space<vmem>>
    %dma_start3A_101 = arith.constant 0 : i32
    %dma_start3A_102 = arith.constant 0 : i32
    %dma_start3A_103 = tpu.memref_slice %arg3[%dma_start3A_101, %dma_start3A_102] : memref<100000x128xf32, #tpu.memory_space<hbm>> -> memref<100000x128xf32, #tpu.memory_space<hbm>>
    tpu.enqueue_indirect_dma source(%dma_start3A_103 : memref<100000x128xf32, #tpu.memory_space<hbm>>) target(%dma_start3A_97 : memref<100x128xf32, #tpu.memory_space<vmem>>) offsets(%dma_start3A_100 : memref<100xi32, #tpu.memory_space<vmem>>) semaphore(%arg16 : memref<!tpu.dma_semaphore, #tpu.memory_space<semaphore_mem>>)
    %dma_wait3A_104 = arith.constant 0 : i32
    %dma_wait3A_105 = arith.constant 100 : i32
    %dma_wait3A_106 = arith.constant 0 : i32
    %dma_wait3A_107 = tpu.memref_slice %arg7[%dma_wait3A_105, %dma_wait3A_106] : memref<200x128xf32, #tpu.memory_space<vmem>> -> memref<100x128xf32, #tpu.memory_space<vmem>>
    %dma_wait3A_108 = arith.constant 0 : i32
    %dma_wait3A_109 = tpu.memref_slice %arg6[%dma_wait3A_104, %dma_wait3A_108] : memref<64x100xi32, #tpu.memory_space<vmem>> -> memref<1x100xi32, #tpu.memory_space<vmem>>
    %dma_wait3A_110 = tpu.memref_squeeze %dma_wait3A_109 : memref<1x100xi32, #tpu.memory_space<vmem>> -> memref<100xi32, #tpu.memory_space<vmem>>
    %dma_wait3A_111 = arith.constant 0 : i32
    %dma_wait3A_112 = arith.constant 0 : i32
    %dma_wait3A_113 = tpu.memref_slice %arg3[%dma_wait3A_111, %dma_wait3A_112] : memref<100000x128xf32, #tpu.memory_space<hbm>> -> memref<100000x128xf32, #tpu.memory_space<hbm>>
    tpu.wait_indirect_dma semaphore(%arg12 : memref<!tpu.dma_semaphore, #tpu.memory_space<semaphore_mem>>) src(%dma_wait3A_113 : memref<100000x128xf32, #tpu.memory_space<hbm>>) dst(%dma_wait3A_107 : memref<100x128xf32, #tpu.memory_space<vmem>>)
    %scan3A_114 = arith.constant 0 : i32
    %scan3A_115 = arith.constant 96 : i32
    %scan3A_116 = arith.constant 104 : i32
    %scan3A_117 = arith.addi %scan3A_115, %scan3A_116 : i32
    %scan3A_118 = arith.constant 1 : i32
    scf.for %scan3A_460 = %scan3A_115 to %scan3A_117 step %scan3A_118  : i32 {
      %get3A = arith.index_cast %scan3A_460 : i32 to index
      %get3A_461 = arith.constant 0 : index
      %get3A_462 = tpu.vector_load %arg7[%get3A, %get3A_461] {strides = array<i32>} : memref<200x128xf32, #tpu.memory_space<vmem>>, vector<1x16xf32>,
      %get3A_463 = vector.shape_cast %get3A_462 : vector<1x16xf32> to vector<16xf32>
      %mul3A_464 = arith.constant 11.3137083 : f32
      %mul3A_465 = vector.broadcast %mul3A_464 : f32 to vector<16xf32>
      %mul3A_466 = arith.mulf %get3A_463, %mul3A_465 : vector<16xf32>
      %get3A_467 = arith.index_cast %scan3A_460 : i32 to index
      %get3A_468 = arith.constant 0 : index
      %get3A_469 = tpu.vector_load %arg10[%get3A_467, %get3A_468] {strides = array<i32>} : memref<200x128xf32, #tpu.memory_space<vmem>>, vector<1x16xf32>,
      %get3A_470 = vector.shape_cast %get3A_469 : vector<1x16xf32> to vector<16xf32>
      %add3A_471 = arith.addf %mul3A_466, %get3A_470 : vector<16xf32>
      %swap3A = arith.index_cast %scan3A_460 : i32 to index
      %swap3A_472 = arith.constant 0 : index
      %swap3A_473 = tpu.vector_load %arg7[%swap3A, %swap3A_472] {strides = array<i32>} : memref<200x128xf32, #tpu.memory_space<vmem>>, vector<1x16xf32>,
      %swap3A_474 = vector.shape_cast %swap3A_473 : vector<1x16xf32> to vector<16xf32>
      %swap3A_475 = vector.shape_cast %add3A_471 : vector<16xf32> to vector<1x16xf32>
      tpu.vector_store %arg7[%swap3A, %swap3A_472], %swap3A_475 {strides = array<i32>} : memref<200x128xf32, #tpu.memory_space<vmem>>, vector<1x16xf32>,
      %get3A_476 = arith.index_cast %scan3A_460 : i32 to index
      %get3A_477 = arith.constant 16 : index
      %get3A_478 = tpu.vector_load %arg7[%get3A_476, %get3A_477] {strides = array<i32>} : memref<200x128xf32, #tpu.memory_space<vmem>>, vector<1x16xf32>,
      %get3A_479 = vector.shape_cast %get3A_478 : vector<1x16xf32> to vector<16xf32>
      %mul3A_480 = arith.constant 11.3137083 : f32
      %mul3A_481 = vector.broadcast %mul3A_480 : f32 to vector<16xf32>
      %mul3A_482 = arith.mulf %get3A_479, %mul3A_481 : vector<16xf32>
      %get3A_483 = arith.index_cast %scan3A_460 : i32 to index
      %get3A_484 = arith.constant 16 : index
      %get3A_485 = tpu.vector_load %arg10[%get3A_483, %get3A_484] {strides = array<i32>} : memref<200x128xf32, #tpu.memory_space<vmem>>, vector<1x16xf32>,
      %get3A_486 = vector.shape_cast %get3A_485 : vector<1x16xf32> to vector<16xf32>
      %add3A_487 = arith.addf %mul3A_482, %get3A_486 : vector<16xf32>
      %swap3A_488 = arith.index_cast %scan3A_460 : i32 to index
      %swap3A_489 = arith.constant 16 : index
      %swap3A_490 = tpu.vector_load %arg7[%swap3A_488, %swap3A_489] {strides = array<i32>} : memref<200x128xf32, #tpu.memory_space<vmem>>, vector<1x16xf32>,
      %swap3A_491 = vector.shape_cast %swap3A_490 : vector<1x16xf32> to vector<16xf32>
      %swap3A_492 = vector.shape_cast %add3A_487 : vector<16xf32> to vector<1x16xf32>
      tpu.vector_store %arg7[%swap3A_488, %swap3A_489], %swap3A_492 {strides = array<i32>} : memref<200x128xf32, #tpu.memory_space<vmem>>, vector<1x16xf32>,
      %get3A_493 = arith.index_cast %scan3A_460 : i32 to index
      %get3A_494 = arith.constant 32 : index
      %get3A_495 = tpu.vector_load %arg7[%get3A_493, %get3A_494] {strides = array<i32>} : memref<200x128xf32, #tpu.memory_space<vmem>>, vector<1x16xf32>,
      %get3A_496 = vector.shape_cast %get3A_495 : vector<1x16xf32> to vector<16xf32>
      %mul3A_497 = arith.constant 11.3137083 : f32
      %mul3A_498 = vector.broadcast %mul3A_497 : f32 to vector<16xf32>
      %mul3A_499 = arith.mulf %get3A_496, %mul3A_498 : vector<16xf32>
      %get3A_500 = arith.index_cast %scan3A_460 : i32 to index
      %get3A_501 = arith.constant 32 : index
      %get3A_502 = tpu.vector_load %arg10[%get3A_500, %get3A_501] {strides = array<i32>} : memref<200x128xf32, #tpu.memory_space<vmem>>, vector<1x16xf32>,
      %get3A_503 = vector.shape_cast %get3A_502 : vector<1x16xf32> to vector<16xf32>
      %add3A_504 = arith.addf %mul3A_499, %get3A_503 : vector<16xf32>
      %swap3A_505 = arith.index_cast %scan3A_460 : i32 to index
      %swap3A_506 = arith.constant 32 : index
      %swap3A_507 = tpu.vector_load %arg7[%swap3A_505, %swap3A_506] {strides = array<i32>} : memref<200x128xf32, #tpu.memory_space<vmem>>, vector<1x16xf32>,
      %swap3A_508 = vector.shape_cast %swap3A_507 : vector<1x16xf32> to vector<16xf32>
      %swap3A_509 = vector.shape_cast %add3A_504 : vector<16xf32> to vector<1x16xf32>
      tpu.vector_store %arg7[%swap3A_505, %swap3A_506], %swap3A_509 {strides = array<i32>} : memref<200x128xf32, #tpu.memory_space<vmem>>, vector<1x16xf32>,
      %get3A_510 = arith.index_cast %scan3A_460 : i32 to index
      %get3A_511 = arith.constant 48 : index
      %get3A_512 = tpu.vector_load %arg7[%get3A_510, %get3A_511] {strides = array<i32>} : memref<200x128xf32, #tpu.memory_space<vmem>>, vector<1x16xf32>,
      %get3A_513 = vector.shape_cast %get3A_512 : vector<1x16xf32> to vector<16xf32>
      %mul3A_514 = arith.constant 11.3137083 : f32
      %mul3A_515 = vector.broadcast %mul3A_514 : f32 to vector<16xf32>
      %mul3A_516 = arith.mulf %get3A_513, %mul3A_515 : vector<16xf32>
      %get3A_517 = arith.index_cast %scan3A_460 : i32 to index
      %get3A_518 = arith.constant 48 : index
      %get3A_519 = tpu.vector_load %arg10[%get3A_517, %get3A_518] {strides = array<i32>} : memref<200x128xf32, #tpu.memory_space<vmem>>, vector<1x16xf32>,
      %get3A_520 = vector.shape_cast %get3A_519 : vector<1x16xf32> to vector<16xf32>
      %add3A_521 = arith.addf %mul3A_516, %get3A_520 : vector<16xf32>
      %swap3A_522 = arith.index_cast %scan3A_460 : i32 to index
      %swap3A_523 = arith.constant 48 : index
      %swap3A_524 = tpu.vector_load %arg7[%swap3A_522, %swap3A_523] {strides = array<i32>} : memref<200x128xf32, #tpu.memory_space<vmem>>, vector<1x16xf32>,
      %swap3A_525 = vector.shape_cast %swap3A_524 : vector<1x16xf32> to vector<16xf32>
      %swap3A_526 = vector.shape_cast %add3A_521 : vector<16xf32> to vector<1x16xf32>
      tpu.vector_store %arg7[%swap3A_522, %swap3A_523], %swap3A_526 {strides = array<i32>} : memref<200x128xf32, #tpu.memory_space<vmem>>, vector<1x16xf32>,
      %get3A_527 = arith.index_cast %scan3A_460 : i32 to index
      %get3A_528 = arith.constant 64 : index
      %get3A_529 = tpu.vector_load %arg7[%get3A_527, %get3A_528] {strides = array<i32>} : memref<200x128xf32, #tpu.memory_space<vmem>>, vector<1x16xf32>,
      %get3A_530 = vector.shape_cast %get3A_529 : vector<1x16xf32> to vector<16xf32>
      %mul3A_531 = arith.constant 11.3137083 : f32
      %mul3A_532 = vector.broadcast %mul3A_531 : f32 to vector<16xf32>
      %mul3A_533 = arith.mulf %get3A_530, %mul3A_532 : vector<16xf32>
      %get3A_534 = arith.index_cast %scan3A_460 : i32 to index
      %get3A_535 = arith.constant 64 : index
      %get3A_536 = tpu.vector_load %arg10[%get3A_534, %get3A_535] {strides = array<i32>} : memref<200x128xf32, #tpu.memory_space<vmem>>, vector<1x16xf32>,
      %get3A_537 = vector.shape_cast %get3A_536 : vector<1x16xf32> to vector<16xf32>
      %add3A_538 = arith.addf %mul3A_533, %get3A_537 : vector<16xf32>
      %swap3A_539 = arith.index_cast %scan3A_460 : i32 to index
      %swap3A_540 = arith.constant 64 : index
      %swap3A_541 = tpu.vector_load %arg7[%swap3A_539, %swap3A_540] {strides = array<i32>} : memref<200x128xf32, #tpu.memory_space<vmem>>, vector<1x16xf32>,
      %swap3A_542 = vector.shape_cast %swap3A_541 : vector<1x16xf32> to vector<16xf32>
      %swap3A_543 = vector.shape_cast %add3A_538 : vector<16xf32> to vector<1x16xf32>
      tpu.vector_store %arg7[%swap3A_539, %swap3A_540], %swap3A_543 {strides = array<i32>} : memref<200x128xf32, #tpu.memory_space<vmem>>, vector<1x16xf32>,
      %get3A_544 = arith.index_cast %scan3A_460 : i32 to index
      %get3A_545 = arith.constant 80 : index
      %get3A_546 = tpu.vector_load %arg7[%get3A_544, %get3A_545] {strides = array<i32>} : memref<200x128xf32, #tpu.memory_space<vmem>>, vector<1x16xf32>,
      %get3A_547 = vector.shape_cast %get3A_546 : vector<1x16xf32> to vector<16xf32>
      %mul3A_548 = arith.constant 11.3137083 : f32
      %mul3A_549 = vector.broadcast %mul3A_548 : f32 to vector<16xf32>
      %mul3A_550 = arith.mulf %get3A_547, %mul3A_549 : vector<16xf32>
      %get3A_551 = arith.index_cast %scan3A_460 : i32 to index
      %get3A_552 = arith.constant 80 : index
      %get3A_553 = tpu.vector_load %arg10[%get3A_551, %get3A_552] {strides = array<i32>} : memref<200x128xf32, #tpu.memory_space<vmem>>, vector<1x16xf32>,
      %get3A_554 = vector.shape_cast %get3A_553 : vector<1x16xf32> to vector<16xf32>
      %add3A_555 = arith.addf %mul3A_550, %get3A_554 : vector<16xf32>
      %swap3A_556 = arith.index_cast %scan3A_460 : i32 to index
      %swap3A_557 = arith.constant 80 : index
      %swap3A_558 = tpu.vector_load %arg7[%swap3A_556, %swap3A_557] {strides = array<i32>} : memref<200x128xf32, #tpu.memory_space<vmem>>, vector<1x16xf32>,
      %swap3A_559 = vector.shape_cast %swap3A_558 : vector<1x16xf32> to vector<16xf32>
      %swap3A_560 = vector.shape_cast %add3A_555 : vector<16xf32> to vector<1x16xf32>
      tpu.vector_store %arg7[%swap3A_556, %swap3A_557], %swap3A_560 {strides = array<i32>} : memref<200x128xf32, #tpu.memory_space<vmem>>, vector<1x16xf32>,
      %get3A_561 = arith.index_cast %scan3A_460 : i32 to index
      %get3A_562 = arith.constant 96 : index
      %get3A_563 = tpu.vector_load %arg7[%get3A_561, %get3A_562] {strides = array<i32>} : memref<200x128xf32, #tpu.memory_space<vmem>>, vector<1x16xf32>,
      %get3A_564 = vector.shape_cast %get3A_563 : vector<1x16xf32> to vector<16xf32>
      %mul3A_565 = arith.constant 11.3137083 : f32
      %mul3A_566 = vector.broadcast %mul3A_565 : f32 to vector<16xf32>
      %mul3A_567 = arith.mulf %get3A_564, %mul3A_566 : vector<16xf32>
      %get3A_568 = arith.index_cast %scan3A_460 : i32 to index
      %get3A_569 = arith.constant 96 : index
      %get3A_570 = tpu.vector_load %arg10[%get3A_568, %get3A_569] {strides = array<i32>} : memref<200x128xf32, #tpu.memory_space<vmem>>, vector<1x16xf32>,
      %get3A_571 = vector.shape_cast %get3A_570 : vector<1x16xf32> to vector<16xf32>
      %add3A_572 = arith.addf %mul3A_567, %get3A_571 : vector<16xf32>
      %swap3A_573 = arith.index_cast %scan3A_460 : i32 to index
      %swap3A_574 = arith.constant 96 : index
      %swap3A_575 = tpu.vector_load %arg7[%swap3A_573, %swap3A_574] {strides = array<i32>} : memref<200x128xf32, #tpu.memory_space<vmem>>, vector<1x16xf32>,
      %swap3A_576 = vector.shape_cast %swap3A_575 : vector<1x16xf32> to vector<16xf32>
      %swap3A_577 = vector.shape_cast %add3A_572 : vector<16xf32> to vector<1x16xf32>
      tpu.vector_store %arg7[%swap3A_573, %swap3A_574], %swap3A_577 {strides = array<i32>} : memref<200x128xf32, #tpu.memory_space<vmem>>, vector<1x16xf32>,
      %get3A_578 = arith.index_cast %scan3A_460 : i32 to index
      %get3A_579 = arith.constant 112 : index
      %get3A_580 = tpu.vector_load %arg7[%get3A_578, %get3A_579] {strides = array<i32>} : memref<200x128xf32, #tpu.memory_space<vmem>>, vector<1x16xf32>,
      %get3A_581 = vector.shape_cast %get3A_580 : vector<1x16xf32> to vector<16xf32>
      %mul3A_582 = arith.constant 11.3137083 : f32
      %mul3A_583 = vector.broadcast %mul3A_582 : f32 to vector<16xf32>
      %mul3A_584 = arith.mulf %get3A_581, %mul3A_583 : vector<16xf32>
      %get3A_585 = arith.index_cast %scan3A_460 : i32 to index
      %get3A_586 = arith.constant 112 : index
      %get3A_587 = tpu.vector_load %arg10[%get3A_585, %get3A_586] {strides = array<i32>} : memref<200x128xf32, #tpu.memory_space<vmem>>, vector<1x16xf32>,
      %get3A_588 = vector.shape_cast %get3A_587 : vector<1x16xf32> to vector<16xf32>
      %add3A_589 = arith.addf %mul3A_584, %get3A_588 : vector<16xf32>
      %swap3A_590 = arith.index_cast %scan3A_460 : i32 to index
      %swap3A_591 = arith.constant 112 : index
      %swap3A_592 = tpu.vector_load %arg7[%swap3A_590, %swap3A_591] {strides = array<i32>} : memref<200x128xf32, #tpu.memory_space<vmem>>, vector<1x16xf32>,
      %swap3A_593 = vector.shape_cast %swap3A_592 : vector<1x16xf32> to vector<16xf32>
      %swap3A_594 = vector.shape_cast %add3A_589 : vector<16xf32> to vector<1x16xf32>
      tpu.vector_store %arg7[%swap3A_590, %swap3A_591], %swap3A_594 {strides = array<i32>} : memref<200x128xf32, #tpu.memory_space<vmem>>, vector<1x16xf32>,
    }
    %scan3A_119 = arith.constant 104 : i32
    %add3A_120 = arith.constant 0 : i32
    %add3A_121 = arith.addi %mul3A_2, %add3A_120 : i32
    %mul3A_122 = arith.constant 200 : i32
    %mul3A_123 = arith.muli %add3A_121, %mul3A_122 : i32
    %add3A_124 = arith.constant 96 : i32
    %add3A_125 = arith.addi %mul3A_123, %add3A_124 : i32
    %dma_start3A_126 = arith.constant 96 : i32
    %dma_start3A_127 = arith.constant 0 : i32
    %dma_start3A_128 = tpu.memref_slice %arg7[%dma_start3A_126, %dma_start3A_127] : memref<200x128xf32, #tpu.memory_space<vmem>> -> memref<104x128xf32, #tpu.memory_space<vmem>>
    %dma_start3A_129 = arith.constant 0 : i32
    %dma_start3A_130 = tpu.memref_slice %arg5[%add3A_125, %dma_start3A_129] : memref<204800x128xf32, #tpu.memory_space<hbm>> -> memref<104x128xf32, #tpu.memory_space<hbm>>
    %dma_start3A_131 = arith.constant 0 : i32
    %dma_start3A_132 = tpu.memref_slice %arg5[%add3A_125, %dma_start3A_131] : memref<204800x128xf32, #tpu.memory_space<hbm>> -> memref<104x128xf32, #tpu.memory_space<hbm>>
    %dma_start3A_133 = arith.constant 96 : i32
    %dma_start3A_134 = arith.constant 0 : i32
    %dma_start3A_135 = tpu.memref_slice %arg7[%dma_start3A_133, %dma_start3A_134] : memref<200x128xf32, #tpu.memory_space<vmem>> -> memref<104x128xf32, #tpu.memory_space<vmem>>
    tpu.enqueue_dma source(%dma_start3A_135 : memref<104x128xf32, #tpu.memory_space<vmem>>) target(%dma_start3A_132 : memref<104x128xf32, #tpu.memory_space<hbm>>) target_semaphore(%arg17 : memref<!tpu.dma_semaphore, #tpu.memory_space<semaphore_mem>>)
    %dma_wait3A_136 = arith.constant 0 : i32
    %dma_wait3A_137 = arith.constant 0 : i32
    %dma_wait3A_138 = arith.constant 0 : i32
    %dma_wait3A_139 = tpu.memref_slice %arg8[%dma_wait3A_137, %dma_wait3A_138] : memref<200x128xf32, #tpu.memory_space<vmem>> -> memref<100x128xf32, #tpu.memory_space<vmem>>
    %dma_wait3A_140 = arith.constant 0 : i32
    %dma_wait3A_141 = tpu.memref_slice %arg6[%dma_wait3A_136, %dma_wait3A_140] : memref<64x100xi32, #tpu.memory_space<vmem>> -> memref<1x100xi32, #tpu.memory_space<vmem>>
    %dma_wait3A_142 = tpu.memref_squeeze %dma_wait3A_141 : memref<1x100xi32, #tpu.memory_space<vmem>> -> memref<100xi32, #tpu.memory_space<vmem>>
    %dma_wait3A_143 = arith.constant 0 : i32
    %dma_wait3A_144 = arith.constant 0 : i32
    %dma_wait3A_145 = tpu.memref_slice %arg3[%dma_wait3A_143, %dma_wait3A_144] : memref<100000x128xf32, #tpu.memory_space<hbm>> -> memref<100000x128xf32, #tpu.memory_space<hbm>>
    tpu.wait_indirect_dma semaphore(%arg13 : memref<!tpu.dma_semaphore, #tpu.memory_space<semaphore_mem>>) src(%dma_wait3A_145 : memref<100000x128xf32, #tpu.memory_space<hbm>>) dst(%dma_wait3A_139 : memref<100x128xf32, #tpu.memory_space<vmem>>)
    %scan3A_146 = arith.constant 0 : i32
    %scan3A_147 = arith.constant 0 : i32
    %scan3A_148 = arith.constant 96 : i32
    %scan3A_149 = arith.addi %scan3A_147, %scan3A_148 : i32
    %scan3A_150 = arith.constant 1 : i32
    scf.for %scan3A_460 = %scan3A_147 to %scan3A_149 step %scan3A_150  : i32 {
      %get3A = arith.index_cast %scan3A_460 : i32 to index
      %get3A_461 = arith.constant 0 : index
      %get3A_462 = tpu.vector_load %arg8[%get3A, %get3A_461] {strides = array<i32>} : memref<200x128xf32, #tpu.memory_space<vmem>>, vector<1x16xf32>,
      %get3A_463 = vector.shape_cast %get3A_462 : vector<1x16xf32> to vector<16xf32>
      %mul3A_464 = arith.constant 11.3137083 : f32
      %mul3A_465 = vector.broadcast %mul3A_464 : f32 to vector<16xf32>
      %mul3A_466 = arith.mulf %get3A_463, %mul3A_465 : vector<16xf32>
      %get3A_467 = arith.index_cast %scan3A_460 : i32 to index
      %get3A_468 = arith.constant 0 : index
      %get3A_469 = tpu.vector_load %arg10[%get3A_467, %get3A_468] {strides = array<i32>} : memref<200x128xf32, #tpu.memory_space<vmem>>, vector<1x16xf32>,
      %get3A_470 = vector.shape_cast %get3A_469 : vector<1x16xf32> to vector<16xf32>
      %add3A_471 = arith.addf %mul3A_466, %get3A_470 : vector<16xf32>
      %swap3A = arith.index_cast %scan3A_460 : i32 to index
      %swap3A_472 = arith.constant 0 : index
      %swap3A_473 = tpu.vector_load %arg8[%swap3A, %swap3A_472] {strides = array<i32>} : memref<200x128xf32, #tpu.memory_space<vmem>>, vector<1x16xf32>,
      %swap3A_474 = vector.shape_cast %swap3A_473 : vector<1x16xf32> to vector<16xf32>
      %swap3A_475 = vector.shape_cast %add3A_471 : vector<16xf32> to vector<1x16xf32>
      tpu.vector_store %arg8[%swap3A, %swap3A_472], %swap3A_475 {strides = array<i32>} : memref<200x128xf32, #tpu.memory_space<vmem>>, vector<1x16xf32>,
      %get3A_476 = arith.index_cast %scan3A_460 : i32 to index
      %get3A_477 = arith.constant 16 : index
      %get3A_478 = tpu.vector_load %arg8[%get3A_476, %get3A_477] {strides = array<i32>} : memref<200x128xf32, #tpu.memory_space<vmem>>, vector<1x16xf32>,
      %get3A_479 = vector.shape_cast %get3A_478 : vector<1x16xf32> to vector<16xf32>
      %mul3A_480 = arith.constant 11.3137083 : f32
      %mul3A_481 = vector.broadcast %mul3A_480 : f32 to vector<16xf32>
      %mul3A_482 = arith.mulf %get3A_479, %mul3A_481 : vector<16xf32>
      %get3A_483 = arith.index_cast %scan3A_460 : i32 to index
      %get3A_484 = arith.constant 16 : index
      %get3A_485 = tpu.vector_load %arg10[%get3A_483, %get3A_484] {strides = array<i32>} : memref<200x128xf32, #tpu.memory_space<vmem>>, vector<1x16xf32>,
      %get3A_486 = vector.shape_cast %get3A_485 : vector<1x16xf32> to vector<16xf32>
      %add3A_487 = arith.addf %mul3A_482, %get3A_486 : vector<16xf32>
      %swap3A_488 = arith.index_cast %scan3A_460 : i32 to index
      %swap3A_489 = arith.constant 16 : index
      %swap3A_490 = tpu.vector_load %arg8[%swap3A_488, %swap3A_489] {strides = array<i32>} : memref<200x128xf32, #tpu.memory_space<vmem>>, vector<1x16xf32>,
      %swap3A_491 = vector.shape_cast %swap3A_490 : vector<1x16xf32> to vector<16xf32>
      %swap3A_492 = vector.shape_cast %add3A_487 : vector<16xf32> to vector<1x16xf32>
      tpu.vector_store %arg8[%swap3A_488, %swap3A_489], %swap3A_492 {strides = array<i32>} : memref<200x128xf32, #tpu.memory_space<vmem>>, vector<1x16xf32>,
      %get3A_493 = arith.index_cast %scan3A_460 : i32 to index
      %get3A_494 = arith.constant 32 : index
      %get3A_495 = tpu.vector_load %arg8[%get3A_493, %get3A_494] {strides = array<i32>} : memref<200x128xf32, #tpu.memory_space<vmem>>, vector<1x16xf32>,
      %get3A_496 = vector.shape_cast %get3A_495 : vector<1x16xf32> to vector<16xf32>
      %mul3A_497 = arith.constant 11.3137083 : f32
      %mul3A_498 = vector.broadcast %mul3A_497 : f32 to vector<16xf32>
      %mul3A_499 = arith.mulf %get3A_496, %mul3A_498 : vector<16xf32>
      %get3A_500 = arith.index_cast %scan3A_460 : i32 to index
      %get3A_501 = arith.constant 32 : index
      %get3A_502 = tpu.vector_load %arg10[%get3A_500, %get3A_501] {strides = array<i32>} : memref<200x128xf32, #tpu.memory_space<vmem>>, vector<1x16xf32>,
      %get3A_503 = vector.shape_cast %get3A_502 : vector<1x16xf32> to vector<16xf32>
      %add3A_504 = arith.addf %mul3A_499, %get3A_503 : vector<16xf32>
      %swap3A_505 = arith.index_cast %scan3A_460 : i32 to index
      %swap3A_506 = arith.constant 32 : index
      %swap3A_507 = tpu.vector_load %arg8[%swap3A_505, %swap3A_506] {strides = array<i32>} : memref<200x128xf32, #tpu.memory_space<vmem>>, vector<1x16xf32>,
      %swap3A_508 = vector.shape_cast %swap3A_507 : vector<1x16xf32> to vector<16xf32>
      %swap3A_509 = vector.shape_cast %add3A_504 : vector<16xf32> to vector<1x16xf32>
      tpu.vector_store %arg8[%swap3A_505, %swap3A_506], %swap3A_509 {strides = array<i32>} : memref<200x128xf32, #tpu.memory_space<vmem>>, vector<1x16xf32>,
      %get3A_510 = arith.index_cast %scan3A_460 : i32 to index
      %get3A_511 = arith.constant 48 : index
      %get3A_512 = tpu.vector_load %arg8[%get3A_510, %get3A_511] {strides = array<i32>} : memref<200x128xf32, #tpu.memory_space<vmem>>, vector<1x16xf32>,
      %get3A_513 = vector.shape_cast %get3A_512 : vector<1x16xf32> to vector<16xf32>
      %mul3A_514 = arith.constant 11.3137083 : f32
      %mul3A_515 = vector.broadcast %mul3A_514 : f32 to vector<16xf32>
      %mul3A_516 = arith.mulf %get3A_513, %mul3A_515 : vector<16xf32>
      %get3A_517 = arith.index_cast %scan3A_460 : i32 to index
      %get3A_518 = arith.constant 48 : index
      %get3A_519 = tpu.vector_load %arg10[%get3A_517, %get3A_518] {strides = array<i32>} : memref<200x128xf32, #tpu.memory_space<vmem>>, vector<1x16xf32>,
      %get3A_520 = vector.shape_cast %get3A_519 : vector<1x16xf32> to vector<16xf32>
      %add3A_521 = arith.addf %mul3A_516, %get3A_520 : vector<16xf32>
      %swap3A_522 = arith.index_cast %scan3A_460 : i32 to index
      %swap3A_523 = arith.constant 48 : index
      %swap3A_524 = tpu.vector_load %arg8[%swap3A_522, %swap3A_523] {strides = array<i32>} : memref<200x128xf32, #tpu.memory_space<vmem>>, vector<1x16xf32>,
      %swap3A_525 = vector.shape_cast %swap3A_524 : vector<1x16xf32> to vector<16xf32>
      %swap3A_526 = vector.shape_cast %add3A_521 : vector<16xf32> to vector<1x16xf32>
      tpu.vector_store %arg8[%swap3A_522, %swap3A_523], %swap3A_526 {strides = array<i32>} : memref<200x128xf32, #tpu.memory_space<vmem>>, vector<1x16xf32>,
      %get3A_527 = arith.index_cast %scan3A_460 : i32 to index
      %get3A_528 = arith.constant 64 : index
      %get3A_529 = tpu.vector_load %arg8[%get3A_527, %get3A_528] {strides = array<i32>} : memref<200x128xf32, #tpu.memory_space<vmem>>, vector<1x16xf32>,
      %get3A_530 = vector.shape_cast %get3A_529 : vector<1x16xf32> to vector<16xf32>
      %mul3A_531 = arith.constant 11.3137083 : f32
      %mul3A_532 = vector.broadcast %mul3A_531 : f32 to vector<16xf32>
      %mul3A_533 = arith.mulf %get3A_530, %mul3A_532 : vector<16xf32>
      %get3A_534 = arith.index_cast %scan3A_460 : i32 to index
      %get3A_535 = arith.constant 64 : index
      %get3A_536 = tpu.vector_load %arg10[%get3A_534, %get3A_535] {strides = array<i32>} : memref<200x128xf32, #tpu.memory_space<vmem>>, vector<1x16xf32>,
      %get3A_537 = vector.shape_cast %get3A_536 : vector<1x16xf32> to vector<16xf32>
      %add3A_538 = arith.addf %mul3A_533, %get3A_537 : vector<16xf32>
      %swap3A_539 = arith.index_cast %scan3A_460 : i32 to index
      %swap3A_540 = arith.constant 64 : index
      %swap3A_541 = tpu.vector_load %arg8[%swap3A_539, %swap3A_540] {strides = array<i32>} : memref<200x128xf32, #tpu.memory_space<vmem>>, vector<1x16xf32>,
      %swap3A_542 = vector.shape_cast %swap3A_541 : vector<1x16xf32> to vector<16xf32>
      %swap3A_543 = vector.shape_cast %add3A_538 : vector<16xf32> to vector<1x16xf32>
      tpu.vector_store %arg8[%swap3A_539, %swap3A_540], %swap3A_543 {strides = array<i32>} : memref<200x128xf32, #tpu.memory_space<vmem>>, vector<1x16xf32>,
      %get3A_544 = arith.index_cast %scan3A_460 : i32 to index
      %get3A_545 = arith.constant 80 : index
      %get3A_546 = tpu.vector_load %arg8[%get3A_544, %get3A_545] {strides = array<i32>} : memref<200x128xf32, #tpu.memory_space<vmem>>, vector<1x16xf32>,
      %get3A_547 = vector.shape_cast %get3A_546 : vector<1x16xf32> to vector<16xf32>
      %mul3A_548 = arith.constant 11.3137083 : f32
      %mul3A_549 = vector.broadcast %mul3A_548 : f32 to vector<16xf32>
      %mul3A_550 = arith.mulf %get3A_547, %mul3A_549 : vector<16xf32>
      %get3A_551 = arith.index_cast %scan3A_460 : i32 to index
      %get3A_552 = arith.constant 80 : index
      %get3A_553 = tpu.vector_load %arg10[%get3A_551, %get3A_552] {strides = array<i32>} : memref<200x128xf32, #tpu.memory_space<vmem>>, vector<1x16xf32>,
      %get3A_554 = vector.shape_cast %get3A_553 : vector<1x16xf32> to vector<16xf32>
      %add3A_555 = arith.addf %mul3A_550, %get3A_554 : vector<16xf32>
      %swap3A_556 = arith.index_cast %scan3A_460 : i32 to index
      %swap3A_557 = arith.constant 80 : index
      %swap3A_558 = tpu.vector_load %arg8[%swap3A_556, %swap3A_557] {strides = array<i32>} : memref<200x128xf32, #tpu.memory_space<vmem>>, vector<1x16xf32>,
      %swap3A_559 = vector.shape_cast %swap3A_558 : vector<1x16xf32> to vector<16xf32>
      %swap3A_560 = vector.shape_cast %add3A_555 : vector<16xf32> to vector<1x16xf32>
      tpu.vector_store %arg8[%swap3A_556, %swap3A_557], %swap3A_560 {strides = array<i32>} : memref<200x128xf32, #tpu.memory_space<vmem>>, vector<1x16xf32>,
      %get3A_561 = arith.index_cast %scan3A_460 : i32 to index
      %get3A_562 = arith.constant 96 : index
      %get3A_563 = tpu.vector_load %arg8[%get3A_561, %get3A_562] {strides = array<i32>} : memref<200x128xf32, #tpu.memory_space<vmem>>, vector<1x16xf32>,
      %get3A_564 = vector.shape_cast %get3A_563 : vector<1x16xf32> to vector<16xf32>
      %mul3A_565 = arith.constant 11.3137083 : f32
      %mul3A_566 = vector.broadcast %mul3A_565 : f32 to vector<16xf32>
      %mul3A_567 = arith.mulf %get3A_564, %mul3A_566 : vector<16xf32>
      %get3A_568 = arith.index_cast %scan3A_460 : i32 to index
      %get3A_569 = arith.constant 96 : index
      %get3A_570 = tpu.vector_load %arg10[%get3A_568, %get3A_569] {strides = array<i32>} : memref<200x128xf32, #tpu.memory_space<vmem>>, vector<1x16xf32>,
      %get3A_571 = vector.shape_cast %get3A_570 : vector<1x16xf32> to vector<16xf32>
      %add3A_572 = arith.addf %mul3A_567, %get3A_571 : vector<16xf32>
      %swap3A_573 = arith.index_cast %scan3A_460 : i32 to index
      %swap3A_574 = arith.constant 96 : index
      %swap3A_575 = tpu.vector_load %arg8[%swap3A_573, %swap3A_574] {strides = array<i32>} : memref<200x128xf32, #tpu.memory_space<vmem>>, vector<1x16xf32>,
      %swap3A_576 = vector.shape_cast %swap3A_575 : vector<1x16xf32> to vector<16xf32>
      %swap3A_577 = vector.shape_cast %add3A_572 : vector<16xf32> to vector<1x16xf32>
      tpu.vector_store %arg8[%swap3A_573, %swap3A_574], %swap3A_577 {strides = array<i32>} : memref<200x128xf32, #tpu.memory_space<vmem>>, vector<1x16xf32>,
      %get3A_578 = arith.index_cast %scan3A_460 : i32 to index
      %get3A_579 = arith.constant 112 : index
      %get3A_580 = tpu.vector_load %arg8[%get3A_578, %get3A_579] {strides = array<i32>} : memref<200x128xf32, #tpu.memory_space<vmem>>, vector<1x16xf32>,
      %get3A_581 = vector.shape_cast %get3A_580 : vector<1x16xf32> to vector<16xf32>
      %mul3A_582 = arith.constant 11.3137083 : f32
      %mul3A_583 = vector.broadcast %mul3A_582 : f32 to vector<16xf32>
      %mul3A_584 = arith.mulf %get3A_581, %mul3A_583 : vector<16xf32>
      %get3A_585 = arith.index_cast %scan3A_460 : i32 to index
      %get3A_586 = arith.constant 112 : index
      %get3A_587 = tpu.vector_load %arg10[%get3A_585, %get3A_586] {strides = array<i32>} : memref<200x128xf32, #tpu.memory_space<vmem>>, vector<1x16xf32>,
      %get3A_588 = vector.shape_cast %get3A_587 : vector<1x16xf32> to vector<16xf32>
      %add3A_589 = arith.addf %mul3A_584, %get3A_588 : vector<16xf32>
      %swap3A_590 = arith.index_cast %scan3A_460 : i32 to index
      %swap3A_591 = arith.constant 112 : index
      %swap3A_592 = tpu.vector_load %arg8[%swap3A_590, %swap3A_591] {strides = array<i32>} : memref<200x128xf32, #tpu.memory_space<vmem>>, vector<1x16xf32>,
      %swap3A_593 = vector.shape_cast %swap3A_592 : vector<1x16xf32> to vector<16xf32>
      %swap3A_594 = vector.shape_cast %add3A_589 : vector<16xf32> to vector<1x16xf32>
      tpu.vector_store %arg8[%swap3A_590, %swap3A_591], %swap3A_594 {strides = array<i32>} : memref<200x128xf32, #tpu.memory_space<vmem>>, vector<1x16xf32>,
    }
    %scan3A_151 = arith.constant 96 : i32
    %add3A_152 = arith.constant 1 : i32
    %add3A_153 = arith.addi %mul3A_2, %add3A_152 : i32
    %mul3A_154 = arith.constant 200 : i32
    %mul3A_155 = arith.muli %add3A_153, %mul3A_154 : i32
    %dma_start3A_156 = arith.constant 0 : i32
    %dma_start3A_157 = arith.constant 0 : i32
    %dma_start3A_158 = tpu.memref_slice %arg8[%dma_start3A_156, %dma_start3A_157] : memref<200x128xf32, #tpu.memory_space<vmem>> -> memref<96x128xf32, #tpu.memory_space<vmem>>
    %dma_start3A_159 = arith.constant 0 : i32
    %dma_start3A_160 = tpu.memref_slice %arg5[%mul3A_155, %dma_start3A_159] : memref<204800x128xf32, #tpu.memory_space<hbm>> -> memref<96x128xf32, #tpu.memory_space<hbm>>
    %dma_start3A_161 = arith.constant 0 : i32
    %dma_start3A_162 = tpu.memref_slice %arg5[%mul3A_155, %dma_start3A_161] : memref<204800x128xf32, #tpu.memory_space<hbm>> -> memref<96x128xf32, #tpu.memory_space<hbm>>
    %dma_start3A_163 = arith.constant 0 : i32
    %dma_start3A_164 = arith.constant 0 : i32
    %dma_start3A_165 = tpu.memref_slice %arg8[%dma_start3A_163, %dma_start3A_164] : memref<200x128xf32, #tpu.memory_space<vmem>> -> memref<96x128xf32, #tpu.memory_space<vmem>>
    tpu.enqueue_dma source(%dma_start3A_165 : memref<96x128xf32, #tpu.memory_space<vmem>>) target(%dma_start3A_162 : memref<96x128xf32, #tpu.memory_space<hbm>>) target_semaphore(%arg18 : memref<!tpu.dma_semaphore, #tpu.memory_space<semaphore_mem>>)
    %dma_wait3A_166 = arith.constant 0 : i32
    %dma_wait3A_167 = arith.constant 0 : i32
    %dma_wait3A_168 = tpu.memref_slice %arg5[%dma_wait3A_166, %dma_wait3A_167] : memref<204800x128xf32, #tpu.memory_space<hbm>> -> memref<200x128xf32, #tpu.memory_space<hbm>>
    %dma_wait3A_169 = arith.constant 0 : i32
    %dma_wait3A_170 = arith.constant 0 : i32
    %dma_wait3A_171 = tpu.memref_slice %arg5[%dma_wait3A_169, %dma_wait3A_170] : memref<204800x128xf32, #tpu.memory_space<hbm>> -> memref<200x128xf32, #tpu.memory_space<hbm>>
    tpu.wait_dma2 semaphore(%arg17 : memref<!tpu.dma_semaphore, #tpu.memory_space<semaphore_mem>>) src(%arg7 : memref<200x128xf32, #tpu.memory_space<vmem>>) dst(%dma_wait3A_171 : memref<200x128xf32, #tpu.memory_space<hbm>>)
    %dma_start3A_172 = arith.constant 6 : i32
    %dma_start3A_173 = arith.constant 0 : i32
    %dma_start3A_174 = arith.constant 0 : i32
    %dma_start3A_175 = tpu.memref_slice %arg7[%dma_start3A_173, %dma_start3A_174] : memref<200x128xf32, #tpu.memory_space<vmem>> -> memref<100x128xf32, #tpu.memory_space<vmem>>
    %dma_start3A_176 = arith.constant 0 : i32
    %dma_start3A_177 = tpu.memref_slice %arg6[%dma_start3A_172, %dma_start3A_176] : memref<64x100xi32, #tpu.memory_space<vmem>> -> memref<1x100xi32, #tpu.memory_space<vmem>>
    %dma_start3A_178 = tpu.memref_squeeze %dma_start3A_177 : memref<1x100xi32, #tpu.memory_space<vmem>> -> memref<100xi32, #tpu.memory_space<vmem>>
    %dma_start3A_179 = arith.constant 0 : i32
    %dma_start3A_180 = arith.constant 0 : i32
    %dma_start3A_181 = tpu.memref_slice %arg3[%dma_start3A_179, %dma_start3A_180] : memref<100000x128xf32, #tpu.memory_space<hbm>> -> memref<100000x128xf32, #tpu.memory_space<hbm>>
    tpu.enqueue_indirect_dma source(%dma_start3A_181 : memref<100000x128xf32, #tpu.memory_space<hbm>>) target(%dma_start3A_175 : memref<100x128xf32, #tpu.memory_space<vmem>>) offsets(%dma_start3A_178 : memref<100xi32, #tpu.memory_space<vmem>>) semaphore(%arg11 : memref<!tpu.dma_semaphore, #tpu.memory_space<semaphore_mem>>)
    %dma_start3A_182 = arith.constant 7 : i32
    %dma_start3A_183 = arith.constant 100 : i32
    %dma_start3A_184 = arith.constant 0 : i32
    %dma_start3A_185 = tpu.memref_slice %arg7[%dma_start3A_183, %dma_start3A_184] : memref<200x128xf32, #tpu.memory_space<vmem>> -> memref<100x128xf32, #tpu.memory_space<vmem>>
    %dma_start3A_186 = arith.constant 0 : i32
    %dma_start3A_187 = tpu.memref_slice %arg6[%dma_start3A_182, %dma_start3A_186] : memref<64x100xi32, #tpu.memory_space<vmem>> -> memref<1x100xi32, #tpu.memory_space<vmem>>
    %dma_start3A_188 = tpu.memref_squeeze %dma_start3A_187 : memref<1x100xi32, #tpu.memory_space<vmem>> -> memref<100xi32, #tpu.memory_space<vmem>>
    %dma_start3A_189 = arith.constant 0 : i32
    %dma_start3A_190 = arith.constant 0 : i32
    %dma_start3A_191 = tpu.memref_slice %arg3[%dma_start3A_189, %dma_start3A_190] : memref<100000x128xf32, #tpu.memory_space<hbm>> -> memref<100000x128xf32, #tpu.memory_space<hbm>>
    tpu.enqueue_indirect_dma source(%dma_start3A_191 : memref<100000x128xf32, #tpu.memory_space<hbm>>) target(%dma_start3A_185 : memref<100x128xf32, #tpu.memory_space<vmem>>) offsets(%dma_start3A_188 : memref<100xi32, #tpu.memory_space<vmem>>) semaphore(%arg12 : memref<!tpu.dma_semaphore, #tpu.memory_space<semaphore_mem>>)
    %dma_wait3A_192 = arith.constant 0 : i32
    %dma_wait3A_193 = arith.constant 100 : i32
    %dma_wait3A_194 = arith.constant 0 : i32
    %dma_wait3A_195 = tpu.memref_slice %arg8[%dma_wait3A_193, %dma_wait3A_194] : memref<200x128xf32, #tpu.memory_space<vmem>> -> memref<100x128xf32, #tpu.memory_space<vmem>>
    %dma_wait3A_196 = arith.constant 0 : i32
    %dma_wait3A_197 = tpu.memref_slice %arg6[%dma_wait3A_192, %dma_wait3A_196] : memref<64x100xi32, #tpu.memory_space<vmem>> -> memref<1x100xi32, #tpu.memory_space<vmem>>
    %dma_wait3A_198 = tpu.memref_squeeze %dma_wait3A_197 : memref<1x100xi32, #tpu.memory_space<vmem>> -> memref<100xi32, #tpu.memory_space<vmem>>
    %dma_wait3A_199 = arith.constant 0 : i32
    %dma_wait3A_200 = arith.constant 0 : i32
    %dma_wait3A_201 = tpu.memref_slice %arg3[%dma_wait3A_199, %dma_wait3A_200] : memref<100000x128xf32, #tpu.memory_space<hbm>> -> memref<100000x128xf32, #tpu.memory_space<hbm>>
    tpu.wait_indirect_dma semaphore(%arg14 : memref<!tpu.dma_semaphore, #tpu.memory_space<semaphore_mem>>) src(%dma_wait3A_201 : memref<100000x128xf32, #tpu.memory_space<hbm>>) dst(%dma_wait3A_195 : memref<100x128xf32, #tpu.memory_space<vmem>>)
    %scan3A_202 = arith.constant 0 : i32
    %scan3A_203 = arith.constant 96 : i32
    %scan3A_204 = arith.constant 104 : i32
    %scan3A_205 = arith.addi %scan3A_203, %scan3A_204 : i32
    %scan3A_206 = arith.constant 1 : i32
    scf.for %scan3A_460 = %scan3A_203 to %scan3A_205 step %scan3A_206  : i32 {
      %get3A = arith.index_cast %scan3A_460 : i32 to index
      %get3A_461 = arith.constant 0 : index
      %get3A_462 = tpu.vector_load %arg8[%get3A, %get3A_461] {strides = array<i32>} : memref<200x128xf32, #tpu.memory_space<vmem>>, vector<1x16xf32>,
      %get3A_463 = vector.shape_cast %get3A_462 : vector<1x16xf32> to vector<16xf32>
      %mul3A_464 = arith.constant 11.3137083 : f32
      %mul3A_465 = vector.broadcast %mul3A_464 : f32 to vector<16xf32>
      %mul3A_466 = arith.mulf %get3A_463, %mul3A_465 : vector<16xf32>
      %get3A_467 = arith.index_cast %scan3A_460 : i32 to index
      %get3A_468 = arith.constant 0 : index
      %get3A_469 = tpu.vector_load %arg10[%get3A_467, %get3A_468] {strides = array<i32>} : memref<200x128xf32, #tpu.memory_space<vmem>>, vector<1x16xf32>,
      %get3A_470 = vector.shape_cast %get3A_469 : vector<1x16xf32> to vector<16xf32>
      %add3A_471 = arith.addf %mul3A_466, %get3A_470 : vector<16xf32>
      %swap3A = arith.index_cast %scan3A_460 : i32 to index
      %swap3A_472 = arith.constant 0 : index
      %swap3A_473 = tpu.vector_load %arg8[%swap3A, %swap3A_472] {strides = array<i32>} : memref<200x128xf32, #tpu.memory_space<vmem>>, vector<1x16xf32>,
      %swap3A_474 = vector.shape_cast %swap3A_473 : vector<1x16xf32> to vector<16xf32>
      %swap3A_475 = vector.shape_cast %add3A_471 : vector<16xf32> to vector<1x16xf32>
      tpu.vector_store %arg8[%swap3A, %swap3A_472], %swap3A_475 {strides = array<i32>} : memref<200x128xf32, #tpu.memory_space<vmem>>, vector<1x16xf32>,
      %get3A_476 = arith.index_cast %scan3A_460 : i32 to index
      %get3A_477 = arith.constant 16 : index
      %get3A_478 = tpu.vector_load %arg8[%get3A_476, %get3A_477] {strides = array<i32>} : memref<200x128xf32, #tpu.memory_space<vmem>>, vector<1x16xf32>,
      %get3A_479 = vector.shape_cast %get3A_478 : vector<1x16xf32> to vector<16xf32>
      %mul3A_480 = arith.constant 11.3137083 : f32
      %mul3A_481 = vector.broadcast %mul3A_480 : f32 to vector<16xf32>
      %mul3A_482 = arith.mulf %get3A_479, %mul3A_481 : vector<16xf32>
      %get3A_483 = arith.index_cast %scan3A_460 : i32 to index
      %get3A_484 = arith.constant 16 : index
      %get3A_485 = tpu.vector_load %arg10[%get3A_483, %get3A_484] {strides = array<i32>} : memref<200x128xf32, #tpu.memory_space<vmem>>, vector<1x16xf32>,
      %get3A_486 = vector.shape_cast %get3A_485 : vector<1x16xf32> to vector<16xf32>
      %add3A_487 = arith.addf %mul3A_482, %get3A_486 : vector<16xf32>
      %swap3A_488 = arith.index_cast %scan3A_460 : i32 to index
      %swap3A_489 = arith.constant 16 : index
      %swap3A_490 = tpu.vector_load %arg8[%swap3A_488, %swap3A_489] {strides = array<i32>} : memref<200x128xf32, #tpu.memory_space<vmem>>, vector<1x16xf32>,
      %swap3A_491 = vector.shape_cast %swap3A_490 : vector<1x16xf32> to vector<16xf32>
      %swap3A_492 = vector.shape_cast %add3A_487 : vector<16xf32> to vector<1x16xf32>
      tpu.vector_store %arg8[%swap3A_488, %swap3A_489], %swap3A_492 {strides = array<i32>} : memref<200x128xf32, #tpu.memory_space<vmem>>, vector<1x16xf32>,
      %get3A_493 = arith.index_cast %scan3A_460 : i32 to index
      %get3A_494 = arith.constant 32 : index
      %get3A_495 = tpu.vector_load %arg8[%get3A_493, %get3A_494] {strides = array<i32>} : memref<200x128xf32, #tpu.memory_space<vmem>>, vector<1x16xf32>,
      %get3A_496 = vector.shape_cast %get3A_495 : vector<1x16xf32> to vector<16xf32>
      %mul3A_497 = arith.constant 11.3137083 : f32
      %mul3A_498 = vector.broadcast %mul3A_497 : f32 to vector<16xf32>
      %mul3A_499 = arith.mulf %get3A_496, %mul3A_498 : vector<16xf32>
      %get3A_500 = arith.index_cast %scan3A_460 : i32 to index
      %get3A_501 = arith.constant 32 : index
      %get3A_502 = tpu.vector_load %arg10[%get3A_500, %get3A_501] {strides = array<i32>} : memref<200x128xf32, #tpu.memory_space<vmem>>, vector<1x16xf32>,
      %get3A_503 = vector.shape_cast %get3A_502 : vector<1x16xf32> to vector<16xf32>
      %add3A_504 = arith.addf %mul3A_499, %get3A_503 : vector<16xf32>
      %swap3A_505 = arith.index_cast %scan3A_460 : i32 to index
      %swap3A_506 = arith.constant 32 : index
      %swap3A_507 = tpu.vector_load %arg8[%swap3A_505, %swap3A_506] {strides = array<i32>} : memref<200x128xf32, #tpu.memory_space<vmem>>, vector<1x16xf32>,
      %swap3A_508 = vector.shape_cast %swap3A_507 : vector<1x16xf32> to vector<16xf32>
      %swap3A_509 = vector.shape_cast %add3A_504 : vector<16xf32> to vector<1x16xf32>
      tpu.vector_store %arg8[%swap3A_505, %swap3A_506], %swap3A_509 {strides = array<i32>} : memref<200x128xf32, #tpu.memory_space<vmem>>, vector<1x16xf32>,
      %get3A_510 = arith.index_cast %scan3A_460 : i32 to index
      %get3A_511 = arith.constant 48 : index
      %get3A_512 = tpu.vector_load %arg8[%get3A_510, %get3A_511] {strides = array<i32>} : memref<200x128xf32, #tpu.memory_space<vmem>>, vector<1x16xf32>,
      %get3A_513 = vector.shape_cast %get3A_512 : vector<1x16xf32> to vector<16xf32>
      %mul3A_514 = arith.constant 11.3137083 : f32
      %mul3A_515 = vector.broadcast %mul3A_514 : f32 to vector<16xf32>
      %mul3A_516 = arith.mulf %get3A_513, %mul3A_515 : vector<16xf32>
      %get3A_517 = arith.index_cast %scan3A_460 : i32 to index
      %get3A_518 = arith.constant 48 : index
      %get3A_519 = tpu.vector_load %arg10[%get3A_517, %get3A_518] {strides = array<i32>} : memref<200x128xf32, #tpu.memory_space<vmem>>, vector<1x16xf32>,
      %get3A_520 = vector.shape_cast %get3A_519 : vector<1x16xf32> to vector<16xf32>
      %add3A_521 = arith.addf %mul3A_516, %get3A_520 : vector<16xf32>
      %swap3A_522 = arith.index_cast %scan3A_460 : i32 to index
      %swap3A_523 = arith.constant 48 : index
      %swap3A_524 = tpu.vector_load %arg8[%swap3A_522, %swap3A_523] {strides = array<i32>} : memref<200x128xf32, #tpu.memory_space<vmem>>, vector<1x16xf32>,
      %swap3A_525 = vector.shape_cast %swap3A_524 : vector<1x16xf32> to vector<16xf32>
      %swap3A_526 = vector.shape_cast %add3A_521 : vector<16xf32> to vector<1x16xf32>
      tpu.vector_store %arg8[%swap3A_522, %swap3A_523], %swap3A_526 {strides = array<i32>} : memref<200x128xf32, #tpu.memory_space<vmem>>, vector<1x16xf32>,
      %get3A_527 = arith.index_cast %scan3A_460 : i32 to index
      %get3A_528 = arith.constant 64 : index
      %get3A_529 = tpu.vector_load %arg8[%get3A_527, %get3A_528] {strides = array<i32>} : memref<200x128xf32, #tpu.memory_space<vmem>>, vector<1x16xf32>,
      %get3A_530 = vector.shape_cast %get3A_529 : vector<1x16xf32> to vector<16xf32>
      %mul3A_531 = arith.constant 11.3137083 : f32
      %mul3A_532 = vector.broadcast %mul3A_531 : f32 to vector<16xf32>
      %mul3A_533 = arith.mulf %get3A_530, %mul3A_532 : vector<16xf32>
      %get3A_534 = arith.index_cast %scan3A_460 : i32 to index
      %get3A_535 = arith.constant 64 : index
      %get3A_536 = tpu.vector_load %arg10[%get3A_534, %get3A_535] {strides = array<i32>} : memref<200x128xf32, #tpu.memory_space<vmem>>, vector<1x16xf32>,
      %get3A_537 = vector.shape_cast %get3A_536 : vector<1x16xf32> to vector<16xf32>
      %add3A_538 = arith.addf %mul3A_533, %get3A_537 : vector<16xf32>
      %swap3A_539 = arith.index_cast %scan3A_460 : i32 to index
      %swap3A_540 = arith.constant 64 : index
      %swap3A_541 = tpu.vector_load %arg8[%swap3A_539, %swap3A_540] {strides = array<i32>} : memref<200x128xf32, #tpu.memory_space<vmem>>, vector<1x16xf32>,
      %swap3A_542 = vector.shape_cast %swap3A_541 : vector<1x16xf32> to vector<16xf32>
      %swap3A_543 = vector.shape_cast %add3A_538 : vector<16xf32> to vector<1x16xf32>
      tpu.vector_store %arg8[%swap3A_539, %swap3A_540], %swap3A_543 {strides = array<i32>} : memref<200x128xf32, #tpu.memory_space<vmem>>, vector<1x16xf32>,
      %get3A_544 = arith.index_cast %scan3A_460 : i32 to index
      %get3A_545 = arith.constant 80 : index
      %get3A_546 = tpu.vector_load %arg8[%get3A_544, %get3A_545] {strides = array<i32>} : memref<200x128xf32, #tpu.memory_space<vmem>>, vector<1x16xf32>,
      %get3A_547 = vector.shape_cast %get3A_546 : vector<1x16xf32> to vector<16xf32>
      %mul3A_548 = arith.constant 11.3137083 : f32
      %mul3A_549 = vector.broadcast %mul3A_548 : f32 to vector<16xf32>
      %mul3A_550 = arith.mulf %get3A_547, %mul3A_549 : vector<16xf32>
      %get3A_551 = arith.index_cast %scan3A_460 : i32 to index
      %get3A_552 = arith.constant 80 : index
      %get3A_553 = tpu.vector_load %arg10[%get3A_551, %get3A_552] {strides = array<i32>} : memref<200x128xf32, #tpu.memory_space<vmem>>, vector<1x16xf32>,
      %get3A_554 = vector.shape_cast %get3A_553 : vector<1x16xf32> to vector<16xf32>
      %add3A_555 = arith.addf %mul3A_550, %get3A_554 : vector<16xf32>
      %swap3A_556 = arith.index_cast %scan3A_460 : i32 to index
      %swap3A_557 = arith.constant 80 : index
      %swap3A_558 = tpu.vector_load %arg8[%swap3A_556, %swap3A_557] {strides = array<i32>} : memref<200x128xf32, #tpu.memory_space<vmem>>, vector<1x16xf32>,
      %swap3A_559 = vector.shape_cast %swap3A_558 : vector<1x16xf32> to vector<16xf32>
      %swap3A_560 = vector.shape_cast %add3A_555 : vector<16xf32> to vector<1x16xf32>
      tpu.vector_store %arg8[%swap3A_556, %swap3A_557], %swap3A_560 {strides = array<i32>} : memref<200x128xf32, #tpu.memory_space<vmem>>, vector<1x16xf32>,
      %get3A_561 = arith.index_cast %scan3A_460 : i32 to index
      %get3A_562 = arith.constant 96 : index
      %get3A_563 = tpu.vector_load %arg8[%get3A_561, %get3A_562] {strides = array<i32>} : memref<200x128xf32, #tpu.memory_space<vmem>>, vector<1x16xf32>,
      %get3A_564 = vector.shape_cast %get3A_563 : vector<1x16xf32> to vector<16xf32>
      %mul3A_565 = arith.constant 11.3137083 : f32
      %mul3A_566 = vector.broadcast %mul3A_565 : f32 to vector<16xf32>
      %mul3A_567 = arith.mulf %get3A_564, %mul3A_566 : vector<16xf32>
      %get3A_568 = arith.index_cast %scan3A_460 : i32 to index
      %get3A_569 = arith.constant 96 : index
      %get3A_570 = tpu.vector_load %arg10[%get3A_568, %get3A_569] {strides = array<i32>} : memref<200x128xf32, #tpu.memory_space<vmem>>, vector<1x16xf32>,
      %get3A_571 = vector.shape_cast %get3A_570 : vector<1x16xf32> to vector<16xf32>
      %add3A_572 = arith.addf %mul3A_567, %get3A_571 : vector<16xf32>
      %swap3A_573 = arith.index_cast %scan3A_460 : i32 to index
      %swap3A_574 = arith.constant 96 : index
      %swap3A_575 = tpu.vector_load %arg8[%swap3A_573, %swap3A_574] {strides = array<i32>} : memref<200x128xf32, #tpu.memory_space<vmem>>, vector<1x16xf32>,
      %swap3A_576 = vector.shape_cast %swap3A_575 : vector<1x16xf32> to vector<16xf32>
      %swap3A_577 = vector.shape_cast %add3A_572 : vector<16xf32> to vector<1x16xf32>
      tpu.vector_store %arg8[%swap3A_573, %swap3A_574], %swap3A_577 {strides = array<i32>} : memref<200x128xf32, #tpu.memory_space<vmem>>, vector<1x16xf32>,
      %get3A_578 = arith.index_cast %scan3A_460 : i32 to index
      %get3A_579 = arith.constant 112 : index
      %get3A_580 = tpu.vector_load %arg8[%get3A_578, %get3A_579] {strides = array<i32>} : memref<200x128xf32, #tpu.memory_space<vmem>>, vector<1x16xf32>,
      %get3A_581 = vector.shape_cast %get3A_580 : vector<1x16xf32> to vector<16xf32>
      %mul3A_582 = arith.constant 11.3137083 : f32
      %mul3A_583 = vector.broadcast %mul3A_582 : f32 to vector<16xf32>
      %mul3A_584 = arith.mulf %get3A_581, %mul3A_583 : vector<16xf32>
      %get3A_585 = arith.index_cast %scan3A_460 : i32 to index
      %get3A_586 = arith.constant 112 : index
      %get3A_587 = tpu.vector_load %arg10[%get3A_585, %get3A_586] {strides = array<i32>} : memref<200x128xf32, #tpu.memory_space<vmem>>, vector<1x16xf32>,
      %get3A_588 = vector.shape_cast %get3A_587 : vector<1x16xf32> to vector<16xf32>
      %add3A_589 = arith.addf %mul3A_584, %get3A_588 : vector<16xf32>
      %swap3A_590 = arith.index_cast %scan3A_460 : i32 to index
      %swap3A_591 = arith.constant 112 : index
      %swap3A_592 = tpu.vector_load %arg8[%swap3A_590, %swap3A_591] {strides = array<i32>} : memref<200x128xf32, #tpu.memory_space<vmem>>, vector<1x16xf32>,
      %swap3A_593 = vector.shape_cast %swap3A_592 : vector<1x16xf32> to vector<16xf32>
      %swap3A_594 = vector.shape_cast %add3A_589 : vector<16xf32> to vector<1x16xf32>
      tpu.vector_store %arg8[%swap3A_590, %swap3A_591], %swap3A_594 {strides = array<i32>} : memref<200x128xf32, #tpu.memory_space<vmem>>, vector<1x16xf32>,
    }
    %scan3A_207 = arith.constant 104 : i32
    %add3A_208 = arith.constant 1 : i32
    %add3A_209 = arith.addi %mul3A_2, %add3A_208 : i32
    %mul3A_210 = arith.constant 200 : i32
    %mul3A_211 = arith.muli %add3A_209, %mul3A_210 : i32
    %add3A_212 = arith.constant 96 : i32
    %add3A_213 = arith.addi %mul3A_211, %add3A_212 : i32
    %dma_start3A_214 = arith.constant 96 : i32
    %dma_start3A_215 = arith.constant 0 : i32
    %dma_start3A_216 = tpu.memref_slice %arg8[%dma_start3A_214, %dma_start3A_215] : memref<200x128xf32, #tpu.memory_space<vmem>> -> memref<104x128xf32, #tpu.memory_space<vmem>>
    %dma_start3A_217 = arith.constant 0 : i32
    %dma_start3A_218 = tpu.memref_slice %arg5[%add3A_213, %dma_start3A_217] : memref<204800x128xf32, #tpu.memory_space<hbm>> -> memref<104x128xf32, #tpu.memory_space<hbm>>
    %dma_start3A_219 = arith.constant 0 : i32
    %dma_start3A_220 = tpu.memref_slice %arg5[%add3A_213, %dma_start3A_219] : memref<204800x128xf32, #tpu.memory_space<hbm>> -> memref<104x128xf32, #tpu.memory_space<hbm>>
    %dma_start3A_221 = arith.constant 96 : i32
    %dma_start3A_222 = arith.constant 0 : i32
    %dma_start3A_223 = tpu.memref_slice %arg8[%dma_start3A_221, %dma_start3A_222] : memref<200x128xf32, #tpu.memory_space<vmem>> -> memref<104x128xf32, #tpu.memory_space<vmem>>
    tpu.enqueue_dma source(%dma_start3A_223 : memref<104x128xf32, #tpu.memory_space<vmem>>) target(%dma_start3A_220 : memref<104x128xf32, #tpu.memory_space<hbm>>) target_semaphore(%arg18 : memref<!tpu.dma_semaphore, #tpu.memory_space<semaphore_mem>>)
    %dma_wait3A_224 = arith.constant 0 : i32
    %dma_wait3A_225 = arith.constant 0 : i32
    %dma_wait3A_226 = arith.constant 0 : i32
    %dma_wait3A_227 = tpu.memref_slice %arg9[%dma_wait3A_225, %dma_wait3A_226] : memref<200x128xf32, #tpu.memory_space<vmem>> -> memref<100x128xf32, #tpu.memory_space<vmem>>
    %dma_wait3A_228 = arith.constant 0 : i32
    %dma_wait3A_229 = tpu.memref_slice %arg6[%dma_wait3A_224, %dma_wait3A_228] : memref<64x100xi32, #tpu.memory_space<vmem>> -> memref<1x100xi32, #tpu.memory_space<vmem>>
    %dma_wait3A_230 = tpu.memref_squeeze %dma_wait3A_229 : memref<1x100xi32, #tpu.memory_space<vmem>> -> memref<100xi32, #tpu.memory_space<vmem>>
    %dma_wait3A_231 = arith.constant 0 : i32
    %dma_wait3A_232 = arith.constant 0 : i32
    %dma_wait3A_233 = tpu.memref_slice %arg3[%dma_wait3A_231, %dma_wait3A_232] : memref<100000x128xf32, #tpu.memory_space<hbm>> -> memref<100000x128xf32, #tpu.memory_space<hbm>>
    tpu.wait_indirect_dma semaphore(%arg15 : memref<!tpu.dma_semaphore, #tpu.memory_space<semaphore_mem>>) src(%dma_wait3A_233 : memref<100000x128xf32, #tpu.memory_space<hbm>>) dst(%dma_wait3A_227 : memref<100x128xf32, #tpu.memory_space<vmem>>)
    %scan3A_234 = arith.constant 0 : i32
    %scan3A_235 = arith.constant 0 : i32
    %scan3A_236 = arith.constant 96 : i32
    %scan3A_237 = arith.addi %scan3A_235, %scan3A_236 : i32
    %scan3A_238 = arith.constant 1 : i32
    scf.for %scan3A_460 = %scan3A_235 to %scan3A_237 step %scan3A_238  : i32 {
      %get3A = arith.index_cast %scan3A_460 : i32 to index
      %get3A_461 = arith.constant 0 : index
      %get3A_462 = tpu.vector_load %arg9[%get3A, %get3A_461] {strides = array<i32>} : memref<200x128xf32, #tpu.memory_space<vmem>>, vector<1x16xf32>,
      %get3A_463 = vector.shape_cast %get3A_462 : vector<1x16xf32> to vector<16xf32>
      %mul3A_464 = arith.constant 11.3137083 : f32
      %mul3A_465 = vector.broadcast %mul3A_464 : f32 to vector<16xf32>
      %mul3A_466 = arith.mulf %get3A_463, %mul3A_465 : vector<16xf32>
      %get3A_467 = arith.index_cast %scan3A_460 : i32 to index
      %get3A_468 = arith.constant 0 : index
      %get3A_469 = tpu.vector_load %arg10[%get3A_467, %get3A_468] {strides = array<i32>} : memref<200x128xf32, #tpu.memory_space<vmem>>, vector<1x16xf32>,
      %get3A_470 = vector.shape_cast %get3A_469 : vector<1x16xf32> to vector<16xf32>
      %add3A_471 = arith.addf %mul3A_466, %get3A_470 : vector<16xf32>
      %swap3A = arith.index_cast %scan3A_460 : i32 to index
      %swap3A_472 = arith.constant 0 : index
      %swap3A_473 = tpu.vector_load %arg9[%swap3A, %swap3A_472] {strides = array<i32>} : memref<200x128xf32, #tpu.memory_space<vmem>>, vector<1x16xf32>,
      %swap3A_474 = vector.shape_cast %swap3A_473 : vector<1x16xf32> to vector<16xf32>
      %swap3A_475 = vector.shape_cast %add3A_471 : vector<16xf32> to vector<1x16xf32>
      tpu.vector_store %arg9[%swap3A, %swap3A_472], %swap3A_475 {strides = array<i32>} : memref<200x128xf32, #tpu.memory_space<vmem>>, vector<1x16xf32>,
      %get3A_476 = arith.index_cast %scan3A_460 : i32 to index
      %get3A_477 = arith.constant 16 : index
      %get3A_478 = tpu.vector_load %arg9[%get3A_476, %get3A_477] {strides = array<i32>} : memref<200x128xf32, #tpu.memory_space<vmem>>, vector<1x16xf32>,
      %get3A_479 = vector.shape_cast %get3A_478 : vector<1x16xf32> to vector<16xf32>
      %mul3A_480 = arith.constant 11.3137083 : f32
      %mul3A_481 = vector.broadcast %mul3A_480 : f32 to vector<16xf32>
      %mul3A_482 = arith.mulf %get3A_479, %mul3A_481 : vector<16xf32>
      %get3A_483 = arith.index_cast %scan3A_460 : i32 to index
      %get3A_484 = arith.constant 16 : index
      %get3A_485 = tpu.vector_load %arg10[%get3A_483, %get3A_484] {strides = array<i32>} : memref<200x128xf32, #tpu.memory_space<vmem>>, vector<1x16xf32>,
      %get3A_486 = vector.shape_cast %get3A_485 : vector<1x16xf32> to vector<16xf32>
      %add3A_487 = arith.addf %mul3A_482, %get3A_486 : vector<16xf32>
      %swap3A_488 = arith.index_cast %scan3A_460 : i32 to index
      %swap3A_489 = arith.constant 16 : index
      %swap3A_490 = tpu.vector_load %arg9[%swap3A_488, %swap3A_489] {strides = array<i32>} : memref<200x128xf32, #tpu.memory_space<vmem>>, vector<1x16xf32>,
      %swap3A_491 = vector.shape_cast %swap3A_490 : vector<1x16xf32> to vector<16xf32>
      %swap3A_492 = vector.shape_cast %add3A_487 : vector<16xf32> to vector<1x16xf32>
      tpu.vector_store %arg9[%swap3A_488, %swap3A_489], %swap3A_492 {strides = array<i32>} : memref<200x128xf32, #tpu.memory_space<vmem>>, vector<1x16xf32>,
      %get3A_493 = arith.index_cast %scan3A_460 : i32 to index
      %get3A_494 = arith.constant 32 : index
      %get3A_495 = tpu.vector_load %arg9[%get3A_493, %get3A_494] {strides = array<i32>} : memref<200x128xf32, #tpu.memory_space<vmem>>, vector<1x16xf32>,
      %get3A_496 = vector.shape_cast %get3A_495 : vector<1x16xf32> to vector<16xf32>
      %mul3A_497 = arith.constant 11.3137083 : f32
      %mul3A_498 = vector.broadcast %mul3A_497 : f32 to vector<16xf32>
      %mul3A_499 = arith.mulf %get3A_496, %mul3A_498 : vector<16xf32>
      %get3A_500 = arith.index_cast %scan3A_460 : i32 to index
      %get3A_501 = arith.constant 32 : index
      %get3A_502 = tpu.vector_load %arg10[%get3A_500, %get3A_501] {strides = array<i32>} : memref<200x128xf32, #tpu.memory_space<vmem>>, vector<1x16xf32>,
      %get3A_503 = vector.shape_cast %get3A_502 : vector<1x16xf32> to vector<16xf32>
      %add3A_504 = arith.addf %mul3A_499, %get3A_503 : vector<16xf32>
      %swap3A_505 = arith.index_cast %scan3A_460 : i32 to index
      %swap3A_506 = arith.constant 32 : index
      %swap3A_507 = tpu.vector_load %arg9[%swap3A_505, %swap3A_506] {strides = array<i32>} : memref<200x128xf32, #tpu.memory_space<vmem>>, vector<1x16xf32>,
      %swap3A_508 = vector.shape_cast %swap3A_507 : vector<1x16xf32> to vector<16xf32>
      %swap3A_509 = vector.shape_cast %add3A_504 : vector<16xf32> to vector<1x16xf32>
      tpu.vector_store %arg9[%swap3A_505, %swap3A_506], %swap3A_509 {strides = array<i32>} : memref<200x128xf32, #tpu.memory_space<vmem>>, vector<1x16xf32>,
      %get3A_510 = arith.index_cast %scan3A_460 : i32 to index
      %get3A_511 = arith.constant 48 : index
      %get3A_512 = tpu.vector_load %arg9[%get3A_510, %get3A_511] {strides = array<i32>} : memref<200x128xf32, #tpu.memory_space<vmem>>, vector<1x16xf32>,
      %get3A_513 = vector.shape_cast %get3A_512 : vector<1x16xf32> to vector<16xf32>
      %mul3A_514 = arith.constant 11.3137083 : f32
      %mul3A_515 = vector.broadcast %mul3A_514 : f32 to vector<16xf32>
      %mul3A_516 = arith.mulf %get3A_513, %mul3A_515 : vector<16xf32>
      %get3A_517 = arith.index_cast %scan3A_460 : i32 to index
      %get3A_518 = arith.constant 48 : index
      %get3A_519 = tpu.vector_load %arg10[%get3A_517, %get3A_518] {strides = array<i32>} : memref<200x128xf32, #tpu.memory_space<vmem>>, vector<1x16xf32>,
      %get3A_520 = vector.shape_cast %get3A_519 : vector<1x16xf32> to vector<16xf32>
      %add3A_521 = arith.addf %mul3A_516, %get3A_520 : vector<16xf32>
      %swap3A_522 = arith.index_cast %scan3A_460 : i32 to index
      %swap3A_523 = arith.constant 48 : index
      %swap3A_524 = tpu.vector_load %arg9[%swap3A_522, %swap3A_523] {strides = array<i32>} : memref<200x128xf32, #tpu.memory_space<vmem>>, vector<1x16xf32>,
      %swap3A_525 = vector.shape_cast %swap3A_524 : vector<1x16xf32> to vector<16xf32>
      %swap3A_526 = vector.shape_cast %add3A_521 : vector<16xf32> to vector<1x16xf32>
      tpu.vector_store %arg9[%swap3A_522, %swap3A_523], %swap3A_526 {strides = array<i32>} : memref<200x128xf32, #tpu.memory_space<vmem>>, vector<1x16xf32>,
      %get3A_527 = arith.index_cast %scan3A_460 : i32 to index
      %get3A_528 = arith.constant 64 : index
      %get3A_529 = tpu.vector_load %arg9[%get3A_527, %get3A_528] {strides = array<i32>} : memref<200x128xf32, #tpu.memory_space<vmem>>, vector<1x16xf32>,
      %get3A_530 = vector.shape_cast %get3A_529 : vector<1x16xf32> to vector<16xf32>
      %mul3A_531 = arith.constant 11.3137083 : f32
      %mul3A_532 = vector.broadcast %mul3A_531 : f32 to vector<16xf32>
      %mul3A_533 = arith.mulf %get3A_530, %mul3A_532 : vector<16xf32>
      %get3A_534 = arith.index_cast %scan3A_460 : i32 to index
      %get3A_535 = arith.constant 64 : index
      %get3A_536 = tpu.vector_load %arg10[%get3A_534, %get3A_535] {strides = array<i32>} : memref<200x128xf32, #tpu.memory_space<vmem>>, vector<1x16xf32>,
      %get3A_537 = vector.shape_cast %get3A_536 : vector<1x16xf32> to vector<16xf32>
      %add3A_538 = arith.addf %mul3A_533, %get3A_537 : vector<16xf32>
      %swap3A_539 = arith.index_cast %scan3A_460 : i32 to index
      %swap3A_540 = arith.constant 64 : index
      %swap3A_541 = tpu.vector_load %arg9[%swap3A_539, %swap3A_540] {strides = array<i32>} : memref<200x128xf32, #tpu.memory_space<vmem>>, vector<1x16xf32>,
      %swap3A_542 = vector.shape_cast %swap3A_541 : vector<1x16xf32> to vector<16xf32>
      %swap3A_543 = vector.shape_cast %add3A_538 : vector<16xf32> to vector<1x16xf32>
      tpu.vector_store %arg9[%swap3A_539, %swap3A_540], %swap3A_543 {strides = array<i32>} : memref<200x128xf32, #tpu.memory_space<vmem>>, vector<1x16xf32>,
      %get3A_544 = arith.index_cast %scan3A_460 : i32 to index
      %get3A_545 = arith.constant 80 : index
      %get3A_546 = tpu.vector_load %arg9[%get3A_544, %get3A_545] {strides = array<i32>} : memref<200x128xf32, #tpu.memory_space<vmem>>, vector<1x16xf32>,
      %get3A_547 = vector.shape_cast %get3A_546 : vector<1x16xf32> to vector<16xf32>
      %mul3A_548 = arith.constant 11.3137083 : f32
      %mul3A_549 = vector.broadcast %mul3A_548 : f32 to vector<16xf32>
      %mul3A_550 = arith.mulf %get3A_547, %mul3A_549 : vector<16xf32>
      %get3A_551 = arith.index_cast %scan3A_460 : i32 to index
      %get3A_552 = arith.constant 80 : index
      %get3A_553 = tpu.vector_load %arg10[%get3A_551, %get3A_552] {strides = array<i32>} : memref<200x128xf32, #tpu.memory_space<vmem>>, vector<1x16xf32>,
      %get3A_554 = vector.shape_cast %get3A_553 : vector<1x16xf32> to vector<16xf32>
      %add3A_555 = arith.addf %mul3A_550, %get3A_554 : vector<16xf32>
      %swap3A_556 = arith.index_cast %scan3A_460 : i32 to index
      %swap3A_557 = arith.constant 80 : index
      %swap3A_558 = tpu.vector_load %arg9[%swap3A_556, %swap3A_557] {strides = array<i32>} : memref<200x128xf32, #tpu.memory_space<vmem>>, vector<1x16xf32>,
      %swap3A_559 = vector.shape_cast %swap3A_558 : vector<1x16xf32> to vector<16xf32>
      %swap3A_560 = vector.shape_cast %add3A_555 : vector<16xf32> to vector<1x16xf32>
      tpu.vector_store %arg9[%swap3A_556, %swap3A_557], %swap3A_560 {strides = array<i32>} : memref<200x128xf32, #tpu.memory_space<vmem>>, vector<1x16xf32>,
      %get3A_561 = arith.index_cast %scan3A_460 : i32 to index
      %get3A_562 = arith.constant 96 : index
      %get3A_563 = tpu.vector_load %arg9[%get3A_561, %get3A_562] {strides = array<i32>} : memref<200x128xf32, #tpu.memory_space<vmem>>, vector<1x16xf32>,
      %get3A_564 = vector.shape_cast %get3A_563 : vector<1x16xf32> to vector<16xf32>
      %mul3A_565 = arith.constant 11.3137083 : f32
      %mul3A_566 = vector.broadcast %mul3A_565 : f32 to vector<16xf32>
      %mul3A_567 = arith.mulf %get3A_564, %mul3A_566 : vector<16xf32>
      %get3A_568 = arith.index_cast %scan3A_460 : i32 to index
      %get3A_569 = arith.constant 96 : index
      %get3A_570 = tpu.vector_load %arg10[%get3A_568, %get3A_569] {strides = array<i32>} : memref<200x128xf32, #tpu.memory_space<vmem>>, vector<1x16xf32>,
      %get3A_571 = vector.shape_cast %get3A_570 : vector<1x16xf32> to vector<16xf32>
      %add3A_572 = arith.addf %mul3A_567, %get3A_571 : vector<16xf32>
      %swap3A_573 = arith.index_cast %scan3A_460 : i32 to index
      %swap3A_574 = arith.constant 96 : index
      %swap3A_575 = tpu.vector_load %arg9[%swap3A_573, %swap3A_574] {strides = array<i32>} : memref<200x128xf32, #tpu.memory_space<vmem>>, vector<1x16xf32>,
      %swap3A_576 = vector.shape_cast %swap3A_575 : vector<1x16xf32> to vector<16xf32>
      %swap3A_577 = vector.shape_cast %add3A_572 : vector<16xf32> to vector<1x16xf32>
      tpu.vector_store %arg9[%swap3A_573, %swap3A_574], %swap3A_577 {strides = array<i32>} : memref<200x128xf32, #tpu.memory_space<vmem>>, vector<1x16xf32>,
      %get3A_578 = arith.index_cast %scan3A_460 : i32 to index
      %get3A_579 = arith.constant 112 : index
      %get3A_580 = tpu.vector_load %arg9[%get3A_578, %get3A_579] {strides = array<i32>} : memref<200x128xf32, #tpu.memory_space<vmem>>, vector<1x16xf32>,
      %get3A_581 = vector.shape_cast %get3A_580 : vector<1x16xf32> to vector<16xf32>
      %mul3A_582 = arith.constant 11.3137083 : f32
      %mul3A_583 = vector.broadcast %mul3A_582 : f32 to vector<16xf32>
      %mul3A_584 = arith.mulf %get3A_581, %mul3A_583 : vector<16xf32>
      %get3A_585 = arith.index_cast %scan3A_460 : i32 to index
      %get3A_586 = arith.constant 112 : index
      %get3A_587 = tpu.vector_load %arg10[%get3A_585, %get3A_586] {strides = array<i32>} : memref<200x128xf32, #tpu.memory_space<vmem>>, vector<1x16xf32>,
      %get3A_588 = vector.shape_cast %get3A_587 : vector<1x16xf32> to vector<16xf32>
      %add3A_589 = arith.addf %mul3A_584, %get3A_588 : vector<16xf32>
      %swap3A_590 = arith.index_cast %scan3A_460 : i32 to index
      %swap3A_591 = arith.constant 112 : index
      %swap3A_592 = tpu.vector_load %arg9[%swap3A_590, %swap3A_591] {strides = array<i32>} : memref<200x128xf32, #tpu.memory_space<vmem>>, vector<1x16xf32>,
      %swap3A_593 = vector.shape_cast %swap3A_592 : vector<1x16xf32> to vector<16xf32>
      %swap3A_594 = vector.shape_cast %add3A_589 : vector<16xf32> to vector<1x16xf32>
      tpu.vector_store %arg9[%swap3A_590, %swap3A_591], %swap3A_594 {strides = array<i32>} : memref<200x128xf32, #tpu.memory_space<vmem>>, vector<1x16xf32>,
    }
    %scan3A_239 = arith.constant 96 : i32
    %add3A_240 = arith.constant 2 : i32
    %add3A_241 = arith.addi %mul3A_2, %add3A_240 : i32
    %mul3A_242 = arith.constant 200 : i32
    %mul3A_243 = arith.muli %add3A_241, %mul3A_242 : i32
    %dma_start3A_244 = arith.constant 0 : i32
    %dma_start3A_245 = arith.constant 0 : i32
    %dma_start3A_246 = tpu.memref_slice %arg9[%dma_start3A_244, %dma_start3A_245] : memref<200x128xf32, #tpu.memory_space<vmem>> -> memref<96x128xf32, #tpu.memory_space<vmem>>
    %dma_start3A_247 = arith.constant 0 : i32
    %dma_start3A_248 = tpu.memref_slice %arg5[%mul3A_243, %dma_start3A_247] : memref<204800x128xf32, #tpu.memory_space<hbm>> -> memref<96x128xf32, #tpu.memory_space<hbm>>
    %dma_start3A_249 = arith.constant 0 : i32
    %dma_start3A_250 = tpu.memref_slice %arg5[%mul3A_243, %dma_start3A_249] : memref<204800x128xf32, #tpu.memory_space<hbm>> -> memref<96x128xf32, #tpu.memory_space<hbm>>
    %dma_start3A_251 = arith.constant 0 : i32
    %dma_start3A_252 = arith.constant 0 : i32
    %dma_start3A_253 = tpu.memref_slice %arg9[%dma_start3A_251, %dma_start3A_252] : memref<200x128xf32, #tpu.memory_space<vmem>> -> memref<96x128xf32, #tpu.memory_space<vmem>>
    tpu.enqueue_dma source(%dma_start3A_253 : memref<96x128xf32, #tpu.memory_space<vmem>>) target(%dma_start3A_250 : memref<96x128xf32, #tpu.memory_space<hbm>>) target_semaphore(%arg19 : memref<!tpu.dma_semaphore, #tpu.memory_space<semaphore_mem>>)
    %dma_wait3A_254 = arith.constant 0 : i32
    %dma_wait3A_255 = arith.constant 0 : i32
    %dma_wait3A_256 = tpu.memref_slice %arg5[%dma_wait3A_254, %dma_wait3A_255] : memref<204800x128xf32, #tpu.memory_space<hbm>> -> memref<200x128xf32, #tpu.memory_space<hbm>>
    %dma_wait3A_257 = arith.constant 0 : i32
    %dma_wait3A_258 = arith.constant 0 : i32
    %dma_wait3A_259 = tpu.memref_slice %arg5[%dma_wait3A_257, %dma_wait3A_258] : memref<204800x128xf32, #tpu.memory_space<hbm>> -> memref<200x128xf32, #tpu.memory_space<hbm>>
    tpu.wait_dma2 semaphore(%arg18 : memref<!tpu.dma_semaphore, #tpu.memory_space<semaphore_mem>>) src(%arg8 : memref<200x128xf32, #tpu.memory_space<vmem>>) dst(%dma_wait3A_259 : memref<200x128xf32, #tpu.memory_space<hbm>>)
    %dma_start3A_260 = arith.constant 8 : i32
    %dma_start3A_261 = arith.constant 0 : i32
    %dma_start3A_262 = arith.constant 0 : i32
    %dma_start3A_263 = tpu.memref_slice %arg8[%dma_start3A_261, %dma_start3A_262] : memref<200x128xf32, #tpu.memory_space<vmem>> -> memref<100x128xf32, #tpu.memory_space<vmem>>
    %dma_start3A_264 = arith.constant 0 : i32
    %dma_start3A_265 = tpu.memref_slice %arg6[%dma_start3A_260, %dma_start3A_264] : memref<64x100xi32, #tpu.memory_space<vmem>> -> memref<1x100xi32, #tpu.memory_space<vmem>>
    %dma_start3A_266 = tpu.memref_squeeze %dma_start3A_265 : memref<1x100xi32, #tpu.memory_space<vmem>> -> memref<100xi32, #tpu.memory_space<vmem>>
    %dma_start3A_267 = arith.constant 0 : i32
    %dma_start3A_268 = arith.constant 0 : i32
    %dma_start3A_269 = tpu.memref_slice %arg3[%dma_start3A_267, %dma_start3A_268] : memref<100000x128xf32, #tpu.memory_space<hbm>> -> memref<100000x128xf32, #tpu.memory_space<hbm>>
    tpu.enqueue_indirect_dma source(%dma_start3A_269 : memref<100000x128xf32, #tpu.memory_space<hbm>>) target(%dma_start3A_263 : memref<100x128xf32, #tpu.memory_space<vmem>>) offsets(%dma_start3A_266 : memref<100xi32, #tpu.memory_space<vmem>>) semaphore(%arg13 : memref<!tpu.dma_semaphore, #tpu.memory_space<semaphore_mem>>)
    %dma_start3A_270 = arith.constant 9 : i32
    %dma_start3A_271 = arith.constant 100 : i32
    %dma_start3A_272 = arith.constant 0 : i32
    %dma_start3A_273 = tpu.memref_slice %arg8[%dma_start3A_271, %dma_start3A_272] : memref<200x128xf32, #tpu.memory_space<vmem>> -> memref<100x128xf32, #tpu.memory_space<vmem>>
    %dma_start3A_274 = arith.constant 0 : i32
    %dma_start3A_275 = tpu.memref_slice %arg6[%dma_start3A_270, %dma_start3A_274] : memref<64x100xi32, #tpu.memory_space<vmem>> -> memref<1x100xi32, #tpu.memory_space<vmem>>
    %dma_start3A_276 = tpu.memref_squeeze %dma_start3A_275 : memref<1x100xi32, #tpu.memory_space<vmem>> -> memref<100xi32, #tpu.memory_space<vmem>>
    %dma_start3A_277 = arith.constant 0 : i32
    %dma_start3A_278 = arith.constant 0 : i32
    %dma_start3A_279 = tpu.memref_slice %arg3[%dma_start3A_277, %dma_start3A_278] : memref<100000x128xf32, #tpu.memory_space<hbm>> -> memref<100000x128xf32, #tpu.memory_space<hbm>>
    tpu.enqueue_indirect_dma source(%dma_start3A_279 : memref<100000x128xf32, #tpu.memory_space<hbm>>) target(%dma_start3A_273 : memref<100x128xf32, #tpu.memory_space<vmem>>) offsets(%dma_start3A_276 : memref<100xi32, #tpu.memory_space<vmem>>) semaphore(%arg14 : memref<!tpu.dma_semaphore, #tpu.memory_space<semaphore_mem>>)
    %dma_wait3A_280 = arith.constant 0 : i32
    %dma_wait3A_281 = arith.constant 100 : i32
    %dma_wait3A_282 = arith.constant 0 : i32
    %dma_wait3A_283 = tpu.memref_slice %arg9[%dma_wait3A_281, %dma_wait3A_282] : memref<200x128xf32, #tpu.memory_space<vmem>> -> memref<100x128xf32, #tpu.memory_space<vmem>>
    %dma_wait3A_284 = arith.constant 0 : i32
    %dma_wait3A_285 = tpu.memref_slice %arg6[%dma_wait3A_280, %dma_wait3A_284] : memref<64x100xi32, #tpu.memory_space<vmem>> -> memref<1x100xi32, #tpu.memory_space<vmem>>
    %dma_wait3A_286 = tpu.memref_squeeze %dma_wait3A_285 : memref<1x100xi32, #tpu.memory_space<vmem>> -> memref<100xi32, #tpu.memory_space<vmem>>
    %dma_wait3A_287 = arith.constant 0 : i32
    %dma_wait3A_288 = arith.constant 0 : i32
    %dma_wait3A_289 = tpu.memref_slice %arg3[%dma_wait3A_287, %dma_wait3A_288] : memref<100000x128xf32, #tpu.memory_space<hbm>> -> memref<100000x128xf32, #tpu.memory_space<hbm>>
    tpu.wait_indirect_dma semaphore(%arg16 : memref<!tpu.dma_semaphore, #tpu.memory_space<semaphore_mem>>) src(%dma_wait3A_289 : memref<100000x128xf32, #tpu.memory_space<hbm>>) dst(%dma_wait3A_283 : memref<100x128xf32, #tpu.memory_space<vmem>>)
    %scan3A_290 = arith.constant 0 : i32
    %scan3A_291 = arith.constant 96 : i32
    %scan3A_292 = arith.constant 104 : i32
    %scan3A_293 = arith.addi %scan3A_291, %scan3A_292 : i32
    %scan3A_294 = arith.constant 1 : i32
    scf.for %scan3A_460 = %scan3A_291 to %scan3A_293 step %scan3A_294  : i32 {
      %get3A = arith.index_cast %scan3A_460 : i32 to index
      %get3A_461 = arith.constant 0 : index
      %get3A_462 = tpu.vector_load %arg9[%get3A, %get3A_461] {strides = array<i32>} : memref<200x128xf32, #tpu.memory_space<vmem>>, vector<1x16xf32>,
      %get3A_463 = vector.shape_cast %get3A_462 : vector<1x16xf32> to vector<16xf32>
      %mul3A_464 = arith.constant 11.3137083 : f32
      %mul3A_465 = vector.broadcast %mul3A_464 : f32 to vector<16xf32>
      %mul3A_466 = arith.mulf %get3A_463, %mul3A_465 : vector<16xf32>
      %get3A_467 = arith.index_cast %scan3A_460 : i32 to index
      %get3A_468 = arith.constant 0 : index
      %get3A_469 = tpu.vector_load %arg10[%get3A_467, %get3A_468] {strides = array<i32>} : memref<200x128xf32, #tpu.memory_space<vmem>>, vector<1x16xf32>,
      %get3A_470 = vector.shape_cast %get3A_469 : vector<1x16xf32> to vector<16xf32>
      %add3A_471 = arith.addf %mul3A_466, %get3A_470 : vector<16xf32>
      %swap3A = arith.index_cast %scan3A_460 : i32 to index
      %swap3A_472 = arith.constant 0 : index
      %swap3A_473 = tpu.vector_load %arg9[%swap3A, %swap3A_472] {strides = array<i32>} : memref<200x128xf32, #tpu.memory_space<vmem>>, vector<1x16xf32>,
      %swap3A_474 = vector.shape_cast %swap3A_473 : vector<1x16xf32> to vector<16xf32>
      %swap3A_475 = vector.shape_cast %add3A_471 : vector<16xf32> to vector<1x16xf32>
      tpu.vector_store %arg9[%swap3A, %swap3A_472], %swap3A_475 {strides = array<i32>} : memref<200x128xf32, #tpu.memory_space<vmem>>, vector<1x16xf32>,
      %get3A_476 = arith.index_cast %scan3A_460 : i32 to index
      %get3A_477 = arith.constant 16 : index
      %get3A_478 = tpu.vector_load %arg9[%get3A_476, %get3A_477] {strides = array<i32>} : memref<200x128xf32, #tpu.memory_space<vmem>>, vector<1x16xf32>,
      %get3A_479 = vector.shape_cast %get3A_478 : vector<1x16xf32> to vector<16xf32>
      %mul3A_480 = arith.constant 11.3137083 : f32
      %mul3A_481 = vector.broadcast %mul3A_480 : f32 to vector<16xf32>
      %mul3A_482 = arith.mulf %get3A_479, %mul3A_481 : vector<16xf32>
      %get3A_483 = arith.index_cast %scan3A_460 : i32 to index
      %get3A_484 = arith.constant 16 : index
      %get3A_485 = tpu.vector_load %arg10[%get3A_483, %get3A_484] {strides = array<i32>} : memref<200x128xf32, #tpu.memory_space<vmem>>, vector<1x16xf32>,
      %get3A_486 = vector.shape_cast %get3A_485 : vector<1x16xf32> to vector<16xf32>
      %add3A_487 = arith.addf %mul3A_482, %get3A_486 : vector<16xf32>
      %swap3A_488 = arith.index_cast %scan3A_460 : i32 to index
      %swap3A_489 = arith.constant 16 : index
      %swap3A_490 = tpu.vector_load %arg9[%swap3A_488, %swap3A_489] {strides = array<i32>} : memref<200x128xf32, #tpu.memory_space<vmem>>, vector<1x16xf32>,
      %swap3A_491 = vector.shape_cast %swap3A_490 : vector<1x16xf32> to vector<16xf32>
      %swap3A_492 = vector.shape_cast %add3A_487 : vector<16xf32> to vector<1x16xf32>
      tpu.vector_store %arg9[%swap3A_488, %swap3A_489], %swap3A_492 {strides = array<i32>} : memref<200x128xf32, #tpu.memory_space<vmem>>, vector<1x16xf32>,
      %get3A_493 = arith.index_cast %scan3A_460 : i32 to index
      %get3A_494 = arith.constant 32 : index
      %get3A_495 = tpu.vector_load %arg9[%get3A_493, %get3A_494] {strides = array<i32>} : memref<200x128xf32, #tpu.memory_space<vmem>>, vector<1x16xf32>,
      %get3A_496 = vector.shape_cast %get3A_495 : vector<1x16xf32> to vector<16xf32>
      %mul3A_497 = arith.constant 11.3137083 : f32
      %mul3A_498 = vector.broadcast %mul3A_497 : f32 to vector<16xf32>
      %mul3A_499 = arith.mulf %get3A_496, %mul3A_498 : vector<16xf32>
      %get3A_500 = arith.index_cast %scan3A_460 : i32 to index
      %get3A_501 = arith.constant 32 : index
      %get3A_502 = tpu.vector_load %arg10[%get3A_500, %get3A_501] {strides = array<i32>} : memref<200x128xf32, #tpu.memory_space<vmem>>, vector<1x16xf32>,
      %get3A_503 = vector.shape_cast %get3A_502 : vector<1x16xf32> to vector<16xf32>
      %add3A_504 = arith.addf %mul3A_499, %get3A_503 : vector<16xf32>
      %swap3A_505 = arith.index_cast %scan3A_460 : i32 to index
      %swap3A_506 = arith.constant 32 : index
      %swap3A_507 = tpu.vector_load %arg9[%swap3A_505, %swap3A_506] {strides = array<i32>} : memref<200x128xf32, #tpu.memory_space<vmem>>, vector<1x16xf32>,
      %swap3A_508 = vector.shape_cast %swap3A_507 : vector<1x16xf32> to vector<16xf32>
      %swap3A_509 = vector.shape_cast %add3A_504 : vector<16xf32> to vector<1x16xf32>
      tpu.vector_store %arg9[%swap3A_505, %swap3A_506], %swap3A_509 {strides = array<i32>} : memref<200x128xf32, #tpu.memory_space<vmem>>, vector<1x16xf32>,
      %get3A_510 = arith.index_cast %scan3A_460 : i32 to index
      %get3A_511 = arith.constant 48 : index
      %get3A_512 = tpu.vector_load %arg9[%get3A_510, %get3A_511] {strides = array<i32>} : memref<200x128xf32, #tpu.memory_space<vmem>>, vector<1x16xf32>,
      %get3A_513 = vector.shape_cast %get3A_512 : vector<1x16xf32> to vector<16xf32>
      %mul3A_514 = arith.constant 11.3137083 : f32
      %mul3A_515 = vector.broadcast %mul3A_514 : f32 to vector<16xf32>
      %mul3A_516 = arith.mulf %get3A_513, %mul3A_515 : vector<16xf32>
      %get3A_517 = arith.index_cast %scan3A_460 : i32 to index
      %get3A_518 = arith.constant 48 : index
      %get3A_519 = tpu.vector_load %arg10[%get3A_517, %get3A_518] {strides = array<i32>} : memref<200x128xf32, #tpu.memory_space<vmem>>, vector<1x16xf32>,
      %get3A_520 = vector.shape_cast %get3A_519 : vector<1x16xf32> to vector<16xf32>
      %add3A_521 = arith.addf %mul3A_516, %get3A_520 : vector<16xf32>
      %swap3A_522 = arith.index_cast %scan3A_460 : i32 to index
      %swap3A_523 = arith.constant 48 : index
      %swap3A_524 = tpu.vector_load %arg9[%swap3A_522, %swap3A_523] {strides = array<i32>} : memref<200x128xf32, #tpu.memory_space<vmem>>, vector<1x16xf32>,
      %swap3A_525 = vector.shape_cast %swap3A_524 : vector<1x16xf32> to vector<16xf32>
      %swap3A_526 = vector.shape_cast %add3A_521 : vector<16xf32> to vector<1x16xf32>
      tpu.vector_store %arg9[%swap3A_522, %swap3A_523], %swap3A_526 {strides = array<i32>} : memref<200x128xf32, #tpu.memory_space<vmem>>, vector<1x16xf32>,
      %get3A_527 = arith.index_cast %scan3A_460 : i32 to index
      %get3A_528 = arith.constant 64 : index
      %get3A_529 = tpu.vector_load %arg9[%get3A_527, %get3A_528] {strides = array<i32>} : memref<200x128xf32, #tpu.memory_space<vmem>>, vector<1x16xf32>,
      %get3A_530 = vector.shape_cast %get3A_529 : vector<1x16xf32> to vector<16xf32>
      %mul3A_531 = arith.constant 11.3137083 : f32
      %mul3A_532 = vector.broadcast %mul3A_531 : f32 to vector<16xf32>
      %mul3A_533 = arith.mulf %get3A_530, %mul3A_532 : vector<16xf32>
      %get3A_534 = arith.index_cast %scan3A_460 : i32 to index
      %get3A_535 = arith.constant 64 : index
      %get3A_536 = tpu.vector_load %arg10[%get3A_534, %get3A_535] {strides = array<i32>} : memref<200x128xf32, #tpu.memory_space<vmem>>, vector<1x16xf32>,
      %get3A_537 = vector.shape_cast %get3A_536 : vector<1x16xf32> to vector<16xf32>
      %add3A_538 = arith.addf %mul3A_533, %get3A_537 : vector<16xf32>
      %swap3A_539 = arith.index_cast %scan3A_460 : i32 to index
      %swap3A_540 = arith.constant 64 : index
      %swap3A_541 = tpu.vector_load %arg9[%swap3A_539, %swap3A_540] {strides = array<i32>} : memref<200x128xf32, #tpu.memory_space<vmem>>, vector<1x16xf32>,
      %swap3A_542 = vector.shape_cast %swap3A_541 : vector<1x16xf32> to vector<16xf32>
      %swap3A_543 = vector.shape_cast %add3A_538 : vector<16xf32> to vector<1x16xf32>
      tpu.vector_store %arg9[%swap3A_539, %swap3A_540], %swap3A_543 {strides = array<i32>} : memref<200x128xf32, #tpu.memory_space<vmem>>, vector<1x16xf32>,
      %get3A_544 = arith.index_cast %scan3A_460 : i32 to index
      %get3A_545 = arith.constant 80 : index
      %get3A_546 = tpu.vector_load %arg9[%get3A_544, %get3A_545] {strides = array<i32>} : memref<200x128xf32, #tpu.memory_space<vmem>>, vector<1x16xf32>,
      %get3A_547 = vector.shape_cast %get3A_546 : vector<1x16xf32> to vector<16xf32>
      %mul3A_548 = arith.constant 11.3137083 : f32
      %mul3A_549 = vector.broadcast %mul3A_548 : f32 to vector<16xf32>
      %mul3A_550 = arith.mulf %get3A_547, %mul3A_549 : vector<16xf32>
      %get3A_551 = arith.index_cast %scan3A_460 : i32 to index
      %get3A_552 = arith.constant 80 : index
      %get3A_553 = tpu.vector_load %arg10[%get3A_551, %get3A_552] {strides = array<i32>} : memref<200x128xf32, #tpu.memory_space<vmem>>, vector<1x16xf32>,
      %get3A_554 = vector.shape_cast %get3A_553 : vector<1x16xf32> to vector<16xf32>
      %add3A_555 = arith.addf %mul3A_550, %get3A_554 : vector<16xf32>
      %swap3A_556 = arith.index_cast %scan3A_460 : i32 to index
      %swap3A_557 = arith.constant 80 : index
      %swap3A_558 = tpu.vector_load %arg9[%swap3A_556, %swap3A_557] {strides = array<i32>} : memref<200x128xf32, #tpu.memory_space<vmem>>, vector<1x16xf32>,
      %swap3A_559 = vector.shape_cast %swap3A_558 : vector<1x16xf32> to vector<16xf32>
      %swap3A_560 = vector.shape_cast %add3A_555 : vector<16xf32> to vector<1x16xf32>
      tpu.vector_store %arg9[%swap3A_556, %swap3A_557], %swap3A_560 {strides = array<i32>} : memref<200x128xf32, #tpu.memory_space<vmem>>, vector<1x16xf32>,
      %get3A_561 = arith.index_cast %scan3A_460 : i32 to index
      %get3A_562 = arith.constant 96 : index
      %get3A_563 = tpu.vector_load %arg9[%get3A_561, %get3A_562] {strides = array<i32>} : memref<200x128xf32, #tpu.memory_space<vmem>>, vector<1x16xf32>,
      %get3A_564 = vector.shape_cast %get3A_563 : vector<1x16xf32> to vector<16xf32>
      %mul3A_565 = arith.constant 11.3137083 : f32
      %mul3A_566 = vector.broadcast %mul3A_565 : f32 to vector<16xf32>
      %mul3A_567 = arith.mulf %get3A_564, %mul3A_566 : vector<16xf32>
      %get3A_568 = arith.index_cast %scan3A_460 : i32 to index
      %get3A_569 = arith.constant 96 : index
      %get3A_570 = tpu.vector_load %arg10[%get3A_568, %get3A_569] {strides = array<i32>} : memref<200x128xf32, #tpu.memory_space<vmem>>, vector<1x16xf32>,
      %get3A_571 = vector.shape_cast %get3A_570 : vector<1x16xf32> to vector<16xf32>
      %add3A_572 = arith.addf %mul3A_567, %get3A_571 : vector<16xf32>
      %swap3A_573 = arith.index_cast %scan3A_460 : i32 to index
      %swap3A_574 = arith.constant 96 : index
      %swap3A_575 = tpu.vector_load %arg9[%swap3A_573, %swap3A_574] {strides = array<i32>} : memref<200x128xf32, #tpu.memory_space<vmem>>, vector<1x16xf32>,
      %swap3A_576 = vector.shape_cast %swap3A_575 : vector<1x16xf32> to vector<16xf32>
      %swap3A_577 = vector.shape_cast %add3A_572 : vector<16xf32> to vector<1x16xf32>
      tpu.vector_store %arg9[%swap3A_573, %swap3A_574], %swap3A_577 {strides = array<i32>} : memref<200x128xf32, #tpu.memory_space<vmem>>, vector<1x16xf32>,
      %get3A_578 = arith.index_cast %scan3A_460 : i32 to index
      %get3A_579 = arith.constant 112 : index
      %get3A_580 = tpu.vector_load %arg9[%get3A_578, %get3A_579] {strides = array<i32>} : memref<200x128xf32, #tpu.memory_space<vmem>>, vector<1x16xf32>,
      %get3A_581 = vector.shape_cast %get3A_580 : vector<1x16xf32> to vector<16xf32>
      %mul3A_582 = arith.constant 11.3137083 : f32
      %mul3A_583 = vector.broadcast %mul3A_582 : f32 to vector<16xf32>
      %mul3A_584 = arith.mulf %get3A_581, %mul3A_583 : vector<16xf32>
      %get3A_585 = arith.index_cast %scan3A_460 : i32 to index
      %get3A_586 = arith.constant 112 : index
      %get3A_587 = tpu.vector_load %arg10[%get3A_585, %get3A_586] {strides = array<i32>} : memref<200x128xf32, #tpu.memory_space<vmem>>, vector<1x16xf32>,
      %get3A_588 = vector.shape_cast %get3A_587 : vector<1x16xf32> to vector<16xf32>
      %add3A_589 = arith.addf %mul3A_584, %get3A_588 : vector<16xf32>
      %swap3A_590 = arith.index_cast %scan3A_460 : i32 to index
      %swap3A_591 = arith.constant 112 : index
      %swap3A_592 = tpu.vector_load %arg9[%swap3A_590, %swap3A_591] {strides = array<i32>} : memref<200x128xf32, #tpu.memory_space<vmem>>, vector<1x16xf32>,
      %swap3A_593 = vector.shape_cast %swap3A_592 : vector<1x16xf32> to vector<16xf32>
      %swap3A_594 = vector.shape_cast %add3A_589 : vector<16xf32> to vector<1x16xf32>
      tpu.vector_store %arg9[%swap3A_590, %swap3A_591], %swap3A_594 {strides = array<i32>} : memref<200x128xf32, #tpu.memory_space<vmem>>, vector<1x16xf32>,
    }
    %scan3A_295 = arith.constant 104 : i32
    %add3A_296 = arith.constant 2 : i32
    %add3A_297 = arith.addi %mul3A_2, %add3A_296 : i32
    %mul3A_298 = arith.constant 200 : i32
    %mul3A_299 = arith.muli %add3A_297, %mul3A_298 : i32
    %add3A_300 = arith.constant 96 : i32
    %add3A_301 = arith.addi %mul3A_299, %add3A_300 : i32
    %dma_start3A_302 = arith.constant 96 : i32
    %dma_start3A_303 = arith.constant 0 : i32
    %dma_start3A_304 = tpu.memref_slice %arg9[%dma_start3A_302, %dma_start3A_303] : memref<200x128xf32, #tpu.memory_space<vmem>> -> memref<104x128xf32, #tpu.memory_space<vmem>>
    %dma_start3A_305 = arith.constant 0 : i32
    %dma_start3A_306 = tpu.memref_slice %arg5[%add3A_301, %dma_start3A_305] : memref<204800x128xf32, #tpu.memory_space<hbm>> -> memref<104x128xf32, #tpu.memory_space<hbm>>
    %dma_start3A_307 = arith.constant 0 : i32
    %dma_start3A_308 = tpu.memref_slice %arg5[%add3A_301, %dma_start3A_307] : memref<204800x128xf32, #tpu.memory_space<hbm>> -> memref<104x128xf32, #tpu.memory_space<hbm>>
    %dma_start3A_309 = arith.constant 96 : i32
    %dma_start3A_310 = arith.constant 0 : i32
    %dma_start3A_311 = tpu.memref_slice %arg9[%dma_start3A_309, %dma_start3A_310] : memref<200x128xf32, #tpu.memory_space<vmem>> -> memref<104x128xf32, #tpu.memory_space<vmem>>
    tpu.enqueue_dma source(%dma_start3A_311 : memref<104x128xf32, #tpu.memory_space<vmem>>) target(%dma_start3A_308 : memref<104x128xf32, #tpu.memory_space<hbm>>) target_semaphore(%arg19 : memref<!tpu.dma_semaphore, #tpu.memory_space<semaphore_mem>>)
    %scan3A_312 = arith.constant 0 : i32
    %scan3A_313 = arith.constant 1 : i32
    %scan3A_314 = arith.constant 9 : i32
    %scan3A_315 = arith.addi %scan3A_313, %scan3A_314 : i32
    %scan3A_316 = arith.constant 1 : i32
    scf.for %scan3A_460 = %scan3A_313 to %scan3A_315 step %scan3A_316  : i32 {
      %mul3A_461 = arith.constant 3 : i32
      %mul3A_462 = arith.muli %mul3A_461, %scan3A_460 : i32
      %add3A_463 = arith.constant 0 : i32
      %add3A_464 = arith.addi %mul3A_462, %add3A_463 : i32
      %dma_wait3A_465 = arith.constant 0 : i32
      %dma_wait3A_466 = arith.constant 0 : i32
      %dma_wait3A_467 = arith.constant 0 : i32
      %dma_wait3A_468 = tpu.memref_slice %arg7[%dma_wait3A_466, %dma_wait3A_467] : memref<200x128xf32, #tpu.memory_space<vmem>> -> memref<100x128xf32, #tpu.memory_space<vmem>>
      %dma_wait3A_469 = arith.constant 0 : i32
      %dma_wait3A_470 = tpu.memref_slice %arg6[%dma_wait3A_465, %dma_wait3A_469] : memref<64x100xi32, #tpu.memory_space<vmem>> -> memref<1x100xi32, #tpu.memory_space<vmem>>
      %dma_wait3A_471 = tpu.memref_squeeze %dma_wait3A_470 : memref<1x100xi32, #tpu.memory_space<vmem>> -> memref<100xi32, #tpu.memory_space<vmem>>
      %dma_wait3A_472 = arith.constant 0 : i32
      %dma_wait3A_473 = arith.constant 0 : i32
      %dma_wait3A_474 = tpu.memref_slice %arg3[%dma_wait3A_472, %dma_wait3A_473] : memref<100000x128xf32, #tpu.memory_space<hbm>> -> memref<100000x128xf32, #tpu.memory_space<hbm>>
      tpu.wait_indirect_dma semaphore(%arg11 : memref<!tpu.dma_semaphore, #tpu.memory_space<semaphore_mem>>) src(%dma_wait3A_474 : memref<100000x128xf32, #tpu.memory_space<hbm>>) dst(%dma_wait3A_468 : memref<100x128xf32, #tpu.memory_space<vmem>>)
      %scan3A_475 = arith.constant 0 : i32
      %scan3A_476 = arith.constant 0 : i32
      %scan3A_477 = arith.constant 96 : i32
      %scan3A_478 = arith.addi %scan3A_476, %scan3A_477 : i32
      %scan3A_479 = arith.constant 1 : i32
      scf.for %scan3A_749 = %scan3A_476 to %scan3A_478 step %scan3A_479  : i32 {
        %get3A = arith.index_cast %scan3A_749 : i32 to index
        %get3A_750 = arith.constant 0 : index
        %get3A_751 = tpu.vector_load %arg7[%get3A, %get3A_750] {strides = array<i32>} : memref<200x128xf32, #tpu.memory_space<vmem>>, vector<1x16xf32>,
        %get3A_752 = vector.shape_cast %get3A_751 : vector<1x16xf32> to vector<16xf32>
        %mul3A_753 = arith.constant 11.3137083 : f32
        %mul3A_754 = vector.broadcast %mul3A_753 : f32 to vector<16xf32>
        %mul3A_755 = arith.mulf %get3A_752, %mul3A_754 : vector<16xf32>
        %get3A_756 = arith.index_cast %scan3A_749 : i32 to index
        %get3A_757 = arith.constant 0 : index
        %get3A_758 = tpu.vector_load %arg10[%get3A_756, %get3A_757] {strides = array<i32>} : memref<200x128xf32, #tpu.memory_space<vmem>>, vector<1x16xf32>,
        %get3A_759 = vector.shape_cast %get3A_758 : vector<1x16xf32> to vector<16xf32>
        %add3A_760 = arith.addf %mul3A_755, %get3A_759 : vector<16xf32>
        %swap3A = arith.index_cast %scan3A_749 : i32 to index
        %swap3A_761 = arith.constant 0 : index
        %swap3A_762 = tpu.vector_load %arg7[%swap3A, %swap3A_761] {strides = array<i32>} : memref<200x128xf32, #tpu.memory_space<vmem>>, vector<1x16xf32>,
        %swap3A_763 = vector.shape_cast %swap3A_762 : vector<1x16xf32> to vector<16xf32>
        %swap3A_764 = vector.shape_cast %add3A_760 : vector<16xf32> to vector<1x16xf32>
        tpu.vector_store %arg7[%swap3A, %swap3A_761], %swap3A_764 {strides = array<i32>} : memref<200x128xf32, #tpu.memory_space<vmem>>, vector<1x16xf32>,
        %get3A_765 = arith.index_cast %scan3A_749 : i32 to index
        %get3A_766 = arith.constant 16 : index
        %get3A_767 = tpu.vector_load %arg7[%get3A_765, %get3A_766] {strides = array<i32>} : memref<200x128xf32, #tpu.memory_space<vmem>>, vector<1x16xf32>,
        %get3A_768 = vector.shape_cast %get3A_767 : vector<1x16xf32> to vector<16xf32>
        %mul3A_769 = arith.constant 11.3137083 : f32
        %mul3A_770 = vector.broadcast %mul3A_769 : f32 to vector<16xf32>
        %mul3A_771 = arith.mulf %get3A_768, %mul3A_770 : vector<16xf32>
        %get3A_772 = arith.index_cast %scan3A_749 : i32 to index
        %get3A_773 = arith.constant 16 : index
        %get3A_774 = tpu.vector_load %arg10[%get3A_772, %get3A_773] {strides = array<i32>} : memref<200x128xf32, #tpu.memory_space<vmem>>, vector<1x16xf32>,
        %get3A_775 = vector.shape_cast %get3A_774 : vector<1x16xf32> to vector<16xf32>
        %add3A_776 = arith.addf %mul3A_771, %get3A_775 : vector<16xf32>
        %swap3A_777 = arith.index_cast %scan3A_749 : i32 to index
        %swap3A_778 = arith.constant 16 : index
        %swap3A_779 = tpu.vector_load %arg7[%swap3A_777, %swap3A_778] {strides = array<i32>} : memref<200x128xf32, #tpu.memory_space<vmem>>, vector<1x16xf32>,
        %swap3A_780 = vector.shape_cast %swap3A_779 : vector<1x16xf32> to vector<16xf32>
        %swap3A_781 = vector.shape_cast %add3A_776 : vector<16xf32> to vector<1x16xf32>
        tpu.vector_store %arg7[%swap3A_777, %swap3A_778], %swap3A_781 {strides = array<i32>} : memref<200x128xf32, #tpu.memory_space<vmem>>, vector<1x16xf32>,
        %get3A_782 = arith.index_cast %scan3A_749 : i32 to index
        %get3A_783 = arith.constant 32 : index
        %get3A_784 = tpu.vector_load %arg7[%get3A_782, %get3A_783] {strides = array<i32>} : memref<200x128xf32, #tpu.memory_space<vmem>>, vector<1x16xf32>,
        %get3A_785 = vector.shape_cast %get3A_784 : vector<1x16xf32> to vector<16xf32>
        %mul3A_786 = arith.constant 11.3137083 : f32
        %mul3A_787 = vector.broadcast %mul3A_786 : f32 to vector<16xf32>
        %mul3A_788 = arith.mulf %get3A_785, %mul3A_787 : vector<16xf32>
        %get3A_789 = arith.index_cast %scan3A_749 : i32 to index
        %get3A_790 = arith.constant 32 : index
        %get3A_791 = tpu.vector_load %arg10[%get3A_789, %get3A_790] {strides = array<i32>} : memref<200x128xf32, #tpu.memory_space<vmem>>, vector<1x16xf32>,
        %get3A_792 = vector.shape_cast %get3A_791 : vector<1x16xf32> to vector<16xf32>
        %add3A_793 = arith.addf %mul3A_788, %get3A_792 : vector<16xf32>
        %swap3A_794 = arith.index_cast %scan3A_749 : i32 to index
        %swap3A_795 = arith.constant 32 : index
        %swap3A_796 = tpu.vector_load %arg7[%swap3A_794, %swap3A_795] {strides = array<i32>} : memref<200x128xf32, #tpu.memory_space<vmem>>, vector<1x16xf32>,
        %swap3A_797 = vector.shape_cast %swap3A_796 : vector<1x16xf32> to vector<16xf32>
        %swap3A_798 = vector.shape_cast %add3A_793 : vector<16xf32> to vector<1x16xf32>
        tpu.vector_store %arg7[%swap3A_794, %swap3A_795], %swap3A_798 {strides = array<i32>} : memref<200x128xf32, #tpu.memory_space<vmem>>, vector<1x16xf32>,
        %get3A_799 = arith.index_cast %scan3A_749 : i32 to index
        %get3A_800 = arith.constant 48 : index
        %get3A_801 = tpu.vector_load %arg7[%get3A_799, %get3A_800] {strides = array<i32>} : memref<200x128xf32, #tpu.memory_space<vmem>>, vector<1x16xf32>,
        %get3A_802 = vector.shape_cast %get3A_801 : vector<1x16xf32> to vector<16xf32>
        %mul3A_803 = arith.constant 11.3137083 : f32
        %mul3A_804 = vector.broadcast %mul3A_803 : f32 to vector<16xf32>
        %mul3A_805 = arith.mulf %get3A_802, %mul3A_804 : vector<16xf32>
        %get3A_806 = arith.index_cast %scan3A_749 : i32 to index
        %get3A_807 = arith.constant 48 : index
        %get3A_808 = tpu.vector_load %arg10[%get3A_806, %get3A_807] {strides = array<i32>} : memref<200x128xf32, #tpu.memory_space<vmem>>, vector<1x16xf32>,
        %get3A_809 = vector.shape_cast %get3A_808 : vector<1x16xf32> to vector<16xf32>
        %add3A_810 = arith.addf %mul3A_805, %get3A_809 : vector<16xf32>
        %swap3A_811 = arith.index_cast %scan3A_749 : i32 to index
        %swap3A_812 = arith.constant 48 : index
        %swap3A_813 = tpu.vector_load %arg7[%swap3A_811, %swap3A_812] {strides = array<i32>} : memref<200x128xf32, #tpu.memory_space<vmem>>, vector<1x16xf32>,
        %swap3A_814 = vector.shape_cast %swap3A_813 : vector<1x16xf32> to vector<16xf32>
        %swap3A_815 = vector.shape_cast %add3A_810 : vector<16xf32> to vector<1x16xf32>
        tpu.vector_store %arg7[%swap3A_811, %swap3A_812], %swap3A_815 {strides = array<i32>} : memref<200x128xf32, #tpu.memory_space<vmem>>, vector<1x16xf32>,
        %get3A_816 = arith.index_cast %scan3A_749 : i32 to index
        %get3A_817 = arith.constant 64 : index
        %get3A_818 = tpu.vector_load %arg7[%get3A_816, %get3A_817] {strides = array<i32>} : memref<200x128xf32, #tpu.memory_space<vmem>>, vector<1x16xf32>,
        %get3A_819 = vector.shape_cast %get3A_818 : vector<1x16xf32> to vector<16xf32>
        %mul3A_820 = arith.constant 11.3137083 : f32
        %mul3A_821 = vector.broadcast %mul3A_820 : f32 to vector<16xf32>
        %mul3A_822 = arith.mulf %get3A_819, %mul3A_821 : vector<16xf32>
        %get3A_823 = arith.index_cast %scan3A_749 : i32 to index
        %get3A_824 = arith.constant 64 : index
        %get3A_825 = tpu.vector_load %arg10[%get3A_823, %get3A_824] {strides = array<i32>} : memref<200x128xf32, #tpu.memory_space<vmem>>, vector<1x16xf32>,
        %get3A_826 = vector.shape_cast %get3A_825 : vector<1x16xf32> to vector<16xf32>
        %add3A_827 = arith.addf %mul3A_822, %get3A_826 : vector<16xf32>
        %swap3A_828 = arith.index_cast %scan3A_749 : i32 to index
        %swap3A_829 = arith.constant 64 : index
        %swap3A_830 = tpu.vector_load %arg7[%swap3A_828, %swap3A_829] {strides = array<i32>} : memref<200x128xf32, #tpu.memory_space<vmem>>, vector<1x16xf32>,
        %swap3A_831 = vector.shape_cast %swap3A_830 : vector<1x16xf32> to vector<16xf32>
        %swap3A_832 = vector.shape_cast %add3A_827 : vector<16xf32> to vector<1x16xf32>
        tpu.vector_store %arg7[%swap3A_828, %swap3A_829], %swap3A_832 {strides = array<i32>} : memref<200x128xf32, #tpu.memory_space<vmem>>, vector<1x16xf32>,
        %get3A_833 = arith.index_cast %scan3A_749 : i32 to index
        %get3A_834 = arith.constant 80 : index
        %get3A_835 = tpu.vector_load %arg7[%get3A_833, %get3A_834] {strides = array<i32>} : memref<200x128xf32, #tpu.memory_space<vmem>>, vector<1x16xf32>,
        %get3A_836 = vector.shape_cast %get3A_835 : vector<1x16xf32> to vector<16xf32>
        %mul3A_837 = arith.constant 11.3137083 : f32
        %mul3A_838 = vector.broadcast %mul3A_837 : f32 to vector<16xf32>
        %mul3A_839 = arith.mulf %get3A_836, %mul3A_838 : vector<16xf32>
        %get3A_840 = arith.index_cast %scan3A_749 : i32 to index
        %get3A_841 = arith.constant 80 : index
        %get3A_842 = tpu.vector_load %arg10[%get3A_840, %get3A_841] {strides = array<i32>} : memref<200x128xf32, #tpu.memory_space<vmem>>, vector<1x16xf32>,
        %get3A_843 = vector.shape_cast %get3A_842 : vector<1x16xf32> to vector<16xf32>
        %add3A_844 = arith.addf %mul3A_839, %get3A_843 : vector<16xf32>
        %swap3A_845 = arith.index_cast %scan3A_749 : i32 to index
        %swap3A_846 = arith.constant 80 : index
        %swap3A_847 = tpu.vector_load %arg7[%swap3A_845, %swap3A_846] {strides = array<i32>} : memref<200x128xf32, #tpu.memory_space<vmem>>, vector<1x16xf32>,
        %swap3A_848 = vector.shape_cast %swap3A_847 : vector<1x16xf32> to vector<16xf32>
        %swap3A_849 = vector.shape_cast %add3A_844 : vector<16xf32> to vector<1x16xf32>
        tpu.vector_store %arg7[%swap3A_845, %swap3A_846], %swap3A_849 {strides = array<i32>} : memref<200x128xf32, #tpu.memory_space<vmem>>, vector<1x16xf32>,
        %get3A_850 = arith.index_cast %scan3A_749 : i32 to index
        %get3A_851 = arith.constant 96 : index
        %get3A_852 = tpu.vector_load %arg7[%get3A_850, %get3A_851] {strides = array<i32>} : memref<200x128xf32, #tpu.memory_space<vmem>>, vector<1x16xf32>,
        %get3A_853 = vector.shape_cast %get3A_852 : vector<1x16xf32> to vector<16xf32>
        %mul3A_854 = arith.constant 11.3137083 : f32
        %mul3A_855 = vector.broadcast %mul3A_854 : f32 to vector<16xf32>
        %mul3A_856 = arith.mulf %get3A_853, %mul3A_855 : vector<16xf32>
        %get3A_857 = arith.index_cast %scan3A_749 : i32 to index
        %get3A_858 = arith.constant 96 : index
        %get3A_859 = tpu.vector_load %arg10[%get3A_857, %get3A_858] {strides = array<i32>} : memref<200x128xf32, #tpu.memory_space<vmem>>, vector<1x16xf32>,
        %get3A_860 = vector.shape_cast %get3A_859 : vector<1x16xf32> to vector<16xf32>
        %add3A_861 = arith.addf %mul3A_856, %get3A_860 : vector<16xf32>
        %swap3A_862 = arith.index_cast %scan3A_749 : i32 to index
        %swap3A_863 = arith.constant 96 : index
        %swap3A_864 = tpu.vector_load %arg7[%swap3A_862, %swap3A_863] {strides = array<i32>} : memref<200x128xf32, #tpu.memory_space<vmem>>, vector<1x16xf32>,
        %swap3A_865 = vector.shape_cast %swap3A_864 : vector<1x16xf32> to vector<16xf32>
        %swap3A_866 = vector.shape_cast %add3A_861 : vector<16xf32> to vector<1x16xf32>
        tpu.vector_store %arg7[%swap3A_862, %swap3A_863], %swap3A_866 {strides = array<i32>} : memref<200x128xf32, #tpu.memory_space<vmem>>, vector<1x16xf32>,
        %get3A_867 = arith.index_cast %scan3A_749 : i32 to index
        %get3A_868 = arith.constant 112 : index
        %get3A_869 = tpu.vector_load %arg7[%get3A_867, %get3A_868] {strides = array<i32>} : memref<200x128xf32, #tpu.memory_space<vmem>>, vector<1x16xf32>,
        %get3A_870 = vector.shape_cast %get3A_869 : vector<1x16xf32> to vector<16xf32>
        %mul3A_871 = arith.constant 11.3137083 : f32
        %mul3A_872 = vector.broadcast %mul3A_871 : f32 to vector<16xf32>
        %mul3A_873 = arith.mulf %get3A_870, %mul3A_872 : vector<16xf32>
        %get3A_874 = arith.index_cast %scan3A_749 : i32 to index
        %get3A_875 = arith.constant 112 : index
        %get3A_876 = tpu.vector_load %arg10[%get3A_874, %get3A_875] {strides = array<i32>} : memref<200x128xf32, #tpu.memory_space<vmem>>, vector<1x16xf32>,
        %get3A_877 = vector.shape_cast %get3A_876 : vector<1x16xf32> to vector<16xf32>
        %add3A_878 = arith.addf %mul3A_873, %get3A_877 : vector<16xf32>
        %swap3A_879 = arith.index_cast %scan3A_749 : i32 to index
        %swap3A_880 = arith.constant 112 : index
        %swap3A_881 = tpu.vector_load %arg7[%swap3A_879, %swap3A_880] {strides = array<i32>} : memref<200x128xf32, #tpu.memory_space<vmem>>, vector<1x16xf32>,
        %swap3A_882 = vector.shape_cast %swap3A_881 : vector<1x16xf32> to vector<16xf32>
        %swap3A_883 = vector.shape_cast %add3A_878 : vector<16xf32> to vector<1x16xf32>
        tpu.vector_store %arg7[%swap3A_879, %swap3A_880], %swap3A_883 {strides = array<i32>} : memref<200x128xf32, #tpu.memory_space<vmem>>, vector<1x16xf32>,
      }
      %scan3A_480 = arith.constant 96 : i32
      %add3A_481 = arith.addi %mul3A_2, %add3A_464 : i32
      %mul3A_482 = arith.constant 200 : i32
      %mul3A_483 = arith.muli %add3A_481, %mul3A_482 : i32
      %dma_start3A_484 = arith.constant 0 : i32
      %dma_start3A_485 = arith.constant 0 : i32
      %dma_start3A_486 = tpu.memref_slice %arg7[%dma_start3A_484, %dma_start3A_485] : memref<200x128xf32, #tpu.memory_space<vmem>> -> memref<96x128xf32, #tpu.memory_space<vmem>>
      %dma_start3A_487 = arith.constant 0 : i32
      %dma_start3A_488 = tpu.memref_slice %arg5[%mul3A_483, %dma_start3A_487] : memref<204800x128xf32, #tpu.memory_space<hbm>> -> memref<96x128xf32, #tpu.memory_space<hbm>>
      %dma_start3A_489 = arith.constant 0 : i32
      %dma_start3A_490 = tpu.memref_slice %arg5[%mul3A_483, %dma_start3A_489] : memref<204800x128xf32, #tpu.memory_space<hbm>> -> memref<96x128xf32, #tpu.memory_space<hbm>>
      %dma_start3A_491 = arith.constant 0 : i32
      %dma_start3A_492 = arith.constant 0 : i32
      %dma_start3A_493 = tpu.memref_slice %arg7[%dma_start3A_491, %dma_start3A_492] : memref<200x128xf32, #tpu.memory_space<vmem>> -> memref<96x128xf32, #tpu.memory_space<vmem>>
      tpu.enqueue_dma source(%dma_start3A_493 : memref<96x128xf32, #tpu.memory_space<vmem>>) target(%dma_start3A_490 : memref<96x128xf32, #tpu.memory_space<hbm>>) target_semaphore(%arg17 : memref<!tpu.dma_semaphore, #tpu.memory_space<semaphore_mem>>)
      %dma_wait3A_494 = arith.constant 0 : i32
      %dma_wait3A_495 = arith.constant 0 : i32
      %dma_wait3A_496 = tpu.memref_slice %arg5[%dma_wait3A_494, %dma_wait3A_495] : memref<204800x128xf32, #tpu.memory_space<hbm>> -> memref<200x128xf32, #tpu.memory_space<hbm>>
      %dma_wait3A_497 = arith.constant 0 : i32
      %dma_wait3A_498 = arith.constant 0 : i32
      %dma_wait3A_499 = tpu.memref_slice %arg5[%dma_wait3A_497, %dma_wait3A_498] : memref<204800x128xf32, #tpu.memory_space<hbm>> -> memref<200x128xf32, #tpu.memory_space<hbm>>
      tpu.wait_dma2 semaphore(%arg19 : memref<!tpu.dma_semaphore, #tpu.memory_space<semaphore_mem>>) src(%arg9 : memref<200x128xf32, #tpu.memory_space<vmem>>) dst(%dma_wait3A_499 : memref<200x128xf32, #tpu.memory_space<hbm>>)
      %add3A_500 = arith.constant 2 : i32
      %add3A_501 = arith.addi %add3A_464, %add3A_500 : i32
      %mul3A_502 = arith.constant 2 : i32
      %mul3A_503 = arith.muli %mul3A_502, %add3A_501 : i32
      %dma_start3A_504 = arith.constant 0 : i32
      %dma_start3A_505 = arith.constant 0 : i32
      %dma_start3A_506 = tpu.memref_slice %arg9[%dma_start3A_504, %dma_start3A_505] : memref<200x128xf32, #tpu.memory_space<vmem>> -> memref<100x128xf32, #tpu.memory_space<vmem>>
      %dma_start3A_507 = arith.constant 0 : i32
      %dma_start3A_508 = tpu.memref_slice %arg6[%mul3A_503, %dma_start3A_507] : memref<64x100xi32, #tpu.memory_space<vmem>> -> memref<1x100xi32, #tpu.memory_space<vmem>>
      %dma_start3A_509 = tpu.memref_squeeze %dma_start3A_508 : memref<1x100xi32, #tpu.memory_space<vmem>> -> memref<100xi32, #tpu.memory_space<vmem>>
      %dma_start3A_510 = arith.constant 0 : i32
      %dma_start3A_511 = arith.constant 0 : i32
      %dma_start3A_512 = tpu.memref_slice %arg3[%dma_start3A_510, %dma_start3A_511] : memref<100000x128xf32, #tpu.memory_space<hbm>> -> memref<100000x128xf32, #tpu.memory_space<hbm>>
      tpu.enqueue_indirect_dma source(%dma_start3A_512 : memref<100000x128xf32, #tpu.memory_space<hbm>>) target(%dma_start3A_506 : memref<100x128xf32, #tpu.memory_space<vmem>>) offsets(%dma_start3A_509 : memref<100xi32, #tpu.memory_space<vmem>>) semaphore(%arg15 : memref<!tpu.dma_semaphore, #tpu.memory_space<semaphore_mem>>)
      %mul3A_513 = arith.constant 2 : i32
      %mul3A_514 = arith.muli %mul3A_513, %add3A_501 : i32
      %add3A_515 = arith.constant 1 : i32
      %add3A_516 = arith.addi %mul3A_514, %add3A_515 : i32
      %dma_start3A_517 = arith.constant 100 : i32
      %dma_start3A_518 = arith.constant 0 : i32
      %dma_start3A_519 = tpu.memref_slice %arg9[%dma_start3A_517, %dma_start3A_518] : memref<200x128xf32, #tpu.memory_space<vmem>> -> memref<100x128xf32, #tpu.memory_space<vmem>>
      %dma_start3A_520 = arith.constant 0 : i32
      %dma_start3A_521 = tpu.memref_slice %arg6[%add3A_516, %dma_start3A_520] : memref<64x100xi32, #tpu.memory_space<vmem>> -> memref<1x100xi32, #tpu.memory_space<vmem>>
      %dma_start3A_522 = tpu.memref_squeeze %dma_start3A_521 : memref<1x100xi32, #tpu.memory_space<vmem>> -> memref<100xi32, #tpu.memory_space<vmem>>
      %dma_start3A_523 = arith.constant 0 : i32
      %dma_start3A_524 = arith.constant 0 : i32
      %dma_start3A_525 = tpu.memref_slice %arg3[%dma_start3A_523, %dma_start3A_524] : memref<100000x128xf32, #tpu.memory_space<hbm>> -> memref<100000x128xf32, #tpu.memory_space<hbm>>
      tpu.enqueue_indirect_dma source(%dma_start3A_525 : memref<100000x128xf32, #tpu.memory_space<hbm>>) target(%dma_start3A_519 : memref<100x128xf32, #tpu.memory_space<vmem>>) offsets(%dma_start3A_522 : memref<100xi32, #tpu.memory_space<vmem>>) semaphore(%arg16 : memref<!tpu.dma_semaphore, #tpu.memory_space<semaphore_mem>>)
      %dma_wait3A_526 = arith.constant 0 : i32
      %dma_wait3A_527 = arith.constant 100 : i32
      %dma_wait3A_528 = arith.constant 0 : i32
      %dma_wait3A_529 = tpu.memref_slice %arg7[%dma_wait3A_527, %dma_wait3A_528] : memref<200x128xf32, #tpu.memory_space<vmem>> -> memref<100x128xf32, #tpu.memory_space<vmem>>
      %dma_wait3A_530 = arith.constant 0 : i32
      %dma_wait3A_531 = tpu.memref_slice %arg6[%dma_wait3A_526, %dma_wait3A_530] : memref<64x100xi32, #tpu.memory_space<vmem>> -> memref<1x100xi32, #tpu.memory_space<vmem>>
      %dma_wait3A_532 = tpu.memref_squeeze %dma_wait3A_531 : memref<1x100xi32, #tpu.memory_space<vmem>> -> memref<100xi32, #tpu.memory_space<vmem>>
      %dma_wait3A_533 = arith.constant 0 : i32
      %dma_wait3A_534 = arith.constant 0 : i32
      %dma_wait3A_535 = tpu.memref_slice %arg3[%dma_wait3A_533, %dma_wait3A_534] : memref<100000x128xf32, #tpu.memory_space<hbm>> -> memref<100000x128xf32, #tpu.memory_space<hbm>>
      tpu.wait_indirect_dma semaphore(%arg12 : memref<!tpu.dma_semaphore, #tpu.memory_space<semaphore_mem>>) src(%dma_wait3A_535 : memref<100000x128xf32, #tpu.memory_space<hbm>>) dst(%dma_wait3A_529 : memref<100x128xf32, #tpu.memory_space<vmem>>)
      %scan3A_536 = arith.constant 0 : i32
      %scan3A_537 = arith.constant 96 : i32
      %scan3A_538 = arith.constant 104 : i32
      %scan3A_539 = arith.addi %scan3A_537, %scan3A_538 : i32
      %scan3A_540 = arith.constant 1 : i32
      scf.for %scan3A_749 = %scan3A_537 to %scan3A_539 step %scan3A_540  : i32 {
        %get3A = arith.index_cast %scan3A_749 : i32 to index
        %get3A_750 = arith.constant 0 : index
        %get3A_751 = tpu.vector_load %arg7[%get3A, %get3A_750] {strides = array<i32>} : memref<200x128xf32, #tpu.memory_space<vmem>>, vector<1x16xf32>,
        %get3A_752 = vector.shape_cast %get3A_751 : vector<1x16xf32> to vector<16xf32>
        %mul3A_753 = arith.constant 11.3137083 : f32
        %mul3A_754 = vector.broadcast %mul3A_753 : f32 to vector<16xf32>
        %mul3A_755 = arith.mulf %get3A_752, %mul3A_754 : vector<16xf32>
        %get3A_756 = arith.index_cast %scan3A_749 : i32 to index
        %get3A_757 = arith.constant 0 : index
        %get3A_758 = tpu.vector_load %arg10[%get3A_756, %get3A_757] {strides = array<i32>} : memref<200x128xf32, #tpu.memory_space<vmem>>, vector<1x16xf32>,
        %get3A_759 = vector.shape_cast %get3A_758 : vector<1x16xf32> to vector<16xf32>
        %add3A_760 = arith.addf %mul3A_755, %get3A_759 : vector<16xf32>
        %swap3A = arith.index_cast %scan3A_749 : i32 to index
        %swap3A_761 = arith.constant 0 : index
        %swap3A_762 = tpu.vector_load %arg7[%swap3A, %swap3A_761] {strides = array<i32>} : memref<200x128xf32, #tpu.memory_space<vmem>>, vector<1x16xf32>,
        %swap3A_763 = vector.shape_cast %swap3A_762 : vector<1x16xf32> to vector<16xf32>
        %swap3A_764 = vector.shape_cast %add3A_760 : vector<16xf32> to vector<1x16xf32>
        tpu.vector_store %arg7[%swap3A, %swap3A_761], %swap3A_764 {strides = array<i32>} : memref<200x128xf32, #tpu.memory_space<vmem>>, vector<1x16xf32>,
        %get3A_765 = arith.index_cast %scan3A_749 : i32 to index
        %get3A_766 = arith.constant 16 : index
        %get3A_767 = tpu.vector_load %arg7[%get3A_765, %get3A_766] {strides = array<i32>} : memref<200x128xf32, #tpu.memory_space<vmem>>, vector<1x16xf32>,
        %get3A_768 = vector.shape_cast %get3A_767 : vector<1x16xf32> to vector<16xf32>
        %mul3A_769 = arith.constant 11.3137083 : f32
        %mul3A_770 = vector.broadcast %mul3A_769 : f32 to vector<16xf32>
        %mul3A_771 = arith.mulf %get3A_768, %mul3A_770 : vector<16xf32>
        %get3A_772 = arith.index_cast %scan3A_749 : i32 to index
        %get3A_773 = arith.constant 16 : index
        %get3A_774 = tpu.vector_load %arg10[%get3A_772, %get3A_773] {strides = array<i32>} : memref<200x128xf32, #tpu.memory_space<vmem>>, vector<1x16xf32>,
        %get3A_775 = vector.shape_cast %get3A_774 : vector<1x16xf32> to vector<16xf32>
        %add3A_776 = arith.addf %mul3A_771, %get3A_775 : vector<16xf32>
        %swap3A_777 = arith.index_cast %scan3A_749 : i32 to index
        %swap3A_778 = arith.constant 16 : index
        %swap3A_779 = tpu.vector_load %arg7[%swap3A_777, %swap3A_778] {strides = array<i32>} : memref<200x128xf32, #tpu.memory_space<vmem>>, vector<1x16xf32>,
        %swap3A_780 = vector.shape_cast %swap3A_779 : vector<1x16xf32> to vector<16xf32>
        %swap3A_781 = vector.shape_cast %add3A_776 : vector<16xf32> to vector<1x16xf32>
        tpu.vector_store %arg7[%swap3A_777, %swap3A_778], %swap3A_781 {strides = array<i32>} : memref<200x128xf32, #tpu.memory_space<vmem>>, vector<1x16xf32>,
        %get3A_782 = arith.index_cast %scan3A_749 : i32 to index
        %get3A_783 = arith.constant 32 : index
        %get3A_784 = tpu.vector_load %arg7[%get3A_782, %get3A_783] {strides = array<i32>} : memref<200x128xf32, #tpu.memory_space<vmem>>, vector<1x16xf32>,
        %get3A_785 = vector.shape_cast %get3A_784 : vector<1x16xf32> to vector<16xf32>
        %mul3A_786 = arith.constant 11.3137083 : f32
        %mul3A_787 = vector.broadcast %mul3A_786 : f32 to vector<16xf32>
        %mul3A_788 = arith.mulf %get3A_785, %mul3A_787 : vector<16xf32>
        %get3A_789 = arith.index_cast %scan3A_749 : i32 to index
        %get3A_790 = arith.constant 32 : index
        %get3A_791 = tpu.vector_load %arg10[%get3A_789, %get3A_790] {strides = array<i32>} : memref<200x128xf32, #tpu.memory_space<vmem>>, vector<1x16xf32>,
        %get3A_792 = vector.shape_cast %get3A_791 : vector<1x16xf32> to vector<16xf32>
        %add3A_793 = arith.addf %mul3A_788, %get3A_792 : vector<16xf32>
        %swap3A_794 = arith.index_cast %scan3A_749 : i32 to index
        %swap3A_795 = arith.constant 32 : index
        %swap3A_796 = tpu.vector_load %arg7[%swap3A_794, %swap3A_795] {strides = array<i32>} : memref<200x128xf32, #tpu.memory_space<vmem>>, vector<1x16xf32>,
        %swap3A_797 = vector.shape_cast %swap3A_796 : vector<1x16xf32> to vector<16xf32>
        %swap3A_798 = vector.shape_cast %add3A_793 : vector<16xf32> to vector<1x16xf32>
        tpu.vector_store %arg7[%swap3A_794, %swap3A_795], %swap3A_798 {strides = array<i32>} : memref<200x128xf32, #tpu.memory_space<vmem>>, vector<1x16xf32>,
        %get3A_799 = arith.index_cast %scan3A_749 : i32 to index
        %get3A_800 = arith.constant 48 : index
        %get3A_801 = tpu.vector_load %arg7[%get3A_799, %get3A_800] {strides = array<i32>} : memref<200x128xf32, #tpu.memory_space<vmem>>, vector<1x16xf32>,
        %get3A_802 = vector.shape_cast %get3A_801 : vector<1x16xf32> to vector<16xf32>
        %mul3A_803 = arith.constant 11.3137083 : f32
        %mul3A_804 = vector.broadcast %mul3A_803 : f32 to vector<16xf32>
        %mul3A_805 = arith.mulf %get3A_802, %mul3A_804 : vector<16xf32>
        %get3A_806 = arith.index_cast %scan3A_749 : i32 to index
        %get3A_807 = arith.constant 48 : index
        %get3A_808 = tpu.vector_load %arg10[%get3A_806, %get3A_807] {strides = array<i32>} : memref<200x128xf32, #tpu.memory_space<vmem>>, vector<1x16xf32>,
        %get3A_809 = vector.shape_cast %get3A_808 : vector<1x16xf32> to vector<16xf32>
        %add3A_810 = arith.addf %mul3A_805, %get3A_809 : vector<16xf32>
        %swap3A_811 = arith.index_cast %scan3A_749 : i32 to index
        %swap3A_812 = arith.constant 48 : index
        %swap3A_813 = tpu.vector_load %arg7[%swap3A_811, %swap3A_812] {strides = array<i32>} : memref<200x128xf32, #tpu.memory_space<vmem>>, vector<1x16xf32>,
        %swap3A_814 = vector.shape_cast %swap3A_813 : vector<1x16xf32> to vector<16xf32>
        %swap3A_815 = vector.shape_cast %add3A_810 : vector<16xf32> to vector<1x16xf32>
        tpu.vector_store %arg7[%swap3A_811, %swap3A_812], %swap3A_815 {strides = array<i32>} : memref<200x128xf32, #tpu.memory_space<vmem>>, vector<1x16xf32>,
        %get3A_816 = arith.index_cast %scan3A_749 : i32 to index
        %get3A_817 = arith.constant 64 : index
        %get3A_818 = tpu.vector_load %arg7[%get3A_816, %get3A_817] {strides = array<i32>} : memref<200x128xf32, #tpu.memory_space<vmem>>, vector<1x16xf32>,
        %get3A_819 = vector.shape_cast %get3A_818 : vector<1x16xf32> to vector<16xf32>
        %mul3A_820 = arith.constant 11.3137083 : f32
        %mul3A_821 = vector.broadcast %mul3A_820 : f32 to vector<16xf32>
        %mul3A_822 = arith.mulf %get3A_819, %mul3A_821 : vector<16xf32>
        %get3A_823 = arith.index_cast %scan3A_749 : i32 to index
        %get3A_824 = arith.constant 64 : index
        %get3A_825 = tpu.vector_load %arg10[%get3A_823, %get3A_824] {strides = array<i32>} : memref<200x128xf32, #tpu.memory_space<vmem>>, vector<1x16xf32>,
        %get3A_826 = vector.shape_cast %get3A_825 : vector<1x16xf32> to vector<16xf32>
        %add3A_827 = arith.addf %mul3A_822, %get3A_826 : vector<16xf32>
        %swap3A_828 = arith.index_cast %scan3A_749 : i32 to index
        %swap3A_829 = arith.constant 64 : index
        %swap3A_830 = tpu.vector_load %arg7[%swap3A_828, %swap3A_829] {strides = array<i32>} : memref<200x128xf32, #tpu.memory_space<vmem>>, vector<1x16xf32>,
        %swap3A_831 = vector.shape_cast %swap3A_830 : vector<1x16xf32> to vector<16xf32>
        %swap3A_832 = vector.shape_cast %add3A_827 : vector<16xf32> to vector<1x16xf32>
        tpu.vector_store %arg7[%swap3A_828, %swap3A_829], %swap3A_832 {strides = array<i32>} : memref<200x128xf32, #tpu.memory_space<vmem>>, vector<1x16xf32>,
        %get3A_833 = arith.index_cast %scan3A_749 : i32 to index
        %get3A_834 = arith.constant 80 : index
        %get3A_835 = tpu.vector_load %arg7[%get3A_833, %get3A_834] {strides = array<i32>} : memref<200x128xf32, #tpu.memory_space<vmem>>, vector<1x16xf32>,
        %get3A_836 = vector.shape_cast %get3A_835 : vector<1x16xf32> to vector<16xf32>
        %mul3A_837 = arith.constant 11.3137083 : f32
        %mul3A_838 = vector.broadcast %mul3A_837 : f32 to vector<16xf32>
        %mul3A_839 = arith.mulf %get3A_836, %mul3A_838 : vector<16xf32>
        %get3A_840 = arith.index_cast %scan3A_749 : i32 to index
        %get3A_841 = arith.constant 80 : index
        %get3A_842 = tpu.vector_load %arg10[%get3A_840, %get3A_841] {strides = array<i32>} : memref<200x128xf32, #tpu.memory_space<vmem>>, vector<1x16xf32>,
        %get3A_843 = vector.shape_cast %get3A_842 : vector<1x16xf32> to vector<16xf32>
        %add3A_844 = arith.addf %mul3A_839, %get3A_843 : vector<16xf32>
        %swap3A_845 = arith.index_cast %scan3A_749 : i32 to index
        %swap3A_846 = arith.constant 80 : index
        %swap3A_847 = tpu.vector_load %arg7[%swap3A_845, %swap3A_846] {strides = array<i32>} : memref<200x128xf32, #tpu.memory_space<vmem>>, vector<1x16xf32>,
        %swap3A_848 = vector.shape_cast %swap3A_847 : vector<1x16xf32> to vector<16xf32>
        %swap3A_849 = vector.shape_cast %add3A_844 : vector<16xf32> to vector<1x16xf32>
        tpu.vector_store %arg7[%swap3A_845, %swap3A_846], %swap3A_849 {strides = array<i32>} : memref<200x128xf32, #tpu.memory_space<vmem>>, vector<1x16xf32>,
        %get3A_850 = arith.index_cast %scan3A_749 : i32 to index
        %get3A_851 = arith.constant 96 : index
        %get3A_852 = tpu.vector_load %arg7[%get3A_850, %get3A_851] {strides = array<i32>} : memref<200x128xf32, #tpu.memory_space<vmem>>, vector<1x16xf32>,
        %get3A_853 = vector.shape_cast %get3A_852 : vector<1x16xf32> to vector<16xf32>
        %mul3A_854 = arith.constant 11.3137083 : f32
        %mul3A_855 = vector.broadcast %mul3A_854 : f32 to vector<16xf32>
        %mul3A_856 = arith.mulf %get3A_853, %mul3A_855 : vector<16xf32>
        %get3A_857 = arith.index_cast %scan3A_749 : i32 to index
        %get3A_858 = arith.constant 96 : index
        %get3A_859 = tpu.vector_load %arg10[%get3A_857, %get3A_858] {strides = array<i32>} : memref<200x128xf32, #tpu.memory_space<vmem>>, vector<1x16xf32>,
        %get3A_860 = vector.shape_cast %get3A_859 : vector<1x16xf32> to vector<16xf32>
        %add3A_861 = arith.addf %mul3A_856, %get3A_860 : vector<16xf32>
        %swap3A_862 = arith.index_cast %scan3A_749 : i32 to index
        %swap3A_863 = arith.constant 96 : index
        %swap3A_864 = tpu.vector_load %arg7[%swap3A_862, %swap3A_863] {strides = array<i32>} : memref<200x128xf32, #tpu.memory_space<vmem>>, vector<1x16xf32>,
        %swap3A_865 = vector.shape_cast %swap3A_864 : vector<1x16xf32> to vector<16xf32>
        %swap3A_866 = vector.shape_cast %add3A_861 : vector<16xf32> to vector<1x16xf32>
        tpu.vector_store %arg7[%swap3A_862, %swap3A_863], %swap3A_866 {strides = array<i32>} : memref<200x128xf32, #tpu.memory_space<vmem>>, vector<1x16xf32>,
        %get3A_867 = arith.index_cast %scan3A_749 : i32 to index
        %get3A_868 = arith.constant 112 : index
        %get3A_869 = tpu.vector_load %arg7[%get3A_867, %get3A_868] {strides = array<i32>} : memref<200x128xf32, #tpu.memory_space<vmem>>, vector<1x16xf32>,
        %get3A_870 = vector.shape_cast %get3A_869 : vector<1x16xf32> to vector<16xf32>
        %mul3A_871 = arith.constant 11.3137083 : f32
        %mul3A_872 = vector.broadcast %mul3A_871 : f32 to vector<16xf32>
        %mul3A_873 = arith.mulf %get3A_870, %mul3A_872 : vector<16xf32>
        %get3A_874 = arith.index_cast %scan3A_749 : i32 to index
        %get3A_875 = arith.constant 112 : index
        %get3A_876 = tpu.vector_load %arg10[%get3A_874, %get3A_875] {strides = array<i32>} : memref<200x128xf32, #tpu.memory_space<vmem>>, vector<1x16xf32>,
        %get3A_877 = vector.shape_cast %get3A_876 : vector<1x16xf32> to vector<16xf32>
        %add3A_878 = arith.addf %mul3A_873, %get3A_877 : vector<16xf32>
        %swap3A_879 = arith.index_cast %scan3A_749 : i32 to index
        %swap3A_880 = arith.constant 112 : index
        %swap3A_881 = tpu.vector_load %arg7[%swap3A_879, %swap3A_880] {strides = array<i32>} : memref<200x128xf32, #tpu.memory_space<vmem>>, vector<1x16xf32>,
        %swap3A_882 = vector.shape_cast %swap3A_881 : vector<1x16xf32> to vector<16xf32>
        %swap3A_883 = vector.shape_cast %add3A_878 : vector<16xf32> to vector<1x16xf32>
        tpu.vector_store %arg7[%swap3A_879, %swap3A_880], %swap3A_883 {strides = array<i32>} : memref<200x128xf32, #tpu.memory_space<vmem>>, vector<1x16xf32>,
      }
      %scan3A_541 = arith.constant 104 : i32
      %add3A_542 = arith.addi %mul3A_2, %add3A_464 : i32
      %mul3A_543 = arith.constant 200 : i32
      %mul3A_544 = arith.muli %add3A_542, %mul3A_543 : i32
      %add3A_545 = arith.constant 96 : i32
      %add3A_546 = arith.addi %mul3A_544, %add3A_545 : i32
      %dma_start3A_547 = arith.constant 96 : i32
      %dma_start3A_548 = arith.constant 0 : i32
      %dma_start3A_549 = tpu.memref_slice %arg7[%dma_start3A_547, %dma_start3A_548] : memref<200x128xf32, #tpu.memory_space<vmem>> -> memref<104x128xf32, #tpu.memory_space<vmem>>
      %dma_start3A_550 = arith.constant 0 : i32
      %dma_start3A_551 = tpu.memref_slice %arg5[%add3A_546, %dma_start3A_550] : memref<204800x128xf32, #tpu.memory_space<hbm>> -> memref<104x128xf32, #tpu.memory_space<hbm>>
      %dma_start3A_552 = arith.constant 0 : i32
      %dma_start3A_553 = tpu.memref_slice %arg5[%add3A_546, %dma_start3A_552] : memref<204800x128xf32, #tpu.memory_space<hbm>> -> memref<104x128xf32, #tpu.memory_space<hbm>>
      %dma_start3A_554 = arith.constant 96 : i32
      %dma_start3A_555 = arith.constant 0 : i32
      %dma_start3A_556 = tpu.memref_slice %arg7[%dma_start3A_554, %dma_start3A_555] : memref<200x128xf32, #tpu.memory_space<vmem>> -> memref<104x128xf32, #tpu.memory_space<vmem>>
      tpu.enqueue_dma source(%dma_start3A_556 : memref<104x128xf32, #tpu.memory_space<vmem>>) target(%dma_start3A_553 : memref<104x128xf32, #tpu.memory_space<hbm>>) target_semaphore(%arg17 : memref<!tpu.dma_semaphore, #tpu.memory_space<semaphore_mem>>)
      %mul3A_557 = arith.constant 3 : i32
      %mul3A_558 = arith.muli %mul3A_557, %scan3A_460 : i32
      %add3A_559 = arith.constant 1 : i32
      %add3A_560 = arith.addi %mul3A_558, %add3A_559 : i32
      %dma_wait3A_561 = arith.constant 0 : i32
      %dma_wait3A_562 = arith.constant 0 : i32
      %dma_wait3A_563 = arith.constant 0 : i32
      %dma_wait3A_564 = tpu.memref_slice %arg8[%dma_wait3A_562, %dma_wait3A_563] : memref<200x128xf32, #tpu.memory_space<vmem>> -> memref<100x128xf32, #tpu.memory_space<vmem>>
      %dma_wait3A_565 = arith.constant 0 : i32
      %dma_wait3A_566 = tpu.memref_slice %arg6[%dma_wait3A_561, %dma_wait3A_565] : memref<64x100xi32, #tpu.memory_space<vmem>> -> memref<1x100xi32, #tpu.memory_space<vmem>>
      %dma_wait3A_567 = tpu.memref_squeeze %dma_wait3A_566 : memref<1x100xi32, #tpu.memory_space<vmem>> -> memref<100xi32, #tpu.memory_space<vmem>>
      %dma_wait3A_568 = arith.constant 0 : i32
      %dma_wait3A_569 = arith.constant 0 : i32
      %dma_wait3A_570 = tpu.memref_slice %arg3[%dma_wait3A_568, %dma_wait3A_569] : memref<100000x128xf32, #tpu.memory_space<hbm>> -> memref<100000x128xf32, #tpu.memory_space<hbm>>
      tpu.wait_indirect_dma semaphore(%arg13 : memref<!tpu.dma_semaphore, #tpu.memory_space<semaphore_mem>>) src(%dma_wait3A_570 : memref<100000x128xf32, #tpu.memory_space<hbm>>) dst(%dma_wait3A_564 : memref<100x128xf32, #tpu.memory_space<vmem>>)
      %scan3A_571 = arith.constant 0 : i32
      %scan3A_572 = arith.constant 0 : i32
      %scan3A_573 = arith.constant 96 : i32
      %scan3A_574 = arith.addi %scan3A_572, %scan3A_573 : i32
      %scan3A_575 = arith.constant 1 : i32
      scf.for %scan3A_749 = %scan3A_572 to %scan3A_574 step %scan3A_575  : i32 {
        %get3A = arith.index_cast %scan3A_749 : i32 to index
        %get3A_750 = arith.constant 0 : index
        %get3A_751 = tpu.vector_load %arg8[%get3A, %get3A_750] {strides = array<i32>} : memref<200x128xf32, #tpu.memory_space<vmem>>, vector<1x16xf32>,
        %get3A_752 = vector.shape_cast %get3A_751 : vector<1x16xf32> to vector<16xf32>
        %mul3A_753 = arith.constant 11.3137083 : f32
        %mul3A_754 = vector.broadcast %mul3A_753 : f32 to vector<16xf32>
        %mul3A_755 = arith.mulf %get3A_752, %mul3A_754 : vector<16xf32>
        %get3A_756 = arith.index_cast %scan3A_749 : i32 to index
        %get3A_757 = arith.constant 0 : index
        %get3A_758 = tpu.vector_load %arg10[%get3A_756, %get3A_757] {strides = array<i32>} : memref<200x128xf32, #tpu.memory_space<vmem>>, vector<1x16xf32>,
        %get3A_759 = vector.shape_cast %get3A_758 : vector<1x16xf32> to vector<16xf32>
        %add3A_760 = arith.addf %mul3A_755, %get3A_759 : vector<16xf32>
        %swap3A = arith.index_cast %scan3A_749 : i32 to index
        %swap3A_761 = arith.constant 0 : index
        %swap3A_762 = tpu.vector_load %arg8[%swap3A, %swap3A_761] {strides = array<i32>} : memref<200x128xf32, #tpu.memory_space<vmem>>, vector<1x16xf32>,
        %swap3A_763 = vector.shape_cast %swap3A_762 : vector<1x16xf32> to vector<16xf32>
        %swap3A_764 = vector.shape_cast %add3A_760 : vector<16xf32> to vector<1x16xf32>
        tpu.vector_store %arg8[%swap3A, %swap3A_761], %swap3A_764 {strides = array<i32>} : memref<200x128xf32, #tpu.memory_space<vmem>>, vector<1x16xf32>,
        %get3A_765 = arith.index_cast %scan3A_749 : i32 to index
        %get3A_766 = arith.constant 16 : index
        %get3A_767 = tpu.vector_load %arg8[%get3A_765, %get3A_766] {strides = array<i32>} : memref<200x128xf32, #tpu.memory_space<vmem>>, vector<1x16xf32>,
        %get3A_768 = vector.shape_cast %get3A_767 : vector<1x16xf32> to vector<16xf32>
        %mul3A_769 = arith.constant 11.3137083 : f32
        %mul3A_770 = vector.broadcast %mul3A_769 : f32 to vector<16xf32>
        %mul3A_771 = arith.mulf %get3A_768, %mul3A_770 : vector<16xf32>
        %get3A_772 = arith.index_cast %scan3A_749 : i32 to index
        %get3A_773 = arith.constant 16 : index
        %get3A_774 = tpu.vector_load %arg10[%get3A_772, %get3A_773] {strides = array<i32>} : memref<200x128xf32, #tpu.memory_space<vmem>>, vector<1x16xf32>,
        %get3A_775 = vector.shape_cast %get3A_774 : vector<1x16xf32> to vector<16xf32>
        %add3A_776 = arith.addf %mul3A_771, %get3A_775 : vector<16xf32>
        %swap3A_777 = arith.index_cast %scan3A_749 : i32 to index
        %swap3A_778 = arith.constant 16 : index
        %swap3A_779 = tpu.vector_load %arg8[%swap3A_777, %swap3A_778] {strides = array<i32>} : memref<200x128xf32, #tpu.memory_space<vmem>>, vector<1x16xf32>,
        %swap3A_780 = vector.shape_cast %swap3A_779 : vector<1x16xf32> to vector<16xf32>
        %swap3A_781 = vector.shape_cast %add3A_776 : vector<16xf32> to vector<1x16xf32>
        tpu.vector_store %arg8[%swap3A_777, %swap3A_778], %swap3A_781 {strides = array<i32>} : memref<200x128xf32, #tpu.memory_space<vmem>>, vector<1x16xf32>,
        %get3A_782 = arith.index_cast %scan3A_749 : i32 to index
        %get3A_783 = arith.constant 32 : index
        %get3A_784 = tpu.vector_load %arg8[%get3A_782, %get3A_783] {strides = array<i32>} : memref<200x128xf32, #tpu.memory_space<vmem>>, vector<1x16xf32>,
        %get3A_785 = vector.shape_cast %get3A_784 : vector<1x16xf32> to vector<16xf32>
        %mul3A_786 = arith.constant 11.3137083 : f32
        %mul3A_787 = vector.broadcast %mul3A_786 : f32 to vector<16xf32>
        %mul3A_788 = arith.mulf %get3A_785, %mul3A_787 : vector<16xf32>
        %get3A_789 = arith.index_cast %scan3A_749 : i32 to index
        %get3A_790 = arith.constant 32 : index
        %get3A_791 = tpu.vector_load %arg10[%get3A_789, %get3A_790] {strides = array<i32>} : memref<200x128xf32, #tpu.memory_space<vmem>>, vector<1x16xf32>,
        %get3A_792 = vector.shape_cast %get3A_791 : vector<1x16xf32> to vector<16xf32>
        %add3A_793 = arith.addf %mul3A_788, %get3A_792 : vector<16xf32>
        %swap3A_794 = arith.index_cast %scan3A_749 : i32 to index
        %swap3A_795 = arith.constant 32 : index
        %swap3A_796 = tpu.vector_load %arg8[%swap3A_794, %swap3A_795] {strides = array<i32>} : memref<200x128xf32, #tpu.memory_space<vmem>>, vector<1x16xf32>,
        %swap3A_797 = vector.shape_cast %swap3A_796 : vector<1x16xf32> to vector<16xf32>
        %swap3A_798 = vector.shape_cast %add3A_793 : vector<16xf32> to vector<1x16xf32>
        tpu.vector_store %arg8[%swap3A_794, %swap3A_795], %swap3A_798 {strides = array<i32>} : memref<200x128xf32, #tpu.memory_space<vmem>>, vector<1x16xf32>,
        %get3A_799 = arith.index_cast %scan3A_749 : i32 to index
        %get3A_800 = arith.constant 48 : index
        %get3A_801 = tpu.vector_load %arg8[%get3A_799, %get3A_800] {strides = array<i32>} : memref<200x128xf32, #tpu.memory_space<vmem>>, vector<1x16xf32>,
        %get3A_802 = vector.shape_cast %get3A_801 : vector<1x16xf32> to vector<16xf32>
        %mul3A_803 = arith.constant 11.3137083 : f32
        %mul3A_804 = vector.broadcast %mul3A_803 : f32 to vector<16xf32>
        %mul3A_805 = arith.mulf %get3A_802, %mul3A_804 : vector<16xf32>
        %get3A_806 = arith.index_cast %scan3A_749 : i32 to index
        %get3A_807 = arith.constant 48 : index
        %get3A_808 = tpu.vector_load %arg10[%get3A_806, %get3A_807] {strides = array<i32>} : memref<200x128xf32, #tpu.memory_space<vmem>>, vector<1x16xf32>,
        %get3A_809 = vector.shape_cast %get3A_808 : vector<1x16xf32> to vector<16xf32>
        %add3A_810 = arith.addf %mul3A_805, %get3A_809 : vector<16xf32>
        %swap3A_811 = arith.index_cast %scan3A_749 : i32 to index
        %swap3A_812 = arith.constant 48 : index
        %swap3A_813 = tpu.vector_load %arg8[%swap3A_811, %swap3A_812] {strides = array<i32>} : memref<200x128xf32, #tpu.memory_space<vmem>>, vector<1x16xf32>,
        %swap3A_814 = vector.shape_cast %swap3A_813 : vector<1x16xf32> to vector<16xf32>
        %swap3A_815 = vector.shape_cast %add3A_810 : vector<16xf32> to vector<1x16xf32>
        tpu.vector_store %arg8[%swap3A_811, %swap3A_812], %swap3A_815 {strides = array<i32>} : memref<200x128xf32, #tpu.memory_space<vmem>>, vector<1x16xf32>,
        %get3A_816 = arith.index_cast %scan3A_749 : i32 to index
        %get3A_817 = arith.constant 64 : index
        %get3A_818 = tpu.vector_load %arg8[%get3A_816, %get3A_817] {strides = array<i32>} : memref<200x128xf32, #tpu.memory_space<vmem>>, vector<1x16xf32>,
        %get3A_819 = vector.shape_cast %get3A_818 : vector<1x16xf32> to vector<16xf32>
        %mul3A_820 = arith.constant 11.3137083 : f32
        %mul3A_821 = vector.broadcast %mul3A_820 : f32 to vector<16xf32>
        %mul3A_822 = arith.mulf %get3A_819, %mul3A_821 : vector<16xf32>
        %get3A_823 = arith.index_cast %scan3A_749 : i32 to index
        %get3A_824 = arith.constant 64 : index
        %get3A_825 = tpu.vector_load %arg10[%get3A_823, %get3A_824] {strides = array<i32>} : memref<200x128xf32, #tpu.memory_space<vmem>>, vector<1x16xf32>,
        %get3A_826 = vector.shape_cast %get3A_825 : vector<1x16xf32> to vector<16xf32>
        %add3A_827 = arith.addf %mul3A_822, %get3A_826 : vector<16xf32>
        %swap3A_828 = arith.index_cast %scan3A_749 : i32 to index
        %swap3A_829 = arith.constant 64 : index
        %swap3A_830 = tpu.vector_load %arg8[%swap3A_828, %swap3A_829] {strides = array<i32>} : memref<200x128xf32, #tpu.memory_space<vmem>>, vector<1x16xf32>,
        %swap3A_831 = vector.shape_cast %swap3A_830 : vector<1x16xf32> to vector<16xf32>
        %swap3A_832 = vector.shape_cast %add3A_827 : vector<16xf32> to vector<1x16xf32>
        tpu.vector_store %arg8[%swap3A_828, %swap3A_829], %swap3A_832 {strides = array<i32>} : memref<200x128xf32, #tpu.memory_space<vmem>>, vector<1x16xf32>,
        %get3A_833 = arith.index_cast %scan3A_749 : i32 to index
        %get3A_834 = arith.constant 80 : index
        %get3A_835 = tpu.vector_load %arg8[%get3A_833, %get3A_834] {strides = array<i32>} : memref<200x128xf32, #tpu.memory_space<vmem>>, vector<1x16xf32>,
        %get3A_836 = vector.shape_cast %get3A_835 : vector<1x16xf32> to vector<16xf32>
        %mul3A_837 = arith.constant 11.3137083 : f32
        %mul3A_838 = vector.broadcast %mul3A_837 : f32 to vector<16xf32>
        %mul3A_839 = arith.mulf %get3A_836, %mul3A_838 : vector<16xf32>
        %get3A_840 = arith.index_cast %scan3A_749 : i32 to index
        %get3A_841 = arith.constant 80 : index
        %get3A_842 = tpu.vector_load %arg10[%get3A_840, %get3A_841] {strides = array<i32>} : memref<200x128xf32, #tpu.memory_space<vmem>>, vector<1x16xf32>,
        %get3A_843 = vector.shape_cast %get3A_842 : vector<1x16xf32> to vector<16xf32>
        %add3A_844 = arith.addf %mul3A_839, %get3A_843 : vector<16xf32>
        %swap3A_845 = arith.index_cast %scan3A_749 : i32 to index
        %swap3A_846 = arith.constant 80 : index
        %swap3A_847 = tpu.vector_load %arg8[%swap3A_845, %swap3A_846] {strides = array<i32>} : memref<200x128xf32, #tpu.memory_space<vmem>>, vector<1x16xf32>,
        %swap3A_848 = vector.shape_cast %swap3A_847 : vector<1x16xf32> to vector<16xf32>
        %swap3A_849 = vector.shape_cast %add3A_844 : vector<16xf32> to vector<1x16xf32>
        tpu.vector_store %arg8[%swap3A_845, %swap3A_846], %swap3A_849 {strides = array<i32>} : memref<200x128xf32, #tpu.memory_space<vmem>>, vector<1x16xf32>,
        %get3A_850 = arith.index_cast %scan3A_749 : i32 to index
        %get3A_851 = arith.constant 96 : index
        %get3A_852 = tpu.vector_load %arg8[%get3A_850, %get3A_851] {strides = array<i32>} : memref<200x128xf32, #tpu.memory_space<vmem>>, vector<1x16xf32>,
        %get3A_853 = vector.shape_cast %get3A_852 : vector<1x16xf32> to vector<16xf32>
        %mul3A_854 = arith.constant 11.3137083 : f32
        %mul3A_855 = vector.broadcast %mul3A_854 : f32 to vector<16xf32>
        %mul3A_856 = arith.mulf %get3A_853, %mul3A_855 : vector<16xf32>
        %get3A_857 = arith.index_cast %scan3A_749 : i32 to index
        %get3A_858 = arith.constant 96 : index
        %get3A_859 = tpu.vector_load %arg10[%get3A_857, %get3A_858] {strides = array<i32>} : memref<200x128xf32, #tpu.memory_space<vmem>>, vector<1x16xf32>,
        %get3A_860 = vector.shape_cast %get3A_859 : vector<1x16xf32> to vector<16xf32>
        %add3A_861 = arith.addf %mul3A_856, %get3A_860 : vector<16xf32>
        %swap3A_862 = arith.index_cast %scan3A_749 : i32 to index
        %swap3A_863 = arith.constant 96 : index
        %swap3A_864 = tpu.vector_load %arg8[%swap3A_862, %swap3A_863] {strides = array<i32>} : memref<200x128xf32, #tpu.memory_space<vmem>>, vector<1x16xf32>,
        %swap3A_865 = vector.shape_cast %swap3A_864 : vector<1x16xf32> to vector<16xf32>
        %swap3A_866 = vector.shape_cast %add3A_861 : vector<16xf32> to vector<1x16xf32>
        tpu.vector_store %arg8[%swap3A_862, %swap3A_863], %swap3A_866 {strides = array<i32>} : memref<200x128xf32, #tpu.memory_space<vmem>>, vector<1x16xf32>,
        %get3A_867 = arith.index_cast %scan3A_749 : i32 to index
        %get3A_868 = arith.constant 112 : index
        %get3A_869 = tpu.vector_load %arg8[%get3A_867, %get3A_868] {strides = array<i32>} : memref<200x128xf32, #tpu.memory_space<vmem>>, vector<1x16xf32>,
        %get3A_870 = vector.shape_cast %get3A_869 : vector<1x16xf32> to vector<16xf32>
        %mul3A_871 = arith.constant 11.3137083 : f32
        %mul3A_872 = vector.broadcast %mul3A_871 : f32 to vector<16xf32>
        %mul3A_873 = arith.mulf %get3A_870, %mul3A_872 : vector<16xf32>
        %get3A_874 = arith.index_cast %scan3A_749 : i32 to index
        %get3A_875 = arith.constant 112 : index
        %get3A_876 = tpu.vector_load %arg10[%get3A_874, %get3A_875] {strides = array<i32>} : memref<200x128xf32, #tpu.memory_space<vmem>>, vector<1x16xf32>,
        %get3A_877 = vector.shape_cast %get3A_876 : vector<1x16xf32> to vector<16xf32>
        %add3A_878 = arith.addf %mul3A_873, %get3A_877 : vector<16xf32>
        %swap3A_879 = arith.index_cast %scan3A_749 : i32 to index
        %swap3A_880 = arith.constant 112 : index
        %swap3A_881 = tpu.vector_load %arg8[%swap3A_879, %swap3A_880] {strides = array<i32>} : memref<200x128xf32, #tpu.memory_space<vmem>>, vector<1x16xf32>,
        %swap3A_882 = vector.shape_cast %swap3A_881 : vector<1x16xf32> to vector<16xf32>
        %swap3A_883 = vector.shape_cast %add3A_878 : vector<16xf32> to vector<1x16xf32>
        tpu.vector_store %arg8[%swap3A_879, %swap3A_880], %swap3A_883 {strides = array<i32>} : memref<200x128xf32, #tpu.memory_space<vmem>>, vector<1x16xf32>,
      }
      %scan3A_576 = arith.constant 96 : i32
      %add3A_577 = arith.addi %mul3A_2, %add3A_560 : i32
      %mul3A_578 = arith.constant 200 : i32
      %mul3A_579 = arith.muli %add3A_577, %mul3A_578 : i32
      %dma_start3A_580 = arith.constant 0 : i32
      %dma_start3A_581 = arith.constant 0 : i32
      %dma_start3A_582 = tpu.memref_slice %arg8[%dma_start3A_580, %dma_start3A_581] : memref<200x128xf32, #tpu.memory_space<vmem>> -> memref<96x128xf32, #tpu.memory_space<vmem>>
      %dma_start3A_583 = arith.constant 0 : i32
      %dma_start3A_584 = tpu.memref_slice %arg5[%mul3A_579, %dma_start3A_583] : memref<204800x128xf32, #tpu.memory_space<hbm>> -> memref<96x128xf32, #tpu.memory_space<hbm>>
      %dma_start3A_585 = arith.constant 0 : i32
      %dma_start3A_586 = tpu.memref_slice %arg5[%mul3A_579, %dma_start3A_585] : memref<204800x128xf32, #tpu.memory_space<hbm>> -> memref<96x128xf32, #tpu.memory_space<hbm>>
      %dma_start3A_587 = arith.constant 0 : i32
      %dma_start3A_588 = arith.constant 0 : i32
      %dma_start3A_589 = tpu.memref_slice %arg8[%dma_start3A_587, %dma_start3A_588] : memref<200x128xf32, #tpu.memory_space<vmem>> -> memref<96x128xf32, #tpu.memory_space<vmem>>
      tpu.enqueue_dma source(%dma_start3A_589 : memref<96x128xf32, #tpu.memory_space<vmem>>) target(%dma_start3A_586 : memref<96x128xf32, #tpu.memory_space<hbm>>) target_semaphore(%arg18 : memref<!tpu.dma_semaphore, #tpu.memory_space<semaphore_mem>>)
      %dma_wait3A_590 = arith.constant 0 : i32
      %dma_wait3A_591 = arith.constant 0 : i32
      %dma_wait3A_592 = tpu.memref_slice %arg5[%dma_wait3A_590, %dma_wait3A_591] : memref<204800x128xf32, #tpu.memory_space<hbm>> -> memref<200x128xf32, #tpu.memory_space<hbm>>
      %dma_wait3A_593 = arith.constant 0 : i32
      %dma_wait3A_594 = arith.constant 0 : i32
      %dma_wait3A_595 = tpu.memref_slice %arg5[%dma_wait3A_593, %dma_wait3A_594] : memref<204800x128xf32, #tpu.memory_space<hbm>> -> memref<200x128xf32, #tpu.memory_space<hbm>>
      tpu.wait_dma2 semaphore(%arg17 : memref<!tpu.dma_semaphore, #tpu.memory_space<semaphore_mem>>) src(%arg7 : memref<200x128xf32, #tpu.memory_space<vmem>>) dst(%dma_wait3A_595 : memref<200x128xf32, #tpu.memory_space<hbm>>)
      %add3A_596 = arith.constant 2 : i32
      %add3A_597 = arith.addi %add3A_560, %add3A_596 : i32
      %mul3A_598 = arith.constant 2 : i32
      %mul3A_599 = arith.muli %mul3A_598, %add3A_597 : i32
      %dma_start3A_600 = arith.constant 0 : i32
      %dma_start3A_601 = arith.constant 0 : i32
      %dma_start3A_602 = tpu.memref_slice %arg7[%dma_start3A_600, %dma_start3A_601] : memref<200x128xf32, #tpu.memory_space<vmem>> -> memref<100x128xf32, #tpu.memory_space<vmem>>
      %dma_start3A_603 = arith.constant 0 : i32
      %dma_start3A_604 = tpu.memref_slice %arg6[%mul3A_599, %dma_start3A_603] : memref<64x100xi32, #tpu.memory_space<vmem>> -> memref<1x100xi32, #tpu.memory_space<vmem>>
      %dma_start3A_605 = tpu.memref_squeeze %dma_start3A_604 : memref<1x100xi32, #tpu.memory_space<vmem>> -> memref<100xi32, #tpu.memory_space<vmem>>
      %dma_start3A_606 = arith.constant 0 : i32
      %dma_start3A_607 = arith.constant 0 : i32
      %dma_start3A_608 = tpu.memref_slice %arg3[%dma_start3A_606, %dma_start3A_607] : memref<100000x128xf32, #tpu.memory_space<hbm>> -> memref<100000x128xf32, #tpu.memory_space<hbm>>
      tpu.enqueue_indirect_dma source(%dma_start3A_608 : memref<100000x128xf32, #tpu.memory_space<hbm>>) target(%dma_start3A_602 : memref<100x128xf32, #tpu.memory_space<vmem>>) offsets(%dma_start3A_605 : memref<100xi32, #tpu.memory_space<vmem>>) semaphore(%arg11 : memref<!tpu.dma_semaphore, #tpu.memory_space<semaphore_mem>>)
      %mul3A_609 = arith.constant 2 : i32
      %mul3A_610 = arith.muli %mul3A_609, %add3A_597 : i32
      %add3A_611 = arith.constant 1 : i32
      %add3A_612 = arith.addi %mul3A_610, %add3A_611 : i32
      %dma_start3A_613 = arith.constant 100 : i32
      %dma_start3A_614 = arith.constant 0 : i32
      %dma_start3A_615 = tpu.memref_slice %arg7[%dma_start3A_613, %dma_start3A_614] : memref<200x128xf32, #tpu.memory_space<vmem>> -> memref<100x128xf32, #tpu.memory_space<vmem>>
      %dma_start3A_616 = arith.constant 0 : i32
      %dma_start3A_617 = tpu.memref_slice %arg6[%add3A_612, %dma_start3A_616] : memref<64x100xi32, #tpu.memory_space<vmem>> -> memref<1x100xi32, #tpu.memory_space<vmem>>
      %dma_start3A_618 = tpu.memref_squeeze %dma_start3A_617 : memref<1x100xi32, #tpu.memory_space<vmem>> -> memref<100xi32, #tpu.memory_space<vmem>>
      %dma_start3A_619 = arith.constant 0 : i32
      %dma_start3A_620 = arith.constant 0 : i32
      %dma_start3A_621 = tpu.memref_slice %arg3[%dma_start3A_619, %dma_start3A_620] : memref<100000x128xf32, #tpu.memory_space<hbm>> -> memref<100000x128xf32, #tpu.memory_space<hbm>>
      tpu.enqueue_indirect_dma source(%dma_start3A_621 : memref<100000x128xf32, #tpu.memory_space<hbm>>) target(%dma_start3A_615 : memref<100x128xf32, #tpu.memory_space<vmem>>) offsets(%dma_start3A_618 : memref<100xi32, #tpu.memory_space<vmem>>) semaphore(%arg12 : memref<!tpu.dma_semaphore, #tpu.memory_space<semaphore_mem>>)
      %dma_wait3A_622 = arith.constant 0 : i32
      %dma_wait3A_623 = arith.constant 100 : i32
      %dma_wait3A_624 = arith.constant 0 : i32
      %dma_wait3A_625 = tpu.memref_slice %arg8[%dma_wait3A_623, %dma_wait3A_624] : memref<200x128xf32, #tpu.memory_space<vmem>> -> memref<100x128xf32, #tpu.memory_space<vmem>>
      %dma_wait3A_626 = arith.constant 0 : i32
      %dma_wait3A_627 = tpu.memref_slice %arg6[%dma_wait3A_622, %dma_wait3A_626] : memref<64x100xi32, #tpu.memory_space<vmem>> -> memref<1x100xi32, #tpu.memory_space<vmem>>
      %dma_wait3A_628 = tpu.memref_squeeze %dma_wait3A_627 : memref<1x100xi32, #tpu.memory_space<vmem>> -> memref<100xi32, #tpu.memory_space<vmem>>
      %dma_wait3A_629 = arith.constant 0 : i32
      %dma_wait3A_630 = arith.constant 0 : i32
      %dma_wait3A_631 = tpu.memref_slice %arg3[%dma_wait3A_629, %dma_wait3A_630] : memref<100000x128xf32, #tpu.memory_space<hbm>> -> memref<100000x128xf32, #tpu.memory_space<hbm>>
      tpu.wait_indirect_dma semaphore(%arg14 : memref<!tpu.dma_semaphore, #tpu.memory_space<semaphore_mem>>) src(%dma_wait3A_631 : memref<100000x128xf32, #tpu.memory_space<hbm>>) dst(%dma_wait3A_625 : memref<100x128xf32, #tpu.memory_space<vmem>>)
      %scan3A_632 = arith.constant 0 : i32
      %scan3A_633 = arith.constant 96 : i32
      %scan3A_634 = arith.constant 104 : i32
      %scan3A_635 = arith.addi %scan3A_633, %scan3A_634 : i32
      %scan3A_636 = arith.constant 1 : i32
      scf.for %scan3A_749 = %scan3A_633 to %scan3A_635 step %scan3A_636  : i32 {
        %get3A = arith.index_cast %scan3A_749 : i32 to index
        %get3A_750 = arith.constant 0 : index
        %get3A_751 = tpu.vector_load %arg8[%get3A, %get3A_750] {strides = array<i32>} : memref<200x128xf32, #tpu.memory_space<vmem>>, vector<1x16xf32>,
        %get3A_752 = vector.shape_cast %get3A_751 : vector<1x16xf32> to vector<16xf32>
        %mul3A_753 = arith.constant 11.3137083 : f32
        %mul3A_754 = vector.broadcast %mul3A_753 : f32 to vector<16xf32>
        %mul3A_755 = arith.mulf %get3A_752, %mul3A_754 : vector<16xf32>
        %get3A_756 = arith.index_cast %scan3A_749 : i32 to index
        %get3A_757 = arith.constant 0 : index
        %get3A_758 = tpu.vector_load %arg10[%get3A_756, %get3A_757] {strides = array<i32>} : memref<200x128xf32, #tpu.memory_space<vmem>>, vector<1x16xf32>,
        %get3A_759 = vector.shape_cast %get3A_758 : vector<1x16xf32> to vector<16xf32>
        %add3A_760 = arith.addf %mul3A_755, %get3A_759 : vector<16xf32>
        %swap3A = arith.index_cast %scan3A_749 : i32 to index
        %swap3A_761 = arith.constant 0 : index
        %swap3A_762 = tpu.vector_load %arg8[%swap3A, %swap3A_761] {strides = array<i32>} : memref<200x128xf32, #tpu.memory_space<vmem>>, vector<1x16xf32>,
        %swap3A_763 = vector.shape_cast %swap3A_762 : vector<1x16xf32> to vector<16xf32>
        %swap3A_764 = vector.shape_cast %add3A_760 : vector<16xf32> to vector<1x16xf32>
        tpu.vector_store %arg8[%swap3A, %swap3A_761], %swap3A_764 {strides = array<i32>} : memref<200x128xf32, #tpu.memory_space<vmem>>, vector<1x16xf32>,
        %get3A_765 = arith.index_cast %scan3A_749 : i32 to index
        %get3A_766 = arith.constant 16 : index
        %get3A_767 = tpu.vector_load %arg8[%get3A_765, %get3A_766] {strides = array<i32>} : memref<200x128xf32, #tpu.memory_space<vmem>>, vector<1x16xf32>,
        %get3A_768 = vector.shape_cast %get3A_767 : vector<1x16xf32> to vector<16xf32>
        %mul3A_769 = arith.constant 11.3137083 : f32
        %mul3A_770 = vector.broadcast %mul3A_769 : f32 to vector<16xf32>
        %mul3A_771 = arith.mulf %get3A_768, %mul3A_770 : vector<16xf32>
        %get3A_772 = arith.index_cast %scan3A_749 : i32 to index
        %get3A_773 = arith.constant 16 : index
        %get3A_774 = tpu.vector_load %arg10[%get3A_772, %get3A_773] {strides = array<i32>} : memref<200x128xf32, #tpu.memory_space<vmem>>, vector<1x16xf32>,
        %get3A_775 = vector.shape_cast %get3A_774 : vector<1x16xf32> to vector<16xf32>
        %add3A_776 = arith.addf %mul3A_771, %get3A_775 : vector<16xf32>
        %swap3A_777 = arith.index_cast %scan3A_749 : i32 to index
        %swap3A_778 = arith.constant 16 : index
        %swap3A_779 = tpu.vector_load %arg8[%swap3A_777, %swap3A_778] {strides = array<i32>} : memref<200x128xf32, #tpu.memory_space<vmem>>, vector<1x16xf32>,
        %swap3A_780 = vector.shape_cast %swap3A_779 : vector<1x16xf32> to vector<16xf32>
        %swap3A_781 = vector.shape_cast %add3A_776 : vector<16xf32> to vector<1x16xf32>
        tpu.vector_store %arg8[%swap3A_777, %swap3A_778], %swap3A_781 {strides = array<i32>} : memref<200x128xf32, #tpu.memory_space<vmem>>, vector<1x16xf32>,
        %get3A_782 = arith.index_cast %scan3A_749 : i32 to index
        %get3A_783 = arith.constant 32 : index
        %get3A_784 = tpu.vector_load %arg8[%get3A_782, %get3A_783] {strides = array<i32>} : memref<200x128xf32, #tpu.memory_space<vmem>>, vector<1x16xf32>,
        %get3A_785 = vector.shape_cast %get3A_784 : vector<1x16xf32> to vector<16xf32>
        %mul3A_786 = arith.constant 11.3137083 : f32
        %mul3A_787 = vector.broadcast %mul3A_786 : f32 to vector<16xf32>
        %mul3A_788 = arith.mulf %get3A_785, %mul3A_787 : vector<16xf32>
        %get3A_789 = arith.index_cast %scan3A_749 : i32 to index
        %get3A_790 = arith.constant 32 : index
        %get3A_791 = tpu.vector_load %arg10[%get3A_789, %get3A_790] {strides = array<i32>} : memref<200x128xf32, #tpu.memory_space<vmem>>, vector<1x16xf32>,
        %get3A_792 = vector.shape_cast %get3A_791 : vector<1x16xf32> to vector<16xf32>
        %add3A_793 = arith.addf %mul3A_788, %get3A_792 : vector<16xf32>
        %swap3A_794 = arith.index_cast %scan3A_749 : i32 to index
        %swap3A_795 = arith.constant 32 : index
        %swap3A_796 = tpu.vector_load %arg8[%swap3A_794, %swap3A_795] {strides = array<i32>} : memref<200x128xf32, #tpu.memory_space<vmem>>, vector<1x16xf32>,
        %swap3A_797 = vector.shape_cast %swap3A_796 : vector<1x16xf32> to vector<16xf32>
        %swap3A_798 = vector.shape_cast %add3A_793 : vector<16xf32> to vector<1x16xf32>
        tpu.vector_store %arg8[%swap3A_794, %swap3A_795], %swap3A_798 {strides = array<i32>} : memref<200x128xf32, #tpu.memory_space<vmem>>, vector<1x16xf32>,
        %get3A_799 = arith.index_cast %scan3A_749 : i32 to index
        %get3A_800 = arith.constant 48 : index
        %get3A_801 = tpu.vector_load %arg8[%get3A_799, %get3A_800] {strides = array<i32>} : memref<200x128xf32, #tpu.memory_space<vmem>>, vector<1x16xf32>,
        %get3A_802 = vector.shape_cast %get3A_801 : vector<1x16xf32> to vector<16xf32>
        %mul3A_803 = arith.constant 11.3137083 : f32
        %mul3A_804 = vector.broadcast %mul3A_803 : f32 to vector<16xf32>
        %mul3A_805 = arith.mulf %get3A_802, %mul3A_804 : vector<16xf32>
        %get3A_806 = arith.index_cast %scan3A_749 : i32 to index
        %get3A_807 = arith.constant 48 : index
        %get3A_808 = tpu.vector_load %arg10[%get3A_806, %get3A_807] {strides = array<i32>} : memref<200x128xf32, #tpu.memory_space<vmem>>, vector<1x16xf32>,
        %get3A_809 = vector.shape_cast %get3A_808 : vector<1x16xf32> to vector<16xf32>
        %add3A_810 = arith.addf %mul3A_805, %get3A_809 : vector<16xf32>
        %swap3A_811 = arith.index_cast %scan3A_749 : i32 to index
        %swap3A_812 = arith.constant 48 : index
        %swap3A_813 = tpu.vector_load %arg8[%swap3A_811, %swap3A_812] {strides = array<i32>} : memref<200x128xf32, #tpu.memory_space<vmem>>, vector<1x16xf32>,
        %swap3A_814 = vector.shape_cast %swap3A_813 : vector<1x16xf32> to vector<16xf32>
        %swap3A_815 = vector.shape_cast %add3A_810 : vector<16xf32> to vector<1x16xf32>
        tpu.vector_store %arg8[%swap3A_811, %swap3A_812], %swap3A_815 {strides = array<i32>} : memref<200x128xf32, #tpu.memory_space<vmem>>, vector<1x16xf32>,
        %get3A_816 = arith.index_cast %scan3A_749 : i32 to index
        %get3A_817 = arith.constant 64 : index
        %get3A_818 = tpu.vector_load %arg8[%get3A_816, %get3A_817] {strides = array<i32>} : memref<200x128xf32, #tpu.memory_space<vmem>>, vector<1x16xf32>,
        %get3A_819 = vector.shape_cast %get3A_818 : vector<1x16xf32> to vector<16xf32>
        %mul3A_820 = arith.constant 11.3137083 : f32
        %mul3A_821 = vector.broadcast %mul3A_820 : f32 to vector<16xf32>
        %mul3A_822 = arith.mulf %get3A_819, %mul3A_821 : vector<16xf32>
        %get3A_823 = arith.index_cast %scan3A_749 : i32 to index
        %get3A_824 = arith.constant 64 : index
        %get3A_825 = tpu.vector_load %arg10[%get3A_823, %get3A_824] {strides = array<i32>} : memref<200x128xf32, #tpu.memory_space<vmem>>, vector<1x16xf32>,
        %get3A_826 = vector.shape_cast %get3A_825 : vector<1x16xf32> to vector<16xf32>
        %add3A_827 = arith.addf %mul3A_822, %get3A_826 : vector<16xf32>
        %swap3A_828 = arith.index_cast %scan3A_749 : i32 to index
        %swap3A_829 = arith.constant 64 : index
        %swap3A_830 = tpu.vector_load %arg8[%swap3A_828, %swap3A_829] {strides = array<i32>} : memref<200x128xf32, #tpu.memory_space<vmem>>, vector<1x16xf32>,
        %swap3A_831 = vector.shape_cast %swap3A_830 : vector<1x16xf32> to vector<16xf32>
        %swap3A_832 = vector.shape_cast %add3A_827 : vector<16xf32> to vector<1x16xf32>
        tpu.vector_store %arg8[%swap3A_828, %swap3A_829], %swap3A_832 {strides = array<i32>} : memref<200x128xf32, #tpu.memory_space<vmem>>, vector<1x16xf32>,
        %get3A_833 = arith.index_cast %scan3A_749 : i32 to index
        %get3A_834 = arith.constant 80 : index
        %get3A_835 = tpu.vector_load %arg8[%get3A_833, %get3A_834] {strides = array<i32>} : memref<200x128xf32, #tpu.memory_space<vmem>>, vector<1x16xf32>,
        %get3A_836 = vector.shape_cast %get3A_835 : vector<1x16xf32> to vector<16xf32>
        %mul3A_837 = arith.constant 11.3137083 : f32
        %mul3A_838 = vector.broadcast %mul3A_837 : f32 to vector<16xf32>
        %mul3A_839 = arith.mulf %get3A_836, %mul3A_838 : vector<16xf32>
        %get3A_840 = arith.index_cast %scan3A_749 : i32 to index
        %get3A_841 = arith.constant 80 : index
        %get3A_842 = tpu.vector_load %arg10[%get3A_840, %get3A_841] {strides = array<i32>} : memref<200x128xf32, #tpu.memory_space<vmem>>, vector<1x16xf32>,
        %get3A_843 = vector.shape_cast %get3A_842 : vector<1x16xf32> to vector<16xf32>
        %add3A_844 = arith.addf %mul3A_839, %get3A_843 : vector<16xf32>
        %swap3A_845 = arith.index_cast %scan3A_749 : i32 to index
        %swap3A_846 = arith.constant 80 : index
        %swap3A_847 = tpu.vector_load %arg8[%swap3A_845, %swap3A_846] {strides = array<i32>} : memref<200x128xf32, #tpu.memory_space<vmem>>, vector<1x16xf32>,
        %swap3A_848 = vector.shape_cast %swap3A_847 : vector<1x16xf32> to vector<16xf32>
        %swap3A_849 = vector.shape_cast %add3A_844 : vector<16xf32> to vector<1x16xf32>
        tpu.vector_store %arg8[%swap3A_845, %swap3A_846], %swap3A_849 {strides = array<i32>} : memref<200x128xf32, #tpu.memory_space<vmem>>, vector<1x16xf32>,
        %get3A_850 = arith.index_cast %scan3A_749 : i32 to index
        %get3A_851 = arith.constant 96 : index
        %get3A_852 = tpu.vector_load %arg8[%get3A_850, %get3A_851] {strides = array<i32>} : memref<200x128xf32, #tpu.memory_space<vmem>>, vector<1x16xf32>,
        %get3A_853 = vector.shape_cast %get3A_852 : vector<1x16xf32> to vector<16xf32>
        %mul3A_854 = arith.constant 11.3137083 : f32
        %mul3A_855 = vector.broadcast %mul3A_854 : f32 to vector<16xf32>
        %mul3A_856 = arith.mulf %get3A_853, %mul3A_855 : vector<16xf32>
        %get3A_857 = arith.index_cast %scan3A_749 : i32 to index
        %get3A_858 = arith.constant 96 : index
        %get3A_859 = tpu.vector_load %arg10[%get3A_857, %get3A_858] {strides = array<i32>} : memref<200x128xf32, #tpu.memory_space<vmem>>, vector<1x16xf32>,
        %get3A_860 = vector.shape_cast %get3A_859 : vector<1x16xf32> to vector<16xf32>
        %add3A_861 = arith.addf %mul3A_856, %get3A_860 : vector<16xf32>
        %swap3A_862 = arith.index_cast %scan3A_749 : i32 to index
        %swap3A_863 = arith.constant 96 : index
        %swap3A_864 = tpu.vector_load %arg8[%swap3A_862, %swap3A_863] {strides = array<i32>} : memref<200x128xf32, #tpu.memory_space<vmem>>, vector<1x16xf32>,
        %swap3A_865 = vector.shape_cast %swap3A_864 : vector<1x16xf32> to vector<16xf32>
        %swap3A_866 = vector.shape_cast %add3A_861 : vector<16xf32> to vector<1x16xf32>
        tpu.vector_store %arg8[%swap3A_862, %swap3A_863], %swap3A_866 {strides = array<i32>} : memref<200x128xf32, #tpu.memory_space<vmem>>, vector<1x16xf32>,
        %get3A_867 = arith.index_cast %scan3A_749 : i32 to index
        %get3A_868 = arith.constant 112 : index
        %get3A_869 = tpu.vector_load %arg8[%get3A_867, %get3A_868] {strides = array<i32>} : memref<200x128xf32, #tpu.memory_space<vmem>>, vector<1x16xf32>,
        %get3A_870 = vector.shape_cast %get3A_869 : vector<1x16xf32> to vector<16xf32>
        %mul3A_871 = arith.constant 11.3137083 : f32
        %mul3A_872 = vector.broadcast %mul3A_871 : f32 to vector<16xf32>
        %mul3A_873 = arith.mulf %get3A_870, %mul3A_872 : vector<16xf32>
        %get3A_874 = arith.index_cast %scan3A_749 : i32 to index
        %get3A_875 = arith.constant 112 : index
        %get3A_876 = tpu.vector_load %arg10[%get3A_874, %get3A_875] {strides = array<i32>} : memref<200x128xf32, #tpu.memory_space<vmem>>, vector<1x16xf32>,
        %get3A_877 = vector.shape_cast %get3A_876 : vector<1x16xf32> to vector<16xf32>
        %add3A_878 = arith.addf %mul3A_873, %get3A_877 : vector<16xf32>
        %swap3A_879 = arith.index_cast %scan3A_749 : i32 to index
        %swap3A_880 = arith.constant 112 : index
        %swap3A_881 = tpu.vector_load %arg8[%swap3A_879, %swap3A_880] {strides = array<i32>} : memref<200x128xf32, #tpu.memory_space<vmem>>, vector<1x16xf32>,
        %swap3A_882 = vector.shape_cast %swap3A_881 : vector<1x16xf32> to vector<16xf32>
        %swap3A_883 = vector.shape_cast %add3A_878 : vector<16xf32> to vector<1x16xf32>
        tpu.vector_store %arg8[%swap3A_879, %swap3A_880], %swap3A_883 {strides = array<i32>} : memref<200x128xf32, #tpu.memory_space<vmem>>, vector<1x16xf32>,
      }
      %scan3A_637 = arith.constant 104 : i32
      %add3A_638 = arith.addi %mul3A_2, %add3A_560 : i32
      %mul3A_639 = arith.constant 200 : i32
      %mul3A_640 = arith.muli %add3A_638, %mul3A_639 : i32
      %add3A_641 = arith.constant 96 : i32
      %add3A_642 = arith.addi %mul3A_640, %add3A_641 : i32
      %dma_start3A_643 = arith.constant 96 : i32
      %dma_start3A_644 = arith.constant 0 : i32
      %dma_start3A_645 = tpu.memref_slice %arg8[%dma_start3A_643, %dma_start3A_644] : memref<200x128xf32, #tpu.memory_space<vmem>> -> memref<104x128xf32, #tpu.memory_space<vmem>>
      %dma_start3A_646 = arith.constant 0 : i32
      %dma_start3A_647 = tpu.memref_slice %arg5[%add3A_642, %dma_start3A_646] : memref<204800x128xf32, #tpu.memory_space<hbm>> -> memref<104x128xf32, #tpu.memory_space<hbm>>
      %dma_start3A_648 = arith.constant 0 : i32
      %dma_start3A_649 = tpu.memref_slice %arg5[%add3A_642, %dma_start3A_648] : memref<204800x128xf32, #tpu.memory_space<hbm>> -> memref<104x128xf32, #tpu.memory_space<hbm>>
      %dma_start3A_650 = arith.constant 96 : i32
      %dma_start3A_651 = arith.constant 0 : i32
      %dma_start3A_652 = tpu.memref_slice %arg8[%dma_start3A_650, %dma_start3A_651] : memref<200x128xf32, #tpu.memory_space<vmem>> -> memref<104x128xf32, #tpu.memory_space<vmem>>
      tpu.enqueue_dma source(%dma_start3A_652 : memref<104x128xf32, #tpu.memory_space<vmem>>) target(%dma_start3A_649 : memref<104x128xf32, #tpu.memory_space<hbm>>) target_semaphore(%arg18 : memref<!tpu.dma_semaphore, #tpu.memory_space<semaphore_mem>>)
      %mul3A_653 = arith.constant 3 : i32
      %mul3A_654 = arith.muli %mul3A_653, %scan3A_460 : i32
      %add3A_655 = arith.constant 2 : i32
      %add3A_656 = arith.addi %mul3A_654, %add3A_655 : i32
      %dma_wait3A_657 = arith.constant 0 : i32
      %dma_wait3A_658 = arith.constant 0 : i32
      %dma_wait3A_659 = arith.constant 0 : i32
      %dma_wait3A_660 = tpu.memref_slice %arg9[%dma_wait3A_658, %dma_wait3A_659] : memref<200x128xf32, #tpu.memory_space<vmem>> -> memref<100x128xf32, #tpu.memory_space<vmem>>
      %dma_wait3A_661 = arith.constant 0 : i32
      %dma_wait3A_662 = tpu.memref_slice %arg6[%dma_wait3A_657, %dma_wait3A_661] : memref<64x100xi32, #tpu.memory_space<vmem>> -> memref<1x100xi32, #tpu.memory_space<vmem>>
      %dma_wait3A_663 = tpu.memref_squeeze %dma_wait3A_662 : memref<1x100xi32, #tpu.memory_space<vmem>> -> memref<100xi32, #tpu.memory_space<vmem>>
      %dma_wait3A_664 = arith.constant 0 : i32
      %dma_wait3A_665 = arith.constant 0 : i32
      %dma_wait3A_666 = tpu.memref_slice %arg3[%dma_wait3A_664, %dma_wait3A_665] : memref<100000x128xf32, #tpu.memory_space<hbm>> -> memref<100000x128xf32, #tpu.memory_space<hbm>>
      tpu.wait_indirect_dma semaphore(%arg15 : memref<!tpu.dma_semaphore, #tpu.memory_space<semaphore_mem>>) src(%dma_wait3A_666 : memref<100000x128xf32, #tpu.memory_space<hbm>>) dst(%dma_wait3A_660 : memref<100x128xf32, #tpu.memory_space<vmem>>)
      %scan3A_667 = arith.constant 0 : i32
      %scan3A_668 = arith.constant 0 : i32
      %scan3A_669 = arith.constant 96 : i32
      %scan3A_670 = arith.addi %scan3A_668, %scan3A_669 : i32
      %scan3A_671 = arith.constant 1 : i32
      scf.for %scan3A_749 = %scan3A_668 to %scan3A_670 step %scan3A_671  : i32 {
        %get3A = arith.index_cast %scan3A_749 : i32 to index
        %get3A_750 = arith.constant 0 : index
        %get3A_751 = tpu.vector_load %arg9[%get3A, %get3A_750] {strides = array<i32>} : memref<200x128xf32, #tpu.memory_space<vmem>>, vector<1x16xf32>,
        %get3A_752 = vector.shape_cast %get3A_751 : vector<1x16xf32> to vector<16xf32>
        %mul3A_753 = arith.constant 11.3137083 : f32
        %mul3A_754 = vector.broadcast %mul3A_753 : f32 to vector<16xf32>
        %mul3A_755 = arith.mulf %get3A_752, %mul3A_754 : vector<16xf32>
        %get3A_756 = arith.index_cast %scan3A_749 : i32 to index
        %get3A_757 = arith.constant 0 : index
        %get3A_758 = tpu.vector_load %arg10[%get3A_756, %get3A_757] {strides = array<i32>} : memref<200x128xf32, #tpu.memory_space<vmem>>, vector<1x16xf32>,
        %get3A_759 = vector.shape_cast %get3A_758 : vector<1x16xf32> to vector<16xf32>
        %add3A_760 = arith.addf %mul3A_755, %get3A_759 : vector<16xf32>
        %swap3A = arith.index_cast %scan3A_749 : i32 to index
        %swap3A_761 = arith.constant 0 : index
        %swap3A_762 = tpu.vector_load %arg9[%swap3A, %swap3A_761] {strides = array<i32>} : memref<200x128xf32, #tpu.memory_space<vmem>>, vector<1x16xf32>,
        %swap3A_763 = vector.shape_cast %swap3A_762 : vector<1x16xf32> to vector<16xf32>
        %swap3A_764 = vector.shape_cast %add3A_760 : vector<16xf32> to vector<1x16xf32>
        tpu.vector_store %arg9[%swap3A, %swap3A_761], %swap3A_764 {strides = array<i32>} : memref<200x128xf32, #tpu.memory_space<vmem>>, vector<1x16xf32>,
        %get3A_765 = arith.index_cast %scan3A_749 : i32 to index
        %get3A_766 = arith.constant 16 : index
        %get3A_767 = tpu.vector_load %arg9[%get3A_765, %get3A_766] {strides = array<i32>} : memref<200x128xf32, #tpu.memory_space<vmem>>, vector<1x16xf32>,
        %get3A_768 = vector.shape_cast %get3A_767 : vector<1x16xf32> to vector<16xf32>
        %mul3A_769 = arith.constant 11.3137083 : f32
        %mul3A_770 = vector.broadcast %mul3A_769 : f32 to vector<16xf32>
        %mul3A_771 = arith.mulf %get3A_768, %mul3A_770 : vector<16xf32>
        %get3A_772 = arith.index_cast %scan3A_749 : i32 to index
        %get3A_773 = arith.constant 16 : index
        %get3A_774 = tpu.vector_load %arg10[%get3A_772, %get3A_773] {strides = array<i32>} : memref<200x128xf32, #tpu.memory_space<vmem>>, vector<1x16xf32>,
        %get3A_775 = vector.shape_cast %get3A_774 : vector<1x16xf32> to vector<16xf32>
        %add3A_776 = arith.addf %mul3A_771, %get3A_775 : vector<16xf32>
        %swap3A_777 = arith.index_cast %scan3A_749 : i32 to index
        %swap3A_778 = arith.constant 16 : index
        %swap3A_779 = tpu.vector_load %arg9[%swap3A_777, %swap3A_778] {strides = array<i32>} : memref<200x128xf32, #tpu.memory_space<vmem>>, vector<1x16xf32>,
        %swap3A_780 = vector.shape_cast %swap3A_779 : vector<1x16xf32> to vector<16xf32>
        %swap3A_781 = vector.shape_cast %add3A_776 : vector<16xf32> to vector<1x16xf32>
        tpu.vector_store %arg9[%swap3A_777, %swap3A_778], %swap3A_781 {strides = array<i32>} : memref<200x128xf32, #tpu.memory_space<vmem>>, vector<1x16xf32>,
        %get3A_782 = arith.index_cast %scan3A_749 : i32 to index
        %get3A_783 = arith.constant 32 : index
        %get3A_784 = tpu.vector_load %arg9[%get3A_782, %get3A_783] {strides = array<i32>} : memref<200x128xf32, #tpu.memory_space<vmem>>, vector<1x16xf32>,
        %get3A_785 = vector.shape_cast %get3A_784 : vector<1x16xf32> to vector<16xf32>
        %mul3A_786 = arith.constant 11.3137083 : f32
        %mul3A_787 = vector.broadcast %mul3A_786 : f32 to vector<16xf32>
        %mul3A_788 = arith.mulf %get3A_785, %mul3A_787 : vector<16xf32>
        %get3A_789 = arith.index_cast %scan3A_749 : i32 to index
        %get3A_790 = arith.constant 32 : index
        %get3A_791 = tpu.vector_load %arg10[%get3A_789, %get3A_790] {strides = array<i32>} : memref<200x128xf32, #tpu.memory_space<vmem>>, vector<1x16xf32>,
        %get3A_792 = vector.shape_cast %get3A_791 : vector<1x16xf32> to vector<16xf32>
        %add3A_793 = arith.addf %mul3A_788, %get3A_792 : vector<16xf32>
        %swap3A_794 = arith.index_cast %scan3A_749 : i32 to index
        %swap3A_795 = arith.constant 32 : index
        %swap3A_796 = tpu.vector_load %arg9[%swap3A_794, %swap3A_795] {strides = array<i32>} : memref<200x128xf32, #tpu.memory_space<vmem>>, vector<1x16xf32>,
        %swap3A_797 = vector.shape_cast %swap3A_796 : vector<1x16xf32> to vector<16xf32>
        %swap3A_798 = vector.shape_cast %add3A_793 : vector<16xf32> to vector<1x16xf32>
        tpu.vector_store %arg9[%swap3A_794, %swap3A_795], %swap3A_798 {strides = array<i32>} : memref<200x128xf32, #tpu.memory_space<vmem>>, vector<1x16xf32>,
        %get3A_799 = arith.index_cast %scan3A_749 : i32 to index
        %get3A_800 = arith.constant 48 : index
        %get3A_801 = tpu.vector_load %arg9[%get3A_799, %get3A_800] {strides = array<i32>} : memref<200x128xf32, #tpu.memory_space<vmem>>, vector<1x16xf32>,
        %get3A_802 = vector.shape_cast %get3A_801 : vector<1x16xf32> to vector<16xf32>
        %mul3A_803 = arith.constant 11.3137083 : f32
        %mul3A_804 = vector.broadcast %mul3A_803 : f32 to vector<16xf32>
        %mul3A_805 = arith.mulf %get3A_802, %mul3A_804 : vector<16xf32>
        %get3A_806 = arith.index_cast %scan3A_749 : i32 to index
        %get3A_807 = arith.constant 48 : index
        %get3A_808 = tpu.vector_load %arg10[%get3A_806, %get3A_807] {strides = array<i32>} : memref<200x128xf32, #tpu.memory_space<vmem>>, vector<1x16xf32>,
        %get3A_809 = vector.shape_cast %get3A_808 : vector<1x16xf32> to vector<16xf32>
        %add3A_810 = arith.addf %mul3A_805, %get3A_809 : vector<16xf32>
        %swap3A_811 = arith.index_cast %scan3A_749 : i32 to index
        %swap3A_812 = arith.constant 48 : index
        %swap3A_813 = tpu.vector_load %arg9[%swap3A_811, %swap3A_812] {strides = array<i32>} : memref<200x128xf32, #tpu.memory_space<vmem>>, vector<1x16xf32>,
        %swap3A_814 = vector.shape_cast %swap3A_813 : vector<1x16xf32> to vector<16xf32>
        %swap3A_815 = vector.shape_cast %add3A_810 : vector<16xf32> to vector<1x16xf32>
        tpu.vector_store %arg9[%swap3A_811, %swap3A_812], %swap3A_815 {strides = array<i32>} : memref<200x128xf32, #tpu.memory_space<vmem>>, vector<1x16xf32>,
        %get3A_816 = arith.index_cast %scan3A_749 : i32 to index
        %get3A_817 = arith.constant 64 : index
        %get3A_818 = tpu.vector_load %arg9[%get3A_816, %get3A_817] {strides = array<i32>} : memref<200x128xf32, #tpu.memory_space<vmem>>, vector<1x16xf32>,
        %get3A_819 = vector.shape_cast %get3A_818 : vector<1x16xf32> to vector<16xf32>
        %mul3A_820 = arith.constant 11.3137083 : f32
        %mul3A_821 = vector.broadcast %mul3A_820 : f32 to vector<16xf32>
        %mul3A_822 = arith.mulf %get3A_819, %mul3A_821 : vector<16xf32>
        %get3A_823 = arith.index_cast %scan3A_749 : i32 to index
        %get3A_824 = arith.constant 64 : index
        %get3A_825 = tpu.vector_load %arg10[%get3A_823, %get3A_824] {strides = array<i32>} : memref<200x128xf32, #tpu.memory_space<vmem>>, vector<1x16xf32>,
        %get3A_826 = vector.shape_cast %get3A_825 : vector<1x16xf32> to vector<16xf32>
        %add3A_827 = arith.addf %mul3A_822, %get3A_826 : vector<16xf32>
        %swap3A_828 = arith.index_cast %scan3A_749 : i32 to index
        %swap3A_829 = arith.constant 64 : index
        %swap3A_830 = tpu.vector_load %arg9[%swap3A_828, %swap3A_829] {strides = array<i32>} : memref<200x128xf32, #tpu.memory_space<vmem>>, vector<1x16xf32>,
        %swap3A_831 = vector.shape_cast %swap3A_830 : vector<1x16xf32> to vector<16xf32>
        %swap3A_832 = vector.shape_cast %add3A_827 : vector<16xf32> to vector<1x16xf32>
        tpu.vector_store %arg9[%swap3A_828, %swap3A_829], %swap3A_832 {strides = array<i32>} : memref<200x128xf32, #tpu.memory_space<vmem>>, vector<1x16xf32>,
        %get3A_833 = arith.index_cast %scan3A_749 : i32 to index
        %get3A_834 = arith.constant 80 : index
        %get3A_835 = tpu.vector_load %arg9[%get3A_833, %get3A_834] {strides = array<i32>} : memref<200x128xf32, #tpu.memory_space<vmem>>, vector<1x16xf32>,
        %get3A_836 = vector.shape_cast %get3A_835 : vector<1x16xf32> to vector<16xf32>
        %mul3A_837 = arith.constant 11.3137083 : f32
        %mul3A_838 = vector.broadcast %mul3A_837 : f32 to vector<16xf32>
        %mul3A_839 = arith.mulf %get3A_836, %mul3A_838 : vector<16xf32>
        %get3A_840 = arith.index_cast %scan3A_749 : i32 to index
        %get3A_841 = arith.constant 80 : index
        %get3A_842 = tpu.vector_load %arg10[%get3A_840, %get3A_841] {strides = array<i32>} : memref<200x128xf32, #tpu.memory_space<vmem>>, vector<1x16xf32>,
        %get3A_843 = vector.shape_cast %get3A_842 : vector<1x16xf32> to vector<16xf32>
        %add3A_844 = arith.addf %mul3A_839, %get3A_843 : vector<16xf32>
        %swap3A_845 = arith.index_cast %scan3A_749 : i32 to index
        %swap3A_846 = arith.constant 80 : index
        %swap3A_847 = tpu.vector_load %arg9[%swap3A_845, %swap3A_846] {strides = array<i32>} : memref<200x128xf32, #tpu.memory_space<vmem>>, vector<1x16xf32>,
        %swap3A_848 = vector.shape_cast %swap3A_847 : vector<1x16xf32> to vector<16xf32>
        %swap3A_849 = vector.shape_cast %add3A_844 : vector<16xf32> to vector<1x16xf32>
        tpu.vector_store %arg9[%swap3A_845, %swap3A_846], %swap3A_849 {strides = array<i32>} : memref<200x128xf32, #tpu.memory_space<vmem>>, vector<1x16xf32>,
        %get3A_850 = arith.index_cast %scan3A_749 : i32 to index
        %get3A_851 = arith.constant 96 : index
        %get3A_852 = tpu.vector_load %arg9[%get3A_850, %get3A_851] {strides = array<i32>} : memref<200x128xf32, #tpu.memory_space<vmem>>, vector<1x16xf32>,
        %get3A_853 = vector.shape_cast %get3A_852 : vector<1x16xf32> to vector<16xf32>
        %mul3A_854 = arith.constant 11.3137083 : f32
        %mul3A_855 = vector.broadcast %mul3A_854 : f32 to vector<16xf32>
        %mul3A_856 = arith.mulf %get3A_853, %mul3A_855 : vector<16xf32>
        %get3A_857 = arith.index_cast %scan3A_749 : i32 to index
        %get3A_858 = arith.constant 96 : index
        %get3A_859 = tpu.vector_load %arg10[%get3A_857, %get3A_858] {strides = array<i32>} : memref<200x128xf32, #tpu.memory_space<vmem>>, vector<1x16xf32>,
        %get3A_860 = vector.shape_cast %get3A_859 : vector<1x16xf32> to vector<16xf32>
        %add3A_861 = arith.addf %mul3A_856, %get3A_860 : vector<16xf32>
        %swap3A_862 = arith.index_cast %scan3A_749 : i32 to index
        %swap3A_863 = arith.constant 96 : index
        %swap3A_864 = tpu.vector_load %arg9[%swap3A_862, %swap3A_863] {strides = array<i32>} : memref<200x128xf32, #tpu.memory_space<vmem>>, vector<1x16xf32>,
        %swap3A_865 = vector.shape_cast %swap3A_864 : vector<1x16xf32> to vector<16xf32>
        %swap3A_866 = vector.shape_cast %add3A_861 : vector<16xf32> to vector<1x16xf32>
        tpu.vector_store %arg9[%swap3A_862, %swap3A_863], %swap3A_866 {strides = array<i32>} : memref<200x128xf32, #tpu.memory_space<vmem>>, vector<1x16xf32>,
        %get3A_867 = arith.index_cast %scan3A_749 : i32 to index
        %get3A_868 = arith.constant 112 : index
        %get3A_869 = tpu.vector_load %arg9[%get3A_867, %get3A_868] {strides = array<i32>} : memref<200x128xf32, #tpu.memory_space<vmem>>, vector<1x16xf32>,
        %get3A_870 = vector.shape_cast %get3A_869 : vector<1x16xf32> to vector<16xf32>
        %mul3A_871 = arith.constant 11.3137083 : f32
        %mul3A_872 = vector.broadcast %mul3A_871 : f32 to vector<16xf32>
        %mul3A_873 = arith.mulf %get3A_870, %mul3A_872 : vector<16xf32>
        %get3A_874 = arith.index_cast %scan3A_749 : i32 to index
        %get3A_875 = arith.constant 112 : index
        %get3A_876 = tpu.vector_load %arg10[%get3A_874, %get3A_875] {strides = array<i32>} : memref<200x128xf32, #tpu.memory_space<vmem>>, vector<1x16xf32>,
        %get3A_877 = vector.shape_cast %get3A_876 : vector<1x16xf32> to vector<16xf32>
        %add3A_878 = arith.addf %mul3A_873, %get3A_877 : vector<16xf32>
        %swap3A_879 = arith.index_cast %scan3A_749 : i32 to index
        %swap3A_880 = arith.constant 112 : index
        %swap3A_881 = tpu.vector_load %arg9[%swap3A_879, %swap3A_880] {strides = array<i32>} : memref<200x128xf32, #tpu.memory_space<vmem>>, vector<1x16xf32>,
        %swap3A_882 = vector.shape_cast %swap3A_881 : vector<1x16xf32> to vector<16xf32>
        %swap3A_883 = vector.shape_cast %add3A_878 : vector<16xf32> to vector<1x16xf32>
        tpu.vector_store %arg9[%swap3A_879, %swap3A_880], %swap3A_883 {strides = array<i32>} : memref<200x128xf32, #tpu.memory_space<vmem>>, vector<1x16xf32>,
      }
      %scan3A_672 = arith.constant 96 : i32
      %add3A_673 = arith.addi %mul3A_2, %add3A_656 : i32
      %mul3A_674 = arith.constant 200 : i32
      %mul3A_675 = arith.muli %add3A_673, %mul3A_674 : i32
      %dma_start3A_676 = arith.constant 0 : i32
      %dma_start3A_677 = arith.constant 0 : i32
      %dma_start3A_678 = tpu.memref_slice %arg9[%dma_start3A_676, %dma_start3A_677] : memref<200x128xf32, #tpu.memory_space<vmem>> -> memref<96x128xf32, #tpu.memory_space<vmem>>
      %dma_start3A_679 = arith.constant 0 : i32
      %dma_start3A_680 = tpu.memref_slice %arg5[%mul3A_675, %dma_start3A_679] : memref<204800x128xf32, #tpu.memory_space<hbm>> -> memref<96x128xf32, #tpu.memory_space<hbm>>
      %dma_start3A_681 = arith.constant 0 : i32
      %dma_start3A_682 = tpu.memref_slice %arg5[%mul3A_675, %dma_start3A_681] : memref<204800x128xf32, #tpu.memory_space<hbm>> -> memref<96x128xf32, #tpu.memory_space<hbm>>
      %dma_start3A_683 = arith.constant 0 : i32
      %dma_start3A_684 = arith.constant 0 : i32
      %dma_start3A_685 = tpu.memref_slice %arg9[%dma_start3A_683, %dma_start3A_684] : memref<200x128xf32, #tpu.memory_space<vmem>> -> memref<96x128xf32, #tpu.memory_space<vmem>>
      tpu.enqueue_dma source(%dma_start3A_685 : memref<96x128xf32, #tpu.memory_space<vmem>>) target(%dma_start3A_682 : memref<96x128xf32, #tpu.memory_space<hbm>>) target_semaphore(%arg19 : memref<!tpu.dma_semaphore, #tpu.memory_space<semaphore_mem>>)
      %dma_wait3A_686 = arith.constant 0 : i32
      %dma_wait3A_687 = arith.constant 0 : i32
      %dma_wait3A_688 = tpu.memref_slice %arg5[%dma_wait3A_686, %dma_wait3A_687] : memref<204800x128xf32, #tpu.memory_space<hbm>> -> memref<200x128xf32, #tpu.memory_space<hbm>>
      %dma_wait3A_689 = arith.constant 0 : i32
      %dma_wait3A_690 = arith.constant 0 : i32
      %dma_wait3A_691 = tpu.memref_slice %arg5[%dma_wait3A_689, %dma_wait3A_690] : memref<204800x128xf32, #tpu.memory_space<hbm>> -> memref<200x128xf32, #tpu.memory_space<hbm>>
      tpu.wait_dma2 semaphore(%arg18 : memref<!tpu.dma_semaphore, #tpu.memory_space<semaphore_mem>>) src(%arg8 : memref<200x128xf32, #tpu.memory_space<vmem>>) dst(%dma_wait3A_691 : memref<200x128xf32, #tpu.memory_space<hbm>>)
      %add3A_692 = arith.constant 2 : i32
      %add3A_693 = arith.addi %add3A_656, %add3A_692 : i32
      %mul3A_694 = arith.constant 2 : i32
      %mul3A_695 = arith.muli %mul3A_694, %add3A_693 : i32
      %dma_start3A_696 = arith.constant 0 : i32
      %dma_start3A_697 = arith.constant 0 : i32
      %dma_start3A_698 = tpu.memref_slice %arg8[%dma_start3A_696, %dma_start3A_697] : memref<200x128xf32, #tpu.memory_space<vmem>> -> memref<100x128xf32, #tpu.memory_space<vmem>>
      %dma_start3A_699 = arith.constant 0 : i32
      %dma_start3A_700 = tpu.memref_slice %arg6[%mul3A_695, %dma_start3A_699] : memref<64x100xi32, #tpu.memory_space<vmem>> -> memref<1x100xi32, #tpu.memory_space<vmem>>
      %dma_start3A_701 = tpu.memref_squeeze %dma_start3A_700 : memref<1x100xi32, #tpu.memory_space<vmem>> -> memref<100xi32, #tpu.memory_space<vmem>>
      %dma_start3A_702 = arith.constant 0 : i32
      %dma_start3A_703 = arith.constant 0 : i32
      %dma_start3A_704 = tpu.memref_slice %arg3[%dma_start3A_702, %dma_start3A_703] : memref<100000x128xf32, #tpu.memory_space<hbm>> -> memref<100000x128xf32, #tpu.memory_space<hbm>>
      tpu.enqueue_indirect_dma source(%dma_start3A_704 : memref<100000x128xf32, #tpu.memory_space<hbm>>) target(%dma_start3A_698 : memref<100x128xf32, #tpu.memory_space<vmem>>) offsets(%dma_start3A_701 : memref<100xi32, #tpu.memory_space<vmem>>) semaphore(%arg13 : memref<!tpu.dma_semaphore, #tpu.memory_space<semaphore_mem>>)
      %mul3A_705 = arith.constant 2 : i32
      %mul3A_706 = arith.muli %mul3A_705, %add3A_693 : i32
      %add3A_707 = arith.constant 1 : i32
      %add3A_708 = arith.addi %mul3A_706, %add3A_707 : i32
      %dma_start3A_709 = arith.constant 100 : i32
      %dma_start3A_710 = arith.constant 0 : i32
      %dma_start3A_711 = tpu.memref_slice %arg8[%dma_start3A_709, %dma_start3A_710] : memref<200x128xf32, #tpu.memory_space<vmem>> -> memref<100x128xf32, #tpu.memory_space<vmem>>
      %dma_start3A_712 = arith.constant 0 : i32
      %dma_start3A_713 = tpu.memref_slice %arg6[%add3A_708, %dma_start3A_712] : memref<64x100xi32, #tpu.memory_space<vmem>> -> memref<1x100xi32, #tpu.memory_space<vmem>>
      %dma_start3A_714 = tpu.memref_squeeze %dma_start3A_713 : memref<1x100xi32, #tpu.memory_space<vmem>> -> memref<100xi32, #tpu.memory_space<vmem>>
      %dma_start3A_715 = arith.constant 0 : i32
      %dma_start3A_716 = arith.constant 0 : i32
      %dma_start3A_717 = tpu.memref_slice %arg3[%dma_start3A_715, %dma_start3A_716] : memref<100000x128xf32, #tpu.memory_space<hbm>> -> memref<100000x128xf32, #tpu.memory_space<hbm>>
      tpu.enqueue_indirect_dma source(%dma_start3A_717 : memref<100000x128xf32, #tpu.memory_space<hbm>>) target(%dma_start3A_711 : memref<100x128xf32, #tpu.memory_space<vmem>>) offsets(%dma_start3A_714 : memref<100xi32, #tpu.memory_space<vmem>>) semaphore(%arg14 : memref<!tpu.dma_semaphore, #tpu.memory_space<semaphore_mem>>)
      %dma_wait3A_718 = arith.constant 0 : i32
      %dma_wait3A_719 = arith.constant 100 : i32
      %dma_wait3A_720 = arith.constant 0 : i32
      %dma_wait3A_721 = tpu.memref_slice %arg9[%dma_wait3A_719, %dma_wait3A_720] : memref<200x128xf32, #tpu.memory_space<vmem>> -> memref<100x128xf32, #tpu.memory_space<vmem>>
      %dma_wait3A_722 = arith.constant 0 : i32
      %dma_wait3A_723 = tpu.memref_slice %arg6[%dma_wait3A_718, %dma_wait3A_722] : memref<64x100xi32, #tpu.memory_space<vmem>> -> memref<1x100xi32, #tpu.memory_space<vmem>>
      %dma_wait3A_724 = tpu.memref_squeeze %dma_wait3A_723 : memref<1x100xi32, #tpu.memory_space<vmem>> -> memref<100xi32, #tpu.memory_space<vmem>>
      %dma_wait3A_725 = arith.constant 0 : i32
      %dma_wait3A_726 = arith.constant 0 : i32
      %dma_wait3A_727 = tpu.memref_slice %arg3[%dma_wait3A_725, %dma_wait3A_726] : memref<100000x128xf32, #tpu.memory_space<hbm>> -> memref<100000x128xf32, #tpu.memory_space<hbm>>
      tpu.wait_indirect_dma semaphore(%arg16 : memref<!tpu.dma_semaphore, #tpu.memory_space<semaphore_mem>>) src(%dma_wait3A_727 : memref<100000x128xf32, #tpu.memory_space<hbm>>) dst(%dma_wait3A_721 : memref<100x128xf32, #tpu.memory_space<vmem>>)
      %scan3A_728 = arith.constant 0 : i32
      %scan3A_729 = arith.constant 96 : i32
      %scan3A_730 = arith.constant 104 : i32
      %scan3A_731 = arith.addi %scan3A_729, %scan3A_730 : i32
      %scan3A_732 = arith.constant 1 : i32
      scf.for %scan3A_749 = %scan3A_729 to %scan3A_731 step %scan3A_732  : i32 {
        %get3A = arith.index_cast %scan3A_749 : i32 to index
        %get3A_750 = arith.constant 0 : index
        %get3A_751 = tpu.vector_load %arg9[%get3A, %get3A_750] {strides = array<i32>} : memref<200x128xf32, #tpu.memory_space<vmem>>, vector<1x16xf32>,
        %get3A_752 = vector.shape_cast %get3A_751 : vector<1x16xf32> to vector<16xf32>
        %mul3A_753 = arith.constant 11.3137083 : f32
        %mul3A_754 = vector.broadcast %mul3A_753 : f32 to vector<16xf32>
        %mul3A_755 = arith.mulf %get3A_752, %mul3A_754 : vector<16xf32>
        %get3A_756 = arith.index_cast %scan3A_749 : i32 to index
        %get3A_757 = arith.constant 0 : index
        %get3A_758 = tpu.vector_load %arg10[%get3A_756, %get3A_757] {strides = array<i32>} : memref<200x128xf32, #tpu.memory_space<vmem>>, vector<1x16xf32>,
        %get3A_759 = vector.shape_cast %get3A_758 : vector<1x16xf32> to vector<16xf32>
        %add3A_760 = arith.addf %mul3A_755, %get3A_759 : vector<16xf32>
        %swap3A = arith.index_cast %scan3A_749 : i32 to index
        %swap3A_761 = arith.constant 0 : index
        %swap3A_762 = tpu.vector_load %arg9[%swap3A, %swap3A_761] {strides = array<i32>} : memref<200x128xf32, #tpu.memory_space<vmem>>, vector<1x16xf32>,
        %swap3A_763 = vector.shape_cast %swap3A_762 : vector<1x16xf32> to vector<16xf32>
        %swap3A_764 = vector.shape_cast %add3A_760 : vector<16xf32> to vector<1x16xf32>
        tpu.vector_store %arg9[%swap3A, %swap3A_761], %swap3A_764 {strides = array<i32>} : memref<200x128xf32, #tpu.memory_space<vmem>>, vector<1x16xf32>,
        %get3A_765 = arith.index_cast %scan3A_749 : i32 to index
        %get3A_766 = arith.constant 16 : index
        %get3A_767 = tpu.vector_load %arg9[%get3A_765, %get3A_766] {strides = array<i32>} : memref<200x128xf32, #tpu.memory_space<vmem>>, vector<1x16xf32>,
        %get3A_768 = vector.shape_cast %get3A_767 : vector<1x16xf32> to vector<16xf32>
        %mul3A_769 = arith.constant 11.3137083 : f32
        %mul3A_770 = vector.broadcast %mul3A_769 : f32 to vector<16xf32>
        %mul3A_771 = arith.mulf %get3A_768, %mul3A_770 : vector<16xf32>
        %get3A_772 = arith.index_cast %scan3A_749 : i32 to index
        %get3A_773 = arith.constant 16 : index
        %get3A_774 = tpu.vector_load %arg10[%get3A_772, %get3A_773] {strides = array<i32>} : memref<200x128xf32, #tpu.memory_space<vmem>>, vector<1x16xf32>,
        %get3A_775 = vector.shape_cast %get3A_774 : vector<1x16xf32> to vector<16xf32>
        %add3A_776 = arith.addf %mul3A_771, %get3A_775 : vector<16xf32>
        %swap3A_777 = arith.index_cast %scan3A_749 : i32 to index
        %swap3A_778 = arith.constant 16 : index
        %swap3A_779 = tpu.vector_load %arg9[%swap3A_777, %swap3A_778] {strides = array<i32>} : memref<200x128xf32, #tpu.memory_space<vmem>>, vector<1x16xf32>,
        %swap3A_780 = vector.shape_cast %swap3A_779 : vector<1x16xf32> to vector<16xf32>
        %swap3A_781 = vector.shape_cast %add3A_776 : vector<16xf32> to vector<1x16xf32>
        tpu.vector_store %arg9[%swap3A_777, %swap3A_778], %swap3A_781 {strides = array<i32>} : memref<200x128xf32, #tpu.memory_space<vmem>>, vector<1x16xf32>,
        %get3A_782 = arith.index_cast %scan3A_749 : i32 to index
        %get3A_783 = arith.constant 32 : index
        %get3A_784 = tpu.vector_load %arg9[%get3A_782, %get3A_783] {strides = array<i32>} : memref<200x128xf32, #tpu.memory_space<vmem>>, vector<1x16xf32>,
        %get3A_785 = vector.shape_cast %get3A_784 : vector<1x16xf32> to vector<16xf32>
        %mul3A_786 = arith.constant 11.3137083 : f32
        %mul3A_787 = vector.broadcast %mul3A_786 : f32 to vector<16xf32>
        %mul3A_788 = arith.mulf %get3A_785, %mul3A_787 : vector<16xf32>
        %get3A_789 = arith.index_cast %scan3A_749 : i32 to index
        %get3A_790 = arith.constant 32 : index
        %get3A_791 = tpu.vector_load %arg10[%get3A_789, %get3A_790] {strides = array<i32>} : memref<200x128xf32, #tpu.memory_space<vmem>>, vector<1x16xf32>,
        %get3A_792 = vector.shape_cast %get3A_791 : vector<1x16xf32> to vector<16xf32>
        %add3A_793 = arith.addf %mul3A_788, %get3A_792 : vector<16xf32>
        %swap3A_794 = arith.index_cast %scan3A_749 : i32 to index
        %swap3A_795 = arith.constant 32 : index
        %swap3A_796 = tpu.vector_load %arg9[%swap3A_794, %swap3A_795] {strides = array<i32>} : memref<200x128xf32, #tpu.memory_space<vmem>>, vector<1x16xf32>,
        %swap3A_797 = vector.shape_cast %swap3A_796 : vector<1x16xf32> to vector<16xf32>
        %swap3A_798 = vector.shape_cast %add3A_793 : vector<16xf32> to vector<1x16xf32>
        tpu.vector_store %arg9[%swap3A_794, %swap3A_795], %swap3A_798 {strides = array<i32>} : memref<200x128xf32, #tpu.memory_space<vmem>>, vector<1x16xf32>,
        %get3A_799 = arith.index_cast %scan3A_749 : i32 to index
        %get3A_800 = arith.constant 48 : index
        %get3A_801 = tpu.vector_load %arg9[%get3A_799, %get3A_800] {strides = array<i32>} : memref<200x128xf32, #tpu.memory_space<vmem>>, vector<1x16xf32>,
        %get3A_802 = vector.shape_cast %get3A_801 : vector<1x16xf32> to vector<16xf32>
        %mul3A_803 = arith.constant 11.3137083 : f32
        %mul3A_804 = vector.broadcast %mul3A_803 : f32 to vector<16xf32>
        %mul3A_805 = arith.mulf %get3A_802, %mul3A_804 : vector<16xf32>
        %get3A_806 = arith.index_cast %scan3A_749 : i32 to index
        %get3A_807 = arith.constant 48 : index
        %get3A_808 = tpu.vector_load %arg10[%get3A_806, %get3A_807] {strides = array<i32>} : memref<200x128xf32, #tpu.memory_space<vmem>>, vector<1x16xf32>,
        %get3A_809 = vector.shape_cast %get3A_808 : vector<1x16xf32> to vector<16xf32>
        %add3A_810 = arith.addf %mul3A_805, %get3A_809 : vector<16xf32>
        %swap3A_811 = arith.index_cast %scan3A_749 : i32 to index
        %swap3A_812 = arith.constant 48 : index
        %swap3A_813 = tpu.vector_load %arg9[%swap3A_811, %swap3A_812] {strides = array<i32>} : memref<200x128xf32, #tpu.memory_space<vmem>>, vector<1x16xf32>,
        %swap3A_814 = vector.shape_cast %swap3A_813 : vector<1x16xf32> to vector<16xf32>
        %swap3A_815 = vector.shape_cast %add3A_810 : vector<16xf32> to vector<1x16xf32>
        tpu.vector_store %arg9[%swap3A_811, %swap3A_812], %swap3A_815 {strides = array<i32>} : memref<200x128xf32, #tpu.memory_space<vmem>>, vector<1x16xf32>,
        %get3A_816 = arith.index_cast %scan3A_749 : i32 to index
        %get3A_817 = arith.constant 64 : index
        %get3A_818 = tpu.vector_load %arg9[%get3A_816, %get3A_817] {strides = array<i32>} : memref<200x128xf32, #tpu.memory_space<vmem>>, vector<1x16xf32>,
        %get3A_819 = vector.shape_cast %get3A_818 : vector<1x16xf32> to vector<16xf32>
        %mul3A_820 = arith.constant 11.3137083 : f32
        %mul3A_821 = vector.broadcast %mul3A_820 : f32 to vector<16xf32>
        %mul3A_822 = arith.mulf %get3A_819, %mul3A_821 : vector<16xf32>
        %get3A_823 = arith.index_cast %scan3A_749 : i32 to index
        %get3A_824 = arith.constant 64 : index
        %get3A_825 = tpu.vector_load %arg10[%get3A_823, %get3A_824] {strides = array<i32>} : memref<200x128xf32, #tpu.memory_space<vmem>>, vector<1x16xf32>,
        %get3A_826 = vector.shape_cast %get3A_825 : vector<1x16xf32> to vector<16xf32>
        %add3A_827 = arith.addf %mul3A_822, %get3A_826 : vector<16xf32>
        %swap3A_828 = arith.index_cast %scan3A_749 : i32 to index
        %swap3A_829 = arith.constant 64 : index
        %swap3A_830 = tpu.vector_load %arg9[%swap3A_828, %swap3A_829] {strides = array<i32>} : memref<200x128xf32, #tpu.memory_space<vmem>>, vector<1x16xf32>,
        %swap3A_831 = vector.shape_cast %swap3A_830 : vector<1x16xf32> to vector<16xf32>
        %swap3A_832 = vector.shape_cast %add3A_827 : vector<16xf32> to vector<1x16xf32>
        tpu.vector_store %arg9[%swap3A_828, %swap3A_829], %swap3A_832 {strides = array<i32>} : memref<200x128xf32, #tpu.memory_space<vmem>>, vector<1x16xf32>,
        %get3A_833 = arith.index_cast %scan3A_749 : i32 to index
        %get3A_834 = arith.constant 80 : index
        %get3A_835 = tpu.vector_load %arg9[%get3A_833, %get3A_834] {strides = array<i32>} : memref<200x128xf32, #tpu.memory_space<vmem>>, vector<1x16xf32>,
        %get3A_836 = vector.shape_cast %get3A_835 : vector<1x16xf32> to vector<16xf32>
        %mul3A_837 = arith.constant 11.3137083 : f32
        %mul3A_838 = vector.broadcast %mul3A_837 : f32 to vector<16xf32>
        %mul3A_839 = arith.mulf %get3A_836, %mul3A_838 : vector<16xf32>
        %get3A_840 = arith.index_cast %scan3A_749 : i32 to index
        %get3A_841 = arith.constant 80 : index
        %get3A_842 = tpu.vector_load %arg10[%get3A_840, %get3A_841] {strides = array<i32>} : memref<200x128xf32, #tpu.memory_space<vmem>>, vector<1x16xf32>,
        %get3A_843 = vector.shape_cast %get3A_842 : vector<1x16xf32> to vector<16xf32>
        %add3A_844 = arith.addf %mul3A_839, %get3A_843 : vector<16xf32>
        %swap3A_845 = arith.index_cast %scan3A_749 : i32 to index
        %swap3A_846 = arith.constant 80 : index
        %swap3A_847 = tpu.vector_load %arg9[%swap3A_845, %swap3A_846] {strides = array<i32>} : memref<200x128xf32, #tpu.memory_space<vmem>>, vector<1x16xf32>,
        %swap3A_848 = vector.shape_cast %swap3A_847 : vector<1x16xf32> to vector<16xf32>
        %swap3A_849 = vector.shape_cast %add3A_844 : vector<16xf32> to vector<1x16xf32>
        tpu.vector_store %arg9[%swap3A_845, %swap3A_846], %swap3A_849 {strides = array<i32>} : memref<200x128xf32, #tpu.memory_space<vmem>>, vector<1x16xf32>,
        %get3A_850 = arith.index_cast %scan3A_749 : i32 to index
        %get3A_851 = arith.constant 96 : index
        %get3A_852 = tpu.vector_load %arg9[%get3A_850, %get3A_851] {strides = array<i32>} : memref<200x128xf32, #tpu.memory_space<vmem>>, vector<1x16xf32>,
        %get3A_853 = vector.shape_cast %get3A_852 : vector<1x16xf32> to vector<16xf32>
        %mul3A_854 = arith.constant 11.3137083 : f32
        %mul3A_855 = vector.broadcast %mul3A_854 : f32 to vector<16xf32>
        %mul3A_856 = arith.mulf %get3A_853, %mul3A_855 : vector<16xf32>
        %get3A_857 = arith.index_cast %scan3A_749 : i32 to index
        %get3A_858 = arith.constant 96 : index
        %get3A_859 = tpu.vector_load %arg10[%get3A_857, %get3A_858] {strides = array<i32>} : memref<200x128xf32, #tpu.memory_space<vmem>>, vector<1x16xf32>,
        %get3A_860 = vector.shape_cast %get3A_859 : vector<1x16xf32> to vector<16xf32>
        %add3A_861 = arith.addf %mul3A_856, %get3A_860 : vector<16xf32>
        %swap3A_862 = arith.index_cast %scan3A_749 : i32 to index
        %swap3A_863 = arith.constant 96 : index
        %swap3A_864 = tpu.vector_load %arg9[%swap3A_862, %swap3A_863] {strides = array<i32>} : memref<200x128xf32, #tpu.memory_space<vmem>>, vector<1x16xf32>,
        %swap3A_865 = vector.shape_cast %swap3A_864 : vector<1x16xf32> to vector<16xf32>
        %swap3A_866 = vector.shape_cast %add3A_861 : vector<16xf32> to vector<1x16xf32>
        tpu.vector_store %arg9[%swap3A_862, %swap3A_863], %swap3A_866 {strides = array<i32>} : memref<200x128xf32, #tpu.memory_space<vmem>>, vector<1x16xf32>,
        %get3A_867 = arith.index_cast %scan3A_749 : i32 to index
        %get3A_868 = arith.constant 112 : index
        %get3A_869 = tpu.vector_load %arg9[%get3A_867, %get3A_868] {strides = array<i32>} : memref<200x128xf32, #tpu.memory_space<vmem>>, vector<1x16xf32>,
        %get3A_870 = vector.shape_cast %get3A_869 : vector<1x16xf32> to vector<16xf32>
        %mul3A_871 = arith.constant 11.3137083 : f32
        %mul3A_872 = vector.broadcast %mul3A_871 : f32 to vector<16xf32>
        %mul3A_873 = arith.mulf %get3A_870, %mul3A_872 : vector<16xf32>
        %get3A_874 = arith.index_cast %scan3A_749 : i32 to index
        %get3A_875 = arith.constant 112 : index
        %get3A_876 = tpu.vector_load %arg10[%get3A_874, %get3A_875] {strides = array<i32>} : memref<200x128xf32, #tpu.memory_space<vmem>>, vector<1x16xf32>,
        %get3A_877 = vector.shape_cast %get3A_876 : vector<1x16xf32> to vector<16xf32>
        %add3A_878 = arith.addf %mul3A_873, %get3A_877 : vector<16xf32>
        %swap3A_879 = arith.index_cast %scan3A_749 : i32 to index
        %swap3A_880 = arith.constant 112 : index
        %swap3A_881 = tpu.vector_load %arg9[%swap3A_879, %swap3A_880] {strides = array<i32>} : memref<200x128xf32, #tpu.memory_space<vmem>>, vector<1x16xf32>,
        %swap3A_882 = vector.shape_cast %swap3A_881 : vector<1x16xf32> to vector<16xf32>
        %swap3A_883 = vector.shape_cast %add3A_878 : vector<16xf32> to vector<1x16xf32>
        tpu.vector_store %arg9[%swap3A_879, %swap3A_880], %swap3A_883 {strides = array<i32>} : memref<200x128xf32, #tpu.memory_space<vmem>>, vector<1x16xf32>,
      }
      %scan3A_733 = arith.constant 104 : i32
      %add3A_734 = arith.addi %mul3A_2, %add3A_656 : i32
      %mul3A_735 = arith.constant 200 : i32
      %mul3A_736 = arith.muli %add3A_734, %mul3A_735 : i32
      %add3A_737 = arith.constant 96 : i32
      %add3A_738 = arith.addi %mul3A_736, %add3A_737 : i32
      %dma_start3A_739 = arith.constant 96 : i32
      %dma_start3A_740 = arith.constant 0 : i32
      %dma_start3A_741 = tpu.memref_slice %arg9[%dma_start3A_739, %dma_start3A_740] : memref<200x128xf32, #tpu.memory_space<vmem>> -> memref<104x128xf32, #tpu.memory_space<vmem>>
      %dma_start3A_742 = arith.constant 0 : i32
      %dma_start3A_743 = tpu.memref_slice %arg5[%add3A_738, %dma_start3A_742] : memref<204800x128xf32, #tpu.memory_space<hbm>> -> memref<104x128xf32, #tpu.memory_space<hbm>>
      %dma_start3A_744 = arith.constant 0 : i32
      %dma_start3A_745 = tpu.memref_slice %arg5[%add3A_738, %dma_start3A_744] : memref<204800x128xf32, #tpu.memory_space<hbm>> -> memref<104x128xf32, #tpu.memory_space<hbm>>
      %dma_start3A_746 = arith.constant 96 : i32
      %dma_start3A_747 = arith.constant 0 : i32
      %dma_start3A_748 = tpu.memref_slice %arg9[%dma_start3A_746, %dma_start3A_747] : memref<200x128xf32, #tpu.memory_space<vmem>> -> memref<104x128xf32, #tpu.memory_space<vmem>>
      tpu.enqueue_dma source(%dma_start3A_748 : memref<104x128xf32, #tpu.memory_space<vmem>>) target(%dma_start3A_745 : memref<104x128xf32, #tpu.memory_space<hbm>>) target_semaphore(%arg19 : memref<!tpu.dma_semaphore, #tpu.memory_space<semaphore_mem>>)
    }
    %scan3A_317 = arith.constant 9 : i32
    %dma_wait3A_318 = arith.constant 0 : i32
    %dma_wait3A_319 = arith.constant 0 : i32
    %dma_wait3A_320 = arith.constant 0 : i32
    %dma_wait3A_321 = tpu.memref_slice %arg7[%dma_wait3A_319, %dma_wait3A_320] : memref<200x128xf32, #tpu.memory_space<vmem>> -> memref<100x128xf32, #tpu.memory_space<vmem>>
    %dma_wait3A_322 = arith.constant 0 : i32
    %dma_wait3A_323 = tpu.memref_slice %arg6[%dma_wait3A_318, %dma_wait3A_322] : memref<64x100xi32, #tpu.memory_space<vmem>> -> memref<1x100xi32, #tpu.memory_space<vmem>>
    %dma_wait3A_324 = tpu.memref_squeeze %dma_wait3A_323 : memref<1x100xi32, #tpu.memory_space<vmem>> -> memref<100xi32, #tpu.memory_space<vmem>>
    %dma_wait3A_325 = arith.constant 0 : i32
    %dma_wait3A_326 = arith.constant 0 : i32
    %dma_wait3A_327 = tpu.memref_slice %arg3[%dma_wait3A_325, %dma_wait3A_326] : memref<100000x128xf32, #tpu.memory_space<hbm>> -> memref<100000x128xf32, #tpu.memory_space<hbm>>
    tpu.wait_indirect_dma semaphore(%arg11 : memref<!tpu.dma_semaphore, #tpu.memory_space<semaphore_mem>>) src(%dma_wait3A_327 : memref<100000x128xf32, #tpu.memory_space<hbm>>) dst(%dma_wait3A_321 : memref<100x128xf32, #tpu.memory_space<vmem>>)
    %scan3A_328 = arith.constant 0 : i32
    %scan3A_329 = arith.constant 0 : i32
    %scan3A_330 = arith.constant 96 : i32
    %scan3A_331 = arith.addi %scan3A_329, %scan3A_330 : i32
    %scan3A_332 = arith.constant 1 : i32
    scf.for %scan3A_460 = %scan3A_329 to %scan3A_331 step %scan3A_332  : i32 {
      %get3A = arith.index_cast %scan3A_460 : i32 to index
      %get3A_461 = arith.constant 0 : index
      %get3A_462 = tpu.vector_load %arg7[%get3A, %get3A_461] {strides = array<i32>} : memref<200x128xf32, #tpu.memory_space<vmem>>, vector<1x16xf32>,
      %get3A_463 = vector.shape_cast %get3A_462 : vector<1x16xf32> to vector<16xf32>
      %mul3A_464 = arith.constant 11.3137083 : f32
      %mul3A_465 = vector.broadcast %mul3A_464 : f32 to vector<16xf32>
      %mul3A_466 = arith.mulf %get3A_463, %mul3A_465 : vector<16xf32>
      %get3A_467 = arith.index_cast %scan3A_460 : i32 to index
      %get3A_468 = arith.constant 0 : index
      %get3A_469 = tpu.vector_load %arg10[%get3A_467, %get3A_468] {strides = array<i32>} : memref<200x128xf32, #tpu.memory_space<vmem>>, vector<1x16xf32>,
      %get3A_470 = vector.shape_cast %get3A_469 : vector<1x16xf32> to vector<16xf32>
      %add3A_471 = arith.addf %mul3A_466, %get3A_470 : vector<16xf32>
      %swap3A = arith.index_cast %scan3A_460 : i32 to index
      %swap3A_472 = arith.constant 0 : index
      %swap3A_473 = tpu.vector_load %arg7[%swap3A, %swap3A_472] {strides = array<i32>} : memref<200x128xf32, #tpu.memory_space<vmem>>, vector<1x16xf32>,
      %swap3A_474 = vector.shape_cast %swap3A_473 : vector<1x16xf32> to vector<16xf32>
      %swap3A_475 = vector.shape_cast %add3A_471 : vector<16xf32> to vector<1x16xf32>
      tpu.vector_store %arg7[%swap3A, %swap3A_472], %swap3A_475 {strides = array<i32>} : memref<200x128xf32, #tpu.memory_space<vmem>>, vector<1x16xf32>,
      %get3A_476 = arith.index_cast %scan3A_460 : i32 to index
      %get3A_477 = arith.constant 16 : index
      %get3A_478 = tpu.vector_load %arg7[%get3A_476, %get3A_477] {strides = array<i32>} : memref<200x128xf32, #tpu.memory_space<vmem>>, vector<1x16xf32>,
      %get3A_479 = vector.shape_cast %get3A_478 : vector<1x16xf32> to vector<16xf32>
      %mul3A_480 = arith.constant 11.3137083 : f32
      %mul3A_481 = vector.broadcast %mul3A_480 : f32 to vector<16xf32>
      %mul3A_482 = arith.mulf %get3A_479, %mul3A_481 : vector<16xf32>
      %get3A_483 = arith.index_cast %scan3A_460 : i32 to index
      %get3A_484 = arith.constant 16 : index
      %get3A_485 = tpu.vector_load %arg10[%get3A_483, %get3A_484] {strides = array<i32>} : memref<200x128xf32, #tpu.memory_space<vmem>>, vector<1x16xf32>,
      %get3A_486 = vector.shape_cast %get3A_485 : vector<1x16xf32> to vector<16xf32>
      %add3A_487 = arith.addf %mul3A_482, %get3A_486 : vector<16xf32>
      %swap3A_488 = arith.index_cast %scan3A_460 : i32 to index
      %swap3A_489 = arith.constant 16 : index
      %swap3A_490 = tpu.vector_load %arg7[%swap3A_488, %swap3A_489] {strides = array<i32>} : memref<200x128xf32, #tpu.memory_space<vmem>>, vector<1x16xf32>,
      %swap3A_491 = vector.shape_cast %swap3A_490 : vector<1x16xf32> to vector<16xf32>
      %swap3A_492 = vector.shape_cast %add3A_487 : vector<16xf32> to vector<1x16xf32>
      tpu.vector_store %arg7[%swap3A_488, %swap3A_489], %swap3A_492 {strides = array<i32>} : memref<200x128xf32, #tpu.memory_space<vmem>>, vector<1x16xf32>,
      %get3A_493 = arith.index_cast %scan3A_460 : i32 to index
      %get3A_494 = arith.constant 32 : index
      %get3A_495 = tpu.vector_load %arg7[%get3A_493, %get3A_494] {strides = array<i32>} : memref<200x128xf32, #tpu.memory_space<vmem>>, vector<1x16xf32>,
      %get3A_496 = vector.shape_cast %get3A_495 : vector<1x16xf32> to vector<16xf32>
      %mul3A_497 = arith.constant 11.3137083 : f32
      %mul3A_498 = vector.broadcast %mul3A_497 : f32 to vector<16xf32>
      %mul3A_499 = arith.mulf %get3A_496, %mul3A_498 : vector<16xf32>
      %get3A_500 = arith.index_cast %scan3A_460 : i32 to index
      %get3A_501 = arith.constant 32 : index
      %get3A_502 = tpu.vector_load %arg10[%get3A_500, %get3A_501] {strides = array<i32>} : memref<200x128xf32, #tpu.memory_space<vmem>>, vector<1x16xf32>,
      %get3A_503 = vector.shape_cast %get3A_502 : vector<1x16xf32> to vector<16xf32>
      %add3A_504 = arith.addf %mul3A_499, %get3A_503 : vector<16xf32>
      %swap3A_505 = arith.index_cast %scan3A_460 : i32 to index
      %swap3A_506 = arith.constant 32 : index
      %swap3A_507 = tpu.vector_load %arg7[%swap3A_505, %swap3A_506] {strides = array<i32>} : memref<200x128xf32, #tpu.memory_space<vmem>>, vector<1x16xf32>,
      %swap3A_508 = vector.shape_cast %swap3A_507 : vector<1x16xf32> to vector<16xf32>
      %swap3A_509 = vector.shape_cast %add3A_504 : vector<16xf32> to vector<1x16xf32>
      tpu.vector_store %arg7[%swap3A_505, %swap3A_506], %swap3A_509 {strides = array<i32>} : memref<200x128xf32, #tpu.memory_space<vmem>>, vector<1x16xf32>,
      %get3A_510 = arith.index_cast %scan3A_460 : i32 to index
      %get3A_511 = arith.constant 48 : index
      %get3A_512 = tpu.vector_load %arg7[%get3A_510, %get3A_511] {strides = array<i32>} : memref<200x128xf32, #tpu.memory_space<vmem>>, vector<1x16xf32>,
      %get3A_513 = vector.shape_cast %get3A_512 : vector<1x16xf32> to vector<16xf32>
      %mul3A_514 = arith.constant 11.3137083 : f32
      %mul3A_515 = vector.broadcast %mul3A_514 : f32 to vector<16xf32>
      %mul3A_516 = arith.mulf %get3A_513, %mul3A_515 : vector<16xf32>
      %get3A_517 = arith.index_cast %scan3A_460 : i32 to index
      %get3A_518 = arith.constant 48 : index
      %get3A_519 = tpu.vector_load %arg10[%get3A_517, %get3A_518] {strides = array<i32>} : memref<200x128xf32, #tpu.memory_space<vmem>>, vector<1x16xf32>,
      %get3A_520 = vector.shape_cast %get3A_519 : vector<1x16xf32> to vector<16xf32>
      %add3A_521 = arith.addf %mul3A_516, %get3A_520 : vector<16xf32>
      %swap3A_522 = arith.index_cast %scan3A_460 : i32 to index
      %swap3A_523 = arith.constant 48 : index
      %swap3A_524 = tpu.vector_load %arg7[%swap3A_522, %swap3A_523] {strides = array<i32>} : memref<200x128xf32, #tpu.memory_space<vmem>>, vector<1x16xf32>,
      %swap3A_525 = vector.shape_cast %swap3A_524 : vector<1x16xf32> to vector<16xf32>
      %swap3A_526 = vector.shape_cast %add3A_521 : vector<16xf32> to vector<1x16xf32>
      tpu.vector_store %arg7[%swap3A_522, %swap3A_523], %swap3A_526 {strides = array<i32>} : memref<200x128xf32, #tpu.memory_space<vmem>>, vector<1x16xf32>,
      %get3A_527 = arith.index_cast %scan3A_460 : i32 to index
      %get3A_528 = arith.constant 64 : index
      %get3A_529 = tpu.vector_load %arg7[%get3A_527, %get3A_528] {strides = array<i32>} : memref<200x128xf32, #tpu.memory_space<vmem>>, vector<1x16xf32>,
      %get3A_530 = vector.shape_cast %get3A_529 : vector<1x16xf32> to vector<16xf32>
      %mul3A_531 = arith.constant 11.3137083 : f32
      %mul3A_532 = vector.broadcast %mul3A_531 : f32 to vector<16xf32>
      %mul3A_533 = arith.mulf %get3A_530, %mul3A_532 : vector<16xf32>
      %get3A_534 = arith.index_cast %scan3A_460 : i32 to index
      %get3A_535 = arith.constant 64 : index
      %get3A_536 = tpu.vector_load %arg10[%get3A_534, %get3A_535] {strides = array<i32>} : memref<200x128xf32, #tpu.memory_space<vmem>>, vector<1x16xf32>,
      %get3A_537 = vector.shape_cast %get3A_536 : vector<1x16xf32> to vector<16xf32>
      %add3A_538 = arith.addf %mul3A_533, %get3A_537 : vector<16xf32>
      %swap3A_539 = arith.index_cast %scan3A_460 : i32 to index
      %swap3A_540 = arith.constant 64 : index
      %swap3A_541 = tpu.vector_load %arg7[%swap3A_539, %swap3A_540] {strides = array<i32>} : memref<200x128xf32, #tpu.memory_space<vmem>>, vector<1x16xf32>,
      %swap3A_542 = vector.shape_cast %swap3A_541 : vector<1x16xf32> to vector<16xf32>
      %swap3A_543 = vector.shape_cast %add3A_538 : vector<16xf32> to vector<1x16xf32>
      tpu.vector_store %arg7[%swap3A_539, %swap3A_540], %swap3A_543 {strides = array<i32>} : memref<200x128xf32, #tpu.memory_space<vmem>>, vector<1x16xf32>,
      %get3A_544 = arith.index_cast %scan3A_460 : i32 to index
      %get3A_545 = arith.constant 80 : index
      %get3A_546 = tpu.vector_load %arg7[%get3A_544, %get3A_545] {strides = array<i32>} : memref<200x128xf32, #tpu.memory_space<vmem>>, vector<1x16xf32>,
      %get3A_547 = vector.shape_cast %get3A_546 : vector<1x16xf32> to vector<16xf32>
      %mul3A_548 = arith.constant 11.3137083 : f32
      %mul3A_549 = vector.broadcast %mul3A_548 : f32 to vector<16xf32>
      %mul3A_550 = arith.mulf %get3A_547, %mul3A_549 : vector<16xf32>
      %get3A_551 = arith.index_cast %scan3A_460 : i32 to index
      %get3A_552 = arith.constant 80 : index
      %get3A_553 = tpu.vector_load %arg10[%get3A_551, %get3A_552] {strides = array<i32>} : memref<200x128xf32, #tpu.memory_space<vmem>>, vector<1x16xf32>,
      %get3A_554 = vector.shape_cast %get3A_553 : vector<1x16xf32> to vector<16xf32>
      %add3A_555 = arith.addf %mul3A_550, %get3A_554 : vector<16xf32>
      %swap3A_556 = arith.index_cast %scan3A_460 : i32 to index
      %swap3A_557 = arith.constant 80 : index
      %swap3A_558 = tpu.vector_load %arg7[%swap3A_556, %swap3A_557] {strides = array<i32>} : memref<200x128xf32, #tpu.memory_space<vmem>>, vector<1x16xf32>,
      %swap3A_559 = vector.shape_cast %swap3A_558 : vector<1x16xf32> to vector<16xf32>
      %swap3A_560 = vector.shape_cast %add3A_555 : vector<16xf32> to vector<1x16xf32>
      tpu.vector_store %arg7[%swap3A_556, %swap3A_557], %swap3A_560 {strides = array<i32>} : memref<200x128xf32, #tpu.memory_space<vmem>>, vector<1x16xf32>,
      %get3A_561 = arith.index_cast %scan3A_460 : i32 to index
      %get3A_562 = arith.constant 96 : index
      %get3A_563 = tpu.vector_load %arg7[%get3A_561, %get3A_562] {strides = array<i32>} : memref<200x128xf32, #tpu.memory_space<vmem>>, vector<1x16xf32>,
      %get3A_564 = vector.shape_cast %get3A_563 : vector<1x16xf32> to vector<16xf32>
      %mul3A_565 = arith.constant 11.3137083 : f32
      %mul3A_566 = vector.broadcast %mul3A_565 : f32 to vector<16xf32>
      %mul3A_567 = arith.mulf %get3A_564, %mul3A_566 : vector<16xf32>
      %get3A_568 = arith.index_cast %scan3A_460 : i32 to index
      %get3A_569 = arith.constant 96 : index
      %get3A_570 = tpu.vector_load %arg10[%get3A_568, %get3A_569] {strides = array<i32>} : memref<200x128xf32, #tpu.memory_space<vmem>>, vector<1x16xf32>,
      %get3A_571 = vector.shape_cast %get3A_570 : vector<1x16xf32> to vector<16xf32>
      %add3A_572 = arith.addf %mul3A_567, %get3A_571 : vector<16xf32>
      %swap3A_573 = arith.index_cast %scan3A_460 : i32 to index
      %swap3A_574 = arith.constant 96 : index
      %swap3A_575 = tpu.vector_load %arg7[%swap3A_573, %swap3A_574] {strides = array<i32>} : memref<200x128xf32, #tpu.memory_space<vmem>>, vector<1x16xf32>,
      %swap3A_576 = vector.shape_cast %swap3A_575 : vector<1x16xf32> to vector<16xf32>
      %swap3A_577 = vector.shape_cast %add3A_572 : vector<16xf32> to vector<1x16xf32>
      tpu.vector_store %arg7[%swap3A_573, %swap3A_574], %swap3A_577 {strides = array<i32>} : memref<200x128xf32, #tpu.memory_space<vmem>>, vector<1x16xf32>,
      %get3A_578 = arith.index_cast %scan3A_460 : i32 to index
      %get3A_579 = arith.constant 112 : index
      %get3A_580 = tpu.vector_load %arg7[%get3A_578, %get3A_579] {strides = array<i32>} : memref<200x128xf32, #tpu.memory_space<vmem>>, vector<1x16xf32>,
      %get3A_581 = vector.shape_cast %get3A_580 : vector<1x16xf32> to vector<16xf32>
      %mul3A_582 = arith.constant 11.3137083 : f32
      %mul3A_583 = vector.broadcast %mul3A_582 : f32 to vector<16xf32>
      %mul3A_584 = arith.mulf %get3A_581, %mul3A_583 : vector<16xf32>
      %get3A_585 = arith.index_cast %scan3A_460 : i32 to index
      %get3A_586 = arith.constant 112 : index
      %get3A_587 = tpu.vector_load %arg10[%get3A_585, %get3A_586] {strides = array<i32>} : memref<200x128xf32, #tpu.memory_space<vmem>>, vector<1x16xf32>,
      %get3A_588 = vector.shape_cast %get3A_587 : vector<1x16xf32> to vector<16xf32>
      %add3A_589 = arith.addf %mul3A_584, %get3A_588 : vector<16xf32>
      %swap3A_590 = arith.index_cast %scan3A_460 : i32 to index
      %swap3A_591 = arith.constant 112 : index
      %swap3A_592 = tpu.vector_load %arg7[%swap3A_590, %swap3A_591] {strides = array<i32>} : memref<200x128xf32, #tpu.memory_space<vmem>>, vector<1x16xf32>,
      %swap3A_593 = vector.shape_cast %swap3A_592 : vector<1x16xf32> to vector<16xf32>
      %swap3A_594 = vector.shape_cast %add3A_589 : vector<16xf32> to vector<1x16xf32>
      tpu.vector_store %arg7[%swap3A_590, %swap3A_591], %swap3A_594 {strides = array<i32>} : memref<200x128xf32, #tpu.memory_space<vmem>>, vector<1x16xf32>,
    }
    %scan3A_333 = arith.constant 96 : i32
    %add3A_334 = arith.constant 30 : i32
    %add3A_335 = arith.addi %mul3A_2, %add3A_334 : i32
    %mul3A_336 = arith.constant 200 : i32
    %mul3A_337 = arith.muli %add3A_335, %mul3A_336 : i32
    %dma_start3A_338 = arith.constant 0 : i32
    %dma_start3A_339 = arith.constant 0 : i32
    %dma_start3A_340 = tpu.memref_slice %arg7[%dma_start3A_338, %dma_start3A_339] : memref<200x128xf32, #tpu.memory_space<vmem>> -> memref<96x128xf32, #tpu.memory_space<vmem>>
    %dma_start3A_341 = arith.constant 0 : i32
    %dma_start3A_342 = tpu.memref_slice %arg5[%mul3A_337, %dma_start3A_341] : memref<204800x128xf32, #tpu.memory_space<hbm>> -> memref<96x128xf32, #tpu.memory_space<hbm>>
    %dma_start3A_343 = arith.constant 0 : i32
    %dma_start3A_344 = tpu.memref_slice %arg5[%mul3A_337, %dma_start3A_343] : memref<204800x128xf32, #tpu.memory_space<hbm>> -> memref<96x128xf32, #tpu.memory_space<hbm>>
    %dma_start3A_345 = arith.constant 0 : i32
    %dma_start3A_346 = arith.constant 0 : i32
    %dma_start3A_347 = tpu.memref_slice %arg7[%dma_start3A_345, %dma_start3A_346] : memref<200x128xf32, #tpu.memory_space<vmem>> -> memref<96x128xf32, #tpu.memory_space<vmem>>
    tpu.enqueue_dma source(%dma_start3A_347 : memref<96x128xf32, #tpu.memory_space<vmem>>) target(%dma_start3A_344 : memref<96x128xf32, #tpu.memory_space<hbm>>) target_semaphore(%arg17 : memref<!tpu.dma_semaphore, #tpu.memory_space<semaphore_mem>>)
    %dma_wait3A_348 = arith.constant 0 : i32
    %dma_wait3A_349 = arith.constant 100 : i32
    %dma_wait3A_350 = arith.constant 0 : i32
    %dma_wait3A_351 = tpu.memref_slice %arg7[%dma_wait3A_349, %dma_wait3A_350] : memref<200x128xf32, #tpu.memory_space<vmem>> -> memref<100x128xf32, #tpu.memory_space<vmem>>
    %dma_wait3A_352 = arith.constant 0 : i32
    %dma_wait3A_353 = tpu.memref_slice %arg6[%dma_wait3A_348, %dma_wait3A_352] : memref<64x100xi32, #tpu.memory_space<vmem>> -> memref<1x100xi32, #tpu.memory_space<vmem>>
    %dma_wait3A_354 = tpu.memref_squeeze %dma_wait3A_353 : memref<1x100xi32, #tpu.memory_space<vmem>> -> memref<100xi32, #tpu.memory_space<vmem>>
    %dma_wait3A_355 = arith.constant 0 : i32
    %dma_wait3A_356 = arith.constant 0 : i32
    %dma_wait3A_357 = tpu.memref_slice %arg3[%dma_wait3A_355, %dma_wait3A_356] : memref<100000x128xf32, #tpu.memory_space<hbm>> -> memref<100000x128xf32, #tpu.memory_space<hbm>>
    tpu.wait_indirect_dma semaphore(%arg12 : memref<!tpu.dma_semaphore, #tpu.memory_space<semaphore_mem>>) src(%dma_wait3A_357 : memref<100000x128xf32, #tpu.memory_space<hbm>>) dst(%dma_wait3A_351 : memref<100x128xf32, #tpu.memory_space<vmem>>)
    %scan3A_358 = arith.constant 0 : i32
    %scan3A_359 = arith.constant 96 : i32
    %scan3A_360 = arith.constant 104 : i32
    %scan3A_361 = arith.addi %scan3A_359, %scan3A_360 : i32
    %scan3A_362 = arith.constant 1 : i32
    scf.for %scan3A_460 = %scan3A_359 to %scan3A_361 step %scan3A_362  : i32 {
      %get3A = arith.index_cast %scan3A_460 : i32 to index
      %get3A_461 = arith.constant 0 : index
      %get3A_462 = tpu.vector_load %arg7[%get3A, %get3A_461] {strides = array<i32>} : memref<200x128xf32, #tpu.memory_space<vmem>>, vector<1x16xf32>,
      %get3A_463 = vector.shape_cast %get3A_462 : vector<1x16xf32> to vector<16xf32>
      %mul3A_464 = arith.constant 11.3137083 : f32
      %mul3A_465 = vector.broadcast %mul3A_464 : f32 to vector<16xf32>
      %mul3A_466 = arith.mulf %get3A_463, %mul3A_465 : vector<16xf32>
      %get3A_467 = arith.index_cast %scan3A_460 : i32 to index
      %get3A_468 = arith.constant 0 : index
      %get3A_469 = tpu.vector_load %arg10[%get3A_467, %get3A_468] {strides = array<i32>} : memref<200x128xf32, #tpu.memory_space<vmem>>, vector<1x16xf32>,
      %get3A_470 = vector.shape_cast %get3A_469 : vector<1x16xf32> to vector<16xf32>
      %add3A_471 = arith.addf %mul3A_466, %get3A_470 : vector<16xf32>
      %swap3A = arith.index_cast %scan3A_460 : i32 to index
      %swap3A_472 = arith.constant 0 : index
      %swap3A_473 = tpu.vector_load %arg7[%swap3A, %swap3A_472] {strides = array<i32>} : memref<200x128xf32, #tpu.memory_space<vmem>>, vector<1x16xf32>,
      %swap3A_474 = vector.shape_cast %swap3A_473 : vector<1x16xf32> to vector<16xf32>
      %swap3A_475 = vector.shape_cast %add3A_471 : vector<16xf32> to vector<1x16xf32>
      tpu.vector_store %arg7[%swap3A, %swap3A_472], %swap3A_475 {strides = array<i32>} : memref<200x128xf32, #tpu.memory_space<vmem>>, vector<1x16xf32>,
      %get3A_476 = arith.index_cast %scan3A_460 : i32 to index
      %get3A_477 = arith.constant 16 : index
      %get3A_478 = tpu.vector_load %arg7[%get3A_476, %get3A_477] {strides = array<i32>} : memref<200x128xf32, #tpu.memory_space<vmem>>, vector<1x16xf32>,
      %get3A_479 = vector.shape_cast %get3A_478 : vector<1x16xf32> to vector<16xf32>
      %mul3A_480 = arith.constant 11.3137083 : f32
      %mul3A_481 = vector.broadcast %mul3A_480 : f32 to vector<16xf32>
      %mul3A_482 = arith.mulf %get3A_479, %mul3A_481 : vector<16xf32>
      %get3A_483 = arith.index_cast %scan3A_460 : i32 to index
      %get3A_484 = arith.constant 16 : index
      %get3A_485 = tpu.vector_load %arg10[%get3A_483, %get3A_484] {strides = array<i32>} : memref<200x128xf32, #tpu.memory_space<vmem>>, vector<1x16xf32>,
      %get3A_486 = vector.shape_cast %get3A_485 : vector<1x16xf32> to vector<16xf32>
      %add3A_487 = arith.addf %mul3A_482, %get3A_486 : vector<16xf32>
      %swap3A_488 = arith.index_cast %scan3A_460 : i32 to index
      %swap3A_489 = arith.constant 16 : index
      %swap3A_490 = tpu.vector_load %arg7[%swap3A_488, %swap3A_489] {strides = array<i32>} : memref<200x128xf32, #tpu.memory_space<vmem>>, vector<1x16xf32>,
      %swap3A_491 = vector.shape_cast %swap3A_490 : vector<1x16xf32> to vector<16xf32>
      %swap3A_492 = vector.shape_cast %add3A_487 : vector<16xf32> to vector<1x16xf32>
      tpu.vector_store %arg7[%swap3A_488, %swap3A_489], %swap3A_492 {strides = array<i32>} : memref<200x128xf32, #tpu.memory_space<vmem>>, vector<1x16xf32>,
      %get3A_493 = arith.index_cast %scan3A_460 : i32 to index
      %get3A_494 = arith.constant 32 : index
      %get3A_495 = tpu.vector_load %arg7[%get3A_493, %get3A_494] {strides = array<i32>} : memref<200x128xf32, #tpu.memory_space<vmem>>, vector<1x16xf32>,
      %get3A_496 = vector.shape_cast %get3A_495 : vector<1x16xf32> to vector<16xf32>
      %mul3A_497 = arith.constant 11.3137083 : f32
      %mul3A_498 = vector.broadcast %mul3A_497 : f32 to vector<16xf32>
      %mul3A_499 = arith.mulf %get3A_496, %mul3A_498 : vector<16xf32>
      %get3A_500 = arith.index_cast %scan3A_460 : i32 to index
      %get3A_501 = arith.constant 32 : index
      %get3A_502 = tpu.vector_load %arg10[%get3A_500, %get3A_501] {strides = array<i32>} : memref<200x128xf32, #tpu.memory_space<vmem>>, vector<1x16xf32>,
      %get3A_503 = vector.shape_cast %get3A_502 : vector<1x16xf32> to vector<16xf32>
      %add3A_504 = arith.addf %mul3A_499, %get3A_503 : vector<16xf32>
      %swap3A_505 = arith.index_cast %scan3A_460 : i32 to index
      %swap3A_506 = arith.constant 32 : index
      %swap3A_507 = tpu.vector_load %arg7[%swap3A_505, %swap3A_506] {strides = array<i32>} : memref<200x128xf32, #tpu.memory_space<vmem>>, vector<1x16xf32>,
      %swap3A_508 = vector.shape_cast %swap3A_507 : vector<1x16xf32> to vector<16xf32>
      %swap3A_509 = vector.shape_cast %add3A_504 : vector<16xf32> to vector<1x16xf32>
      tpu.vector_store %arg7[%swap3A_505, %swap3A_506], %swap3A_509 {strides = array<i32>} : memref<200x128xf32, #tpu.memory_space<vmem>>, vector<1x16xf32>,
      %get3A_510 = arith.index_cast %scan3A_460 : i32 to index
      %get3A_511 = arith.constant 48 : index
      %get3A_512 = tpu.vector_load %arg7[%get3A_510, %get3A_511] {strides = array<i32>} : memref<200x128xf32, #tpu.memory_space<vmem>>, vector<1x16xf32>,
      %get3A_513 = vector.shape_cast %get3A_512 : vector<1x16xf32> to vector<16xf32>
      %mul3A_514 = arith.constant 11.3137083 : f32
      %mul3A_515 = vector.broadcast %mul3A_514 : f32 to vector<16xf32>
      %mul3A_516 = arith.mulf %get3A_513, %mul3A_515 : vector<16xf32>
      %get3A_517 = arith.index_cast %scan3A_460 : i32 to index
      %get3A_518 = arith.constant 48 : index
      %get3A_519 = tpu.vector_load %arg10[%get3A_517, %get3A_518] {strides = array<i32>} : memref<200x128xf32, #tpu.memory_space<vmem>>, vector<1x16xf32>,
      %get3A_520 = vector.shape_cast %get3A_519 : vector<1x16xf32> to vector<16xf32>
      %add3A_521 = arith.addf %mul3A_516, %get3A_520 : vector<16xf32>
      %swap3A_522 = arith.index_cast %scan3A_460 : i32 to index
      %swap3A_523 = arith.constant 48 : index
      %swap3A_524 = tpu.vector_load %arg7[%swap3A_522, %swap3A_523] {strides = array<i32>} : memref<200x128xf32, #tpu.memory_space<vmem>>, vector<1x16xf32>,
      %swap3A_525 = vector.shape_cast %swap3A_524 : vector<1x16xf32> to vector<16xf32>
      %swap3A_526 = vector.shape_cast %add3A_521 : vector<16xf32> to vector<1x16xf32>
      tpu.vector_store %arg7[%swap3A_522, %swap3A_523], %swap3A_526 {strides = array<i32>} : memref<200x128xf32, #tpu.memory_space<vmem>>, vector<1x16xf32>,
      %get3A_527 = arith.index_cast %scan3A_460 : i32 to index
      %get3A_528 = arith.constant 64 : index
      %get3A_529 = tpu.vector_load %arg7[%get3A_527, %get3A_528] {strides = array<i32>} : memref<200x128xf32, #tpu.memory_space<vmem>>, vector<1x16xf32>,
      %get3A_530 = vector.shape_cast %get3A_529 : vector<1x16xf32> to vector<16xf32>
      %mul3A_531 = arith.constant 11.3137083 : f32
      %mul3A_532 = vector.broadcast %mul3A_531 : f32 to vector<16xf32>
      %mul3A_533 = arith.mulf %get3A_530, %mul3A_532 : vector<16xf32>
      %get3A_534 = arith.index_cast %scan3A_460 : i32 to index
      %get3A_535 = arith.constant 64 : index
      %get3A_536 = tpu.vector_load %arg10[%get3A_534, %get3A_535] {strides = array<i32>} : memref<200x128xf32, #tpu.memory_space<vmem>>, vector<1x16xf32>,
      %get3A_537 = vector.shape_cast %get3A_536 : vector<1x16xf32> to vector<16xf32>
      %add3A_538 = arith.addf %mul3A_533, %get3A_537 : vector<16xf32>
      %swap3A_539 = arith.index_cast %scan3A_460 : i32 to index
      %swap3A_540 = arith.constant 64 : index
      %swap3A_541 = tpu.vector_load %arg7[%swap3A_539, %swap3A_540] {strides = array<i32>} : memref<200x128xf32, #tpu.memory_space<vmem>>, vector<1x16xf32>,
      %swap3A_542 = vector.shape_cast %swap3A_541 : vector<1x16xf32> to vector<16xf32>
      %swap3A_543 = vector.shape_cast %add3A_538 : vector<16xf32> to vector<1x16xf32>
      tpu.vector_store %arg7[%swap3A_539, %swap3A_540], %swap3A_543 {strides = array<i32>} : memref<200x128xf32, #tpu.memory_space<vmem>>, vector<1x16xf32>,
      %get3A_544 = arith.index_cast %scan3A_460 : i32 to index
      %get3A_545 = arith.constant 80 : index
      %get3A_546 = tpu.vector_load %arg7[%get3A_544, %get3A_545] {strides = array<i32>} : memref<200x128xf32, #tpu.memory_space<vmem>>, vector<1x16xf32>,
      %get3A_547 = vector.shape_cast %get3A_546 : vector<1x16xf32> to vector<16xf32>
      %mul3A_548 = arith.constant 11.3137083 : f32
      %mul3A_549 = vector.broadcast %mul3A_548 : f32 to vector<16xf32>
      %mul3A_550 = arith.mulf %get3A_547, %mul3A_549 : vector<16xf32>
      %get3A_551 = arith.index_cast %scan3A_460 : i32 to index
      %get3A_552 = arith.constant 80 : index
      %get3A_553 = tpu.vector_load %arg10[%get3A_551, %get3A_552] {strides = array<i32>} : memref<200x128xf32, #tpu.memory_space<vmem>>, vector<1x16xf32>,
      %get3A_554 = vector.shape_cast %get3A_553 : vector<1x16xf32> to vector<16xf32>
      %add3A_555 = arith.addf %mul3A_550, %get3A_554 : vector<16xf32>
      %swap3A_556 = arith.index_cast %scan3A_460 : i32 to index
      %swap3A_557 = arith.constant 80 : index
      %swap3A_558 = tpu.vector_load %arg7[%swap3A_556, %swap3A_557] {strides = array<i32>} : memref<200x128xf32, #tpu.memory_space<vmem>>, vector<1x16xf32>,
      %swap3A_559 = vector.shape_cast %swap3A_558 : vector<1x16xf32> to vector<16xf32>
      %swap3A_560 = vector.shape_cast %add3A_555 : vector<16xf32> to vector<1x16xf32>
      tpu.vector_store %arg7[%swap3A_556, %swap3A_557], %swap3A_560 {strides = array<i32>} : memref<200x128xf32, #tpu.memory_space<vmem>>, vector<1x16xf32>,
      %get3A_561 = arith.index_cast %scan3A_460 : i32 to index
      %get3A_562 = arith.constant 96 : index
      %get3A_563 = tpu.vector_load %arg7[%get3A_561, %get3A_562] {strides = array<i32>} : memref<200x128xf32, #tpu.memory_space<vmem>>, vector<1x16xf32>,
      %get3A_564 = vector.shape_cast %get3A_563 : vector<1x16xf32> to vector<16xf32>
      %mul3A_565 = arith.constant 11.3137083 : f32
      %mul3A_566 = vector.broadcast %mul3A_565 : f32 to vector<16xf32>
      %mul3A_567 = arith.mulf %get3A_564, %mul3A_566 : vector<16xf32>
      %get3A_568 = arith.index_cast %scan3A_460 : i32 to index
      %get3A_569 = arith.constant 96 : index
      %get3A_570 = tpu.vector_load %arg10[%get3A_568, %get3A_569] {strides = array<i32>} : memref<200x128xf32, #tpu.memory_space<vmem>>, vector<1x16xf32>,
      %get3A_571 = vector.shape_cast %get3A_570 : vector<1x16xf32> to vector<16xf32>
      %add3A_572 = arith.addf %mul3A_567, %get3A_571 : vector<16xf32>
      %swap3A_573 = arith.index_cast %scan3A_460 : i32 to index
      %swap3A_574 = arith.constant 96 : index
      %swap3A_575 = tpu.vector_load %arg7[%swap3A_573, %swap3A_574] {strides = array<i32>} : memref<200x128xf32, #tpu.memory_space<vmem>>, vector<1x16xf32>,
      %swap3A_576 = vector.shape_cast %swap3A_575 : vector<1x16xf32> to vector<16xf32>
      %swap3A_577 = vector.shape_cast %add3A_572 : vector<16xf32> to vector<1x16xf32>
      tpu.vector_store %arg7[%swap3A_573, %swap3A_574], %swap3A_577 {strides = array<i32>} : memref<200x128xf32, #tpu.memory_space<vmem>>, vector<1x16xf32>,
      %get3A_578 = arith.index_cast %scan3A_460 : i32 to index
      %get3A_579 = arith.constant 112 : index
      %get3A_580 = tpu.vector_load %arg7[%get3A_578, %get3A_579] {strides = array<i32>} : memref<200x128xf32, #tpu.memory_space<vmem>>, vector<1x16xf32>,
      %get3A_581 = vector.shape_cast %get3A_580 : vector<1x16xf32> to vector<16xf32>
      %mul3A_582 = arith.constant 11.3137083 : f32
      %mul3A_583 = vector.broadcast %mul3A_582 : f32 to vector<16xf32>
      %mul3A_584 = arith.mulf %get3A_581, %mul3A_583 : vector<16xf32>
      %get3A_585 = arith.index_cast %scan3A_460 : i32 to index
      %get3A_586 = arith.constant 112 : index
      %get3A_587 = tpu.vector_load %arg10[%get3A_585, %get3A_586] {strides = array<i32>} : memref<200x128xf32, #tpu.memory_space<vmem>>, vector<1x16xf32>,
      %get3A_588 = vector.shape_cast %get3A_587 : vector<1x16xf32> to vector<16xf32>
      %add3A_589 = arith.addf %mul3A_584, %get3A_588 : vector<16xf32>
      %swap3A_590 = arith.index_cast %scan3A_460 : i32 to index
      %swap3A_591 = arith.constant 112 : index
      %swap3A_592 = tpu.vector_load %arg7[%swap3A_590, %swap3A_591] {strides = array<i32>} : memref<200x128xf32, #tpu.memory_space<vmem>>, vector<1x16xf32>,
      %swap3A_593 = vector.shape_cast %swap3A_592 : vector<1x16xf32> to vector<16xf32>
      %swap3A_594 = vector.shape_cast %add3A_589 : vector<16xf32> to vector<1x16xf32>
      tpu.vector_store %arg7[%swap3A_590, %swap3A_591], %swap3A_594 {strides = array<i32>} : memref<200x128xf32, #tpu.memory_space<vmem>>, vector<1x16xf32>,
    }
    %scan3A_363 = arith.constant 104 : i32
    %add3A_364 = arith.constant 30 : i32
    %add3A_365 = arith.addi %mul3A_2, %add3A_364 : i32
    %mul3A_366 = arith.constant 200 : i32
    %mul3A_367 = arith.muli %add3A_365, %mul3A_366 : i32
    %add3A_368 = arith.constant 96 : i32
    %add3A_369 = arith.addi %mul3A_367, %add3A_368 : i32
    %dma_start3A_370 = arith.constant 96 : i32
    %dma_start3A_371 = arith.constant 0 : i32
    %dma_start3A_372 = tpu.memref_slice %arg7[%dma_start3A_370, %dma_start3A_371] : memref<200x128xf32, #tpu.memory_space<vmem>> -> memref<104x128xf32, #tpu.memory_space<vmem>>
    %dma_start3A_373 = arith.constant 0 : i32
    %dma_start3A_374 = tpu.memref_slice %arg5[%add3A_369, %dma_start3A_373] : memref<204800x128xf32, #tpu.memory_space<hbm>> -> memref<104x128xf32, #tpu.memory_space<hbm>>
    %dma_start3A_375 = arith.constant 0 : i32
    %dma_start3A_376 = tpu.memref_slice %arg5[%add3A_369, %dma_start3A_375] : memref<204800x128xf32, #tpu.memory_space<hbm>> -> memref<104x128xf32, #tpu.memory_space<hbm>>
    %dma_start3A_377 = arith.constant 96 : i32
    %dma_start3A_378 = arith.constant 0 : i32
    %dma_start3A_379 = tpu.memref_slice %arg7[%dma_start3A_377, %dma_start3A_378] : memref<200x128xf32, #tpu.memory_space<vmem>> -> memref<104x128xf32, #tpu.memory_space<vmem>>
    tpu.enqueue_dma source(%dma_start3A_379 : memref<104x128xf32, #tpu.memory_space<vmem>>) target(%dma_start3A_376 : memref<104x128xf32, #tpu.memory_space<hbm>>) target_semaphore(%arg17 : memref<!tpu.dma_semaphore, #tpu.memory_space<semaphore_mem>>)
    %dma_wait3A_380 = arith.constant 0 : i32
    %dma_wait3A_381 = arith.constant 0 : i32
    %dma_wait3A_382 = arith.constant 0 : i32
    %dma_wait3A_383 = tpu.memref_slice %arg8[%dma_wait3A_381, %dma_wait3A_382] : memref<200x128xf32, #tpu.memory_space<vmem>> -> memref<100x128xf32, #tpu.memory_space<vmem>>
    %dma_wait3A_384 = arith.constant 0 : i32
    %dma_wait3A_385 = tpu.memref_slice %arg6[%dma_wait3A_380, %dma_wait3A_384] : memref<64x100xi32, #tpu.memory_space<vmem>> -> memref<1x100xi32, #tpu.memory_space<vmem>>
    %dma_wait3A_386 = tpu.memref_squeeze %dma_wait3A_385 : memref<1x100xi32, #tpu.memory_space<vmem>> -> memref<100xi32, #tpu.memory_space<vmem>>
    %dma_wait3A_387 = arith.constant 0 : i32
    %dma_wait3A_388 = arith.constant 0 : i32
    %dma_wait3A_389 = tpu.memref_slice %arg3[%dma_wait3A_387, %dma_wait3A_388] : memref<100000x128xf32, #tpu.memory_space<hbm>> -> memref<100000x128xf32, #tpu.memory_space<hbm>>
    tpu.wait_indirect_dma semaphore(%arg13 : memref<!tpu.dma_semaphore, #tpu.memory_space<semaphore_mem>>) src(%dma_wait3A_389 : memref<100000x128xf32, #tpu.memory_space<hbm>>) dst(%dma_wait3A_383 : memref<100x128xf32, #tpu.memory_space<vmem>>)
    %scan3A_390 = arith.constant 0 : i32
    %scan3A_391 = arith.constant 0 : i32
    %scan3A_392 = arith.constant 96 : i32
    %scan3A_393 = arith.addi %scan3A_391, %scan3A_392 : i32
    %scan3A_394 = arith.constant 1 : i32
    scf.for %scan3A_460 = %scan3A_391 to %scan3A_393 step %scan3A_394  : i32 {
      %get3A = arith.index_cast %scan3A_460 : i32 to index
      %get3A_461 = arith.constant 0 : index
      %get3A_462 = tpu.vector_load %arg8[%get3A, %get3A_461] {strides = array<i32>} : memref<200x128xf32, #tpu.memory_space<vmem>>, vector<1x16xf32>,
      %get3A_463 = vector.shape_cast %get3A_462 : vector<1x16xf32> to vector<16xf32>
      %mul3A_464 = arith.constant 11.3137083 : f32
      %mul3A_465 = vector.broadcast %mul3A_464 : f32 to vector<16xf32>
      %mul3A_466 = arith.mulf %get3A_463, %mul3A_465 : vector<16xf32>
      %get3A_467 = arith.index_cast %scan3A_460 : i32 to index
      %get3A_468 = arith.constant 0 : index
      %get3A_469 = tpu.vector_load %arg10[%get3A_467, %get3A_468] {strides = array<i32>} : memref<200x128xf32, #tpu.memory_space<vmem>>, vector<1x16xf32>,
      %get3A_470 = vector.shape_cast %get3A_469 : vector<1x16xf32> to vector<16xf32>
      %add3A_471 = arith.addf %mul3A_466, %get3A_470 : vector<16xf32>
      %swap3A = arith.index_cast %scan3A_460 : i32 to index
      %swap3A_472 = arith.constant 0 : index
      %swap3A_473 = tpu.vector_load %arg8[%swap3A, %swap3A_472] {strides = array<i32>} : memref<200x128xf32, #tpu.memory_space<vmem>>, vector<1x16xf32>,
      %swap3A_474 = vector.shape_cast %swap3A_473 : vector<1x16xf32> to vector<16xf32>
      %swap3A_475 = vector.shape_cast %add3A_471 : vector<16xf32> to vector<1x16xf32>
      tpu.vector_store %arg8[%swap3A, %swap3A_472], %swap3A_475 {strides = array<i32>} : memref<200x128xf32, #tpu.memory_space<vmem>>, vector<1x16xf32>,
      %get3A_476 = arith.index_cast %scan3A_460 : i32 to index
      %get3A_477 = arith.constant 16 : index
      %get3A_478 = tpu.vector_load %arg8[%get3A_476, %get3A_477] {strides = array<i32>} : memref<200x128xf32, #tpu.memory_space<vmem>>, vector<1x16xf32>,
      %get3A_479 = vector.shape_cast %get3A_478 : vector<1x16xf32> to vector<16xf32>
      %mul3A_480 = arith.constant 11.3137083 : f32
      %mul3A_481 = vector.broadcast %mul3A_480 : f32 to vector<16xf32>
      %mul3A_482 = arith.mulf %get3A_479, %mul3A_481 : vector<16xf32>
      %get3A_483 = arith.index_cast %scan3A_460 : i32 to index
      %get3A_484 = arith.constant 16 : index
      %get3A_485 = tpu.vector_load %arg10[%get3A_483, %get3A_484] {strides = array<i32>} : memref<200x128xf32, #tpu.memory_space<vmem>>, vector<1x16xf32>,
      %get3A_486 = vector.shape_cast %get3A_485 : vector<1x16xf32> to vector<16xf32>
      %add3A_487 = arith.addf %mul3A_482, %get3A_486 : vector<16xf32>
      %swap3A_488 = arith.index_cast %scan3A_460 : i32 to index
      %swap3A_489 = arith.constant 16 : index
      %swap3A_490 = tpu.vector_load %arg8[%swap3A_488, %swap3A_489] {strides = array<i32>} : memref<200x128xf32, #tpu.memory_space<vmem>>, vector<1x16xf32>,
      %swap3A_491 = vector.shape_cast %swap3A_490 : vector<1x16xf32> to vector<16xf32>
      %swap3A_492 = vector.shape_cast %add3A_487 : vector<16xf32> to vector<1x16xf32>
      tpu.vector_store %arg8[%swap3A_488, %swap3A_489], %swap3A_492 {strides = array<i32>} : memref<200x128xf32, #tpu.memory_space<vmem>>, vector<1x16xf32>,
      %get3A_493 = arith.index_cast %scan3A_460 : i32 to index
      %get3A_494 = arith.constant 32 : index
      %get3A_495 = tpu.vector_load %arg8[%get3A_493, %get3A_494] {strides = array<i32>} : memref<200x128xf32, #tpu.memory_space<vmem>>, vector<1x16xf32>,
      %get3A_496 = vector.shape_cast %get3A_495 : vector<1x16xf32> to vector<16xf32>
      %mul3A_497 = arith.constant 11.3137083 : f32
      %mul3A_498 = vector.broadcast %mul3A_497 : f32 to vector<16xf32>
      %mul3A_499 = arith.mulf %get3A_496, %mul3A_498 : vector<16xf32>
      %get3A_500 = arith.index_cast %scan3A_460 : i32 to index
      %get3A_501 = arith.constant 32 : index
      %get3A_502 = tpu.vector_load %arg10[%get3A_500, %get3A_501] {strides = array<i32>} : memref<200x128xf32, #tpu.memory_space<vmem>>, vector<1x16xf32>,
      %get3A_503 = vector.shape_cast %get3A_502 : vector<1x16xf32> to vector<16xf32>
      %add3A_504 = arith.addf %mul3A_499, %get3A_503 : vector<16xf32>
      %swap3A_505 = arith.index_cast %scan3A_460 : i32 to index
      %swap3A_506 = arith.constant 32 : index
      %swap3A_507 = tpu.vector_load %arg8[%swap3A_505, %swap3A_506] {strides = array<i32>} : memref<200x128xf32, #tpu.memory_space<vmem>>, vector<1x16xf32>,
      %swap3A_508 = vector.shape_cast %swap3A_507 : vector<1x16xf32> to vector<16xf32>
      %swap3A_509 = vector.shape_cast %add3A_504 : vector<16xf32> to vector<1x16xf32>
      tpu.vector_store %arg8[%swap3A_505, %swap3A_506], %swap3A_509 {strides = array<i32>} : memref<200x128xf32, #tpu.memory_space<vmem>>, vector<1x16xf32>,
      %get3A_510 = arith.index_cast %scan3A_460 : i32 to index
      %get3A_511 = arith.constant 48 : index
      %get3A_512 = tpu.vector_load %arg8[%get3A_510, %get3A_511] {strides = array<i32>} : memref<200x128xf32, #tpu.memory_space<vmem>>, vector<1x16xf32>,
      %get3A_513 = vector.shape_cast %get3A_512 : vector<1x16xf32> to vector<16xf32>
      %mul3A_514 = arith.constant 11.3137083 : f32
      %mul3A_515 = vector.broadcast %mul3A_514 : f32 to vector<16xf32>
      %mul3A_516 = arith.mulf %get3A_513, %mul3A_515 : vector<16xf32>
      %get3A_517 = arith.index_cast %scan3A_460 : i32 to index
      %get3A_518 = arith.constant 48 : index
      %get3A_519 = tpu.vector_load %arg10[%get3A_517, %get3A_518] {strides = array<i32>} : memref<200x128xf32, #tpu.memory_space<vmem>>, vector<1x16xf32>,
      %get3A_520 = vector.shape_cast %get3A_519 : vector<1x16xf32> to vector<16xf32>
      %add3A_521 = arith.addf %mul3A_516, %get3A_520 : vector<16xf32>
      %swap3A_522 = arith.index_cast %scan3A_460 : i32 to index
      %swap3A_523 = arith.constant 48 : index
      %swap3A_524 = tpu.vector_load %arg8[%swap3A_522, %swap3A_523] {strides = array<i32>} : memref<200x128xf32, #tpu.memory_space<vmem>>, vector<1x16xf32>,
      %swap3A_525 = vector.shape_cast %swap3A_524 : vector<1x16xf32> to vector<16xf32>
      %swap3A_526 = vector.shape_cast %add3A_521 : vector<16xf32> to vector<1x16xf32>
      tpu.vector_store %arg8[%swap3A_522, %swap3A_523], %swap3A_526 {strides = array<i32>} : memref<200x128xf32, #tpu.memory_space<vmem>>, vector<1x16xf32>,
      %get3A_527 = arith.index_cast %scan3A_460 : i32 to index
      %get3A_528 = arith.constant 64 : index
      %get3A_529 = tpu.vector_load %arg8[%get3A_527, %get3A_528] {strides = array<i32>} : memref<200x128xf32, #tpu.memory_space<vmem>>, vector<1x16xf32>,
      %get3A_530 = vector.shape_cast %get3A_529 : vector<1x16xf32> to vector<16xf32>
      %mul3A_531 = arith.constant 11.3137083 : f32
      %mul3A_532 = vector.broadcast %mul3A_531 : f32 to vector<16xf32>
      %mul3A_533 = arith.mulf %get3A_530, %mul3A_532 : vector<16xf32>
      %get3A_534 = arith.index_cast %scan3A_460 : i32 to index
      %get3A_535 = arith.constant 64 : index
      %get3A_536 = tpu.vector_load %arg10[%get3A_534, %get3A_535] {strides = array<i32>} : memref<200x128xf32, #tpu.memory_space<vmem>>, vector<1x16xf32>,
      %get3A_537 = vector.shape_cast %get3A_536 : vector<1x16xf32> to vector<16xf32>
      %add3A_538 = arith.addf %mul3A_533, %get3A_537 : vector<16xf32>
      %swap3A_539 = arith.index_cast %scan3A_460 : i32 to index
      %swap3A_540 = arith.constant 64 : index
      %swap3A_541 = tpu.vector_load %arg8[%swap3A_539, %swap3A_540] {strides = array<i32>} : memref<200x128xf32, #tpu.memory_space<vmem>>, vector<1x16xf32>,
      %swap3A_542 = vector.shape_cast %swap3A_541 : vector<1x16xf32> to vector<16xf32>
      %swap3A_543 = vector.shape_cast %add3A_538 : vector<16xf32> to vector<1x16xf32>
      tpu.vector_store %arg8[%swap3A_539, %swap3A_540], %swap3A_543 {strides = array<i32>} : memref<200x128xf32, #tpu.memory_space<vmem>>, vector<1x16xf32>,
      %get3A_544 = arith.index_cast %scan3A_460 : i32 to index
      %get3A_545 = arith.constant 80 : index
      %get3A_546 = tpu.vector_load %arg8[%get3A_544, %get3A_545] {strides = array<i32>} : memref<200x128xf32, #tpu.memory_space<vmem>>, vector<1x16xf32>,
      %get3A_547 = vector.shape_cast %get3A_546 : vector<1x16xf32> to vector<16xf32>
      %mul3A_548 = arith.constant 11.3137083 : f32
      %mul3A_549 = vector.broadcast %mul3A_548 : f32 to vector<16xf32>
      %mul3A_550 = arith.mulf %get3A_547, %mul3A_549 : vector<16xf32>
      %get3A_551 = arith.index_cast %scan3A_460 : i32 to index
      %get3A_552 = arith.constant 80 : index
      %get3A_553 = tpu.vector_load %arg10[%get3A_551, %get3A_552] {strides = array<i32>} : memref<200x128xf32, #tpu.memory_space<vmem>>, vector<1x16xf32>,
      %get3A_554 = vector.shape_cast %get3A_553 : vector<1x16xf32> to vector<16xf32>
      %add3A_555 = arith.addf %mul3A_550, %get3A_554 : vector<16xf32>
      %swap3A_556 = arith.index_cast %scan3A_460 : i32 to index
      %swap3A_557 = arith.constant 80 : index
      %swap3A_558 = tpu.vector_load %arg8[%swap3A_556, %swap3A_557] {strides = array<i32>} : memref<200x128xf32, #tpu.memory_space<vmem>>, vector<1x16xf32>,
      %swap3A_559 = vector.shape_cast %swap3A_558 : vector<1x16xf32> to vector<16xf32>
      %swap3A_560 = vector.shape_cast %add3A_555 : vector<16xf32> to vector<1x16xf32>
      tpu.vector_store %arg8[%swap3A_556, %swap3A_557], %swap3A_560 {strides = array<i32>} : memref<200x128xf32, #tpu.memory_space<vmem>>, vector<1x16xf32>,
      %get3A_561 = arith.index_cast %scan3A_460 : i32 to index
      %get3A_562 = arith.constant 96 : index
      %get3A_563 = tpu.vector_load %arg8[%get3A_561, %get3A_562] {strides = array<i32>} : memref<200x128xf32, #tpu.memory_space<vmem>>, vector<1x16xf32>,
      %get3A_564 = vector.shape_cast %get3A_563 : vector<1x16xf32> to vector<16xf32>
      %mul3A_565 = arith.constant 11.3137083 : f32
      %mul3A_566 = vector.broadcast %mul3A_565 : f32 to vector<16xf32>
      %mul3A_567 = arith.mulf %get3A_564, %mul3A_566 : vector<16xf32>
      %get3A_568 = arith.index_cast %scan3A_460 : i32 to index
      %get3A_569 = arith.constant 96 : index
      %get3A_570 = tpu.vector_load %arg10[%get3A_568, %get3A_569] {strides = array<i32>} : memref<200x128xf32, #tpu.memory_space<vmem>>, vector<1x16xf32>,
      %get3A_571 = vector.shape_cast %get3A_570 : vector<1x16xf32> to vector<16xf32>
      %add3A_572 = arith.addf %mul3A_567, %get3A_571 : vector<16xf32>
      %swap3A_573 = arith.index_cast %scan3A_460 : i32 to index
      %swap3A_574 = arith.constant 96 : index
      %swap3A_575 = tpu.vector_load %arg8[%swap3A_573, %swap3A_574] {strides = array<i32>} : memref<200x128xf32, #tpu.memory_space<vmem>>, vector<1x16xf32>,
      %swap3A_576 = vector.shape_cast %swap3A_575 : vector<1x16xf32> to vector<16xf32>
      %swap3A_577 = vector.shape_cast %add3A_572 : vector<16xf32> to vector<1x16xf32>
      tpu.vector_store %arg8[%swap3A_573, %swap3A_574], %swap3A_577 {strides = array<i32>} : memref<200x128xf32, #tpu.memory_space<vmem>>, vector<1x16xf32>,
      %get3A_578 = arith.index_cast %scan3A_460 : i32 to index
      %get3A_579 = arith.constant 112 : index
      %get3A_580 = tpu.vector_load %arg8[%get3A_578, %get3A_579] {strides = array<i32>} : memref<200x128xf32, #tpu.memory_space<vmem>>, vector<1x16xf32>,
      %get3A_581 = vector.shape_cast %get3A_580 : vector<1x16xf32> to vector<16xf32>
      %mul3A_582 = arith.constant 11.3137083 : f32
      %mul3A_583 = vector.broadcast %mul3A_582 : f32 to vector<16xf32>
      %mul3A_584 = arith.mulf %get3A_581, %mul3A_583 : vector<16xf32>
      %get3A_585 = arith.index_cast %scan3A_460 : i32 to index
      %get3A_586 = arith.constant 112 : index
      %get3A_587 = tpu.vector_load %arg10[%get3A_585, %get3A_586] {strides = array<i32>} : memref<200x128xf32, #tpu.memory_space<vmem>>, vector<1x16xf32>,
      %get3A_588 = vector.shape_cast %get3A_587 : vector<1x16xf32> to vector<16xf32>
      %add3A_589 = arith.addf %mul3A_584, %get3A_588 : vector<16xf32>
      %swap3A_590 = arith.index_cast %scan3A_460 : i32 to index
      %swap3A_591 = arith.constant 112 : index
      %swap3A_592 = tpu.vector_load %arg8[%swap3A_590, %swap3A_591] {strides = array<i32>} : memref<200x128xf32, #tpu.memory_space<vmem>>, vector<1x16xf32>,
      %swap3A_593 = vector.shape_cast %swap3A_592 : vector<1x16xf32> to vector<16xf32>
      %swap3A_594 = vector.shape_cast %add3A_589 : vector<16xf32> to vector<1x16xf32>
      tpu.vector_store %arg8[%swap3A_590, %swap3A_591], %swap3A_594 {strides = array<i32>} : memref<200x128xf32, #tpu.memory_space<vmem>>, vector<1x16xf32>,
    }
    %scan3A_395 = arith.constant 96 : i32
    %add3A_396 = arith.constant 31 : i32
    %add3A_397 = arith.addi %mul3A_2, %add3A_396 : i32
    %mul3A_398 = arith.constant 200 : i32
    %mul3A_399 = arith.muli %add3A_397, %mul3A_398 : i32
    %dma_start3A_400 = arith.constant 0 : i32
    %dma_start3A_401 = arith.constant 0 : i32
    %dma_start3A_402 = tpu.memref_slice %arg8[%dma_start3A_400, %dma_start3A_401] : memref<200x128xf32, #tpu.memory_space<vmem>> -> memref<96x128xf32, #tpu.memory_space<vmem>>
    %dma_start3A_403 = arith.constant 0 : i32
    %dma_start3A_404 = tpu.memref_slice %arg5[%mul3A_399, %dma_start3A_403] : memref<204800x128xf32, #tpu.memory_space<hbm>> -> memref<96x128xf32, #tpu.memory_space<hbm>>
    %dma_start3A_405 = arith.constant 0 : i32
    %dma_start3A_406 = tpu.memref_slice %arg5[%mul3A_399, %dma_start3A_405] : memref<204800x128xf32, #tpu.memory_space<hbm>> -> memref<96x128xf32, #tpu.memory_space<hbm>>
    %dma_start3A_407 = arith.constant 0 : i32
    %dma_start3A_408 = arith.constant 0 : i32
    %dma_start3A_409 = tpu.memref_slice %arg8[%dma_start3A_407, %dma_start3A_408] : memref<200x128xf32, #tpu.memory_space<vmem>> -> memref<96x128xf32, #tpu.memory_space<vmem>>
    tpu.enqueue_dma source(%dma_start3A_409 : memref<96x128xf32, #tpu.memory_space<vmem>>) target(%dma_start3A_406 : memref<96x128xf32, #tpu.memory_space<hbm>>) target_semaphore(%arg18 : memref<!tpu.dma_semaphore, #tpu.memory_space<semaphore_mem>>)
    %dma_wait3A_410 = arith.constant 0 : i32
    %dma_wait3A_411 = arith.constant 100 : i32
    %dma_wait3A_412 = arith.constant 0 : i32
    %dma_wait3A_413 = tpu.memref_slice %arg8[%dma_wait3A_411, %dma_wait3A_412] : memref<200x128xf32, #tpu.memory_space<vmem>> -> memref<100x128xf32, #tpu.memory_space<vmem>>
    %dma_wait3A_414 = arith.constant 0 : i32
    %dma_wait3A_415 = tpu.memref_slice %arg6[%dma_wait3A_410, %dma_wait3A_414] : memref<64x100xi32, #tpu.memory_space<vmem>> -> memref<1x100xi32, #tpu.memory_space<vmem>>
    %dma_wait3A_416 = tpu.memref_squeeze %dma_wait3A_415 : memref<1x100xi32, #tpu.memory_space<vmem>> -> memref<100xi32, #tpu.memory_space<vmem>>
    %dma_wait3A_417 = arith.constant 0 : i32
    %dma_wait3A_418 = arith.constant 0 : i32
    %dma_wait3A_419 = tpu.memref_slice %arg3[%dma_wait3A_417, %dma_wait3A_418] : memref<100000x128xf32, #tpu.memory_space<hbm>> -> memref<100000x128xf32, #tpu.memory_space<hbm>>
    tpu.wait_indirect_dma semaphore(%arg14 : memref<!tpu.dma_semaphore, #tpu.memory_space<semaphore_mem>>) src(%dma_wait3A_419 : memref<100000x128xf32, #tpu.memory_space<hbm>>) dst(%dma_wait3A_413 : memref<100x128xf32, #tpu.memory_space<vmem>>)
    %scan3A_420 = arith.constant 0 : i32
    %scan3A_421 = arith.constant 96 : i32
    %scan3A_422 = arith.constant 104 : i32
    %scan3A_423 = arith.addi %scan3A_421, %scan3A_422 : i32
    %scan3A_424 = arith.constant 1 : i32
    scf.for %scan3A_460 = %scan3A_421 to %scan3A_423 step %scan3A_424  : i32 {
      %get3A = arith.index_cast %scan3A_460 : i32 to index
      %get3A_461 = arith.constant 0 : index
      %get3A_462 = tpu.vector_load %arg8[%get3A, %get3A_461] {strides = array<i32>} : memref<200x128xf32, #tpu.memory_space<vmem>>, vector<1x16xf32>,
      %get3A_463 = vector.shape_cast %get3A_462 : vector<1x16xf32> to vector<16xf32>
      %mul3A_464 = arith.constant 11.3137083 : f32
      %mul3A_465 = vector.broadcast %mul3A_464 : f32 to vector<16xf32>
      %mul3A_466 = arith.mulf %get3A_463, %mul3A_465 : vector<16xf32>
      %get3A_467 = arith.index_cast %scan3A_460 : i32 to index
      %get3A_468 = arith.constant 0 : index
      %get3A_469 = tpu.vector_load %arg10[%get3A_467, %get3A_468] {strides = array<i32>} : memref<200x128xf32, #tpu.memory_space<vmem>>, vector<1x16xf32>,
      %get3A_470 = vector.shape_cast %get3A_469 : vector<1x16xf32> to vector<16xf32>
      %add3A_471 = arith.addf %mul3A_466, %get3A_470 : vector<16xf32>
      %swap3A = arith.index_cast %scan3A_460 : i32 to index
      %swap3A_472 = arith.constant 0 : index
      %swap3A_473 = tpu.vector_load %arg8[%swap3A, %swap3A_472] {strides = array<i32>} : memref<200x128xf32, #tpu.memory_space<vmem>>, vector<1x16xf32>,
      %swap3A_474 = vector.shape_cast %swap3A_473 : vector<1x16xf32> to vector<16xf32>
      %swap3A_475 = vector.shape_cast %add3A_471 : vector<16xf32> to vector<1x16xf32>
      tpu.vector_store %arg8[%swap3A, %swap3A_472], %swap3A_475 {strides = array<i32>} : memref<200x128xf32, #tpu.memory_space<vmem>>, vector<1x16xf32>,
      %get3A_476 = arith.index_cast %scan3A_460 : i32 to index
      %get3A_477 = arith.constant 16 : index
      %get3A_478 = tpu.vector_load %arg8[%get3A_476, %get3A_477] {strides = array<i32>} : memref<200x128xf32, #tpu.memory_space<vmem>>, vector<1x16xf32>,
      %get3A_479 = vector.shape_cast %get3A_478 : vector<1x16xf32> to vector<16xf32>
      %mul3A_480 = arith.constant 11.3137083 : f32
      %mul3A_481 = vector.broadcast %mul3A_480 : f32 to vector<16xf32>
      %mul3A_482 = arith.mulf %get3A_479, %mul3A_481 : vector<16xf32>
      %get3A_483 = arith.index_cast %scan3A_460 : i32 to index
      %get3A_484 = arith.constant 16 : index
      %get3A_485 = tpu.vector_load %arg10[%get3A_483, %get3A_484] {strides = array<i32>} : memref<200x128xf32, #tpu.memory_space<vmem>>, vector<1x16xf32>,
      %get3A_486 = vector.shape_cast %get3A_485 : vector<1x16xf32> to vector<16xf32>
      %add3A_487 = arith.addf %mul3A_482, %get3A_486 : vector<16xf32>
      %swap3A_488 = arith.index_cast %scan3A_460 : i32 to index
      %swap3A_489 = arith.constant 16 : index
      %swap3A_490 = tpu.vector_load %arg8[%swap3A_488, %swap3A_489] {strides = array<i32>} : memref<200x128xf32, #tpu.memory_space<vmem>>, vector<1x16xf32>,
      %swap3A_491 = vector.shape_cast %swap3A_490 : vector<1x16xf32> to vector<16xf32>
      %swap3A_492 = vector.shape_cast %add3A_487 : vector<16xf32> to vector<1x16xf32>
      tpu.vector_store %arg8[%swap3A_488, %swap3A_489], %swap3A_492 {strides = array<i32>} : memref<200x128xf32, #tpu.memory_space<vmem>>, vector<1x16xf32>,
      %get3A_493 = arith.index_cast %scan3A_460 : i32 to index
      %get3A_494 = arith.constant 32 : index
      %get3A_495 = tpu.vector_load %arg8[%get3A_493, %get3A_494] {strides = array<i32>} : memref<200x128xf32, #tpu.memory_space<vmem>>, vector<1x16xf32>,
      %get3A_496 = vector.shape_cast %get3A_495 : vector<1x16xf32> to vector<16xf32>
      %mul3A_497 = arith.constant 11.3137083 : f32
      %mul3A_498 = vector.broadcast %mul3A_497 : f32 to vector<16xf32>
      %mul3A_499 = arith.mulf %get3A_496, %mul3A_498 : vector<16xf32>
      %get3A_500 = arith.index_cast %scan3A_460 : i32 to index
      %get3A_501 = arith.constant 32 : index
      %get3A_502 = tpu.vector_load %arg10[%get3A_500, %get3A_501] {strides = array<i32>} : memref<200x128xf32, #tpu.memory_space<vmem>>, vector<1x16xf32>,
      %get3A_503 = vector.shape_cast %get3A_502 : vector<1x16xf32> to vector<16xf32>
      %add3A_504 = arith.addf %mul3A_499, %get3A_503 : vector<16xf32>
      %swap3A_505 = arith.index_cast %scan3A_460 : i32 to index
      %swap3A_506 = arith.constant 32 : index
      %swap3A_507 = tpu.vector_load %arg8[%swap3A_505, %swap3A_506] {strides = array<i32>} : memref<200x128xf32, #tpu.memory_space<vmem>>, vector<1x16xf32>,
      %swap3A_508 = vector.shape_cast %swap3A_507 : vector<1x16xf32> to vector<16xf32>
      %swap3A_509 = vector.shape_cast %add3A_504 : vector<16xf32> to vector<1x16xf32>
      tpu.vector_store %arg8[%swap3A_505, %swap3A_506], %swap3A_509 {strides = array<i32>} : memref<200x128xf32, #tpu.memory_space<vmem>>, vector<1x16xf32>,
      %get3A_510 = arith.index_cast %scan3A_460 : i32 to index
      %get3A_511 = arith.constant 48 : index
      %get3A_512 = tpu.vector_load %arg8[%get3A_510, %get3A_511] {strides = array<i32>} : memref<200x128xf32, #tpu.memory_space<vmem>>, vector<1x16xf32>,
      %get3A_513 = vector.shape_cast %get3A_512 : vector<1x16xf32> to vector<16xf32>
      %mul3A_514 = arith.constant 11.3137083 : f32
      %mul3A_515 = vector.broadcast %mul3A_514 : f32 to vector<16xf32>
      %mul3A_516 = arith.mulf %get3A_513, %mul3A_515 : vector<16xf32>
      %get3A_517 = arith.index_cast %scan3A_460 : i32 to index
      %get3A_518 = arith.constant 48 : index
      %get3A_519 = tpu.vector_load %arg10[%get3A_517, %get3A_518] {strides = array<i32>} : memref<200x128xf32, #tpu.memory_space<vmem>>, vector<1x16xf32>,
      %get3A_520 = vector.shape_cast %get3A_519 : vector<1x16xf32> to vector<16xf32>
      %add3A_521 = arith.addf %mul3A_516, %get3A_520 : vector<16xf32>
      %swap3A_522 = arith.index_cast %scan3A_460 : i32 to index
      %swap3A_523 = arith.constant 48 : index
      %swap3A_524 = tpu.vector_load %arg8[%swap3A_522, %swap3A_523] {strides = array<i32>} : memref<200x128xf32, #tpu.memory_space<vmem>>, vector<1x16xf32>,
      %swap3A_525 = vector.shape_cast %swap3A_524 : vector<1x16xf32> to vector<16xf32>
      %swap3A_526 = vector.shape_cast %add3A_521 : vector<16xf32> to vector<1x16xf32>
      tpu.vector_store %arg8[%swap3A_522, %swap3A_523], %swap3A_526 {strides = array<i32>} : memref<200x128xf32, #tpu.memory_space<vmem>>, vector<1x16xf32>,
      %get3A_527 = arith.index_cast %scan3A_460 : i32 to index
      %get3A_528 = arith.constant 64 : index
      %get3A_529 = tpu.vector_load %arg8[%get3A_527, %get3A_528] {strides = array<i32>} : memref<200x128xf32, #tpu.memory_space<vmem>>, vector<1x16xf32>,
      %get3A_530 = vector.shape_cast %get3A_529 : vector<1x16xf32> to vector<16xf32>
      %mul3A_531 = arith.constant 11.3137083 : f32
      %mul3A_532 = vector.broadcast %mul3A_531 : f32 to vector<16xf32>
      %mul3A_533 = arith.mulf %get3A_530, %mul3A_532 : vector<16xf32>
      %get3A_534 = arith.index_cast %scan3A_460 : i32 to index
      %get3A_535 = arith.constant 64 : index
      %get3A_536 = tpu.vector_load %arg10[%get3A_534, %get3A_535] {strides = array<i32>} : memref<200x128xf32, #tpu.memory_space<vmem>>, vector<1x16xf32>,
      %get3A_537 = vector.shape_cast %get3A_536 : vector<1x16xf32> to vector<16xf32>
      %add3A_538 = arith.addf %mul3A_533, %get3A_537 : vector<16xf32>
      %swap3A_539 = arith.index_cast %scan3A_460 : i32 to index
      %swap3A_540 = arith.constant 64 : index
      %swap3A_541 = tpu.vector_load %arg8[%swap3A_539, %swap3A_540] {strides = array<i32>} : memref<200x128xf32, #tpu.memory_space<vmem>>, vector<1x16xf32>,
      %swap3A_542 = vector.shape_cast %swap3A_541 : vector<1x16xf32> to vector<16xf32>
      %swap3A_543 = vector.shape_cast %add3A_538 : vector<16xf32> to vector<1x16xf32>
      tpu.vector_store %arg8[%swap3A_539, %swap3A_540], %swap3A_543 {strides = array<i32>} : memref<200x128xf32, #tpu.memory_space<vmem>>, vector<1x16xf32>,
      %get3A_544 = arith.index_cast %scan3A_460 : i32 to index
      %get3A_545 = arith.constant 80 : index
      %get3A_546 = tpu.vector_load %arg8[%get3A_544, %get3A_545] {strides = array<i32>} : memref<200x128xf32, #tpu.memory_space<vmem>>, vector<1x16xf32>,
      %get3A_547 = vector.shape_cast %get3A_546 : vector<1x16xf32> to vector<16xf32>
      %mul3A_548 = arith.constant 11.3137083 : f32
      %mul3A_549 = vector.broadcast %mul3A_548 : f32 to vector<16xf32>
      %mul3A_550 = arith.mulf %get3A_547, %mul3A_549 : vector<16xf32>
      %get3A_551 = arith.index_cast %scan3A_460 : i32 to index
      %get3A_552 = arith.constant 80 : index
      %get3A_553 = tpu.vector_load %arg10[%get3A_551, %get3A_552] {strides = array<i32>} : memref<200x128xf32, #tpu.memory_space<vmem>>, vector<1x16xf32>,
      %get3A_554 = vector.shape_cast %get3A_553 : vector<1x16xf32> to vector<16xf32>
      %add3A_555 = arith.addf %mul3A_550, %get3A_554 : vector<16xf32>
      %swap3A_556 = arith.index_cast %scan3A_460 : i32 to index
      %swap3A_557 = arith.constant 80 : index
      %swap3A_558 = tpu.vector_load %arg8[%swap3A_556, %swap3A_557] {strides = array<i32>} : memref<200x128xf32, #tpu.memory_space<vmem>>, vector<1x16xf32>,
      %swap3A_559 = vector.shape_cast %swap3A_558 : vector<1x16xf32> to vector<16xf32>
      %swap3A_560 = vector.shape_cast %add3A_555 : vector<16xf32> to vector<1x16xf32>
      tpu.vector_store %arg8[%swap3A_556, %swap3A_557], %swap3A_560 {strides = array<i32>} : memref<200x128xf32, #tpu.memory_space<vmem>>, vector<1x16xf32>,
      %get3A_561 = arith.index_cast %scan3A_460 : i32 to index
      %get3A_562 = arith.constant 96 : index
      %get3A_563 = tpu.vector_load %arg8[%get3A_561, %get3A_562] {strides = array<i32>} : memref<200x128xf32, #tpu.memory_space<vmem>>, vector<1x16xf32>,
      %get3A_564 = vector.shape_cast %get3A_563 : vector<1x16xf32> to vector<16xf32>
      %mul3A_565 = arith.constant 11.3137083 : f32
      %mul3A_566 = vector.broadcast %mul3A_565 : f32 to vector<16xf32>
      %mul3A_567 = arith.mulf %get3A_564, %mul3A_566 : vector<16xf32>
      %get3A_568 = arith.index_cast %scan3A_460 : i32 to index
      %get3A_569 = arith.constant 96 : index
      %get3A_570 = tpu.vector_load %arg10[%get3A_568, %get3A_569] {strides = array<i32>} : memref<200x128xf32, #tpu.memory_space<vmem>>, vector<1x16xf32>,
      %get3A_571 = vector.shape_cast %get3A_570 : vector<1x16xf32> to vector<16xf32>
      %add3A_572 = arith.addf %mul3A_567, %get3A_571 : vector<16xf32>
      %swap3A_573 = arith.index_cast %scan3A_460 : i32 to index
      %swap3A_574 = arith.constant 96 : index
      %swap3A_575 = tpu.vector_load %arg8[%swap3A_573, %swap3A_574] {strides = array<i32>} : memref<200x128xf32, #tpu.memory_space<vmem>>, vector<1x16xf32>,
      %swap3A_576 = vector.shape_cast %swap3A_575 : vector<1x16xf32> to vector<16xf32>
      %swap3A_577 = vector.shape_cast %add3A_572 : vector<16xf32> to vector<1x16xf32>
      tpu.vector_store %arg8[%swap3A_573, %swap3A_574], %swap3A_577 {strides = array<i32>} : memref<200x128xf32, #tpu.memory_space<vmem>>, vector<1x16xf32>,
      %get3A_578 = arith.index_cast %scan3A_460 : i32 to index
      %get3A_579 = arith.constant 112 : index
      %get3A_580 = tpu.vector_load %arg8[%get3A_578, %get3A_579] {strides = array<i32>} : memref<200x128xf32, #tpu.memory_space<vmem>>, vector<1x16xf32>,
      %get3A_581 = vector.shape_cast %get3A_580 : vector<1x16xf32> to vector<16xf32>
      %mul3A_582 = arith.constant 11.3137083 : f32
      %mul3A_583 = vector.broadcast %mul3A_582 : f32 to vector<16xf32>
      %mul3A_584 = arith.mulf %get3A_581, %mul3A_583 : vector<16xf32>
      %get3A_585 = arith.index_cast %scan3A_460 : i32 to index
      %get3A_586 = arith.constant 112 : index
      %get3A_587 = tpu.vector_load %arg10[%get3A_585, %get3A_586] {strides = array<i32>} : memref<200x128xf32, #tpu.memory_space<vmem>>, vector<1x16xf32>,
      %get3A_588 = vector.shape_cast %get3A_587 : vector<1x16xf32> to vector<16xf32>
      %add3A_589 = arith.addf %mul3A_584, %get3A_588 : vector<16xf32>
      %swap3A_590 = arith.index_cast %scan3A_460 : i32 to index
      %swap3A_591 = arith.constant 112 : index
      %swap3A_592 = tpu.vector_load %arg8[%swap3A_590, %swap3A_591] {strides = array<i32>} : memref<200x128xf32, #tpu.memory_space<vmem>>, vector<1x16xf32>,
      %swap3A_593 = vector.shape_cast %swap3A_592 : vector<1x16xf32> to vector<16xf32>
      %swap3A_594 = vector.shape_cast %add3A_589 : vector<16xf32> to vector<1x16xf32>
      tpu.vector_store %arg8[%swap3A_590, %swap3A_591], %swap3A_594 {strides = array<i32>} : memref<200x128xf32, #tpu.memory_space<vmem>>, vector<1x16xf32>,
    }
    %scan3A_425 = arith.constant 104 : i32
    %add3A_426 = arith.constant 31 : i32
    %add3A_427 = arith.addi %mul3A_2, %add3A_426 : i32
    %mul3A_428 = arith.constant 200 : i32
    %mul3A_429 = arith.muli %add3A_427, %mul3A_428 : i32
    %add3A_430 = arith.constant 96 : i32
    %add3A_431 = arith.addi %mul3A_429, %add3A_430 : i32
    %dma_start3A_432 = arith.constant 96 : i32
    %dma_start3A_433 = arith.constant 0 : i32
    %dma_start3A_434 = tpu.memref_slice %arg8[%dma_start3A_432, %dma_start3A_433] : memref<200x128xf32, #tpu.memory_space<vmem>> -> memref<104x128xf32, #tpu.memory_space<vmem>>
    %dma_start3A_435 = arith.constant 0 : i32
    %dma_start3A_436 = tpu.memref_slice %arg5[%add3A_431, %dma_start3A_435] : memref<204800x128xf32, #tpu.memory_space<hbm>> -> memref<104x128xf32, #tpu.memory_space<hbm>>
    %dma_start3A_437 = arith.constant 0 : i32
    %dma_start3A_438 = tpu.memref_slice %arg5[%add3A_431, %dma_start3A_437] : memref<204800x128xf32, #tpu.memory_space<hbm>> -> memref<104x128xf32, #tpu.memory_space<hbm>>
    %dma_start3A_439 = arith.constant 96 : i32
    %dma_start3A_440 = arith.constant 0 : i32
    %dma_start3A_441 = tpu.memref_slice %arg8[%dma_start3A_439, %dma_start3A_440] : memref<200x128xf32, #tpu.memory_space<vmem>> -> memref<104x128xf32, #tpu.memory_space<vmem>>
    tpu.enqueue_dma source(%dma_start3A_441 : memref<104x128xf32, #tpu.memory_space<vmem>>) target(%dma_start3A_438 : memref<104x128xf32, #tpu.memory_space<hbm>>) target_semaphore(%arg18 : memref<!tpu.dma_semaphore, #tpu.memory_space<semaphore_mem>>)
    %dma_wait3A_442 = arith.constant 0 : i32
    %dma_wait3A_443 = arith.constant 0 : i32
    %dma_wait3A_444 = tpu.memref_slice %arg5[%dma_wait3A_442, %dma_wait3A_443] : memref<204800x128xf32, #tpu.memory_space<hbm>> -> memref<200x128xf32, #tpu.memory_space<hbm>>
    %dma_wait3A_445 = arith.constant 0 : i32
    %dma_wait3A_446 = arith.constant 0 : i32
    %dma_wait3A_447 = tpu.memref_slice %arg5[%dma_wait3A_445, %dma_wait3A_446] : memref<204800x128xf32, #tpu.memory_space<hbm>> -> memref<200x128xf32, #tpu.memory_space<hbm>>
    tpu.wait_dma2 semaphore(%arg17 : memref<!tpu.dma_semaphore, #tpu.memory_space<semaphore_mem>>) src(%arg7 : memref<200x128xf32, #tpu.memory_space<vmem>>) dst(%dma_wait3A_447 : memref<200x128xf32, #tpu.memory_space<hbm>>)
    %dma_wait3A_448 = arith.constant 0 : i32
    %dma_wait3A_449 = arith.constant 0 : i32
    %dma_wait3A_450 = tpu.memref_slice %arg5[%dma_wait3A_448, %dma_wait3A_449] : memref<204800x128xf32, #tpu.memory_space<hbm>> -> memref<200x128xf32, #tpu.memory_space<hbm>>
    %dma_wait3A_451 = arith.constant 0 : i32
    %dma_wait3A_452 = arith.constant 0 : i32
    %dma_wait3A_453 = tpu.memref_slice %arg5[%dma_wait3A_451, %dma_wait3A_452] : memref<204800x128xf32, #tpu.memory_space<hbm>> -> memref<200x128xf32, #tpu.memory_space<hbm>>
    tpu.wait_dma2 semaphore(%arg18 : memref<!tpu.dma_semaphore, #tpu.memory_space<semaphore_mem>>) src(%arg8 : memref<200x128xf32, #tpu.memory_space<vmem>>) dst(%dma_wait3A_453 : memref<200x128xf32, #tpu.memory_space<hbm>>)
    %dma_wait3A_454 = arith.constant 0 : i32
    %dma_wait3A_455 = arith.constant 0 : i32
    %dma_wait3A_456 = tpu.memref_slice %arg5[%dma_wait3A_454, %dma_wait3A_455] : memref<204800x128xf32, #tpu.memory_space<hbm>> -> memref<200x128xf32, #tpu.memory_space<hbm>>
    %dma_wait3A_457 = arith.constant 0 : i32
    %dma_wait3A_458 = arith.constant 0 : i32
    %dma_wait3A_459 = tpu.memref_slice %arg5[%dma_wait3A_457, %dma_wait3A_458] : memref<204800x128xf32, #tpu.memory_space<hbm>> -> memref<200x128xf32, #tpu.memory_space<hbm>>
    tpu.wait_dma2 semaphore(%arg19 : memref<!tpu.dma_semaphore, #tpu.memory_space<semaphore_mem>>) src(%arg9 : memref<200x128xf32, #tpu.memory_space<vmem>>) dst(%dma_wait3A_459 : memref<200x128xf32, #tpu.memory_space<hbm>>)
    return
  }
}

</mosaic_0001>

<sc_bundles>
// kernel: kernel.3.cloned.1.call-start
scs
__scs_entry_jumppad:
0x0: {  	(pc) =	sbr.rel $0x88, $3  }
0x1: {  	(tag) =	ssettag $0x0;
	lr =	simm.s32 $0x1  }
0x2: {  	[smem:$0x3F9E] =	sst lr;
	_ =	strace $0xD0000000  }
0x3: {  	_ = 	snop  }
0x4: {  	_ = 	snop  }
0x5: {  	_ = 	snop  }
0x6: {  	_ = 	snop  }
0x7: {  	_ = 	snop  }
__scs_overlays_trampoline_lowered:
0x8: {  	[smem:$0x3FAD] =	sst s0  }
0x9: {  	[smem:$0x3FAE] =	sst s1  }
0xa: {  	[smem:$0x3FAF] =	sst s2  }
0xb: {  	[smem:$0x3FB0] =	sst s3  }
0xc: {  	[smem:$0x3FB1] =	sst s4  }
0xd: {  	[smem:$0x3FB2] =	sst s5  }
0xe: {  	[smem:$0x3FB3] =	sst s6  }
0xf: {  	[smem:$0x3FB4] =	sst s7  }
0x10: {  	[smem:$0x3FB5] =	sst s8  }
0x11: {  	[smem:$0x3FB6] =	sst s9;
	s0 =	simm.s32 @!p0 $0x0  }
0x12: {  	s1 =	sld [smem:$0x3F9C];
	s0 =	simm.s32 @p0 $0x1  }
0x13: {  	[smem:$0x3FB7] =	sst s0;
	s0 =	simm.s32 @!p1 $0x0  }
0x14: {  	s2 =	sld [smem:$0x3F9B];
	s0 =	simm.s32 @p1 $0x1  }
0x15: {  	[smem:$0x3FB8] =	sst s0;
	s0 =	simm.s32 @!p2 $0x0  }
0x16: {  	s3 =	sld [smem:$0x3FDB];
	s0 =	simm.s32 @p2 $0x1  }
0x17: {  	s4 =	simm.s32 $0x1BF5;
	[smem:$0x3FBA] =	sst s0  }
0x18: {  	s0 =	sld [smem:$0x3F9D];
	_ =	swait.ge [sflag:s4], $0x0  }
0x19: {  	s7 =	sld [smem:$0x3F9E]  }
0x1a: {  	s8 =	sadd.s32 $0xFFFFE003, lr  }
0x1b: {  	s9 =	sadd.s32 $0xFFFFFEF7, lr;
	s5 =	simm.s32 $0xFFFFFFFF;
	p2 =	slt.u32 s8, $0xFFFFF086  }
0x1c: {  	p1 =	slt.u32 s9, $0xF7A;
	s5 =	simm.s32 @!p2 $0x0  }
0x1d: {  	s5 =	simm.s32 @p1 $0x1;
	p0 =	seq.s32 s7, s2  }
0x1e: {  	s7 =	smul.u32 @!p0 $0xF7A, s2;
	p2 =	seq.s32 @!p0 s5, $0x0  }
0x1f: {  	s9 =	smul.u32 $0xF7A, s1;
	s8 =	simm.s32 @!p0 $0x1BF5;
	p2 =	por !p2, p0  }
0x20: {  	[sflag:s8] =	ssyncset.s32 @!p0 $0xFFFFF086;
	s6 =	sadd.s32 @!p0 s3, s7;
	s7 =	simm.s32 @!p0 $0x108  }
0x21: {  	s3 =	sadd.s32 s3, s9;
	s6 =	sadd.s32 @!p0 $0x88, s6;
	s7 =	simm.s32 @p2 $0x1082  }
0x22: {  	[simem:s7], [sflag:s8] =	dma.local @!p0 [hbm:s6], $0xF7A  }
0x23: {  	s9 =	sor.u32 $0xD0000000, s2;
	s6 =	simm.s32 $0x108;
	_ =	swait.ge @!p0 [sflag:s8], $0x0  }
0x24: {  	s3 =	sadd.s32 $0x88, s3;
	s6 =	simm.s32 @!p1 $0x1082;
	[sflag:s4] =	ssyncset.s32 $0xFFFFF086  }
0x25: {  	[simem:s6], [sflag:s4] =	dma.local [hbm:s3], $0xF7A  }
0x26: {  	[smem:$0x3F9E] =	sst s1;
	(tag) =	ssettag s2;
	_ =	strace s9  }
0x27: {  	s1 =	sld [smem:$0x3FAE]  }
0x28: {  	s2 =	sld [smem:$0x3FAF]  }
0x29: {  	s4 =	sld [smem:$0x3FB1]  }
0x2a: {  	p0 =	seq.s32 s5, $0x0;
	s5 =	sld [smem:$0x3FB2]  }
0x2b: {  	s6 =	sld [smem:$0x3FB3]  }
0x2c: {  	s7 =	sld [smem:$0x3FB4]  }
0x2d: {  	s3 =	simm.s32 $0x108;
	s8 =	sld [smem:$0x3FB5]  }
0x2e: {  	s3 =	simm.s32 @!p0 $0x1082;
	s9 =	sld [smem:$0x3FB6]  }
0x2f: {  	lr =	sadd.s32 s0, s3;
	s0 =	sld [smem:$0x3FAD]  }
0x30: {  	s3 =	sld [smem:$0x3FB0]  }
0x31: {  	[smem:$0x3FB9] =	sst s10  }
0x32: {  	s10 =	sld [smem:$0x3FB7];
	_ =	sdelay $0x3  }
0x33: {  	p0 =	seq.s32 s10, $0x1;
	s10 =	sld [smem:$0x3FB9];
	_ =	sdelay $0x3  }
0x34: {  	[smem:$0x3FB9] =	sst s10  }
0x35: {  	s10 =	sld [smem:$0x3FB8];
	_ =	sdelay $0x3  }
0x36: {  	p1 =	seq.s32 s10, $0x1;
	s10 =	sld [smem:$0x3FB9];
	_ =	sdelay $0x3  }
0x37: {  	[smem:$0x3FB9] =	sst s10  }
0x38: {  	s10 =	sld [smem:$0x3FBA]  }
0x39: {  	_ = 	snop;
	(pc) =	sbr.ind lr, $3  }
0x3a: {  	_ = 	snop  }
0x3b: {  	_ = 	snop  }
0x3c: {  	p2 =	seq.s32 s10, $0x1;
	s10 =	sld [smem:$0x3FB9]  }
0x3d: {  	_ =	shalt  }
0x3e: {  	_ =	shalt  }
0x3f: {  	_ =	shalt  }
0x40: {  	_ =	shalt  }
0x41: {  	_ =	shalt  }
0x42: {  	_ =	shalt  }
0x43: {  	_ =	shalt  }
0x44: {  	_ =	shalt  }
0x45: {  	_ =	shalt  }
0x46: {  	_ =	shalt  }
0x47: {  	_ =	shalt  }
0x48: {  	_ =	shalt  }
0x49: {  	_ =	shalt  }
0x4a: {  	_ =	shalt  }
0x4b: {  	_ =	shalt  }
0x4c: {  	_ =	shalt  }
0x4d: {  	_ =	shalt  }
0x4e: {  	_ =	shalt  }
0x4f: {  	_ =	shalt  }
0x50: {  	_ =	shalt  }
0x51: {  	_ =	shalt  }
0x52: {  	_ =	shalt  }
0x53: {  	_ =	shalt  }
0x54: {  	_ =	shalt  }
0x55: {  	_ =	shalt  }
0x56: {  	_ =	shalt  }
0x57: {  	_ =	shalt  }
0x58: {  	_ =	shalt  }
0x59: {  	_ =	shalt  }
0x5a: {  	_ =	shalt  }
0x5b: {  	_ =	shalt  }
0x5c: {  	_ =	shalt  }
0x5d: {  	_ =	shalt  }
0x5e: {  	_ =	shalt  }
0x5f: {  	_ =	shalt  }
0x60: {  	_ =	shalt  }
0x61: {  	_ =	shalt  }
0x62: {  	_ =	shalt  }
0x63: {  	_ =	shalt  }
0x64: {  	_ =	shalt  }
0x65: {  	_ =	shalt  }
0x66: {  	_ =	shalt  }
0x67: {  	_ =	shalt  }
0x68: {  	_ =	shalt  }
0x69: {  	_ =	shalt  }
0x6a: {  	_ =	shalt  }
0x6b: {  	_ =	shalt  }
0x6c: {  	_ =	shalt  }
0x6d: {  	_ =	shalt  }
0x6e: {  	_ =	shalt  }
0x6f: {  	_ =	shalt  }
0x70: {  	_ =	shalt  }
0x71: {  	_ =	shalt  }
0x72: {  	_ =	shalt  }
0x73: {  	_ =	shalt  }
0x74: {  	_ =	shalt  }
0x75: {  	_ =	shalt  }
0x76: {  	_ =	shalt  }
0x77: {  	_ =	shalt  }
0x78: {  	_ =	shalt  }
0x79: {  	_ =	shalt  }
0x7a: {  	_ =	shalt  }
0x7b: {  	_ =	shalt  }
0x7c: {  	_ =	shalt  }
0x7d: {  	_ =	shalt  }
0x7e: {  	_ =	shalt  }
0x7f: {  	_ =	shalt  }
0x80: {  	_ =	shalt  }
0x81: {  	_ =	shalt  }
0x82: {  	_ =	shalt  }
0x83: {  	_ =	shalt  }
0x84: {  	_ =	shalt  }
0x85: {  	_ =	shalt  }
0x86: {  	_ =	shalt  }
0x87: {  	_ =	shalt  }
.Lfunc_end0:
.L_simem_size_0:
called_computation_lowered:
.L_overlay_start_0:
0x88: {  	s2 =	sld [smem:$0x3FD9]  }
0x89: {  	s3 =	sld [smem:$0x3FFE];
	_ =	sdelay $0x1  }
0x8a: {  	s1 =	srdreg.scid  }
0x8b: {  	s0 =	sand.u32 $0x1, s1  }
0x8c: {  	s17 =	sshll.u32 s0, $0xA;
	s2 =	sadd.s32 s3, s2  }
0x8d: {  	s2 =	sadd.s32 s2, s17  }
0x8e: {  	[smem:$0x3FC5] =	sst s2  }
0x8f: {  	_ = 	snop  }
0x90: {  	s2 =	sld [smem:$0x3FC8]  }
0x91: {  	s18 =	sld [smem:$0x3FC7]  }
0x92: {  	s4 =	sld [smem:$0x3FD0];
	(tm) =	ssettm $0x1  }
0x93: {  	s5 =	sld [smem:$0x3FFB];
	_ =	sdelay $0x3  }
0x94: {  	_ =	strace s5  }
0x95: {  	s5 =	sld [smem:$0x3FFC];
	_ =	sdelay $0x3  }
0x96: {  	_ =	strace s5  }
0x97: {  	s5 =	sld [smem:$0x3FFD];
	_ =	sdelay $0x3  }
0x98: {  	_ =	strace s5  }
0x99: {  	_ =	strace $0x8FFFFFFF  }
0x9a: {  	s19 =	sld [smem:$0x3FDB];
	_ =	sdelay $0x1  }
0x9b: {  	s6 =	simm.s32 $_scs_section_size  }
0x9c: {  	s7 =	simm.s32 $_size__tile_overlayer_lowered;
	s8 =	simm.s32 $_tile_overlayer_lowered  }
0x9d: {  	s22 =	simm.s32 $0x1BFF;
	s21 =	sshll.u32 s8, $0x1;
	s5 =	sadd.s32 s6, s19  }
0x9e: {  	s9 =	simm.s32 $0x0;
	s20 =	sshll.u32 s7, $0x1;
	s7 =	sadd.s32 s21, s5  }
0x9f: {  	[timem:s9], [sflag:s22] =	dma.local [hbm:s7], s20  }
0xa0: {  	_ =	swait.ge [sflag:s22], s20  }
0xa1: {  	s6 =	ssub.s32 $0x0, s20;
	[sflag:s22] =	ssyncset.done $0x0  }
0xa2: {  	[sflag:s22] =	ssyncadd.s32 s6;
	_ =	sdelay $0x1  }
0xa3: {  	s23 =	simm.s32 $0x1B8B  }
0xa4: {  	_ =	swait.ge [sflag:s23], $0x1  }
0xa5: {  	[sflag:s23] =	ssyncset.done $0x0  }
0xa6: {  	s25 =	simm.s32 $0x1B8E;
	s24 =	sld [smem:$0x3FFE];
	[sflag:s23] =	ssyncadd.s32 $0xFFFFFFFF  }
0xa7: {  	s26 =	simm.s32 $execute0_lowered;
	[smem:$0x3FD2] =	sst s25  }
0xa8: {  	s7 =	sshll.u32 s26, $0x1;
	_ =	strace $0x80000046;
	[dreg:$0x1] =	wrdreg $0xFFFFFFFF  }
0xa9: {  	s28 =	simm.s32 $_size_execute0_lowered;
	s5 =	sadd.s32 s5, s7;
	[dreg:$0x0] =	wrdreg $0x0  }
0xaa: {  	s7 =	sshll.u32 s28, $0x1;
	[dreg:$0x2] =	wrdreg s5  }
0xab: {  	[dreg:$0x3] =	wrdreg s7  }
0xac: {  	[dreg:$0x4] =	wrdreg $0xC0  }
0xad: {  	_ =	task [dreg:s9], $0x5FFFF  }
0xae: {  	[dreg:$0x1] =	wrdreg $0xFFFFFFFF  }
0xaf: {  	[dreg:$0x0] =	wrdreg $0x60  }
0xb0: {  	[dreg:$0x2] =	wrdreg s24  }
0xb1: {  	[dreg:$0x3] =	wrdreg s2  }
0xb2: {  	[dreg:$0x4] =	wrdreg s18  }
0xb3: {  	[dreg:$0x5] =	wrdreg s4  }
0xb4: {  	[dreg:$0x6] =	wrdreg $0x9  }
0xb5: {  	_ =	task.clear_ibuf [dreg:s9], $0x7FFFF;
	_ =	strace $0x90000046  }
0xb6: {  	s29 =	simm.s32 $0x9;
	_ =	strace $0x80000048  }
0xb7: {  	_ =	swait.ge [sflag:s29], $0x1  }
0xb8: {  	[sflag:s29] =	ssyncadd.s32 $0xFFFFFFFF  }
0xb9: {  	_ =	strace $0x90000048  }
0xba: {  	_ =	sfence  }
0xbb: {  	s30 =	sld [smem:$0x0];
	_ =	sdelay $0x2  }
0xbc: {  	s31 =	sshll.u32 s1, $0xD;
	s1 =	sshrl.u32 s1, $0x2  }
0xbd: {  	s3 =	sand.u32 $0x4000, s31;
	s1 =	sadd.s32 s1, s30  }
0xbe: {  	s0 =	sor.u32 s3, s0;
	s1 =	sshll.u32 s1, $0x11  }
0xbf: {  	s0 =	sor.u32 s1, s0  }
0xc0: {  	s0 =	sadd.s32 $0x8F2B, s0  }
0xc1: {  	[sflag:s0] =	ssyncadd.remote.s32 $0x1  }
0xc2: {  	_ =	sfence.sel $0xFFFF  }
0xc3: {  	[dreg:$0x0] =	wrdreg $0xFFFFFFFF;
	(pc) =	sbr.abs _section_cstart, $3  }
0xc4: {  	[dreg:$0x1] =	wrdreg $0xFFFFFFFF  }
0xc5: {  	_ =	task.clear_ibuf [dreg:s9], $0x2FFFF;
	_ =	strace $0x9FFFFFFF  }
0xc6: {  	(tm) =	ssettm $0x7FFFFFFF  }
0xc7: {  	_ =	shalt  }
tec
execute0_lowered:
.L_overlay_start_1:
0x0: {  	(tag) =	ssettag $0x1  }
0x1: {  	s0 =	rddreg [dreg:$0x0]  }
0x2: {  	s1 =	rddreg [dreg:$0x1];
	s2 =	srdreg.scid  }
0x3: {  	s3 =	stileid.u32;
	s4 =	rddreg [dreg:$0x3];
	s5 =	simm.s32 $0x0  }
0x4: {  	s28 =	simm.s32 $0x8400;
	s30 =	simm.s32 $0xB600;
	s29 =	simm.s32 $0x5000  }
0x5: {  	s10 =	simm.s32 $0x5;
	s11 =	simm.s32 $0x8;
	s12 =	simm.s32 $0x6  }
0x6: {  	s13 =	simm.s32 $0x11800;
	s2 =	sand.u32 $0x1, s2;
	s3 =	sshll.u32 s3, $0x1  }
0x7: {  	s15 =	simm.s32 $0x9;
	s16 =	simm.s32 $0x0;
	s3 =	sor.u32 s2, s3  }
0x8: {  	[smem:$0x7FF] =	sst s5;
	s2 =	ssub.s32 $0x2, s2;
	s6 =	sshll.u32 s3, $0xA  }
0x9: {  	_ =	strace $0x80000047;
	s7 =	smul.u32 $0x19000, s3;
	s0 =	sadd.s32 s6, s0  }
0xa: {  	s8 =	sshrl.u32 s2, $0x1;
	s9 =	smul.u32 $0xC8000, s3;
	s0 =	sadd.s32 $0x400, s0  }
0xb: {  	s2 =	ssub.s32 s2, s8;
	s7 =	sadd.s32 s4, s7;
	[dreg:$0x6] =	wrdreg s0  }
0xc: {  	s6 =	sshll.u32 s3, $0x5;
	s31 =	smax.u32 s2, $0x1;
	[dreg:$0x5] =	wrdreg s7  }
0xd: {  	s3 =	simm.s32 $0xE800;
	s18 =	sadd.s32 $0x600, s7;
	[dreg:$0x10] =	wrdreg s31  }
0xe: {  	s8 =	simm.s32 $0x4;
	s20 =	sadd.s32 $0xC80, s7;
	[dreg:$0x7] =	wrdreg s18  }
0xf: {  	s17 =	sshrl.u32 s9, $0x3;
	s22 =	sadd.s32 $0x1900, s7;
	[dreg:$0x8] =	wrdreg s20  }
0x10: {  	s14 =	sor.u32 $0x1, s6;
	s24 =	sadd.s32 $0x17700, s7;
	[dreg:$0xa] =	wrdreg s22  }
0x11: {  	s19 =	sadd.s32 s4, s17;
	s26 =	sadd.s32 $0x18380, s7;
	[dreg:$0xc] =	wrdreg s24  }
0x12: {  	s2 =	simm.s32 $0x1;
	s21 =	sadd.s32 $0x1280, s19;
	[dreg:$0xe] =	wrdreg s26  }
0x13: {  	s9 =	simm.s32 $0xB400;
	s23 =	sadd.s32 $0x1F00, s19;
	[dreg:$0x9] =	wrdreg s21  }
0x14: {  	s25 =	sadd.s32 $0x17D00, s19;
	s0 =	sadd.s32 $0x18980, s19;
	[dreg:$0xb] =	wrdreg s23  }
0x15: {  	s22 =	simm.s32 $0x64;
	s24 =	simm.s32 $0x11A00;
	[dreg:$0xd] =	wrdreg s25  }
0x16: {  	s26 =	simm.s32 $0x2;
	[dreg:$0xf] =	wrdreg s0;
	s23 =	simm.s32 $0x2000  }
0x17: {  	s25 =	simm.s32 $0x5200;
	s0 =	simm.s32 $0x3;
	s21 =	simm.s32 $0x7  }
.LBB2_1:
0x18: {  	[dreg:$0x11] =	wrdreg s16  }
0x19: {  	s7 =	rddreg [dreg:$0x6];
	s16 =	simm.s32 $0xB  }
0x1a: {  	[tilespmem:s5], [sflag:$0xB] =	stream.linear.gather [hbm4b:s7+s5], $0x2000, $0x38;
	[tilespmem:$0x1B000] =	vst v63  }
0x1b: {  	_ =	swait.ge [sflag:s16], $0x2000  }
0x1c: {  	[sflag:s16] =	ssyncset.done $0x0  }
0x1d: {  	[sflag:s16] =	ssyncadd.s32 $0xFFFFE000  }
0x1e: {  	s17 =	simm.s32 $0x14C00;
	s7 =	rddreg [dreg:$0x2]  }
0x1f: {  	[tilespmem:s17], [sflag:$0xA] =	stream.linear.gather [hbm4b:s7+s5], $0x6400, $0x38;
	[tilespmem:$0x1B000] =	vst v63  }
0x20: {  	_ = 	snop  }
0x21: {  	[tilespmem:s23], [sflag:$0x1] =	stream.indirect.gather [hbm4b:s1+s22], $0x80, s5, s22, $0xb8;
	[tilespmem:$0x1B000] =	vst v63  }
0x22: {  	s18 =	simm.s32 $0x80  }
0x23: {  	[tilespmem:s25], [sflag:$0x2] =	stream.indirect.gather [hbm4b:s1+s22], $0x80, s18, s22, $0xb8;
	[tilespmem:$0x1B000] =	vst v63  }
0x24: {  	s19 =	simm.s32 $0x100  }
0x25: {  	[tilespmem:s28], [sflag:$0x3] =	stream.indirect.gather [hbm4b:s1+s22], $0x80, s19, s22, $0xb8;
	[tilespmem:$0x1B000] =	vst v63  }
0x26: {  	s20 =	simm.s32 $0x180;
	s31 =	simm.s32 $0xA  }
0x27: {  	[tilespmem:s30], [sflag:$0x4] =	stream.indirect.gather [hbm4b:s1+s22], $0x80, s20, s22, $0xb8;
	[tilespmem:$0x1B000] =	vst v63  }
0x28: {  	_ =	swait.ge [sflag:s31], $0x6400  }
0x29: {  	[sflag:s31] =	ssyncset.done $0x0  }
0x2a: {  	[sflag:s31] =	ssyncadd.s32 $0xFFFF9C00  }
0x2b: {  	_ =	swait.ge [sflag:s2], $0x3200  }
0x2c: {  	[sflag:s2] =	ssyncset.done $0x0  }
0x2d: {  	s7 =	simm.s32 $0x0;
	[sflag:s2] =	ssyncadd.s32 $0xFFFFCE00  }
0x2e: {  	v5 =	vld [tilespmem:s7+$0x14C00]  }
0x2f: {  	v4 =	vld [tilespmem:s7+$0x14C10]  }
0x30: {  	v3 =	vld [tilespmem:s7+$0x14C20]  }
0x31: {  	v2 =	vld [tilespmem:s7+$0x14C30]  }
0x32: {  	v1 =	vld [tilespmem:s7+$0x14C40]  }
0x33: {  	v0 =	vld [tilespmem:s7+$0x14C50]  }
0x34: {  	v6 =	vld [tilespmem:s7+$0x2000]  }
0x35: {  	v11 =	vld [tilespmem:s7+$0x2010]  }
0x36: {  	v10 =	vld [tilespmem:s7+$0x2020]  }
0x37: {  	v9 =	vld [tilespmem:s7+$0x2030]  }
0x38: {  	v8 =	vld [tilespmem:s7+$0x2040]  }
0x39: {  	v7 =	vld [tilespmem:s7+$0x2050];
	v12 =	vmul.f32 $1.131370830e+01, v6  }
0x3a: {  	s17 =	simm.s32 $0x200;
	v11 =	vmul.f32 $1.131370830e+01, v11;
	v6 =	vld [tilespmem:s7+$0x2060]  }
.LBB2_2:
0x3b: {  	p0 =	sne.s32 s17, $0xBE00;
	v5 =	vadd.f32 v5, v12;
	v10 =	vmul.f32 $1.131370830e+01, v10;
	v12 =	vld [tilespmem:s7+$0x2070]  }
0x3c: {  	v4 =	vadd.f32 v4, v11;
	v9 =	vmul.f32 $1.131370830e+01, v9;
	v11 =	vld [tilespmem:s7+$0x14C60]  }
0x3d: {  	s18 =	sshra.s32 s17, $0x2;
	[tilespmem:s7+$0x2000] =	vst v5;
	v3 =	vadd.f32 v3, v10;
	v8 =	vmul.f32 $1.131370830e+01, v8;
	v10 =	vld [tilespmem:s7+$0x14C70]  }
0x3e: {  	v5 =	vld [tilespmem:s18+$0x14C00];
	[tilespmem:s7+$0x2010] =	vst v4;
	v2 =	vadd.f32 v2, v9;
	v7 =	vmul.f32 $1.131370830e+01, v7  }
0x3f: {  	v4 =	vld [tilespmem:s18+$0x14C10];
	[tilespmem:s7+$0x2020] =	vst v3;
	v1 =	vadd.f32 v1, v8;
	v6 =	vmul.f32 $1.131370830e+01, v6  }
0x40: {  	v3 =	vld [tilespmem:s18+$0x14C20];
	[tilespmem:s7+$0x2030] =	vst v2;
	v0 =	vadd.f32 v0, v7;
	v7 =	vmul.f32 $1.131370830e+01, v12  }
0x41: {  	v2 =	vld [tilespmem:s18+$0x14C30];
	[tilespmem:s7+$0x2040] =	vst v1;
	v6 =	vadd.f32 v11, v6  }
0x42: {  	v1 =	vld [tilespmem:s18+$0x14C40];
	[tilespmem:s7+$0x2050] =	vst v0;
	v7 =	vadd.f32 v10, v7  }
0x43: {  	v0 =	vld [tilespmem:s18+$0x14C50];
	[tilespmem:s7+$0x2060] =	vst v6  }
0x44: {  	v6 =	vld [tilespmem:s18+$0x2000];
	[tilespmem:s7+$0x2070] =	vst v7;
	s7 =	smov.u32 s18  }
0x45: {  	v11 =	vld [tilespmem:s7+$0x2010]  }
.Ltmp0:
0x46: {  	v10 =	vld [tilespmem:s7+$0x2020];
	(pc) =	sbr.rel @p0 .LBB2_2-.Ltmp0, $4  }
0x47: {  	v9 =	vld [tilespmem:s7+$0x2030]  }
0x48: {  	v8 =	vld [tilespmem:s7+$0x2040]  }
0x49: {  	v12 =	vmul.f32 $1.131370830e+01, v6;
	v7 =	vld [tilespmem:s7+$0x2050]  }
0x4a: {  	s17 =	sadd.s32 $0x200, s17;
	v11 =	vmul.f32 $1.131370830e+01, v11;
	v6 =	vld [tilespmem:s7+$0x2060]  }
0x4b: {  	v5 =	vadd.f32 v5, v12;
	v12 =	vld [tilespmem:s7+$0x2070];
	v10 =	vmul.f32 $1.131370830e+01, v10  }
0x4c: {  	v13 =	vld [tilespmem:s7+$0x14C60];
	v4 =	vadd.f32 v4, v11;
	v9 =	vmul.f32 $1.131370830e+01, v9  }
0x4d: {  	[tilespmem:s7+$0x2000] =	vst v5;
	v3 =	vadd.f32 v3, v10;
	v5 =	vmul.f32 $1.131370830e+01, v8;
	v8 =	vld [tilespmem:s7+$0x14C70]  }
0x4e: {  	[tilespmem:s7+$0x2010] =	vst v4;
	v2 =	vadd.f32 v2, v9;
	v4 =	vmul.f32 $1.131370830e+01, v7  }
0x4f: {  	[tilespmem:s7+$0x2020] =	vst v3;
	v1 =	vadd.f32 v1, v5;
	v3 =	vmul.f32 $1.131370830e+01, v6  }
0x50: {  	[tilespmem:s7+$0x2030] =	vst v2;
	v0 =	vadd.f32 v0, v4;
	v2 =	vmul.f32 $1.131370830e+01, v12  }
0x51: {  	[tilespmem:s7+$0x2040] =	vst v1;
	v1 =	vadd.f32 v13, v3  }
0x52: {  	[tilespmem:s7+$0x2050] =	vst v0;
	v0 =	vadd.f32 v8, v2  }
0x53: {  	[tilespmem:s7+$0x2060] =	vst v1  }
0x54: {  	s19 =	simm.s32 $0x0;
	s16 =	rddreg [dreg:$0x5];
	[tilespmem:s7+$0x2070] =	vst v0  }
0x55: {  	[hbm4b:s16+s19] =	stream.linear.scatter [tilespmem:s23], [sflag:$0x7], $0x3000, $0x38;
	[tilespmem:$0x1B000] =	vst v63  }
0x56: {  	s20 =	simm.s32 $0x200  }
0x57: {  	[tilespmem:s3], [sflag:$0x5] =	stream.indirect.gather [hbm4b:s1+s22], $0x80, s20, s22, $0xb8;
	[tilespmem:$0x1B000] =	vst v63  }
0x58: {  	s31 =	simm.s32 $0x280  }
0x59: {  	[tilespmem:s24], [sflag:$0x6] =	stream.indirect.gather [hbm4b:s1+s22], $0x80, s31, s22, $0xb8;
	[tilespmem:$0x1B000] =	vst v63  }
0x5a: {  	_ =	swait.ge [sflag:s26], $0x3200  }
0x5b: {  	[sflag:s26] =	ssyncset.done $0x0  }
0x5c: {  	s7 =	simm.s32 $0x0;
	[sflag:s26] =	ssyncadd.s32 $0xFFFFCE00  }
0x5d: {  	v5 =	vld [tilespmem:s7+$0x17C00]  }
0x5e: {  	v4 =	vld [tilespmem:s7+$0x17C10]  }
0x5f: {  	v3 =	vld [tilespmem:s7+$0x17C20]  }
0x60: {  	v2 =	vld [tilespmem:s7+$0x17C30]  }
0x61: {  	v1 =	vld [tilespmem:s7+$0x17C40]  }
0x62: {  	v0 =	vld [tilespmem:s7+$0x17C50]  }
0x63: {  	v6 =	vld [tilespmem:s7+$0x5000]  }
0x64: {  	v11 =	vld [tilespmem:s7+$0x5010]  }
0x65: {  	v10 =	vld [tilespmem:s7+$0x5020]  }
0x66: {  	v9 =	vld [tilespmem:s7+$0x5030]  }
0x67: {  	v8 =	vld [tilespmem:s7+$0x5040]  }
0x68: {  	v7 =	vld [tilespmem:s7+$0x5050];
	v12 =	vmul.f32 $1.131370830e+01, v6  }
0x69: {  	s17 =	simm.s32 $0x200;
	v11 =	vmul.f32 $1.131370830e+01, v11;
	v6 =	vld [tilespmem:s7+$0x5060]  }
.LBB2_4:
0x6a: {  	p0 =	sne.s32 s17, $0xCE00;
	v5 =	vadd.f32 v5, v12;
	v10 =	vmul.f32 $1.131370830e+01, v10;
	v12 =	vld [tilespmem:s7+$0x5070]  }
0x6b: {  	v4 =	vadd.f32 v4, v11;
	v9 =	vmul.f32 $1.131370830e+01, v9;
	v11 =	vld [tilespmem:s7+$0x17C60]  }
0x6c: {  	s18 =	sshra.s32 s17, $0x2;
	[tilespmem:s7+$0x5000] =	vst v5;
	v3 =	vadd.f32 v3, v10;
	v8 =	vmul.f32 $1.131370830e+01, v8;
	v10 =	vld [tilespmem:s7+$0x17C70]  }
0x6d: {  	v5 =	vld [tilespmem:s18+$0x17C00];
	[tilespmem:s7+$0x5010] =	vst v4;
	v2 =	vadd.f32 v2, v9;
	v7 =	vmul.f32 $1.131370830e+01, v7  }
0x6e: {  	v4 =	vld [tilespmem:s18+$0x17C10];
	[tilespmem:s7+$0x5020] =	vst v3;
	v1 =	vadd.f32 v1, v8;
	v6 =	vmul.f32 $1.131370830e+01, v6  }
0x6f: {  	v3 =	vld [tilespmem:s18+$0x17C20];
	[tilespmem:s7+$0x5030] =	vst v2;
	v0 =	vadd.f32 v0, v7;
	v7 =	vmul.f32 $1.131370830e+01, v12  }
0x70: {  	v2 =	vld [tilespmem:s18+$0x17C30];
	[tilespmem:s7+$0x5040] =	vst v1;
	v6 =	vadd.f32 v11, v6  }
0x71: {  	v1 =	vld [tilespmem:s18+$0x17C40];
	[tilespmem:s7+$0x5050] =	vst v0;
	v7 =	vadd.f32 v10, v7  }
0x72: {  	v0 =	vld [tilespmem:s18+$0x17C50];
	[tilespmem:s7+$0x5060] =	vst v6  }
0x73: {  	v6 =	vld [tilespmem:s18+$0x5000];
	[tilespmem:s7+$0x5070] =	vst v7;
	s7 =	smov.u32 s18  }
0x74: {  	v11 =	vld [tilespmem:s7+$0x5010]  }
.Ltmp1:
0x75: {  	v10 =	vld [tilespmem:s7+$0x5020];
	(pc) =	sbr.rel @p0 .LBB2_4-.Ltmp1, $4  }
0x76: {  	v9 =	vld [tilespmem:s7+$0x5030]  }
0x77: {  	v8 =	vld [tilespmem:s7+$0x5040]  }
0x78: {  	v12 =	vmul.f32 $1.131370830e+01, v6;
	v7 =	vld [tilespmem:s7+$0x5050]  }
0x79: {  	s17 =	sadd.s32 $0x200, s17;
	v11 =	vmul.f32 $1.131370830e+01, v11;
	v6 =	vld [tilespmem:s7+$0x5060]  }
0x7a: {  	v5 =	vadd.f32 v5, v12;
	v12 =	vld [tilespmem:s7+$0x5070];
	v10 =	vmul.f32 $1.131370830e+01, v10  }
0x7b: {  	v13 =	vld [tilespmem:s7+$0x17C60];
	v4 =	vadd.f32 v4, v11;
	v9 =	vmul.f32 $1.131370830e+01, v9  }
0x7c: {  	[tilespmem:s7+$0x5000] =	vst v5;
	v3 =	vadd.f32 v3, v10;
	v5 =	vmul.f32 $1.131370830e+01, v8;
	v8 =	vld [tilespmem:s7+$0x17C70]  }
0x7d: {  	[tilespmem:s7+$0x5010] =	vst v4;
	v2 =	vadd.f32 v2, v9;
	v4 =	vmul.f32 $1.131370830e+01, v7  }
0x7e: {  	[tilespmem:s7+$0x5020] =	vst v3;
	v1 =	vadd.f32 v1, v5;
	v3 =	vmul.f32 $1.131370830e+01, v6  }
0x7f: {  	[tilespmem:s7+$0x5030] =	vst v2;
	v0 =	vadd.f32 v0, v4;
	v2 =	vmul.f32 $1.131370830e+01, v12  }
0x80: {  	[tilespmem:s7+$0x5040] =	vst v1;
	v1 =	vadd.f32 v13, v3  }
0x81: {  	[tilespmem:s7+$0x5050] =	vst v0;
	v0 =	vadd.f32 v8, v2  }
0x82: {  	[tilespmem:s7+$0x5060] =	vst v1  }
0x83: {  	s31 =	simm.s32 $0x0;
	s16 =	rddreg [dreg:$0x7];
	[tilespmem:s7+$0x5070] =	vst v0  }
0x84: {  	[hbm4b:s16+s31] =	stream.linear.scatter [tilespmem:s29], [sflag:$0x7], $0x3400, $0x38;
	[tilespmem:$0x1B000] =	vst v63  }
0x85: {  	_ =	swait.ge [sflag:s0], $0x3200  }
0x86: {  	[sflag:s0] =	ssyncset.done $0x0  }
0x87: {  	s7 =	simm.s32 $0x0;
	[sflag:s0] =	ssyncadd.s32 $0xFFFFCE00  }
0x88: {  	v5 =	vld [tilespmem:s7+$0x14C00]  }
0x89: {  	v4 =	vld [tilespmem:s7+$0x14C10]  }
0x8a: {  	v3 =	vld [tilespmem:s7+$0x14C20]  }
0x8b: {  	v2 =	vld [tilespmem:s7+$0x14C30]  }
0x8c: {  	v1 =	vld [tilespmem:s7+$0x14C40]  }
0x8d: {  	v0 =	vld [tilespmem:s7+$0x14C50]  }
0x8e: {  	v6 =	vld [tilespmem:s7+$0x8400]  }
0x8f: {  	v11 =	vld [tilespmem:s7+$0x8410]  }
0x90: {  	v10 =	vld [tilespmem:s7+$0x8420]  }
0x91: {  	v9 =	vld [tilespmem:s7+$0x8430]  }
0x92: {  	v8 =	vld [tilespmem:s7+$0x8440]  }
0x93: {  	v7 =	vld [tilespmem:s7+$0x8450];
	v12 =	vmul.f32 $1.131370830e+01, v6  }
0x94: {  	s17 =	simm.s32 $0x200;
	v11 =	vmul.f32 $1.131370830e+01, v11;
	v6 =	vld [tilespmem:s7+$0x8460]  }
.LBB2_6:
0x95: {  	p0 =	sne.s32 s17, $0xBE00;
	v5 =	vadd.f32 v5, v12;
	v10 =	vmul.f32 $1.131370830e+01, v10;
	v12 =	vld [tilespmem:s7+$0x8470]  }
0x96: {  	v4 =	vadd.f32 v4, v11;
	v9 =	vmul.f32 $1.131370830e+01, v9;
	v11 =	vld [tilespmem:s7+$0x14C60]  }
0x97: {  	s18 =	sshra.s32 s17, $0x2;
	[tilespmem:s7+$0x8400] =	vst v5;
	v3 =	vadd.f32 v3, v10;
	v8 =	vmul.f32 $1.131370830e+01, v8;
	v10 =	vld [tilespmem:s7+$0x14C70]  }
0x98: {  	v5 =	vld [tilespmem:s18+$0x14C00];
	[tilespmem:s7+$0x8410] =	vst v4;
	v2 =	vadd.f32 v2, v9;
	v7 =	vmul.f32 $1.131370830e+01, v7  }
0x99: {  	v4 =	vld [tilespmem:s18+$0x14C10];
	[tilespmem:s7+$0x8420] =	vst v3;
	v1 =	vadd.f32 v1, v8;
	v6 =	vmul.f32 $1.131370830e+01, v6  }
0x9a: {  	v3 =	vld [tilespmem:s18+$0x14C20];
	[tilespmem:s7+$0x8430] =	vst v2;
	v0 =	vadd.f32 v0, v7;
	v7 =	vmul.f32 $1.131370830e+01, v12  }
0x9b: {  	v2 =	vld [tilespmem:s18+$0x14C30];
	[tilespmem:s7+$0x8440] =	vst v1;
	v6 =	vadd.f32 v11, v6  }
0x9c: {  	v1 =	vld [tilespmem:s18+$0x14C40];
	[tilespmem:s7+$0x8450] =	vst v0;
	v7 =	vadd.f32 v10, v7  }
0x9d: {  	v0 =	vld [tilespmem:s18+$0x14C50];
	[tilespmem:s7+$0x8460] =	vst v6  }
0x9e: {  	v6 =	vld [tilespmem:s18+$0x8400];
	[tilespmem:s7+$0x8470] =	vst v7;
	s7 =	smov.u32 s18  }
0x9f: {  	v11 =	vld [tilespmem:s7+$0x8410]  }
.Ltmp2:
0xa0: {  	v10 =	vld [tilespmem:s7+$0x8420];
	(pc) =	sbr.rel @p0 .LBB2_6-.Ltmp2, $4  }
0xa1: {  	v9 =	vld [tilespmem:s7+$0x8430]  }
0xa2: {  	v8 =	vld [tilespmem:s7+$0x8440]  }
0xa3: {  	v12 =	vmul.f32 $1.131370830e+01, v6;
	v7 =	vld [tilespmem:s7+$0x8450]  }
0xa4: {  	s17 =	sadd.s32 $0x200, s17;
	v11 =	vmul.f32 $1.131370830e+01, v11;
	v6 =	vld [tilespmem:s7+$0x8460]  }
0xa5: {  	v5 =	vadd.f32 v5, v12;
	v12 =	vld [tilespmem:s7+$0x8470];
	v10 =	vmul.f32 $1.131370830e+01, v10  }
0xa6: {  	v13 =	vld [tilespmem:s7+$0x14C60];
	v4 =	vadd.f32 v4, v11;
	v9 =	vmul.f32 $1.131370830e+01, v9  }
0xa7: {  	[tilespmem:s7+$0x8400] =	vst v5;
	v3 =	vadd.f32 v3, v10;
	v5 =	vmul.f32 $1.131370830e+01, v8;
	v8 =	vld [tilespmem:s7+$0x14C70]  }
0xa8: {  	[tilespmem:s7+$0x8410] =	vst v4;
	v2 =	vadd.f32 v2, v9;
	v4 =	vmul.f32 $1.131370830e+01, v7  }
0xa9: {  	[tilespmem:s7+$0x8420] =	vst v3;
	v1 =	vadd.f32 v1, v5;
	v3 =	vmul.f32 $1.131370830e+01, v6  }
0xaa: {  	[tilespmem:s7+$0x8430] =	vst v2;
	v0 =	vadd.f32 v0, v4;
	v2 =	vmul.f32 $1.131370830e+01, v12  }
0xab: {  	[tilespmem:s7+$0x8440] =	vst v1;
	v1 =	vadd.f32 v13, v3  }
0xac: {  	[tilespmem:s7+$0x8450] =	vst v0;
	v0 =	vadd.f32 v8, v2  }
0xad: {  	[tilespmem:s7+$0x8460] =	vst v1  }
0xae: {  	s19 =	simm.s32 $0x0;
	s16 =	rddreg [dreg:$0x8];
	[tilespmem:s7+$0x8470] =	vst v0  }
0xaf: {  	[hbm4b:s16+s19] =	stream.linear.scatter [tilespmem:s28], [sflag:$0x8], $0x3000, $0x38;
	[tilespmem:$0x1B000] =	vst v63  }
0xb0: {  	_ =	swait.ge [sflag:s21], $0x6400  }
0xb1: {  	[sflag:s21] =	ssyncset.done $0x0  }
0xb2: {  	s20 =	simm.s32 $0x300;
	[sflag:s21] =	ssyncadd.s32 $0xFFFF9C00  }
0xb3: {  	[tilespmem:s23], [sflag:$0x1] =	stream.indirect.gather [hbm4b:s1+s22], $0x80, s20, s22, $0xb8;
	[tilespmem:$0x1B000] =	vst v63  }
0xb4: {  	s31 =	simm.s32 $0x380  }
0xb5: {  	[tilespmem:s25], [sflag:$0x2] =	stream.indirect.gather [hbm4b:s1+s22], $0x80, s31, s22, $0xb8;
	[tilespmem:$0x1B000] =	vst v63  }
0xb6: {  	_ =	swait.ge [sflag:s8], $0x3200  }
0xb7: {  	[sflag:s8] =	ssyncset.done $0x0  }
0xb8: {  	s7 =	simm.s32 $0x0;
	[sflag:s8] =	ssyncadd.s32 $0xFFFFCE00  }
0xb9: {  	v5 =	vld [tilespmem:s7+$0x17C00]  }
0xba: {  	v4 =	vld [tilespmem:s7+$0x17C10]  }
0xbb: {  	v3 =	vld [tilespmem:s7+$0x17C20]  }
0xbc: {  	v2 =	vld [tilespmem:s7+$0x17C30]  }
0xbd: {  	v1 =	vld [tilespmem:s7+$0x17C40]  }
0xbe: {  	v0 =	vld [tilespmem:s7+$0x17C50]  }
0xbf: {  	v6 =	vld [tilespmem:s7+$0xB400]  }
0xc0: {  	v11 =	vld [tilespmem:s7+$0xB410]  }
0xc1: {  	v10 =	vld [tilespmem:s7+$0xB420]  }
0xc2: {  	v9 =	vld [tilespmem:s7+$0xB430]  }
0xc3: {  	v8 =	vld [tilespmem:s7+$0xB440]  }
0xc4: {  	v7 =	vld [tilespmem:s7+$0xB450];
	v12 =	vmul.f32 $1.131370830e+01, v6  }
0xc5: {  	s17 =	simm.s32 $0x200;
	v11 =	vmul.f32 $1.131370830e+01, v11;
	v6 =	vld [tilespmem:s7+$0xB460]  }
.LBB2_8:
0xc6: {  	p0 =	sne.s32 s17, $0xCE00;
	v5 =	vadd.f32 v5, v12;
	v10 =	vmul.f32 $1.131370830e+01, v10;
	v12 =	vld [tilespmem:s7+$0xB470]  }
0xc7: {  	v4 =	vadd.f32 v4, v11;
	v9 =	vmul.f32 $1.131370830e+01, v9;
	v11 =	vld [tilespmem:s7+$0x17C60]  }
0xc8: {  	s18 =	sshra.s32 s17, $0x2;
	[tilespmem:s7+$0xB400] =	vst v5;
	v3 =	vadd.f32 v3, v10;
	v8 =	vmul.f32 $1.131370830e+01, v8;
	v10 =	vld [tilespmem:s7+$0x17C70]  }
0xc9: {  	v5 =	vld [tilespmem:s18+$0x17C00];
	[tilespmem:s7+$0xB410] =	vst v4;
	v2 =	vadd.f32 v2, v9;
	v7 =	vmul.f32 $1.131370830e+01, v7  }
0xca: {  	v4 =	vld [tilespmem:s18+$0x17C10];
	[tilespmem:s7+$0xB420] =	vst v3;
	v1 =	vadd.f32 v1, v8;
	v6 =	vmul.f32 $1.131370830e+01, v6  }
0xcb: {  	v3 =	vld [tilespmem:s18+$0x17C20];
	[tilespmem:s7+$0xB430] =	vst v2;
	v0 =	vadd.f32 v0, v7;
	v7 =	vmul.f32 $1.131370830e+01, v12  }
0xcc: {  	v2 =	vld [tilespmem:s18+$0x17C30];
	[tilespmem:s7+$0xB440] =	vst v1;
	v6 =	vadd.f32 v11, v6  }
0xcd: {  	v1 =	vld [tilespmem:s18+$0x17C40];
	[tilespmem:s7+$0xB450] =	vst v0;
	v7 =	vadd.f32 v10, v7  }
0xce: {  	v0 =	vld [tilespmem:s18+$0x17C50];
	[tilespmem:s7+$0xB460] =	vst v6  }
0xcf: {  	v6 =	vld [tilespmem:s18+$0xB400];
	[tilespmem:s7+$0xB470] =	vst v7;
	s7 =	smov.u32 s18  }
0xd0: {  	v11 =	vld [tilespmem:s7+$0xB410]  }
.Ltmp3:
0xd1: {  	v10 =	vld [tilespmem:s7+$0xB420];
	(pc) =	sbr.rel @p0 .LBB2_8-.Ltmp3, $4  }
0xd2: {  	v9 =	vld [tilespmem:s7+$0xB430]  }
0xd3: {  	v8 =	vld [tilespmem:s7+$0xB440]  }
0xd4: {  	v12 =	vmul.f32 $1.131370830e+01, v6;
	v7 =	vld [tilespmem:s7+$0xB450]  }
0xd5: {  	s17 =	sadd.s32 $0x200, s17;
	v11 =	vmul.f32 $1.131370830e+01, v11;
	v6 =	vld [tilespmem:s7+$0xB460]  }
0xd6: {  	v5 =	vadd.f32 v5, v12;
	v12 =	vld [tilespmem:s7+$0xB470];
	v10 =	vmul.f32 $1.131370830e+01, v10  }
0xd7: {  	v13 =	vld [tilespmem:s7+$0x17C60];
	v4 =	vadd.f32 v4, v11;
	v9 =	vmul.f32 $1.131370830e+01, v9  }
0xd8: {  	[tilespmem:s7+$0xB400] =	vst v5;
	v3 =	vadd.f32 v3, v10;
	v5 =	vmul.f32 $1.131370830e+01, v8;
	v8 =	vld [tilespmem:s7+$0x17C70]  }
0xd9: {  	[tilespmem:s7+$0xB410] =	vst v4;
	v2 =	vadd.f32 v2, v9;
	v4 =	vmul.f32 $1.131370830e+01, v7  }
0xda: {  	[tilespmem:s7+$0xB420] =	vst v3;
	v1 =	vadd.f32 v1, v5;
	v3 =	vmul.f32 $1.131370830e+01, v6  }
0xdb: {  	[tilespmem:s7+$0xB430] =	vst v2;
	v0 =	vadd.f32 v0, v4;
	v2 =	vmul.f32 $1.131370830e+01, v12  }
0xdc: {  	[tilespmem:s7+$0xB440] =	vst v1;
	v1 =	vadd.f32 v13, v3  }
0xdd: {  	[tilespmem:s7+$0xB450] =	vst v0;
	v0 =	vadd.f32 v8, v2  }
0xde: {  	[tilespmem:s7+$0xB460] =	vst v1  }
0xdf: {  	s31 =	simm.s32 $0x0;
	s16 =	rddreg [dreg:$0x9];
	[tilespmem:s7+$0xB470] =	vst v0  }
0xe0: {  	[hbm4b:s16+s31] =	stream.linear.scatter [tilespmem:s9], [sflag:$0x8], $0x3400, $0x38;
	[tilespmem:$0x1B000] =	vst v63  }
0xe1: {  	_ =	swait.ge [sflag:s10], $0x3200  }
0xe2: {  	[sflag:s10] =	ssyncset.done $0x0  }
0xe3: {  	s7 =	simm.s32 $0x0;
	[sflag:s10] =	ssyncadd.s32 $0xFFFFCE00  }
0xe4: {  	v5 =	vld [tilespmem:s7+$0x14C00]  }
0xe5: {  	v4 =	vld [tilespmem:s7+$0x14C10]  }
0xe6: {  	v3 =	vld [tilespmem:s7+$0x14C20]  }
0xe7: {  	v2 =	vld [tilespmem:s7+$0x14C30]  }
0xe8: {  	v1 =	vld [tilespmem:s7+$0x14C40]  }
0xe9: {  	v0 =	vld [tilespmem:s7+$0x14C50]  }
0xea: {  	v6 =	vld [tilespmem:s7+$0xE800]  }
0xeb: {  	v11 =	vld [tilespmem:s7+$0xE810]  }
0xec: {  	v10 =	vld [tilespmem:s7+$0xE820]  }
0xed: {  	v9 =	vld [tilespmem:s7+$0xE830]  }
0xee: {  	v8 =	vld [tilespmem:s7+$0xE840]  }
0xef: {  	v7 =	vld [tilespmem:s7+$0xE850];
	v12 =	vmul.f32 $1.131370830e+01, v6  }
0xf0: {  	s17 =	simm.s32 $0x200;
	v11 =	vmul.f32 $1.131370830e+01, v11;
	v6 =	vld [tilespmem:s7+$0xE860]  }
.LBB2_10:
0xf1: {  	p0 =	sne.s32 s17, $0xBE00;
	v5 =	vadd.f32 v5, v12;
	v10 =	vmul.f32 $1.131370830e+01, v10;
	v12 =	vld [tilespmem:s7+$0xE870]  }
0xf2: {  	v4 =	vadd.f32 v4, v11;
	v9 =	vmul.f32 $1.131370830e+01, v9;
	v11 =	vld [tilespmem:s7+$0x14C60]  }
0xf3: {  	s18 =	sshra.s32 s17, $0x2;
	[tilespmem:s7+$0xE800] =	vst v5;
	v3 =	vadd.f32 v3, v10;
	v8 =	vmul.f32 $1.131370830e+01, v8;
	v10 =	vld [tilespmem:s7+$0x14C70]  }
0xf4: {  	v5 =	vld [tilespmem:s18+$0x14C00];
	[tilespmem:s7+$0xE810] =	vst v4;
	v2 =	vadd.f32 v2, v9;
	v7 =	vmul.f32 $1.131370830e+01, v7  }
0xf5: {  	v4 =	vld [tilespmem:s18+$0x14C10];
	[tilespmem:s7+$0xE820] =	vst v3;
	v1 =	vadd.f32 v1, v8;
	v6 =	vmul.f32 $1.131370830e+01, v6  }
0xf6: {  	v3 =	vld [tilespmem:s18+$0x14C20];
	[tilespmem:s7+$0xE830] =	vst v2;
	v0 =	vadd.f32 v0, v7;
	v7 =	vmul.f32 $1.131370830e+01, v12  }
0xf7: {  	v2 =	vld [tilespmem:s18+$0x14C30];
	[tilespmem:s7+$0xE840] =	vst v1;
	v6 =	vadd.f32 v11, v6  }
0xf8: {  	v1 =	vld [tilespmem:s18+$0x14C40];
	[tilespmem:s7+$0xE850] =	vst v0;
	v7 =	vadd.f32 v10, v7  }
0xf9: {  	v0 =	vld [tilespmem:s18+$0x14C50];
	[tilespmem:s7+$0xE860] =	vst v6  }
0xfa: {  	v6 =	vld [tilespmem:s18+$0xE800];
	[tilespmem:s7+$0xE870] =	vst v7;
	s7 =	smov.u32 s18  }
0xfb: {  	v11 =	vld [tilespmem:s7+$0xE810]  }
.Ltmp4:
0xfc: {  	v10 =	vld [tilespmem:s7+$0xE820];
	(pc) =	sbr.rel @p0 .LBB2_10-.Ltmp4, $4  }
0xfd: {  	v9 =	vld [tilespmem:s7+$0xE830]  }
0xfe: {  	v8 =	vld [tilespmem:s7+$0xE840]  }
0xff: {  	v12 =	vmul.f32 $1.131370830e+01, v6;
	v7 =	vld [tilespmem:s7+$0xE850]  }
0x100: {  	s17 =	sadd.s32 $0x200, s17;
	v11 =	vmul.f32 $1.131370830e+01, v11;
	v6 =	vld [tilespmem:s7+$0xE860]  }
0x101: {  	v5 =	vadd.f32 v5, v12;
	v12 =	vld [tilespmem:s7+$0xE870];
	v10 =	vmul.f32 $1.131370830e+01, v10  }
0x102: {  	v13 =	vld [tilespmem:s7+$0x14C60];
	v4 =	vadd.f32 v4, v11;
	v9 =	vmul.f32 $1.131370830e+01, v9  }
0x103: {  	[tilespmem:s7+$0xE800] =	vst v5;
	v3 =	vadd.f32 v3, v10;
	v5 =	vmul.f32 $1.131370830e+01, v8;
	v8 =	vld [tilespmem:s7+$0x14C70]  }
0x104: {  	[tilespmem:s7+$0xE810] =	vst v4;
	v2 =	vadd.f32 v2, v9;
	v4 =	vmul.f32 $1.131370830e+01, v7  }
0x105: {  	[tilespmem:s7+$0xE820] =	vst v3;
	v1 =	vadd.f32 v1, v5;
	v3 =	vmul.f32 $1.131370830e+01, v6  }
0x106: {  	[tilespmem:s7+$0xE830] =	vst v2;
	v0 =	vadd.f32 v0, v4;
	v2 =	vmul.f32 $1.131370830e+01, v12  }
0x107: {  	[tilespmem:s7+$0xE840] =	vst v1;
	v1 =	vadd.f32 v13, v3  }
0x108: {  	[tilespmem:s7+$0xE850] =	vst v0;
	v0 =	vadd.f32 v8, v2  }
0x109: {  	[tilespmem:s7+$0xE860] =	vst v1  }
0x10a: {  	s19 =	simm.s32 $0x0;
	s16 =	rddreg [dreg:$0xa];
	[tilespmem:s7+$0xE870] =	vst v0  }
0x10b: {  	[hbm4b:s16+s19] =	stream.linear.scatter [tilespmem:s3], [sflag:$0x9], $0x3000, $0x38;
	[tilespmem:$0x1B000] =	vst v63  }
0x10c: {  	_ =	swait.ge [sflag:s11], $0x6400  }
0x10d: {  	[sflag:s11] =	ssyncset.done $0x0  }
0x10e: {  	s20 =	simm.s32 $0x400;
	[sflag:s11] =	ssyncadd.s32 $0xFFFF9C00  }
0x10f: {  	[tilespmem:s28], [sflag:$0x3] =	stream.indirect.gather [hbm4b:s1+s22], $0x80, s20, s22, $0xb8;
	[tilespmem:$0x1B000] =	vst v63  }
0x110: {  	s31 =	simm.s32 $0x480  }
0x111: {  	[tilespmem:s30], [sflag:$0x4] =	stream.indirect.gather [hbm4b:s1+s22], $0x80, s31, s22, $0xb8;
	[tilespmem:$0x1B000] =	vst v63  }
0x112: {  	_ =	swait.ge [sflag:s12], $0x3200  }
0x113: {  	[sflag:s12] =	ssyncset.done $0x0  }
0x114: {  	s7 =	simm.s32 $0x0;
	[sflag:s12] =	ssyncadd.s32 $0xFFFFCE00  }
0x115: {  	v5 =	vld [tilespmem:s7+$0x17C00]  }
0x116: {  	v4 =	vld [tilespmem:s7+$0x17C10]  }
0x117: {  	v3 =	vld [tilespmem:s7+$0x17C20]  }
0x118: {  	v2 =	vld [tilespmem:s7+$0x17C30]  }
0x119: {  	v1 =	vld [tilespmem:s7+$0x17C40]  }
0x11a: {  	v0 =	vld [tilespmem:s7+$0x17C50]  }
0x11b: {  	v6 =	vld [tilespmem:s7+$0x11800]  }
0x11c: {  	v11 =	vld [tilespmem:s7+$0x11810]  }
0x11d: {  	v10 =	vld [tilespmem:s7+$0x11820]  }
0x11e: {  	v9 =	vld [tilespmem:s7+$0x11830]  }
0x11f: {  	v8 =	vld [tilespmem:s7+$0x11840]  }
0x120: {  	v7 =	vld [tilespmem:s7+$0x11850];
	v12 =	vmul.f32 $1.131370830e+01, v6  }
0x121: {  	s17 =	simm.s32 $0x200;
	v11 =	vmul.f32 $1.131370830e+01, v11;
	v6 =	vld [tilespmem:s7+$0x11860]  }
.LBB2_12:
0x122: {  	p0 =	sne.s32 s17, $0xCE00;
	v5 =	vadd.f32 v5, v12;
	v10 =	vmul.f32 $1.131370830e+01, v10;
	v12 =	vld [tilespmem:s7+$0x11870]  }
0x123: {  	v4 =	vadd.f32 v4, v11;
	v9 =	vmul.f32 $1.131370830e+01, v9;
	v11 =	vld [tilespmem:s7+$0x17C60]  }
0x124: {  	s18 =	sshra.s32 s17, $0x2;
	[tilespmem:s7+$0x11800] =	vst v5;
	v3 =	vadd.f32 v3, v10;
	v8 =	vmul.f32 $1.131370830e+01, v8;
	v10 =	vld [tilespmem:s7+$0x17C70]  }
0x125: {  	v5 =	vld [tilespmem:s18+$0x17C00];
	[tilespmem:s7+$0x11810] =	vst v4;
	v2 =	vadd.f32 v2, v9;
	v7 =	vmul.f32 $1.131370830e+01, v7  }
0x126: {  	v4 =	vld [tilespmem:s18+$0x17C10];
	[tilespmem:s7+$0x11820] =	vst v3;
	v1 =	vadd.f32 v1, v8;
	v6 =	vmul.f32 $1.131370830e+01, v6  }
0x127: {  	v3 =	vld [tilespmem:s18+$0x17C20];
	[tilespmem:s7+$0x11830] =	vst v2;
	v0 =	vadd.f32 v0, v7;
	v7 =	vmul.f32 $1.131370830e+01, v12  }
0x128: {  	v2 =	vld [tilespmem:s18+$0x17C30];
	[tilespmem:s7+$0x11840] =	vst v1;
	v6 =	vadd.f32 v11, v6  }
0x129: {  	v1 =	vld [tilespmem:s18+$0x17C40];
	[tilespmem:s7+$0x11850] =	vst v0;
	v7 =	vadd.f32 v10, v7  }
0x12a: {  	v0 =	vld [tilespmem:s18+$0x17C50];
	[tilespmem:s7+$0x11860] =	vst v6  }
0x12b: {  	v6 =	vld [tilespmem:s18+$0x11800];
	[tilespmem:s7+$0x11870] =	vst v7;
	s7 =	smov.u32 s18  }
0x12c: {  	v11 =	vld [tilespmem:s7+$0x11810]  }
.Ltmp5:
0x12d: {  	v10 =	vld [tilespmem:s7+$0x11820];
	(pc) =	sbr.rel @p0 .LBB2_12-.Ltmp5, $4  }
0x12e: {  	v9 =	vld [tilespmem:s7+$0x11830]  }
0x12f: {  	v8 =	vld [tilespmem:s7+$0x11840]  }
0x130: {  	v12 =	vmul.f32 $1.131370830e+01, v6;
	v7 =	vld [tilespmem:s7+$0x11850]  }
0x131: {  	s17 =	sadd.s32 $0x200, s17;
	v11 =	vmul.f32 $1.131370830e+01, v11;
	v6 =	vld [tilespmem:s7+$0x11860]  }
0x132: {  	v5 =	vadd.f32 v5, v12;
	v56 =	vld [tilespmem:s7+$0x11870];
	v10 =	vmul.f32 $1.131370830e+01, v10  }
0x133: {  	v13 =	vld [tilespmem:s7+$0x17C60];
	v4 =	vadd.f32 v4, v11;
	v9 =	vmul.f32 $1.131370830e+01, v9  }
0x134: {  	v58 =	vld [tilespmem:s7+$0x17C70];
	[tilespmem:s7+$0x11800] =	vst v5;
	v3 =	vadd.f32 v3, v10;
	v57 =	vmul.f32 $1.131370830e+01, v8  }
0x135: {  	[tilespmem:s7+$0x11810] =	vst v4;
	v2 =	vadd.f32 v2, v9;
	v59 =	vmul.f32 $1.131370830e+01, v7  }
0x136: {  	[tilespmem:s7+$0x11820] =	vst v3;
	v1 =	vadd.f32 v1, v57;
	v60 =	vmul.f32 $1.131370830e+01, v6  }
0x137: {  	[tilespmem:s7+$0x11830] =	vst v2;
	v0 =	vadd.f32 v0, v59;
	v61 =	vmul.f32 $1.131370830e+01, v56  }
0x138: {  	[tilespmem:s7+$0x11840] =	vst v1;
	v62 =	vadd.f32 v13, v60  }
0x139: {  	[tilespmem:s7+$0x11850] =	vst v0;
	v63 =	vadd.f32 v58, v61  }
0x13a: {  	[tilespmem:s7+$0x11860] =	vst v62  }
0x13b: {  	s31 =	rddreg [dreg:$0xb];
	s17 =	simm.s32 $0x1;
	[tilespmem:s7+$0x11870] =	vst v63  }
0x13c: {  	[hbm4b:s31+s5] =	stream.linear.scatter [tilespmem:s13], [sflag:$0x9], $0x3400, $0x38;
	[tilespmem:$0x1B000] =	vst v63  }
.LBB2_14:
0x13d: {  	_ =	swait.ge [sflag:s2], $0x3200  }
0x13e: {  	[sflag:s2] =	ssyncset.done $0x0  }
0x13f: {  	s18 =	simm.s32 $0x0;
	[sflag:s2] =	ssyncadd.s32 $0xFFFFCE00  }
0x140: {  	v5 =	vld [tilespmem:s18+$0x14C00]  }
0x141: {  	v4 =	vld [tilespmem:s18+$0x14C10]  }
0x142: {  	v3 =	vld [tilespmem:s18+$0x14C20]  }
0x143: {  	v2 =	vld [tilespmem:s18+$0x14C30]  }
0x144: {  	v1 =	vld [tilespmem:s18+$0x14C40]  }
0x145: {  	v0 =	vld [tilespmem:s18+$0x14C50]  }
0x146: {  	v6 =	vld [tilespmem:s18+$0x2000]  }
0x147: {  	v11 =	vld [tilespmem:s18+$0x2010]  }
0x148: {  	v10 =	vld [tilespmem:s18+$0x2020]  }
0x149: {  	v9 =	vld [tilespmem:s18+$0x2030]  }
0x14a: {  	v8 =	vld [tilespmem:s18+$0x2040]  }
0x14b: {  	v7 =	vld [tilespmem:s18+$0x2050];
	v12 =	vmul.f32 $1.131370830e+01, v6  }
0x14c: {  	s7 =	simm.s32 $0x200;
	v11 =	vmul.f32 $1.131370830e+01, v11;
	v6 =	vld [tilespmem:s18+$0x2060]  }
.LBB2_15:
0x14d: {  	p0 =	sne.s32 s7, $0xBE00;
	v5 =	vadd.f32 v5, v12;
	v10 =	vmul.f32 $1.131370830e+01, v10;
	v12 =	vld [tilespmem:s18+$0x2070]  }
0x14e: {  	v4 =	vadd.f32 v4, v11;
	v9 =	vmul.f32 $1.131370830e+01, v9;
	v11 =	vld [tilespmem:s18+$0x14C60]  }
0x14f: {  	s19 =	sshra.s32 s7, $0x2;
	[tilespmem:s18+$0x2000] =	vst v5;
	v3 =	vadd.f32 v3, v10;
	v8 =	vmul.f32 $1.131370830e+01, v8;
	v10 =	vld [tilespmem:s18+$0x14C70]  }
0x150: {  	v5 =	vld [tilespmem:s19+$0x14C00];
	[tilespmem:s18+$0x2010] =	vst v4;
	v2 =	vadd.f32 v2, v9;
	v7 =	vmul.f32 $1.131370830e+01, v7  }
0x151: {  	v4 =	vld [tilespmem:s19+$0x14C10];
	[tilespmem:s18+$0x2020] =	vst v3;
	v1 =	vadd.f32 v1, v8;
	v6 =	vmul.f32 $1.131370830e+01, v6  }
0x152: {  	v3 =	vld [tilespmem:s19+$0x14C20];
	[tilespmem:s18+$0x2030] =	vst v2;
	v0 =	vadd.f32 v0, v7;
	v7 =	vmul.f32 $1.131370830e+01, v12  }
0x153: {  	v2 =	vld [tilespmem:s19+$0x14C30];
	[tilespmem:s18+$0x2040] =	vst v1;
	v6 =	vadd.f32 v11, v6  }
0x154: {  	v1 =	vld [tilespmem:s19+$0x14C40];
	[tilespmem:s18+$0x2050] =	vst v0;
	v7 =	vadd.f32 v10, v7  }
0x155: {  	v0 =	vld [tilespmem:s19+$0x14C50];
	[tilespmem:s18+$0x2060] =	vst v6  }
0x156: {  	v6 =	vld [tilespmem:s19+$0x2000];
	[tilespmem:s18+$0x2070] =	vst v7;
	s18 =	smov.u32 s19  }
0x157: {  	v11 =	vld [tilespmem:s18+$0x2010]  }
.Ltmp6:
0x158: {  	v10 =	vld [tilespmem:s18+$0x2020];
	(pc) =	sbr.rel @p0 .LBB2_15-.Ltmp6, $4  }
0x159: {  	v9 =	vld [tilespmem:s18+$0x2030]  }
0x15a: {  	v8 =	vld [tilespmem:s18+$0x2040]  }
0x15b: {  	v12 =	vmul.f32 $1.131370830e+01, v6;
	v7 =	vld [tilespmem:s18+$0x2050]  }
0x15c: {  	s7 =	sadd.s32 $0x200, s7;
	v11 =	vmul.f32 $1.131370830e+01, v11;
	v6 =	vld [tilespmem:s18+$0x2060]  }
0x15d: {  	v5 =	vadd.f32 v5, v12;
	v12 =	vld [tilespmem:s18+$0x2070];
	v10 =	vmul.f32 $1.131370830e+01, v10  }
0x15e: {  	v13 =	vld [tilespmem:s18+$0x14C60];
	v4 =	vadd.f32 v4, v11;
	v9 =	vmul.f32 $1.131370830e+01, v9  }
0x15f: {  	[tilespmem:s18+$0x2000] =	vst v5;
	v3 =	vadd.f32 v3, v10;
	v5 =	vmul.f32 $1.131370830e+01, v8;
	v8 =	vld [tilespmem:s18+$0x14C70]  }
0x160: {  	[tilespmem:s18+$0x2010] =	vst v4;
	v2 =	vadd.f32 v2, v9;
	v4 =	vmul.f32 $1.131370830e+01, v7  }
0x161: {  	s19 =	smul.u32 $0x3, s17;
	[tilespmem:s18+$0x2020] =	vst v3;
	v1 =	vadd.f32 v1, v5;
	v3 =	vmul.f32 $1.131370830e+01, v6  }
0x162: {  	[tilespmem:s18+$0x2030] =	vst v2;
	v0 =	vadd.f32 v0, v4;
	v2 =	vmul.f32 $1.131370830e+01, v12  }
0x163: {  	s7 =	sadd.s32 s6, s19;
	[tilespmem:s18+$0x2040] =	vst v1;
	v1 =	vadd.f32 v13, v3  }
0x164: {  	s20 =	smul.u32 $0xC80, s7;
	[tilespmem:s18+$0x2050] =	vst v0;
	v0 =	vadd.f32 v8, v2  }
0x165: {  	[tilespmem:s18+$0x2060] =	vst v1  }
0x166: {  	s16 =	simm.s32 $0x0;
	s20 =	sadd.s32 s4, s20;
	[tilespmem:s18+$0x2070] =	vst v0  }
0x167: {  	[hbm4b:s20+s16] =	stream.linear.scatter [tilespmem:s23], [sflag:$0x7], $0x3000, $0x38;
	[tilespmem:$0x1B000] =	vst v63  }
0x168: {  	s18 =	sadd.s32 $0x2, s19;
	_ =	swait.ge [sflag:s15], $0x6400  }
0x169: {  	s16 =	sshll.u32 s18, $0x8;
	[sflag:s15] =	ssyncset.done $0x0  }
0x16a: {  	s20 =	sand.u32 $0x3FFFFF00, s16;
	[sflag:s15] =	ssyncadd.s32 $0xFFFF9C00  }
0x16b: {  	[tilespmem:s3], [sflag:$0x5] =	stream.indirect.gather [hbm4b:s1+s22], $0x80, s20, s22, $0xb8;
	[tilespmem:$0x1B000] =	vst v63  }
0x16c: {  	s20 =	sor.u32 $0x80, s20  }
0x16d: {  	[tilespmem:s24], [sflag:$0x6] =	stream.indirect.gather [hbm4b:s1+s22], $0x80, s20, s22, $0xb8;
	[tilespmem:$0x1B000] =	vst v63  }
0x16e: {  	_ =	swait.ge [sflag:s26], $0x3200  }
0x16f: {  	[sflag:s26] =	ssyncset.done $0x0  }
0x170: {  	s20 =	simm.s32 $0x0;
	[sflag:s26] =	ssyncadd.s32 $0xFFFFCE00  }
0x171: {  	v5 =	vld [tilespmem:s20+$0x17C00]  }
0x172: {  	v4 =	vld [tilespmem:s20+$0x17C10]  }
0x173: {  	v3 =	vld [tilespmem:s20+$0x17C20]  }
0x174: {  	v2 =	vld [tilespmem:s20+$0x17C30]  }
0x175: {  	v1 =	vld [tilespmem:s20+$0x17C40]  }
0x176: {  	v0 =	vld [tilespmem:s20+$0x17C50]  }
0x177: {  	v6 =	vld [tilespmem:s20+$0x5000]  }
0x178: {  	v11 =	vld [tilespmem:s20+$0x5010]  }
0x179: {  	v10 =	vld [tilespmem:s20+$0x5020]  }
0x17a: {  	v9 =	vld [tilespmem:s20+$0x5030]  }
0x17b: {  	v8 =	vld [tilespmem:s20+$0x5040]  }
0x17c: {  	v7 =	vld [tilespmem:s20+$0x5050];
	v12 =	vmul.f32 $1.131370830e+01, v6  }
0x17d: {  	s31 =	simm.s32 $0x200;
	v11 =	vmul.f32 $1.131370830e+01, v11;
	v6 =	vld [tilespmem:s20+$0x5060]  }
.LBB2_17:
0x17e: {  	p0 =	sne.s32 s31, $0xCE00;
	v5 =	vadd.f32 v5, v12;
	v10 =	vmul.f32 $1.131370830e+01, v10;
	v12 =	vld [tilespmem:s20+$0x5070]  }
0x17f: {  	v4 =	vadd.f32 v4, v11;
	v9 =	vmul.f32 $1.131370830e+01, v9;
	v11 =	vld [tilespmem:s20+$0x17C60]  }
0x180: {  	s16 =	sshra.s32 s31, $0x2;
	[tilespmem:s20+$0x5000] =	vst v5;
	v3 =	vadd.f32 v3, v10;
	v8 =	vmul.f32 $1.131370830e+01, v8;
	v10 =	vld [tilespmem:s20+$0x17C70]  }
0x181: {  	v5 =	vld [tilespmem:s16+$0x17C00];
	[tilespmem:s20+$0x5010] =	vst v4;
	v2 =	vadd.f32 v2, v9;
	v7 =	vmul.f32 $1.131370830e+01, v7  }
0x182: {  	v4 =	vld [tilespmem:s16+$0x17C10];
	[tilespmem:s20+$0x5020] =	vst v3;
	v1 =	vadd.f32 v1, v8;
	v6 =	vmul.f32 $1.131370830e+01, v6  }
0x183: {  	v3 =	vld [tilespmem:s16+$0x17C20];
	[tilespmem:s20+$0x5030] =	vst v2;
	v0 =	vadd.f32 v0, v7;
	v7 =	vmul.f32 $1.131370830e+01, v12  }
0x184: {  	v2 =	vld [tilespmem:s16+$0x17C30];
	[tilespmem:s20+$0x5040] =	vst v1;
	v6 =	vadd.f32 v11, v6  }
0x185: {  	v1 =	vld [tilespmem:s16+$0x17C40];
	[tilespmem:s20+$0x5050] =	vst v0;
	v7 =	vadd.f32 v10, v7  }
0x186: {  	v0 =	vld [tilespmem:s16+$0x17C50];
	[tilespmem:s20+$0x5060] =	vst v6  }
0x187: {  	v6 =	vld [tilespmem:s16+$0x5000];
	[tilespmem:s20+$0x5070] =	vst v7;
	s20 =	smov.u32 s16  }
0x188: {  	v11 =	vld [tilespmem:s20+$0x5010]  }
.Ltmp7:
0x189: {  	v10 =	vld [tilespmem:s20+$0x5020];
	(pc) =	sbr.rel @p0 .LBB2_17-.Ltmp7, $4  }
0x18a: {  	v9 =	vld [tilespmem:s20+$0x5030]  }
0x18b: {  	v8 =	vld [tilespmem:s20+$0x5040]  }
0x18c: {  	v12 =	vmul.f32 $1.131370830e+01, v6;
	v7 =	vld [tilespmem:s20+$0x5050]  }
0x18d: {  	s31 =	sadd.s32 $0x200, s31;
	v11 =	vmul.f32 $1.131370830e+01, v11;
	v6 =	vld [tilespmem:s20+$0x5060]  }
0x18e: {  	v5 =	vadd.f32 v5, v12;
	v12 =	vld [tilespmem:s20+$0x5070];
	v10 =	vmul.f32 $1.131370830e+01, v10  }
0x18f: {  	v13 =	vld [tilespmem:s20+$0x17C60];
	v4 =	vadd.f32 v4, v11;
	v9 =	vmul.f32 $1.131370830e+01, v9  }
0x190: {  	[tilespmem:s20+$0x5000] =	vst v5;
	v3 =	vadd.f32 v3, v10;
	v5 =	vmul.f32 $1.131370830e+01, v8;
	v8 =	vld [tilespmem:s20+$0x17C70]  }
0x191: {  	[tilespmem:s20+$0x5010] =	vst v4;
	v2 =	vadd.f32 v2, v9;
	v4 =	vmul.f32 $1.131370830e+01, v7  }
0x192: {  	[tilespmem:s20+$0x5020] =	vst v3;
	v1 =	vadd.f32 v1, v5;
	v3 =	vmul.f32 $1.131370830e+01, v6  }
0x193: {  	s7 =	smul.u32 $0x6400, s7;
	[tilespmem:s20+$0x5030] =	vst v2;
	v0 =	vadd.f32 v0, v4;
	v2 =	vmul.f32 $1.131370830e+01, v12  }
0x194: {  	[tilespmem:s20+$0x5040] =	vst v1;
	v1 =	vadd.f32 v13, v3  }
0x195: {  	s7 =	sshrl.u32 s7, $0x3;
	[tilespmem:s20+$0x5050] =	vst v0;
	v0 =	vadd.f32 v8, v2  }
0x196: {  	s7 =	sadd.s32 s4, s7;
	[tilespmem:s20+$0x5060] =	vst v1  }
0x197: {  	s16 =	simm.s32 $0x0;
	s7 =	sadd.s32 $0x600, s7;
	[tilespmem:s20+$0x5070] =	vst v0  }
0x198: {  	[hbm4b:s7+s16] =	stream.linear.scatter [tilespmem:s29], [sflag:$0x7], $0x3400, $0x38;
	[tilespmem:$0x1B000] =	vst v63  }
0x199: {  	_ =	swait.ge [sflag:s0], $0x3200  }
0x19a: {  	[sflag:s0] =	ssyncset.done $0x0  }
0x19b: {  	s20 =	simm.s32 $0x0;
	[sflag:s0] =	ssyncadd.s32 $0xFFFFCE00  }
0x19c: {  	v5 =	vld [tilespmem:s20+$0x14C00]  }
0x19d: {  	v4 =	vld [tilespmem:s20+$0x14C10]  }
0x19e: {  	v3 =	vld [tilespmem:s20+$0x14C20]  }
0x19f: {  	v2 =	vld [tilespmem:s20+$0x14C30]  }
0x1a0: {  	v1 =	vld [tilespmem:s20+$0x14C40]  }
0x1a1: {  	v0 =	vld [tilespmem:s20+$0x14C50]  }
0x1a2: {  	v6 =	vld [tilespmem:s20+$0x8400]  }
0x1a3: {  	v11 =	vld [tilespmem:s20+$0x8410]  }
0x1a4: {  	v10 =	vld [tilespmem:s20+$0x8420]  }
0x1a5: {  	v9 =	vld [tilespmem:s20+$0x8430]  }
0x1a6: {  	v8 =	vld [tilespmem:s20+$0x8440]  }
0x1a7: {  	v7 =	vld [tilespmem:s20+$0x8450];
	v12 =	vmul.f32 $1.131370830e+01, v6  }
0x1a8: {  	s7 =	simm.s32 $0x200;
	v11 =	vmul.f32 $1.131370830e+01, v11;
	v6 =	vld [tilespmem:s20+$0x8460]  }
.LBB2_19:
0x1a9: {  	p0 =	sne.s32 s7, $0xBE00;
	v5 =	vadd.f32 v5, v12;
	v10 =	vmul.f32 $1.131370830e+01, v10;
	v12 =	vld [tilespmem:s20+$0x8470]  }
0x1aa: {  	v4 =	vadd.f32 v4, v11;
	v9 =	vmul.f32 $1.131370830e+01, v9;
	v11 =	vld [tilespmem:s20+$0x14C60]  }
0x1ab: {  	s16 =	sshra.s32 s7, $0x2;
	[tilespmem:s20+$0x8400] =	vst v5;
	v3 =	vadd.f32 v3, v10;
	v8 =	vmul.f32 $1.131370830e+01, v8;
	v10 =	vld [tilespmem:s20+$0x14C70]  }
0x1ac: {  	v5 =	vld [tilespmem:s16+$0x14C00];
	[tilespmem:s20+$0x8410] =	vst v4;
	v2 =	vadd.f32 v2, v9;
	v7 =	vmul.f32 $1.131370830e+01, v7  }
0x1ad: {  	v4 =	vld [tilespmem:s16+$0x14C10];
	[tilespmem:s20+$0x8420] =	vst v3;
	v1 =	vadd.f32 v1, v8;
	v6 =	vmul.f32 $1.131370830e+01, v6  }
0x1ae: {  	v3 =	vld [tilespmem:s16+$0x14C20];
	[tilespmem:s20+$0x8430] =	vst v2;
	v0 =	vadd.f32 v0, v7;
	v7 =	vmul.f32 $1.131370830e+01, v12  }
0x1af: {  	v2 =	vld [tilespmem:s16+$0x14C30];
	[tilespmem:s20+$0x8440] =	vst v1;
	v6 =	vadd.f32 v11, v6  }
0x1b0: {  	v1 =	vld [tilespmem:s16+$0x14C40];
	[tilespmem:s20+$0x8450] =	vst v0;
	v7 =	vadd.f32 v10, v7  }
0x1b1: {  	v0 =	vld [tilespmem:s16+$0x14C50];
	[tilespmem:s20+$0x8460] =	vst v6  }
0x1b2: {  	v6 =	vld [tilespmem:s16+$0x8400];
	[tilespmem:s20+$0x8470] =	vst v7;
	s20 =	smov.u32 s16  }
0x1b3: {  	v11 =	vld [tilespmem:s20+$0x8410]  }
.Ltmp8:
0x1b4: {  	v10 =	vld [tilespmem:s20+$0x8420];
	(pc) =	sbr.rel @p0 .LBB2_19-.Ltmp8, $4  }
0x1b5: {  	v9 =	vld [tilespmem:s20+$0x8430]  }
0x1b6: {  	v8 =	vld [tilespmem:s20+$0x8440]  }
0x1b7: {  	v12 =	vmul.f32 $1.131370830e+01, v6;
	v7 =	vld [tilespmem:s20+$0x8450]  }
0x1b8: {  	s7 =	sadd.s32 $0x200, s7;
	v11 =	vmul.f32 $1.131370830e+01, v11;
	v6 =	vld [tilespmem:s20+$0x8460]  }
0x1b9: {  	v5 =	vadd.f32 v5, v12;
	v12 =	vld [tilespmem:s20+$0x8470];
	v10 =	vmul.f32 $1.131370830e+01, v10  }
0x1ba: {  	v13 =	vld [tilespmem:s20+$0x14C60];
	v4 =	vadd.f32 v4, v11;
	v9 =	vmul.f32 $1.131370830e+01, v9  }
0x1bb: {  	[tilespmem:s20+$0x8400] =	vst v5;
	v3 =	vadd.f32 v3, v10;
	v5 =	vmul.f32 $1.131370830e+01, v8;
	v8 =	vld [tilespmem:s20+$0x14C70]  }
0x1bc: {  	[tilespmem:s20+$0x8410] =	vst v4;
	v2 =	vadd.f32 v2, v9;
	v4 =	vmul.f32 $1.131370830e+01, v7  }
0x1bd: {  	[tilespmem:s20+$0x8420] =	vst v3;
	v1 =	vadd.f32 v1, v5;
	v3 =	vmul.f32 $1.131370830e+01, v6  }
0x1be: {  	[tilespmem:s20+$0x8430] =	vst v2;
	v0 =	vadd.f32 v0, v4;
	v2 =	vmul.f32 $1.131370830e+01, v12  }
0x1bf: {  	s7 =	sadd.s32 s19, s14;
	[tilespmem:s20+$0x8440] =	vst v1;
	v1 =	vadd.f32 v13, v3  }
0x1c0: {  	s16 =	smul.u32 $0xC80, s7;
	[tilespmem:s20+$0x8450] =	vst v0;
	v0 =	vadd.f32 v8, v2  }
0x1c1: {  	[tilespmem:s20+$0x8460] =	vst v1  }
0x1c2: {  	s19 =	smul.u32 $0xC00, s17;
	s16 =	sadd.s32 s4, s16;
	[tilespmem:s20+$0x8470] =	vst v0;
	s20 =	simm.s32 $0x0  }
0x1c3: {  	[hbm4b:s16+s20] =	stream.linear.scatter [tilespmem:s28], [sflag:$0x8], $0x3000, $0x38;
	[tilespmem:$0x1B000] =	vst v63  }
0x1c4: {  	_ =	swait.ge [sflag:s21], $0x6400  }
0x1c5: {  	s19 =	sshra.s32 s19, $0x2;
	[sflag:s21] =	ssyncset.done $0x0  }
0x1c6: {  	s16 =	sadd.s32 $0x300, s19;
	[sflag:s21] =	ssyncadd.s32 $0xFFFF9C00  }
0x1c7: {  	[tilespmem:s23], [sflag:$0x1] =	stream.indirect.gather [hbm4b:s1+s22], $0x80, s16, s22, $0xb8;
	[tilespmem:$0x1B000] =	vst v63  }
0x1c8: {  	s20 =	sadd.s32 $0x380, s19  }
0x1c9: {  	[tilespmem:s25], [sflag:$0x2] =	stream.indirect.gather [hbm4b:s1+s22], $0x80, s20, s22, $0xb8;
	[tilespmem:$0x1B000] =	vst v63  }
0x1ca: {  	_ =	swait.ge [sflag:s8], $0x3200  }
0x1cb: {  	[sflag:s8] =	ssyncset.done $0x0  }
0x1cc: {  	s20 =	simm.s32 $0x0;
	[sflag:s8] =	ssyncadd.s32 $0xFFFFCE00  }
0x1cd: {  	v5 =	vld [tilespmem:s20+$0x17C00]  }
0x1ce: {  	v4 =	vld [tilespmem:s20+$0x17C10]  }
0x1cf: {  	v3 =	vld [tilespmem:s20+$0x17C20]  }
0x1d0: {  	v2 =	vld [tilespmem:s20+$0x17C30]  }
0x1d1: {  	v1 =	vld [tilespmem:s20+$0x17C40]  }
0x1d2: {  	v0 =	vld [tilespmem:s20+$0x17C50]  }
0x1d3: {  	v6 =	vld [tilespmem:s20+$0xB400]  }
0x1d4: {  	v11 =	vld [tilespmem:s20+$0xB410]  }
0x1d5: {  	v10 =	vld [tilespmem:s20+$0xB420]  }
0x1d6: {  	v9 =	vld [tilespmem:s20+$0xB430]  }
0x1d7: {  	v8 =	vld [tilespmem:s20+$0xB440]  }
0x1d8: {  	v7 =	vld [tilespmem:s20+$0xB450];
	v12 =	vmul.f32 $1.131370830e+01, v6  }
0x1d9: {  	s31 =	simm.s32 $0x200;
	v11 =	vmul.f32 $1.131370830e+01, v11;
	v6 =	vld [tilespmem:s20+$0xB460]  }
.LBB2_21:
0x1da: {  	p0 =	sne.s32 s31, $0xCE00;
	v5 =	vadd.f32 v5, v12;
	v10 =	vmul.f32 $1.131370830e+01, v10;
	v12 =	vld [tilespmem:s20+$0xB470]  }
0x1db: {  	v4 =	vadd.f32 v4, v11;
	v9 =	vmul.f32 $1.131370830e+01, v9;
	v11 =	vld [tilespmem:s20+$0x17C60]  }
0x1dc: {  	s16 =	sshra.s32 s31, $0x2;
	[tilespmem:s20+$0xB400] =	vst v5;
	v3 =	vadd.f32 v3, v10;
	v8 =	vmul.f32 $1.131370830e+01, v8;
	v10 =	vld [tilespmem:s20+$0x17C70]  }
0x1dd: {  	v5 =	vld [tilespmem:s16+$0x17C00];
	[tilespmem:s20+$0xB410] =	vst v4;
	v2 =	vadd.f32 v2, v9;
	v7 =	vmul.f32 $1.131370830e+01, v7  }
0x1de: {  	v4 =	vld [tilespmem:s16+$0x17C10];
	[tilespmem:s20+$0xB420] =	vst v3;
	v1 =	vadd.f32 v1, v8;
	v6 =	vmul.f32 $1.131370830e+01, v6  }
0x1df: {  	v3 =	vld [tilespmem:s16+$0x17C20];
	[tilespmem:s20+$0xB430] =	vst v2;
	v0 =	vadd.f32 v0, v7;
	v7 =	vmul.f32 $1.131370830e+01, v12  }
0x1e0: {  	v2 =	vld [tilespmem:s16+$0x17C30];
	[tilespmem:s20+$0xB440] =	vst v1;
	v6 =	vadd.f32 v11, v6  }
0x1e1: {  	v1 =	vld [tilespmem:s16+$0x17C40];
	[tilespmem:s20+$0xB450] =	vst v0;
	v7 =	vadd.f32 v10, v7  }
0x1e2: {  	v0 =	vld [tilespmem:s16+$0x17C50];
	[tilespmem:s20+$0xB460] =	vst v6  }
0x1e3: {  	v6 =	vld [tilespmem:s16+$0xB400];
	[tilespmem:s20+$0xB470] =	vst v7;
	s20 =	smov.u32 s16  }
0x1e4: {  	v11 =	vld [tilespmem:s20+$0xB410]  }
.Ltmp9:
0x1e5: {  	v10 =	vld [tilespmem:s20+$0xB420];
	(pc) =	sbr.rel @p0 .LBB2_21-.Ltmp9, $4  }
0x1e6: {  	v9 =	vld [tilespmem:s20+$0xB430]  }
0x1e7: {  	v8 =	vld [tilespmem:s20+$0xB440]  }
0x1e8: {  	v12 =	vmul.f32 $1.131370830e+01, v6;
	v7 =	vld [tilespmem:s20+$0xB450]  }
0x1e9: {  	s31 =	sadd.s32 $0x200, s31;
	v11 =	vmul.f32 $1.131370830e+01, v11;
	v6 =	vld [tilespmem:s20+$0xB460]  }
0x1ea: {  	v5 =	vadd.f32 v5, v12;
	v12 =	vld [tilespmem:s20+$0xB470];
	v10 =	vmul.f32 $1.131370830e+01, v10  }
0x1eb: {  	v13 =	vld [tilespmem:s20+$0x17C60];
	v4 =	vadd.f32 v4, v11;
	v9 =	vmul.f32 $1.131370830e+01, v9  }
0x1ec: {  	[tilespmem:s20+$0xB400] =	vst v5;
	v3 =	vadd.f32 v3, v10;
	v5 =	vmul.f32 $1.131370830e+01, v8;
	v8 =	vld [tilespmem:s20+$0x17C70]  }
0x1ed: {  	[tilespmem:s20+$0xB410] =	vst v4;
	v2 =	vadd.f32 v2, v9;
	v4 =	vmul.f32 $1.131370830e+01, v7  }
0x1ee: {  	[tilespmem:s20+$0xB420] =	vst v3;
	v1 =	vadd.f32 v1, v5;
	v3 =	vmul.f32 $1.131370830e+01, v6  }
0x1ef: {  	s7 =	smul.u32 $0x6400, s7;
	[tilespmem:s20+$0xB430] =	vst v2;
	v0 =	vadd.f32 v0, v4;
	v2 =	vmul.f32 $1.131370830e+01, v12  }
0x1f0: {  	[tilespmem:s20+$0xB440] =	vst v1;
	v1 =	vadd.f32 v13, v3  }
0x1f1: {  	s7 =	sshrl.u32 s7, $0x3;
	[tilespmem:s20+$0xB450] =	vst v0;
	v0 =	vadd.f32 v8, v2  }
0x1f2: {  	s7 =	sadd.s32 s4, s7;
	[tilespmem:s20+$0xB460] =	vst v1  }
0x1f3: {  	s16 =	simm.s32 $0x0;
	s7 =	sadd.s32 $0x600, s7;
	[tilespmem:s20+$0xB470] =	vst v0  }
0x1f4: {  	[hbm4b:s7+s16] =	stream.linear.scatter [tilespmem:s9], [sflag:$0x8], $0x3400, $0x38;
	[tilespmem:$0x1B000] =	vst v63  }
0x1f5: {  	_ =	swait.ge [sflag:s10], $0x3200  }
0x1f6: {  	[sflag:s10] =	ssyncset.done $0x0  }
0x1f7: {  	s20 =	simm.s32 $0x0;
	[sflag:s10] =	ssyncadd.s32 $0xFFFFCE00  }
0x1f8: {  	v5 =	vld [tilespmem:s20+$0x14C00]  }
0x1f9: {  	v4 =	vld [tilespmem:s20+$0x14C10]  }
0x1fa: {  	v3 =	vld [tilespmem:s20+$0x14C20]  }
0x1fb: {  	v2 =	vld [tilespmem:s20+$0x14C30]  }
0x1fc: {  	v1 =	vld [tilespmem:s20+$0x14C40]  }
0x1fd: {  	v0 =	vld [tilespmem:s20+$0x14C50]  }
0x1fe: {  	v6 =	vld [tilespmem:s20+$0xE800]  }
0x1ff: {  	v11 =	vld [tilespmem:s20+$0xE810]  }
0x200: {  	v10 =	vld [tilespmem:s20+$0xE820]  }
0x201: {  	v9 =	vld [tilespmem:s20+$0xE830]  }
0x202: {  	v8 =	vld [tilespmem:s20+$0xE840]  }
0x203: {  	v7 =	vld [tilespmem:s20+$0xE850];
	v12 =	vmul.f32 $1.131370830e+01, v6  }
0x204: {  	s7 =	simm.s32 $0x200;
	v11 =	vmul.f32 $1.131370830e+01, v11;
	v6 =	vld [tilespmem:s20+$0xE860]  }
.LBB2_23:
0x205: {  	p0 =	sne.s32 s7, $0xBE00;
	v5 =	vadd.f32 v5, v12;
	v10 =	vmul.f32 $1.131370830e+01, v10;
	v12 =	vld [tilespmem:s20+$0xE870]  }
0x206: {  	v4 =	vadd.f32 v4, v11;
	v9 =	vmul.f32 $1.131370830e+01, v9;
	v11 =	vld [tilespmem:s20+$0x14C60]  }
0x207: {  	s16 =	sshra.s32 s7, $0x2;
	[tilespmem:s20+$0xE800] =	vst v5;
	v3 =	vadd.f32 v3, v10;
	v8 =	vmul.f32 $1.131370830e+01, v8;
	v10 =	vld [tilespmem:s20+$0x14C70]  }
0x208: {  	v5 =	vld [tilespmem:s16+$0x14C00];
	[tilespmem:s20+$0xE810] =	vst v4;
	v2 =	vadd.f32 v2, v9;
	v7 =	vmul.f32 $1.131370830e+01, v7  }
0x209: {  	v4 =	vld [tilespmem:s16+$0x14C10];
	[tilespmem:s20+$0xE820] =	vst v3;
	v1 =	vadd.f32 v1, v8;
	v6 =	vmul.f32 $1.131370830e+01, v6  }
0x20a: {  	v3 =	vld [tilespmem:s16+$0x14C20];
	[tilespmem:s20+$0xE830] =	vst v2;
	v0 =	vadd.f32 v0, v7;
	v7 =	vmul.f32 $1.131370830e+01, v12  }
0x20b: {  	v2 =	vld [tilespmem:s16+$0x14C30];
	[tilespmem:s20+$0xE840] =	vst v1;
	v6 =	vadd.f32 v11, v6  }
0x20c: {  	v1 =	vld [tilespmem:s16+$0x14C40];
	[tilespmem:s20+$0xE850] =	vst v0;
	v7 =	vadd.f32 v10, v7  }
0x20d: {  	v0 =	vld [tilespmem:s16+$0x14C50];
	[tilespmem:s20+$0xE860] =	vst v6  }
0x20e: {  	v6 =	vld [tilespmem:s16+$0xE800];
	[tilespmem:s20+$0xE870] =	vst v7;
	s20 =	smov.u32 s16  }
0x20f: {  	v11 =	vld [tilespmem:s20+$0xE810]  }
.Ltmp10:
0x210: {  	v10 =	vld [tilespmem:s20+$0xE820];
	(pc) =	sbr.rel @p0 .LBB2_23-.Ltmp10, $4  }
0x211: {  	v9 =	vld [tilespmem:s20+$0xE830]  }
0x212: {  	v8 =	vld [tilespmem:s20+$0xE840]  }
0x213: {  	v12 =	vmul.f32 $1.131370830e+01, v6;
	v7 =	vld [tilespmem:s20+$0xE850]  }
0x214: {  	s7 =	sadd.s32 $0x200, s7;
	v11 =	vmul.f32 $1.131370830e+01, v11;
	v6 =	vld [tilespmem:s20+$0xE860]  }
0x215: {  	v5 =	vadd.f32 v5, v12;
	v12 =	vld [tilespmem:s20+$0xE870];
	v10 =	vmul.f32 $1.131370830e+01, v10  }
0x216: {  	v13 =	vld [tilespmem:s20+$0x14C60];
	v4 =	vadd.f32 v4, v11;
	v9 =	vmul.f32 $1.131370830e+01, v9  }
0x217: {  	[tilespmem:s20+$0xE800] =	vst v5;
	v3 =	vadd.f32 v3, v10;
	v5 =	vmul.f32 $1.131370830e+01, v8;
	v8 =	vld [tilespmem:s20+$0x14C70]  }
0x218: {  	[tilespmem:s20+$0xE810] =	vst v4;
	v2 =	vadd.f32 v2, v9;
	v4 =	vmul.f32 $1.131370830e+01, v7  }
0x219: {  	[tilespmem:s20+$0xE820] =	vst v3;
	v1 =	vadd.f32 v1, v5;
	v3 =	vmul.f32 $1.131370830e+01, v6  }
0x21a: {  	[tilespmem:s20+$0xE830] =	vst v2;
	v0 =	vadd.f32 v0, v4;
	v2 =	vmul.f32 $1.131370830e+01, v12  }
0x21b: {  	s7 =	sadd.s32 s6, s18;
	[tilespmem:s20+$0xE840] =	vst v1;
	v1 =	vadd.f32 v13, v3  }
0x21c: {  	s16 =	smul.u32 $0xC80, s7;
	[tilespmem:s20+$0xE850] =	vst v0;
	v0 =	vadd.f32 v8, v2  }
0x21d: {  	[tilespmem:s20+$0xE860] =	vst v1  }
0x21e: {  	s31 =	simm.s32 $0x0;
	s16 =	sadd.s32 s4, s16;
	[tilespmem:s20+$0xE870] =	vst v0  }
0x21f: {  	[hbm4b:s16+s31] =	stream.linear.scatter [tilespmem:s3], [sflag:$0x9], $0x3000, $0x38;
	[tilespmem:$0x1B000] =	vst v63  }
0x220: {  	_ =	swait.ge [sflag:s11], $0x6400  }
0x221: {  	[sflag:s11] =	ssyncset.done $0x0  }
0x222: {  	s20 =	sadd.s32 $0x400, s19;
	[sflag:s11] =	ssyncadd.s32 $0xFFFF9C00  }
0x223: {  	[tilespmem:s28], [sflag:$0x3] =	stream.indirect.gather [hbm4b:s1+s22], $0x80, s20, s22, $0xb8;
	[tilespmem:$0x1B000] =	vst v63  }
0x224: {  	s31 =	sadd.s32 $0x480, s19  }
0x225: {  	[tilespmem:s30], [sflag:$0x4] =	stream.indirect.gather [hbm4b:s1+s22], $0x80, s31, s22, $0xb8;
	[tilespmem:$0x1B000] =	vst v63  }
0x226: {  	_ =	swait.ge [sflag:s12], $0x3200  }
0x227: {  	[sflag:s12] =	ssyncset.done $0x0  }
0x228: {  	s18 =	simm.s32 $0x0;
	[sflag:s12] =	ssyncadd.s32 $0xFFFFCE00  }
0x229: {  	v5 =	vld [tilespmem:s18+$0x17C00]  }
0x22a: {  	v4 =	vld [tilespmem:s18+$0x17C10]  }
0x22b: {  	v3 =	vld [tilespmem:s18+$0x17C20]  }
0x22c: {  	v2 =	vld [tilespmem:s18+$0x17C30]  }
0x22d: {  	v1 =	vld [tilespmem:s18+$0x17C40]  }
0x22e: {  	v0 =	vld [tilespmem:s18+$0x17C50]  }
0x22f: {  	v6 =	vld [tilespmem:s18+$0x11800]  }
0x230: {  	v11 =	vld [tilespmem:s18+$0x11810]  }
0x231: {  	v10 =	vld [tilespmem:s18+$0x11820]  }
0x232: {  	v9 =	vld [tilespmem:s18+$0x11830]  }
0x233: {  	v8 =	vld [tilespmem:s18+$0x11840]  }
0x234: {  	v7 =	vld [tilespmem:s18+$0x11850];
	v12 =	vmul.f32 $1.131370830e+01, v6  }
0x235: {  	s19 =	simm.s32 $0x200;
	v11 =	vmul.f32 $1.131370830e+01, v11;
	v6 =	vld [tilespmem:s18+$0x11860]  }
.LBB2_25:
0x236: {  	p0 =	sne.s32 s19, $0xCE00;
	v5 =	vadd.f32 v5, v12;
	v10 =	vmul.f32 $1.131370830e+01, v10;
	v12 =	vld [tilespmem:s18+$0x11870]  }
0x237: {  	v4 =	vadd.f32 v4, v11;
	v9 =	vmul.f32 $1.131370830e+01, v9;
	v11 =	vld [tilespmem:s18+$0x17C60]  }
0x238: {  	s16 =	sshra.s32 s19, $0x2;
	[tilespmem:s18+$0x11800] =	vst v5;
	v3 =	vadd.f32 v3, v10;
	v8 =	vmul.f32 $1.131370830e+01, v8;
	v10 =	vld [tilespmem:s18+$0x17C70]  }
0x239: {  	v5 =	vld [tilespmem:s16+$0x17C00];
	[tilespmem:s18+$0x11810] =	vst v4;
	v2 =	vadd.f32 v2, v9;
	v7 =	vmul.f32 $1.131370830e+01, v7  }
0x23a: {  	v4 =	vld [tilespmem:s16+$0x17C10];
	[tilespmem:s18+$0x11820] =	vst v3;
	v1 =	vadd.f32 v1, v8;
	v6 =	vmul.f32 $1.131370830e+01, v6  }
0x23b: {  	v3 =	vld [tilespmem:s16+$0x17C20];
	[tilespmem:s18+$0x11830] =	vst v2;
	v0 =	vadd.f32 v0, v7;
	v7 =	vmul.f32 $1.131370830e+01, v12  }
0x23c: {  	v2 =	vld [tilespmem:s16+$0x17C30];
	[tilespmem:s18+$0x11840] =	vst v1;
	v6 =	vadd.f32 v11, v6  }
0x23d: {  	v1 =	vld [tilespmem:s16+$0x17C40];
	[tilespmem:s18+$0x11850] =	vst v0;
	v7 =	vadd.f32 v10, v7  }
0x23e: {  	v0 =	vld [tilespmem:s16+$0x17C50];
	[tilespmem:s18+$0x11860] =	vst v6  }
0x23f: {  	v6 =	vld [tilespmem:s16+$0x11800];
	[tilespmem:s18+$0x11870] =	vst v7;
	s18 =	smov.u32 s16  }
0x240: {  	v11 =	vld [tilespmem:s18+$0x11810]  }
.Ltmp11:
0x241: {  	v10 =	vld [tilespmem:s18+$0x11820];
	(pc) =	sbr.rel @p0 .LBB2_25-.Ltmp11, $4  }
0x242: {  	v9 =	vld [tilespmem:s18+$0x11830]  }
0x243: {  	v8 =	vld [tilespmem:s18+$0x11840]  }
0x244: {  	v12 =	vmul.f32 $1.131370830e+01, v6;
	v7 =	vld [tilespmem:s18+$0x11850]  }
0x245: {  	s19 =	sadd.s32 $0x200, s19;
	v11 =	vmul.f32 $1.131370830e+01, v11;
	v6 =	vld [tilespmem:s18+$0x11860]  }
0x246: {  	v5 =	vadd.f32 v5, v12;
	v56 =	vld [tilespmem:s18+$0x11870];
	v10 =	vmul.f32 $1.131370830e+01, v10  }
0x247: {  	v13 =	vld [tilespmem:s18+$0x17C60];
	v4 =	vadd.f32 v4, v11;
	v9 =	vmul.f32 $1.131370830e+01, v9  }
0x248: {  	v58 =	vld [tilespmem:s18+$0x17C70];
	[tilespmem:s18+$0x11800] =	vst v5;
	v3 =	vadd.f32 v3, v10;
	v57 =	vmul.f32 $1.131370830e+01, v8  }
0x249: {  	[tilespmem:s18+$0x11810] =	vst v4;
	v2 =	vadd.f32 v2, v9;
	v59 =	vmul.f32 $1.131370830e+01, v7  }
0x24a: {  	s17 =	sadd.s32 $0x1, s17;
	[tilespmem:s18+$0x11820] =	vst v3;
	v1 =	vadd.f32 v1, v57;
	v60 =	vmul.f32 $1.131370830e+01, v6  }
0x24b: {  	s7 =	smul.u32 $0x6400, s7;
	p0 =	sne.s32 s17, $0xA;
	[tilespmem:s18+$0x11830] =	vst v2;
	v0 =	vadd.f32 v0, v59;
	v61 =	vmul.f32 $1.131370830e+01, v56  }
.Ltmp12:
0x24c: {  	[tilespmem:s18+$0x11840] =	vst v1;
	v62 =	vadd.f32 v13, v60;
	(pc) =	sbr.rel @p0 .LBB2_14-.Ltmp12, $4  }
0x24d: {  	s7 =	sshrl.u32 s7, $0x3;
	[tilespmem:s18+$0x11850] =	vst v0;
	v63 =	vadd.f32 v58, v61  }
0x24e: {  	s7 =	sadd.s32 s4, s7;
	[tilespmem:s18+$0x11860] =	vst v62  }
0x24f: {  	s7 =	sadd.s32 $0x600, s7;
	[tilespmem:s18+$0x11870] =	vst v63  }
0x250: {  	[hbm4b:s7+s5] =	stream.linear.scatter [tilespmem:s13], [sflag:$0x9], $0x3400, $0x38;
	[tilespmem:$0x1B000] =	vst v63  }
0x251: {  	_ =	swait.ge [sflag:s2], $0x3200  }
0x252: {  	[sflag:s2] =	ssyncset.done $0x0  }
0x253: {  	s7 =	simm.s32 $0x0;
	[sflag:s2] =	ssyncadd.s32 $0xFFFFCE00  }
0x254: {  	v5 =	vld [tilespmem:s7+$0x14C00]  }
0x255: {  	v4 =	vld [tilespmem:s7+$0x14C10]  }
0x256: {  	v3 =	vld [tilespmem:s7+$0x14C20]  }
0x257: {  	v2 =	vld [tilespmem:s7+$0x14C30]  }
0x258: {  	v1 =	vld [tilespmem:s7+$0x14C40]  }
0x259: {  	v0 =	vld [tilespmem:s7+$0x14C50]  }
0x25a: {  	v6 =	vld [tilespmem:s7+$0x2000]  }
0x25b: {  	v11 =	vld [tilespmem:s7+$0x2010]  }
0x25c: {  	v10 =	vld [tilespmem:s7+$0x2020]  }
0x25d: {  	v9 =	vld [tilespmem:s7+$0x2030]  }
0x25e: {  	v8 =	vld [tilespmem:s7+$0x2040]  }
0x25f: {  	v7 =	vld [tilespmem:s7+$0x2050];
	v12 =	vmul.f32 $1.131370830e+01, v6  }
0x260: {  	s17 =	simm.s32 $0x200;
	v11 =	vmul.f32 $1.131370830e+01, v11;
	v6 =	vld [tilespmem:s7+$0x2060]  }
.LBB2_28:
0x261: {  	p0 =	sne.s32 s17, $0xBE00;
	v5 =	vadd.f32 v5, v12;
	v10 =	vmul.f32 $1.131370830e+01, v10;
	v12 =	vld [tilespmem:s7+$0x2070]  }
0x262: {  	v4 =	vadd.f32 v4, v11;
	v9 =	vmul.f32 $1.131370830e+01, v9;
	v11 =	vld [tilespmem:s7+$0x14C60]  }
0x263: {  	s16 =	sshra.s32 s17, $0x2;
	[tilespmem:s7+$0x2000] =	vst v5;
	v3 =	vadd.f32 v3, v10;
	v8 =	vmul.f32 $1.131370830e+01, v8;
	v10 =	vld [tilespmem:s7+$0x14C70]  }
0x264: {  	v5 =	vld [tilespmem:s16+$0x14C00];
	[tilespmem:s7+$0x2010] =	vst v4;
	v2 =	vadd.f32 v2, v9;
	v7 =	vmul.f32 $1.131370830e+01, v7  }
0x265: {  	v4 =	vld [tilespmem:s16+$0x14C10];
	[tilespmem:s7+$0x2020] =	vst v3;
	v1 =	vadd.f32 v1, v8;
	v6 =	vmul.f32 $1.131370830e+01, v6  }
0x266: {  	v3 =	vld [tilespmem:s16+$0x14C20];
	[tilespmem:s7+$0x2030] =	vst v2;
	v0 =	vadd.f32 v0, v7;
	v7 =	vmul.f32 $1.131370830e+01, v12  }
0x267: {  	v2 =	vld [tilespmem:s16+$0x14C30];
	[tilespmem:s7+$0x2040] =	vst v1;
	v6 =	vadd.f32 v11, v6  }
0x268: {  	v1 =	vld [tilespmem:s16+$0x14C40];
	[tilespmem:s7+$0x2050] =	vst v0;
	v7 =	vadd.f32 v10, v7  }
0x269: {  	v0 =	vld [tilespmem:s16+$0x14C50];
	[tilespmem:s7+$0x2060] =	vst v6  }
0x26a: {  	v6 =	vld [tilespmem:s16+$0x2000];
	[tilespmem:s7+$0x2070] =	vst v7;
	s7 =	smov.u32 s16  }
0x26b: {  	v11 =	vld [tilespmem:s7+$0x2010]  }
.Ltmp13:
0x26c: {  	v10 =	vld [tilespmem:s7+$0x2020];
	(pc) =	sbr.rel @p0 .LBB2_28-.Ltmp13, $4  }
0x26d: {  	v9 =	vld [tilespmem:s7+$0x2030]  }
0x26e: {  	v8 =	vld [tilespmem:s7+$0x2040]  }
0x26f: {  	v12 =	vmul.f32 $1.131370830e+01, v6;
	v7 =	vld [tilespmem:s7+$0x2050]  }
0x270: {  	s17 =	sadd.s32 $0x200, s17;
	v11 =	vmul.f32 $1.131370830e+01, v11;
	v6 =	vld [tilespmem:s7+$0x2060]  }
0x271: {  	v5 =	vadd.f32 v5, v12;
	v12 =	vld [tilespmem:s7+$0x2070];
	v10 =	vmul.f32 $1.131370830e+01, v10  }
0x272: {  	v13 =	vld [tilespmem:s7+$0x14C60];
	v4 =	vadd.f32 v4, v11;
	v9 =	vmul.f32 $1.131370830e+01, v9  }
0x273: {  	[tilespmem:s7+$0x2000] =	vst v5;
	v3 =	vadd.f32 v3, v10;
	v5 =	vmul.f32 $1.131370830e+01, v8;
	v8 =	vld [tilespmem:s7+$0x14C70]  }
0x274: {  	[tilespmem:s7+$0x2010] =	vst v4;
	v2 =	vadd.f32 v2, v9;
	v4 =	vmul.f32 $1.131370830e+01, v7  }
0x275: {  	[tilespmem:s7+$0x2020] =	vst v3;
	v1 =	vadd.f32 v1, v5;
	v3 =	vmul.f32 $1.131370830e+01, v6  }
0x276: {  	[tilespmem:s7+$0x2030] =	vst v2;
	v0 =	vadd.f32 v0, v4;
	v2 =	vmul.f32 $1.131370830e+01, v12  }
0x277: {  	[tilespmem:s7+$0x2040] =	vst v1;
	v1 =	vadd.f32 v13, v3  }
0x278: {  	[tilespmem:s7+$0x2050] =	vst v0;
	v0 =	vadd.f32 v8, v2  }
0x279: {  	[tilespmem:s7+$0x2060] =	vst v1  }
0x27a: {  	s31 =	simm.s32 $0x0;
	s16 =	rddreg [dreg:$0xc];
	[tilespmem:s7+$0x2070] =	vst v0  }
0x27b: {  	[hbm4b:s16+s31] =	stream.linear.scatter [tilespmem:s23], [sflag:$0x7], $0x3000, $0x38;
	[tilespmem:$0x1B000] =	vst v63  }
0x27c: {  	_ =	swait.ge [sflag:s26], $0x3200  }
0x27d: {  	[sflag:s26] =	ssyncset.done $0x0  }
0x27e: {  	s7 =	simm.s32 $0x0;
	[sflag:s26] =	ssyncadd.s32 $0xFFFFCE00  }
0x27f: {  	v5 =	vld [tilespmem:s7+$0x17C00]  }
0x280: {  	v4 =	vld [tilespmem:s7+$0x17C10]  }
0x281: {  	v3 =	vld [tilespmem:s7+$0x17C20]  }
0x282: {  	v2 =	vld [tilespmem:s7+$0x17C30]  }
0x283: {  	v1 =	vld [tilespmem:s7+$0x17C40]  }
0x284: {  	v0 =	vld [tilespmem:s7+$0x17C50]  }
0x285: {  	v6 =	vld [tilespmem:s7+$0x5000]  }
0x286: {  	v11 =	vld [tilespmem:s7+$0x5010]  }
0x287: {  	v10 =	vld [tilespmem:s7+$0x5020]  }
0x288: {  	v9 =	vld [tilespmem:s7+$0x5030]  }
0x289: {  	v8 =	vld [tilespmem:s7+$0x5040]  }
0x28a: {  	v7 =	vld [tilespmem:s7+$0x5050];
	v12 =	vmul.f32 $1.131370830e+01, v6  }
0x28b: {  	s17 =	simm.s32 $0x200;
	v11 =	vmul.f32 $1.131370830e+01, v11;
	v6 =	vld [tilespmem:s7+$0x5060]  }
.LBB2_30:
0x28c: {  	p0 =	sne.s32 s17, $0xCE00;
	v5 =	vadd.f32 v5, v12;
	v10 =	vmul.f32 $1.131370830e+01, v10;
	v12 =	vld [tilespmem:s7+$0x5070]  }
0x28d: {  	v4 =	vadd.f32 v4, v11;
	v9 =	vmul.f32 $1.131370830e+01, v9;
	v11 =	vld [tilespmem:s7+$0x17C60]  }
0x28e: {  	s16 =	sshra.s32 s17, $0x2;
	[tilespmem:s7+$0x5000] =	vst v5;
	v3 =	vadd.f32 v3, v10;
	v8 =	vmul.f32 $1.131370830e+01, v8;
	v10 =	vld [tilespmem:s7+$0x17C70]  }
0x28f: {  	v5 =	vld [tilespmem:s16+$0x17C00];
	[tilespmem:s7+$0x5010] =	vst v4;
	v2 =	vadd.f32 v2, v9;
	v7 =	vmul.f32 $1.131370830e+01, v7  }
0x290: {  	v4 =	vld [tilespmem:s16+$0x17C10];
	[tilespmem:s7+$0x5020] =	vst v3;
	v1 =	vadd.f32 v1, v8;
	v6 =	vmul.f32 $1.131370830e+01, v6  }
0x291: {  	v3 =	vld [tilespmem:s16+$0x17C20];
	[tilespmem:s7+$0x5030] =	vst v2;
	v0 =	vadd.f32 v0, v7;
	v7 =	vmul.f32 $1.131370830e+01, v12  }
0x292: {  	v2 =	vld [tilespmem:s16+$0x17C30];
	[tilespmem:s7+$0x5040] =	vst v1;
	v6 =	vadd.f32 v11, v6  }
0x293: {  	v1 =	vld [tilespmem:s16+$0x17C40];
	[tilespmem:s7+$0x5050] =	vst v0;
	v7 =	vadd.f32 v10, v7  }
0x294: {  	v0 =	vld [tilespmem:s16+$0x17C50];
	[tilespmem:s7+$0x5060] =	vst v6  }
0x295: {  	v6 =	vld [tilespmem:s16+$0x5000];
	[tilespmem:s7+$0x5070] =	vst v7;
	s7 =	smov.u32 s16  }
0x296: {  	v11 =	vld [tilespmem:s7+$0x5010]  }
.Ltmp14:
0x297: {  	v10 =	vld [tilespmem:s7+$0x5020];
	(pc) =	sbr.rel @p0 .LBB2_30-.Ltmp14, $4  }
0x298: {  	v9 =	vld [tilespmem:s7+$0x5030]  }
0x299: {  	v8 =	vld [tilespmem:s7+$0x5040]  }
0x29a: {  	v12 =	vmul.f32 $1.131370830e+01, v6;
	v7 =	vld [tilespmem:s7+$0x5050]  }
0x29b: {  	s17 =	sadd.s32 $0x200, s17;
	v11 =	vmul.f32 $1.131370830e+01, v11;
	v6 =	vld [tilespmem:s7+$0x5060]  }
0x29c: {  	v5 =	vadd.f32 v5, v12;
	v12 =	vld [tilespmem:s7+$0x5070];
	v10 =	vmul.f32 $1.131370830e+01, v10  }
0x29d: {  	v13 =	vld [tilespmem:s7+$0x17C60];
	v4 =	vadd.f32 v4, v11;
	v9 =	vmul.f32 $1.131370830e+01, v9  }
0x29e: {  	[tilespmem:s7+$0x5000] =	vst v5;
	v3 =	vadd.f32 v3, v10;
	v5 =	vmul.f32 $1.131370830e+01, v8;
	v8 =	vld [tilespmem:s7+$0x17C70]  }
0x29f: {  	[tilespmem:s7+$0x5010] =	vst v4;
	v2 =	vadd.f32 v2, v9;
	v4 =	vmul.f32 $1.131370830e+01, v7  }
0x2a0: {  	[tilespmem:s7+$0x5020] =	vst v3;
	v1 =	vadd.f32 v1, v5;
	v3 =	vmul.f32 $1.131370830e+01, v6  }
0x2a1: {  	[tilespmem:s7+$0x5030] =	vst v2;
	v0 =	vadd.f32 v0, v4;
	v2 =	vmul.f32 $1.131370830e+01, v12  }
0x2a2: {  	[tilespmem:s7+$0x5040] =	vst v1;
	v1 =	vadd.f32 v13, v3  }
0x2a3: {  	[tilespmem:s7+$0x5050] =	vst v0;
	v0 =	vadd.f32 v8, v2  }
0x2a4: {  	[tilespmem:s7+$0x5060] =	vst v1  }
0x2a5: {  	s31 =	simm.s32 $0x0;
	s16 =	rddreg [dreg:$0xd];
	[tilespmem:s7+$0x5070] =	vst v0  }
0x2a6: {  	[hbm4b:s16+s31] =	stream.linear.scatter [tilespmem:s29], [sflag:$0x7], $0x3400, $0x38;
	[tilespmem:$0x1B000] =	vst v63  }
0x2a7: {  	_ =	swait.ge [sflag:s0], $0x3200  }
0x2a8: {  	[sflag:s0] =	ssyncset.done $0x0  }
0x2a9: {  	s7 =	simm.s32 $0x0;
	[sflag:s0] =	ssyncadd.s32 $0xFFFFCE00  }
0x2aa: {  	v5 =	vld [tilespmem:s7+$0x14C00]  }
0x2ab: {  	v4 =	vld [tilespmem:s7+$0x14C10]  }
0x2ac: {  	v3 =	vld [tilespmem:s7+$0x14C20]  }
0x2ad: {  	v2 =	vld [tilespmem:s7+$0x14C30]  }
0x2ae: {  	v1 =	vld [tilespmem:s7+$0x14C40]  }
0x2af: {  	v0 =	vld [tilespmem:s7+$0x14C50]  }
0x2b0: {  	v6 =	vld [tilespmem:s7+$0x8400]  }
0x2b1: {  	v11 =	vld [tilespmem:s7+$0x8410]  }
0x2b2: {  	v10 =	vld [tilespmem:s7+$0x8420]  }
0x2b3: {  	v9 =	vld [tilespmem:s7+$0x8430]  }
0x2b4: {  	v8 =	vld [tilespmem:s7+$0x8440]  }
0x2b5: {  	v7 =	vld [tilespmem:s7+$0x8450];
	v12 =	vmul.f32 $1.131370830e+01, v6  }
0x2b6: {  	s17 =	simm.s32 $0x200;
	v11 =	vmul.f32 $1.131370830e+01, v11;
	v6 =	vld [tilespmem:s7+$0x8460]  }
.LBB2_32:
0x2b7: {  	p0 =	sne.s32 s17, $0xBE00;
	v5 =	vadd.f32 v5, v12;
	v10 =	vmul.f32 $1.131370830e+01, v10;
	v12 =	vld [tilespmem:s7+$0x8470]  }
0x2b8: {  	v4 =	vadd.f32 v4, v11;
	v9 =	vmul.f32 $1.131370830e+01, v9;
	v11 =	vld [tilespmem:s7+$0x14C60]  }
0x2b9: {  	s16 =	sshra.s32 s17, $0x2;
	[tilespmem:s7+$0x8400] =	vst v5;
	v3 =	vadd.f32 v3, v10;
	v8 =	vmul.f32 $1.131370830e+01, v8;
	v10 =	vld [tilespmem:s7+$0x14C70]  }
0x2ba: {  	v5 =	vld [tilespmem:s16+$0x14C00];
	[tilespmem:s7+$0x8410] =	vst v4;
	v2 =	vadd.f32 v2, v9;
	v7 =	vmul.f32 $1.131370830e+01, v7  }
0x2bb: {  	v4 =	vld [tilespmem:s16+$0x14C10];
	[tilespmem:s7+$0x8420] =	vst v3;
	v1 =	vadd.f32 v1, v8;
	v6 =	vmul.f32 $1.131370830e+01, v6  }
0x2bc: {  	v3 =	vld [tilespmem:s16+$0x14C20];
	[tilespmem:s7+$0x8430] =	vst v2;
	v0 =	vadd.f32 v0, v7;
	v7 =	vmul.f32 $1.131370830e+01, v12  }
0x2bd: {  	v2 =	vld [tilespmem:s16+$0x14C30];
	[tilespmem:s7+$0x8440] =	vst v1;
	v6 =	vadd.f32 v11, v6  }
0x2be: {  	v1 =	vld [tilespmem:s16+$0x14C40];
	[tilespmem:s7+$0x8450] =	vst v0;
	v7 =	vadd.f32 v10, v7  }
0x2bf: {  	v0 =	vld [tilespmem:s16+$0x14C50];
	[tilespmem:s7+$0x8460] =	vst v6  }
0x2c0: {  	v6 =	vld [tilespmem:s16+$0x8400];
	[tilespmem:s7+$0x8470] =	vst v7;
	s7 =	smov.u32 s16  }
0x2c1: {  	v11 =	vld [tilespmem:s7+$0x8410]  }
.Ltmp15:
0x2c2: {  	v10 =	vld [tilespmem:s7+$0x8420];
	(pc) =	sbr.rel @p0 .LBB2_32-.Ltmp15, $4  }
0x2c3: {  	v9 =	vld [tilespmem:s7+$0x8430]  }
0x2c4: {  	v8 =	vld [tilespmem:s7+$0x8440]  }
0x2c5: {  	v12 =	vmul.f32 $1.131370830e+01, v6;
	v7 =	vld [tilespmem:s7+$0x8450]  }
0x2c6: {  	s17 =	sadd.s32 $0x200, s17;
	v11 =	vmul.f32 $1.131370830e+01, v11;
	v6 =	vld [tilespmem:s7+$0x8460]  }
0x2c7: {  	v5 =	vadd.f32 v5, v12;
	v12 =	vld [tilespmem:s7+$0x8470];
	v10 =	vmul.f32 $1.131370830e+01, v10  }
0x2c8: {  	v13 =	vld [tilespmem:s7+$0x14C60];
	v4 =	vadd.f32 v4, v11;
	v9 =	vmul.f32 $1.131370830e+01, v9  }
0x2c9: {  	[tilespmem:s7+$0x8400] =	vst v5;
	v3 =	vadd.f32 v3, v10;
	v5 =	vmul.f32 $1.131370830e+01, v8;
	v8 =	vld [tilespmem:s7+$0x14C70]  }
0x2ca: {  	[tilespmem:s7+$0x8410] =	vst v4;
	v2 =	vadd.f32 v2, v9;
	v4 =	vmul.f32 $1.131370830e+01, v7  }
0x2cb: {  	[tilespmem:s7+$0x8420] =	vst v3;
	v1 =	vadd.f32 v1, v5;
	v3 =	vmul.f32 $1.131370830e+01, v6  }
0x2cc: {  	[tilespmem:s7+$0x8430] =	vst v2;
	v0 =	vadd.f32 v0, v4;
	v2 =	vmul.f32 $1.131370830e+01, v12  }
0x2cd: {  	[tilespmem:s7+$0x8440] =	vst v1;
	v1 =	vadd.f32 v13, v3  }
0x2ce: {  	[tilespmem:s7+$0x8450] =	vst v0;
	v0 =	vadd.f32 v8, v2  }
0x2cf: {  	[tilespmem:s7+$0x8460] =	vst v1  }
0x2d0: {  	s31 =	simm.s32 $0x0;
	s16 =	rddreg [dreg:$0xe];
	[tilespmem:s7+$0x8470] =	vst v0  }
0x2d1: {  	[hbm4b:s16+s31] =	stream.linear.scatter [tilespmem:s28], [sflag:$0x8], $0x3000, $0x38;
	[tilespmem:$0x1B000] =	vst v63  }
0x2d2: {  	_ =	swait.ge [sflag:s8], $0x3200  }
0x2d3: {  	[sflag:s8] =	ssyncset.done $0x0  }
0x2d4: {  	s7 =	simm.s32 $0x0;
	[sflag:s8] =	ssyncadd.s32 $0xFFFFCE00  }
0x2d5: {  	v5 =	vld [tilespmem:s7+$0x17C00]  }
0x2d6: {  	v4 =	vld [tilespmem:s7+$0x17C10]  }
0x2d7: {  	v3 =	vld [tilespmem:s7+$0x17C20]  }
0x2d8: {  	v2 =	vld [tilespmem:s7+$0x17C30]  }
0x2d9: {  	v1 =	vld [tilespmem:s7+$0x17C40]  }
0x2da: {  	v0 =	vld [tilespmem:s7+$0x17C50]  }
0x2db: {  	v6 =	vld [tilespmem:s7+$0xB400]  }
0x2dc: {  	v11 =	vld [tilespmem:s7+$0xB410]  }
0x2dd: {  	v10 =	vld [tilespmem:s7+$0xB420]  }
0x2de: {  	v9 =	vld [tilespmem:s7+$0xB430]  }
0x2df: {  	v8 =	vld [tilespmem:s7+$0xB440]  }
0x2e0: {  	v7 =	vld [tilespmem:s7+$0xB450];
	v12 =	vmul.f32 $1.131370830e+01, v6  }
0x2e1: {  	s17 =	simm.s32 $0x200;
	v11 =	vmul.f32 $1.131370830e+01, v11;
	v6 =	vld [tilespmem:s7+$0xB460]  }
.LBB2_34:
0x2e2: {  	p0 =	sne.s32 s17, $0xCE00;
	v5 =	vadd.f32 v5, v12;
	v10 =	vmul.f32 $1.131370830e+01, v10;
	v12 =	vld [tilespmem:s7+$0xB470]  }
0x2e3: {  	v4 =	vadd.f32 v4, v11;
	v9 =	vmul.f32 $1.131370830e+01, v9;
	v11 =	vld [tilespmem:s7+$0x17C60]  }
0x2e4: {  	s16 =	sshra.s32 s17, $0x2;
	[tilespmem:s7+$0xB400] =	vst v5;
	v3 =	vadd.f32 v3, v10;
	v8 =	vmul.f32 $1.131370830e+01, v8;
	v10 =	vld [tilespmem:s7+$0x17C70]  }
0x2e5: {  	v5 =	vld [tilespmem:s16+$0x17C00];
	[tilespmem:s7+$0xB410] =	vst v4;
	v2 =	vadd.f32 v2, v9;
	v7 =	vmul.f32 $1.131370830e+01, v7  }
0x2e6: {  	v4 =	vld [tilespmem:s16+$0x17C10];
	[tilespmem:s7+$0xB420] =	vst v3;
	v1 =	vadd.f32 v1, v8;
	v6 =	vmul.f32 $1.131370830e+01, v6  }
0x2e7: {  	v3 =	vld [tilespmem:s16+$0x17C20];
	[tilespmem:s7+$0xB430] =	vst v2;
	v0 =	vadd.f32 v0, v7;
	v7 =	vmul.f32 $1.131370830e+01, v12  }
0x2e8: {  	v2 =	vld [tilespmem:s16+$0x17C30];
	[tilespmem:s7+$0xB440] =	vst v1;
	v6 =	vadd.f32 v11, v6  }
0x2e9: {  	v1 =	vld [tilespmem:s16+$0x17C40];
	[tilespmem:s7+$0xB450] =	vst v0;
	v7 =	vadd.f32 v10, v7  }
0x2ea: {  	v0 =	vld [tilespmem:s16+$0x17C50];
	[tilespmem:s7+$0xB460] =	vst v6  }
0x2eb: {  	v6 =	vld [tilespmem:s16+$0xB400];
	[tilespmem:s7+$0xB470] =	vst v7;
	s7 =	smov.u32 s16  }
0x2ec: {  	v11 =	vld [tilespmem:s7+$0xB410]  }
.Ltmp16:
0x2ed: {  	v10 =	vld [tilespmem:s7+$0xB420];
	(pc) =	sbr.rel @p0 .LBB2_34-.Ltmp16, $4  }
0x2ee: {  	v9 =	vld [tilespmem:s7+$0xB430]  }
0x2ef: {  	v8 =	vld [tilespmem:s7+$0xB440]  }
0x2f0: {  	v12 =	vmul.f32 $1.131370830e+01, v6;
	v7 =	vld [tilespmem:s7+$0xB450]  }
0x2f1: {  	s17 =	sadd.s32 $0x200, s17;
	v11 =	vmul.f32 $1.131370830e+01, v11;
	v6 =	vld [tilespmem:s7+$0xB460]  }
0x2f2: {  	v5 =	vadd.f32 v5, v12;
	v56 =	vld [tilespmem:s7+$0xB470];
	v10 =	vmul.f32 $1.131370830e+01, v10  }
0x2f3: {  	v13 =	vld [tilespmem:s7+$0x17C60];
	v4 =	vadd.f32 v4, v11;
	v9 =	vmul.f32 $1.131370830e+01, v9  }
0x2f4: {  	v58 =	vld [tilespmem:s7+$0x17C70];
	[tilespmem:s7+$0xB400] =	vst v5;
	v3 =	vadd.f32 v3, v10;
	v57 =	vmul.f32 $1.131370830e+01, v8  }
0x2f5: {  	[tilespmem:s7+$0xB410] =	vst v4;
	v2 =	vadd.f32 v2, v9;
	v59 =	vmul.f32 $1.131370830e+01, v7  }
0x2f6: {  	[tilespmem:s7+$0xB420] =	vst v3;
	v1 =	vadd.f32 v1, v57;
	v60 =	vmul.f32 $1.131370830e+01, v6  }
0x2f7: {  	[tilespmem:s7+$0xB430] =	vst v2;
	v0 =	vadd.f32 v0, v59;
	v61 =	vmul.f32 $1.131370830e+01, v56  }
0x2f8: {  	[tilespmem:s7+$0xB440] =	vst v1;
	v62 =	vadd.f32 v13, v60  }
0x2f9: {  	[tilespmem:s7+$0xB450] =	vst v0;
	v63 =	vadd.f32 v58, v61  }
0x2fa: {  	[tilespmem:s7+$0xB460] =	vst v62  }
0x2fb: {  	s20 =	rddreg [dreg:$0xf];
	[tilespmem:s7+$0xB470] =	vst v63  }
0x2fc: {  	[hbm4b:s20+s5] =	stream.linear.scatter [tilespmem:s9], [sflag:$0x8], $0x3400, $0x38;
	[tilespmem:$0x1B000] =	vst v63  }
0x2fd: {  	_ =	swait.ge [sflag:s21], $0x6400  }
0x2fe: {  	[sflag:s21] =	ssyncset.done $0x0  }
0x2ff: {  	[sflag:s21] =	ssyncadd.s32 $0xFFFF9C00  }
0x300: {  	_ =	swait.ge [sflag:s11], $0x6400  }
0x301: {  	[sflag:s11] =	ssyncset.done $0x0  }
0x302: {  	[sflag:s11] =	ssyncadd.s32 $0xFFFF9C00  }
0x303: {  	_ =	swait.ge [sflag:s15], $0x6400  }
0x304: {  	s16 =	rddreg [dreg:$0x11]  }
0x305: {  	s31 =	rddreg [dreg:$0x10];
	s16 =	sadd.s32 $0x1, s16  }
0x306: {  	p0 =	sne.s32 s16, s31  }
.Ltmp17:
0x307: {  	_ = 	snop;
	(pc) =	sbr.rel @p0 .LBB2_1-.Ltmp17, $3  }
0x308: {  	_ =	sdelay $0x1  }
0x309: {  	[sflag:s15] =	ssyncset.done $0x0  }
0x30a: {  	[sflag:s15] =	ssyncadd.s32 $0xFFFF9C00  }
0x30b: {  	_ =	sfence.sel $0x180000  }
0x30c: {  	[bflag:$0x0] =	sbarrier.arrive $0xFFFF  }
0x30d: {  	_ =	strace $0x90000047  }
0x30e: {  	s0 =	stileid.u32;
	[bflag:$0x2] =	sbarrier.arrive $0xFFFF  }
0x30f: {  	p0 =	sne.s32 s0, $0x0;
	s0 =	rddreg [dreg:$0x4]  }
0x310: {  	s0 =	sadd.s32 @!p0 $0x100000, s0  }
0x311: {  	[sflag:s0] =	ssyncadd.tile.s32 @!p0 $0x1;
	_ =	shalt  }
.Lfunc_end2:
_tile_overlayer_lowered:
.L_overlay_start_2:
0x312: {  	(tag) =	ssettag $0x2  }
0x313: {  	s0 =	rddreg [dreg:$0x0];
	s2 =	stileid.u32  }
0x314: {  	s1 =	rddreg [dreg:$0x1];
	p0 =	sne.s32 s2, $0x0  }
0x315: {  	s3 =	rddreg [dreg:$0x2];
	[bflag:$0x3] =	sbarrier.arrive $0xFFFF;
	s2 =	simm.s32 @!p0 $0x1C0B  }
0x316: {  	[timem:s3], [sflag:s2] =	dma.local @!p0 [hbm:s0], s1  }
0x317: {  	s0 =	simm.s32 @!p0 $0xB  }
0x318: {  	_ =	swait.ge @!p0 [sflag:s0], s1  }
0x319: {  	s1 =	ssub.s32 @!p0 $0x0, s1;
	[sflag:s0] =	ssyncset.done @!p0 $0x0  }
0x31a: {  	[sflag:s0] =	ssyncadd.s32 @!p0 s1  }
0x31b: {  	[bflag:$0x3] =	sbarrier.arrive $0xFFFF  }
0x31c: {  	_ =	shalt  }

</sc_bundles>
